<compile_context>
chip_gen: v7x
topology: tpu7x:2x2x1
jax: 0.10.2.dev20260603
libtpu: 0.0.44.dev20260713+nightly
codegen_flags: <defaults>
</compile_context>

<pallas_src>
import functools

import jax
import jax.numpy as jnp
from jax import lax
from jax.experimental import pallas as pl
from jax.experimental.pallas import tpu as pltpu
from jax.experimental.pallas import tpu_sc as plsc

N = 10000
E = 320000
D_IN = 128
DIM = 256
H = DIM // 2
NC = 2
NS = 16
B = 80
EPT = E // NS
NB = EPT // B
EPT2 = E // (NC * NS)
NB2 = EPT2 // B
NROWCH = N // B

_mesh = plsc.VectorSubcoreMesh(core_axis_name="c", subcore_axis_name="s")
_f32 = jnp.float32
_i32 = jnp.int32


def _row_chunks(t):
    nch = jnp.where(t < 13, 8, 7)
    first = t * 8 - jnp.maximum(t - 13, 0)
    return nch, first


def _fill_idx(idx, base):
    def f(k, _):
        idx[pl.ds(k * 16, 16)] = jnp.arange(16, dtype=_i32) + (base + k * 16)
        return 0

    lax.fori_loop(0, B // 16, f, 0)


def _deg_body(dst_hbm, out_hbm, di, ones, zrows, acc, sem):
    c = lax.axis_index("c")
    t = lax.axis_index("s")

    def fill_ones(i, _):
        ones[i, pl.ds(0, 16)] = jnp.ones((16,), _f32)
        return 0

    lax.fori_loop(0, B, fill_ones, 0)

    def fill_zero(i, _):
        zrows[i, pl.ds(0, 16)] = jnp.zeros((16,), _f32)
        return 0

    lax.fori_loop(0, B, fill_zero, 0)

    nch, first = _row_chunks(t)

    def zchunk(k, _):
        _fill_idx(di, (first + k) * B)
        pltpu.sync_copy(zrows, acc.at[di])
        return 0

    lax.fori_loop(0, nch, zchunk, 0)
    plsc.subcore_barrier()

    ebase = (c * NS + t) * EPT2

    def block(j, _):
        pltpu.sync_copy(dst_hbm.at[pl.ds(ebase + j * B, B)], di)
        pltpu.sync_copy(ones, acc.at[di], add=True)
        return 0

    lax.fori_loop(0, NB2, block, 0)
    plsc.subcore_barrier()

    def rchunk(k, _):
        base = (first + k) * B
        _fill_idx(di, base)
        pltpu.async_copy(acc.at[di], zrows, sem).wait()
        pltpu.sync_copy(zrows, out_hbm.at[pl.ds(c * N + base, B)])
        return 0

    lax.fori_loop(0, nch, rchunk, 0)


_deg_call = pl.kernel(
    _deg_body,
    out_type=jax.ShapeDtypeStruct((2 * N, 16), _f32),
    mesh=_mesh,
    scratch_types=[
        pltpu.VMEM((B,), _i32),
        pltpu.VMEM((B, 16), _f32),
        pltpu.VMEM((B, 16), _f32),
        pltpu.VMEM_SHARED((N, 16), _f32),
        pltpu.SemaphoreType.DMA,
    ],
)


def _agg_body(z_hbm, src_hbm, dst_hbm, out_hbm, si, di, rows, si2, di2,
              rows2, acc, sem, semg, semg2, sems, sems2):
    c = lax.axis_index("c")
    t = lax.axis_index("s")
    cN = c * N
    nch, first = _row_chunks(t)

    def zchunk(k, _):
        base = (first + k) * B
        pltpu.sync_copy(z_hbm.at[pl.ds(cN + base, B)], rows)
        _fill_idx(di, base)
        pltpu.sync_copy(rows, acc.at[di])
        return 0

    lax.fori_loop(0, nch, zchunk, 0)
    plsc.subcore_barrier()

    ebase = t * EPT

    def pair(j, _):
        offa = ebase + 2 * j * B
        offb = offa + B
        d1 = pltpu.async_copy(src_hbm.at[pl.ds(offa, B)], si, sem)
        d2 = pltpu.async_copy(dst_hbm.at[pl.ds(offa, B)], di, sem)
        d3 = pltpu.async_copy(src_hbm.at[pl.ds(offb, B)], si2, sem)
        d4 = pltpu.async_copy(dst_hbm.at[pl.ds(offb, B)], di2, sem)
        d1.wait()
        d2.wait()
        d3.wait()
        d4.wait()

        def adj(k, _):
            si[pl.ds(k * 16, 16)] = si[pl.ds(k * 16, 16)] + cN
            si2[pl.ds(k * 16, 16)] = si2[pl.ds(k * 16, 16)] + cN
            return 0

        lax.fori_loop(0, B // 16, adj, 0)
        ga = pltpu.async_copy(z_hbm.at[si], rows, semg)
        gb = pltpu.async_copy(z_hbm.at[si2], rows2, semg2)
        ga.wait()
        sa = pltpu.async_copy(rows, acc.at[di], sems, add=True)
        gb.wait()
        sb = pltpu.async_copy(rows2, acc.at[di2], sems2, add=True)
        sa.wait()
        sb.wait()
        return 0

    lax.fori_loop(0, NB // 2, pair, 0)
    plsc.subcore_barrier()

    def rchunk(k, _):
        base = (first + k) * B
        _fill_idx(di, base)
        pltpu.async_copy(acc.at[di], rows, semg).wait()
        pltpu.sync_copy(rows, out_hbm.at[pl.ds(cN + base, B)])
        return 0

    lax.fori_loop(0, nch, rchunk, 0)


_agg_call = pl.kernel(
    _agg_body,
    out_type=jax.ShapeDtypeStruct((2 * N, H), _f32),
    mesh=_mesh,
    scratch_types=[
        pltpu.VMEM((B,), _i32),
        pltpu.VMEM((B,), _i32),
        pltpu.VMEM((B, H), _f32),
        pltpu.VMEM((B,), _i32),
        pltpu.VMEM((B,), _i32),
        pltpu.VMEM((B, H), _f32),
        pltpu.VMEM_SHARED((N, H), _f32),
        pltpu.SemaphoreType.DMA,
        pltpu.SemaphoreType.DMA,
        pltpu.SemaphoreType.DMA,
        pltpu.SemaphoreType.DMA,
        pltpu.SemaphoreType.DMA,
    ],
)


_PB = 16


def _pool_body(h_hbm, batch_hbm, out_hbm, bi, gi, rload, rbuf, acc, sem):
    c = lax.axis_index("c")
    t = lax.axis_index("s")

    def fz(i, _):
        def fz2(k, _):
            rbuf[i, pl.ds(k * 16, 16)] = jnp.zeros((16,), _f32)
            return 0

        lax.fori_loop(0, H // 16, fz2, 0)
        return 0

    lax.fori_loop(0, _PB, fz, 0)

    @pl.when(t < 4)
    def _():
        gi[pl.ds(0, 16)] = jnp.arange(16, dtype=_i32) + t * 16
        pltpu.sync_copy(rbuf, acc.at[gi])

    plsc.subcore_barrier()

    base = t * 624
    nb = jnp.where(t == NS - 1, 40, 39)

    def block(j, _):
        off = base + j * _PB
        pltpu.sync_copy(batch_hbm.at[pl.ds(off, _PB)], bi)
        pltpu.sync_copy(h_hbm.at[pl.ds(c * N + off, _PB)], rload)
        pltpu.sync_copy(rload, acc.at[bi], add=True)
        return 0

    lax.fori_loop(0, nb, block, 0)
    plsc.subcore_barrier()

    @pl.when(t < 4)
    def _():
        pltpu.async_copy(acc.at[gi], rbuf, sem).wait()
        pltpu.sync_copy(rbuf, out_hbm.at[pl.ds(c * 64 + t * 16, 16)])


_pool_call = pl.kernel(
    _pool_body,
    out_type=jax.ShapeDtypeStruct((2 * 64, H), _f32),
    mesh=_mesh,
    scratch_types=[
        pltpu.VMEM((_PB,), _i32),
        pltpu.VMEM((_PB,), _i32),
        pltpu.VMEM((_PB, H), _f32),
        pltpu.VMEM((_PB, H), _f32),
        pltpu.VMEM_SHARED((64, H), _f32),
        pltpu.SemaphoreType.DMA,
    ],
)


_PREC = lax.Precision.HIGHEST
_EPS = 1e-5
_R = 5
_BR = N // _R


def _dot(a, b):
    return jnp.dot(a, b, preferred_element_type=_f32, precision=_PREC)


def _tc_pre_body(x_ref, w1_ref, dcnt_ref, z_ref, dis_ref):
    deg = dcnt_ref[0, :, 0:1] + dcnt_ref[1, :, 0:1] + 1.0
    dis = lax.rsqrt(deg)
    y = _dot(x_ref[...], w1_ref[...])
    z_ref[0] = dis * y[:, :H]
    z_ref[1] = dis * y[:, H:]
    dis_ref[...] = dis


_tc_pre = pl.pallas_call(
    _tc_pre_body,
    grid=(_R,),
    in_specs=[
        pl.BlockSpec((_BR, D_IN), lambda r: (r, 0)),
        pl.BlockSpec((D_IN, DIM), lambda r: (0, 0)),
        pl.BlockSpec((2, _BR, 16), lambda r: (0, r, 0)),
    ],
    out_specs=[
        pl.BlockSpec((2, _BR, H), lambda r: (0, r, 0)),
        pl.BlockSpec((_BR, 1), lambda r: (r, 0)),
    ],
    out_shape=[
        jax.ShapeDtypeStruct((2, N, H), _f32),
        jax.ShapeDtypeStruct((N, 1), _f32),
    ],
)


def _u_halves(a_ref, dis_ref, b_ref, relu):
    dis = dis_ref[...]
    u0 = dis * a_ref[0] + b_ref[0:1, :H]
    u1 = dis * a_ref[1] + b_ref[0:1, H:]
    if relu:
        u0 = jnp.maximum(u0, 0.0)
        u1 = jnp.maximum(u1, 0.0)
    return dis, u0, u1


def _stats_phase(p, r, sacc, u0, u1):
    @pl.when((p == 0) & (r == 0))
    def _():
        sacc[...] = jnp.zeros_like(sacc)

    @pl.when(p == 0)
    def _():
        sacc[0:1, :] += jnp.sum(u0, axis=0, keepdims=True)
        sacc[1:2, :] += jnp.sum(u1, axis=0, keepdims=True)
        sacc[2:3, :] += jnp.sum(u0 * u0, axis=0, keepdims=True)
        sacc[3:4, :] += jnp.sum(u1 * u1, axis=0, keepdims=True)


def _bn_apply(sacc, u0, u1, g_ref, beta_ref):
    s = sacc[...]
    inv_n = 1.0 / N
    mu0 = s[0:1, :] * inv_n
    mu1 = s[1:2, :] * inv_n
    v0 = s[2:3, :] * inv_n - mu0 * mu0
    v1 = s[3:4, :] * inv_n - mu1 * mu1
    h0 = g_ref[0:1, :H] * (u0 - mu0) * lax.rsqrt(v0 + _EPS) + beta_ref[0:1, :H]
    h1 = g_ref[0:1, H:] * (u1 - mu1) * lax.rsqrt(v1 + _EPS) + beta_ref[0:1, H:]
    return h0, h1


def _tc_mid_body(a_ref, dis_ref, b_ref, g_ref, beta_ref, w_ref, z_ref, sacc,
                 *, relu):
    p = pl.program_id(0)
    r = pl.program_id(1)
    dis, u0, u1 = _u_halves(a_ref, dis_ref, b_ref, relu)
    _stats_phase(p, r, sacc, u0, u1)

    @pl.when(p == 0)
    def _():
        z_ref[0] = u0
        z_ref[1] = u1

    @pl.when(p == 1)
    def _():
        h0, h1 = _bn_apply(sacc, u0, u1, g_ref, beta_ref)
        w = w_ref[...]
        y = _dot(h0, w[:H, :]) + _dot(h1, w[H:, :])
        z_ref[0] = dis * y[:, :H]
        z_ref[1] = dis * y[:, H:]


def _make_tc_mid(relu):
    return pl.pallas_call(
        functools.partial(_tc_mid_body, relu=relu),
        grid=(2, _R),
        in_specs=[
            pl.BlockSpec((2, _BR, H), lambda p, r: (0, r, 0)),
            pl.BlockSpec((_BR, 1), lambda p, r: (r, 0)),
            pl.BlockSpec((1, DIM), lambda p, r: (0, 0)),
            pl.BlockSpec((1, DIM), lambda p, r: (0, 0)),
            pl.BlockSpec((1, DIM), lambda p, r: (0, 0)),
            pl.BlockSpec((DIM, DIM), lambda p, r: (0, 0)),
        ],
        out_specs=pl.BlockSpec((2, _BR, H), lambda p, r: (0, r, 0)),
        out_shape=jax.ShapeDtypeStruct((2, N, H), _f32),
        scratch_shapes=[pltpu.VMEM((8, H), _f32)],
    )


_tc_mid_relu = _make_tc_mid(True)
_tc_mid = _make_tc_mid(False)


def _tc_last_body(a_ref, dis_ref, b_ref, g_ref, beta_ref, h_ref, sacc):
    p = pl.program_id(0)
    r = pl.program_id(1)
    _, u0, u1 = _u_halves(a_ref, dis_ref, b_ref, False)
    _stats_phase(p, r, sacc, u0, u1)

    @pl.when(p == 0)
    def _():
        h_ref[0] = u0
        h_ref[1] = u1

    @pl.when(p == 1)
    def _():
        h0, h1 = _bn_apply(sacc, u0, u1, g_ref, beta_ref)
        h_ref[0] = h0
        h_ref[1] = h1


_tc_last = pl.pallas_call(
    _tc_last_body,
    grid=(2, _R),
    in_specs=[
        pl.BlockSpec((2, _BR, H), lambda p, r: (0, r, 0)),
        pl.BlockSpec((_BR, 1), lambda p, r: (r, 0)),
        pl.BlockSpec((1, DIM), lambda p, r: (0, 0)),
        pl.BlockSpec((1, DIM), lambda p, r: (0, 0)),
        pl.BlockSpec((1, DIM), lambda p, r: (0, 0)),
    ],
    out_specs=pl.BlockSpec((2, _BR, H), lambda p, r: (0, r, 0)),
    out_shape=jax.ShapeDtypeStruct((2, N, H), _f32),
    scratch_shapes=[pltpu.VMEM((8, H), _f32)],
)


def _bn(u, g, beta):
    mu = jnp.mean(u, axis=0, keepdims=True)
    var = jnp.mean((u - mu) ** 2, axis=0, keepdims=True)
    return g * (u - mu) * lax.rsqrt(var + _EPS) + beta


def _tc_mlp_body(p_ref, wm0_ref, wm1_ref, bm0_ref, bm1_ref, gm0_ref,
                 gm1_ref, betam0_ref, betam1_ref, wo_ref, bo_ref, out_ref):
    p = jnp.concatenate([p_ref[0:64, :], p_ref[64:128, :]], axis=1)
    for wm_ref, bm_ref, gm_ref, betam_ref in (
            (wm0_ref, bm0_ref, gm0_ref, betam0_ref),
            (wm1_ref, bm1_ref, gm1_ref, betam1_ref)):
        p = jnp.maximum(_dot(p, wm_ref[...]) + bm_ref[0:1, :], 0.0)
        p = _bn(p, gm_ref[0:1, :], betam_ref[0:1, :])
    out_ref[...] = _dot(p, wo_ref[...]) + bo_ref[0:1, :]


_tc_mlp = pl.pallas_call(
    _tc_mlp_body,
    out_shape=jax.ShapeDtypeStruct((64, 1), _f32),
)


def kernel(x, edge_index, batch, W1, b1, g1, beta1, Wh, bh, gh, betah,
           Wm, bm, gm, betam, Wo, bo):
    src = edge_index[0]
    dst = edge_index[1]
    dcnt = _deg_call(dst)
    z3, dis = _tc_pre(x, W1, dcnt.reshape(2, N, 16))
    a = _agg_call(z3.reshape(2 * N, H), src, dst)
    z3 = _tc_mid_relu(a.reshape(2, N, H), dis, b1.reshape(1, DIM),
                      g1.reshape(1, DIM), beta1.reshape(1, DIM), Wh[0])
    a = _agg_call(z3.reshape(2 * N, H), src, dst)
    z3 = _tc_mid(a.reshape(2, N, H), dis, bh[0].reshape(1, DIM),
                 gh[0].reshape(1, DIM), betah[0].reshape(1, DIM), Wh[1])
    a = _agg_call(z3.reshape(2 * N, H), src, dst)
    z3 = _tc_mid(a.reshape(2, N, H), dis, bh[1].reshape(1, DIM),
                 gh[1].reshape(1, DIM), betah[1].reshape(1, DIM), Wh[2])
    a = _agg_call(z3.reshape(2 * N, H), src, dst)
    h3 = _tc_last(a.reshape(2, N, H), dis, bh[2].reshape(1, DIM),
                  gh[2].reshape(1, DIM), betah[2].reshape(1, DIM))
    p2 = _pool_call(h3.reshape(2 * N, H), batch)
    out = _tc_mlp(p2, Wm[0], Wm[1], bm[0:1], bm[1:2], gm[0:1], gm[1:2],
                  betam[0:1], betam[1:2], Wo, bo.reshape(1, 1))
    return out

# --- scband reference (transcript-rebuilt; emitter-appended) ---
"""Pipeline reference for scband-gcn-13168369729993 (READ-ONLY COPY).

The authoritative reference and input builder live on the scoring server;
editing this copy changes nothing except your own understanding.
"""

import jax, jax.numpy as jnp
import numpy as np

N = 10000
E = 320000
D_IN = 128
DIM = 256
N_CONV_HIDDEN = 3
N_MLP_HIDDEN = 2
N_GRAPHS = 64


def setup_inputs(seed: int = 0) -> dict:
    key = jax.random.key(seed)
    ks = jax.random.split(key, 20)
    x = jax.random.normal(ks[0], (N, D_IN), dtype=jnp.float32)
    edge_index = jax.random.randint(ks[1], (2, E), 0, N, dtype=jnp.int32)
    batch = jnp.sort(jax.random.randint(ks[2], (N,), 0, N_GRAPHS, dtype=jnp.int32))
    s = 0.05
    W1 = jax.random.normal(ks[3], (D_IN, DIM), jnp.float32) * s
    b1 = jnp.zeros((DIM,), jnp.float32)
    g1 = jnp.ones((DIM,), jnp.float32)
    beta1 = jnp.zeros((DIM,), jnp.float32)
    Wh = jax.random.normal(ks[4], (N_CONV_HIDDEN, DIM, DIM), jnp.float32) * s
    bh = jnp.zeros((N_CONV_HIDDEN, DIM), jnp.float32)
    gh = jnp.ones((N_CONV_HIDDEN, DIM), jnp.float32)
    betah = jnp.zeros((N_CONV_HIDDEN, DIM), jnp.float32)
    Wm = jax.random.normal(ks[5], (N_MLP_HIDDEN, DIM, DIM), jnp.float32) * s
    bm = jnp.zeros((N_MLP_HIDDEN, DIM), jnp.float32)
    gm = jnp.ones((N_MLP_HIDDEN, DIM), jnp.float32)
    betam = jnp.zeros((N_MLP_HIDDEN, DIM), jnp.float32)
    Wo = jax.random.normal(ks[6], (DIM, 1), jnp.float32) * s
    bo = jnp.zeros((1,), jnp.float32)
    return {"x": x, "edge_index": edge_index, "batch": batch, "W1": W1, "b1": b1,
            "g1": g1, "beta1": beta1, "Wh": Wh, "bh": bh, "gh": gh, "betah": betah,
            "Wm": Wm, "bm": bm, "gm": gm, "betam": betam, "Wo": Wo, "bo": bo}


def _bn(h, g, b):
    mu = jnp.mean(h, axis=0)
    var = jnp.var(h, axis=0)
    return g * (h - mu) * jax.lax.rsqrt(var + 1e-5) + b


def _gcn_conv(h, W, b, src, dst, norm, n_nodes):
    h = h @ W
    msg = h[src] * norm[:, None]
    agg = jnp.zeros((n_nodes, h.shape[1]), h.dtype).at[dst].add(msg)
    return agg + b


def reference(x, edge_index, batch, W1, b1, g1, beta1, Wh, bh, gh, betah, Wm, bm, gm, betam, Wo, bo):
    loop = jnp.arange(N, dtype=edge_index.dtype)
    src = jnp.concatenate([edge_index[0], loop])
    dst = jnp.concatenate([edge_index[1], loop])
    deg = jnp.zeros((N,), jnp.float32).at[dst].add(1.0)
    dis = jax.lax.rsqrt(deg)
    norm = dis[src] * dis[dst]
    h = jax.nn.relu(_gcn_conv(x, W1, b1, src, dst, norm, N))
    h = _bn(h, g1, beta1)
    for i in range(N_CONV_HIDDEN):
        h = _gcn_conv(h, Wh[i], bh[i], src, dst, norm, N)
        h = _bn(h, gh[i], betah[i])
    p = jax.ops.segment_sum(h, batch, num_segments=N_GRAPHS)
    for i in range(N_MLP_HIDDEN):
        p = jax.nn.relu(p @ Wm[i] + bm[i])
        p = _bn(p, gm[i], betam[i])
    out = p @ Wo + bo
    return out

if __name__ == "__main__":
    import jax
    _d = setup_inputs()
    print(jax.jit(kernel)(*tuple(_d.values())))

</pallas_src>

<mosaic_0001>
#map = affine_map<(d0, d1) -> (0, 0)>
#map1 = affine_map<(d0, d1) -> (0)>
module attributes {stable_mosaic.version = 14 : i64} {
  func.func @_agg_body(%arg0: i32, %arg1: i32, %arg2: memref<20000x128xf32, #tpu.memory_space<hbm>>, %arg3: memref<320000xi32, #tpu.memory_space<hbm>>, %arg4: memref<320000xi32, #tpu.memory_space<hbm>>, %arg5: memref<20000x128xf32, #tpu.memory_space<hbm>>, %arg6: memref<80xi32, #tpu.memory_space<vmem>>, %arg7: memref<80xi32, #tpu.memory_space<vmem>>, %arg8: memref<80x128xf32, #tpu.memory_space<vmem>>, %arg9: memref<80xi32, #tpu.memory_space<vmem>>, %arg10: memref<80xi32, #tpu.memory_space<vmem>>, %arg11: memref<80x128xf32, #tpu.memory_space<vmem>>, %arg12: memref<10000x128xf32, #tpu.memory_space<vmem_shared>>, %arg13: memref<!tpu.dma_semaphore, #tpu.memory_space<semaphore_mem>>, %arg14: memref<!tpu.dma_semaphore, #tpu.memory_space<semaphore_mem>>, %arg15: memref<!tpu.dma_semaphore, #tpu.memory_space<semaphore_mem>>, %arg16: memref<!tpu.dma_semaphore, #tpu.memory_space<semaphore_mem>>, %arg17: memref<!tpu.dma_semaphore, #tpu.memory_space<semaphore_mem>>) attributes {dimension_semantics = [#tpu.dimension_semantics<core_parallel>, #tpu.dimension_semantics<subcore_parallel>], iteration_bounds = array<i64: 2, 16>, scalar_prefetch = 0 : i64, scratch_operands = 12 : i64, tpu.core_type = #tpu.core_type<sc_vector_subcore>, window_params = [{transform_indices = #map}, {transform_indices = #map1}, {transform_indices = #map1}, {transform_indices = #map}]} {
    %mul3A = arith.constant 10000 : i32
    %mul3A_0 = arith.muli %arg0, %mul3A : i32
    %lt3A = arith.constant 13 : i32
    %lt3A_1 = arith.cmpi slt, %arg1, %lt3A : i32
    %jit3A = arith.constant 8 : i32
    %jit3A_2 = arith.constant 7 : i32
    %select_n3A = arith.select %lt3A_1, %jit3A, %jit3A_2 : i32
    %mul3A_3 = arith.constant 8 : i32
    %mul3A_4 = arith.muli %arg1, %mul3A_3 : i32
    %sub3A = arith.constant 13 : i32
    %sub3A_5 = arith.subi %arg1, %sub3A : i32
    %max3A = arith.constant 0 : i32
    %max3A_6 = arith.maxsi %sub3A_5, %max3A : i32
    %sub3A_7 = arith.subi %mul3A_4, %max3A_6 : i32
    %while3A = arith.constant 0 : i32
    %while3A_8 = arith.constant 0 : i32
    %while3A_9 = arith.subi %select_n3A, %while3A : i32
    %while3A_10 = arith.addi %while3A, %while3A_9 : i32
    %while3A_11 = arith.constant 1 : i32
    %while3A_12 = arith.divsi %while3A_9, %while3A_11 : i32
    %while3A_13 = arith.muli %while3A_12, %while3A_11 : i32
    %while3A_14 = arith.addi %while3A, %while3A_13 : i32
    %while3A_15 = arith.constant 1 : i32
    %while3A_16 = scf.for %while3A_40 = %while3A to %while3A_14 step %while3A_15 iter_args(%while3A_41 = %while3A_8) -> (i32)  : i32 {
      %add3A = arith.addi %sub3A_7, %while3A_40 : i32
      %mul3A_42 = arith.constant 80 : i32
      %mul3A_43 = arith.muli %add3A, %mul3A_42 : i32
      %add3A_44 = arith.addi %mul3A_0, %mul3A_43 : i32
      "tpu.region"() ({
        %run_scoped3A = tpu.sem_alloc : memref<!tpu.dma_semaphore, #tpu.memory_space<semaphore_mem>>
        %dma_start3A = arith.constant 0 : i32
        %dma_start3A_53 = tpu.memref_slice %arg2[%add3A_44, %dma_start3A] : memref<20000x128xf32, #tpu.memory_space<hbm>> -> memref<80x128xf32, #tpu.memory_space<hbm>>
        %dma_start3A_54 = arith.constant 0 : i32
        %dma_start3A_55 = tpu.memref_slice %arg2[%add3A_44, %dma_start3A_54] : memref<20000x128xf32, #tpu.memory_space<hbm>> -> memref<80x128xf32, #tpu.memory_space<hbm>>
        tpu.enqueue_dma source(%dma_start3A_55 : memref<80x128xf32, #tpu.memory_space<hbm>>) target(%arg8 : memref<80x128xf32, #tpu.memory_space<vmem>>) target_semaphore(%run_scoped3A : memref<!tpu.dma_semaphore, #tpu.memory_space<semaphore_mem>>)
        %dma_wait3A = arith.constant 0 : i32
        %dma_wait3A_56 = tpu.memref_slice %arg2[%add3A_44, %dma_wait3A] : memref<20000x128xf32, #tpu.memory_space<hbm>> -> memref<80x128xf32, #tpu.memory_space<hbm>>
        %dma_wait3A_57 = arith.constant 0 : i32
        %dma_wait3A_58 = tpu.memref_slice %arg2[%add3A_44, %dma_wait3A_57] : memref<20000x128xf32, #tpu.memory_space<hbm>> -> memref<80x128xf32, #tpu.memory_space<hbm>>
        tpu.wait_dma2 semaphore(%run_scoped3A : memref<!tpu.dma_semaphore, #tpu.memory_space<semaphore_mem>>) src(%dma_wait3A_58 : memref<80x128xf32, #tpu.memory_space<hbm>>) dst(%arg8 : memref<80x128xf32, #tpu.memory_space<vmem>>)
        tpu.yield
      }) : () -> ()
      %scan3A_45 = arith.constant 0 : i32
      %scan3A_46 = arith.constant 0 : i32
      %scan3A_47 = arith.constant 5 : i32
      %scan3A_48 = arith.addi %scan3A_46, %scan3A_47 : i32
      %scan3A_49 = arith.constant 1 : i32
      %scan3A_50 = scf.for %scan3A_53 = %scan3A_46 to %scan3A_48 step %scan3A_49 iter_args(%scan3A_54 = %scan3A_45) -> (i32)  : i32 {
        %iota3A = tpu.iota {dimensions = array<i32: 0>} : vector<16xi32>
        %mul3A_55 = arith.constant 16 : i32
        %mul3A_56 = arith.muli %scan3A_53, %mul3A_55 : i32
        %add3A_57 = arith.addi %mul3A_43, %mul3A_56 : i32
        %add3A_58 = vector.broadcast %add3A_57 : i32 to vector<16xi32>
        %add3A_59 = arith.addi %iota3A, %add3A_58 : vector<16xi32>
        %mul3A_60 = arith.constant 16 : i32
        %mul3A_61 = arith.muli %scan3A_53, %mul3A_60 : i32
        %swap3A = arith.index_cast %mul3A_61 : i32 to index
        %swap3A_62 = tpu.vector_load %arg7[%swap3A] {strides = array<i32>} : memref<80xi32, #tpu.memory_space<vmem>>, vector<16xi32>,
        %swap3A_63 = vector.shape_cast %swap3A_62 : vector<16xi32> to vector<16xi32>
        %swap3A_64 = vector.shape_cast %add3A_59 : vector<16xi32> to vector<16xi32>
        tpu.vector_store %arg7[%swap3A], %swap3A_64 {strides = array<i32>} : memref<80xi32, #tpu.memory_space<vmem>>, vector<16xi32>,
        %scan3A_65 = arith.constant 0 : i32
        scf.yield %scan3A_65 : i32
      }
      %scan3A_51 = arith.constant 5 : i32
      "tpu.region"() ({
        %run_scoped3A = tpu.sem_alloc : memref<!tpu.dma_semaphore, #tpu.memory_space<semaphore_mem>>
        %dma_start3A = arith.constant 0 : i32
        %dma_start3A_53 = arith.constant 0 : i32
        %dma_start3A_54 = tpu.memref_slice %arg12[%dma_start3A, %dma_start3A_53] : memref<10000x128xf32, #tpu.memory_space<vmem_shared>> -> memref<10000x128xf32, #tpu.memory_space<vmem_shared>>
        tpu.enqueue_indirect_dma source(%arg8 : memref<80x128xf32, #tpu.memory_space<vmem>>) target(%dma_start3A_54 : memref<10000x128xf32, #tpu.memory_space<vmem_shared>>) offsets(%arg7 : memref<80xi32, #tpu.memory_space<vmem>>) semaphore(%run_scoped3A : memref<!tpu.dma_semaphore, #tpu.memory_space<semaphore_mem>>)
        %dma_wait3A = arith.constant 0 : i32
        %dma_wait3A_55 = arith.constant 0 : i32
        %dma_wait3A_56 = tpu.memref_slice %arg12[%dma_wait3A, %dma_wait3A_55] : memref<10000x128xf32, #tpu.memory_space<vmem_shared>> -> memref<10000x128xf32, #tpu.memory_space<vmem_shared>>
        tpu.wait_indirect_dma semaphore(%run_scoped3A : memref<!tpu.dma_semaphore, #tpu.memory_space<semaphore_mem>>) src(%arg8 : memref<80x128xf32, #tpu.memory_space<vmem>>) dst(%dma_wait3A_56 : memref<10000x128xf32, #tpu.memory_space<vmem_shared>>)
        tpu.yield
      }) : () -> ()
      %while3A_52 = arith.constant 0 : i32
      scf.yield %while3A_52 : i32
    }
    %while3A_17 = arith.constant 1 : i32
    %while3A_18 = scf.for %while3A_40 = %while3A_14 to %while3A_10 step %while3A_17 iter_args(%while3A_41 = %while3A_16) -> (i32)  : i32 {
      %add3A = arith.addi %sub3A_7, %while3A_40 : i32
      %mul3A_42 = arith.constant 80 : i32
      %mul3A_43 = arith.muli %add3A, %mul3A_42 : i32
      %add3A_44 = arith.addi %mul3A_0, %mul3A_43 : i32
      "tpu.region"() ({
        %run_scoped3A = tpu.sem_alloc : memref<!tpu.dma_semaphore, #tpu.memory_space<semaphore_mem>>
        %dma_start3A = arith.constant 0 : i32
        %dma_start3A_53 = tpu.memref_slice %arg2[%add3A_44, %dma_start3A] : memref<20000x128xf32, #tpu.memory_space<hbm>> -> memref<80x128xf32, #tpu.memory_space<hbm>>
        %dma_start3A_54 = arith.constant 0 : i32
        %dma_start3A_55 = tpu.memref_slice %arg2[%add3A_44, %dma_start3A_54] : memref<20000x128xf32, #tpu.memory_space<hbm>> -> memref<80x128xf32, #tpu.memory_space<hbm>>
        tpu.enqueue_dma source(%dma_start3A_55 : memref<80x128xf32, #tpu.memory_space<hbm>>) target(%arg8 : memref<80x128xf32, #tpu.memory_space<vmem>>) target_semaphore(%run_scoped3A : memref<!tpu.dma_semaphore, #tpu.memory_space<semaphore_mem>>)
        %dma_wait3A = arith.constant 0 : i32
        %dma_wait3A_56 = tpu.memref_slice %arg2[%add3A_44, %dma_wait3A] : memref<20000x128xf32, #tpu.memory_space<hbm>> -> memref<80x128xf32, #tpu.memory_space<hbm>>
        %dma_wait3A_57 = arith.constant 0 : i32
        %dma_wait3A_58 = tpu.memref_slice %arg2[%add3A_44, %dma_wait3A_57] : memref<20000x128xf32, #tpu.memory_space<hbm>> -> memref<80x128xf32, #tpu.memory_space<hbm>>
        tpu.wait_dma2 semaphore(%run_scoped3A : memref<!tpu.dma_semaphore, #tpu.memory_space<semaphore_mem>>) src(%dma_wait3A_58 : memref<80x128xf32, #tpu.memory_space<hbm>>) dst(%arg8 : memref<80x128xf32, #tpu.memory_space<vmem>>)
        tpu.yield
      }) : () -> ()
      %scan3A_45 = arith.constant 0 : i32
      %scan3A_46 = arith.constant 0 : i32
      %scan3A_47 = arith.constant 5 : i32
      %scan3A_48 = arith.addi %scan3A_46, %scan3A_47 : i32
      %scan3A_49 = arith.constant 1 : i32
      %scan3A_50 = scf.for %scan3A_53 = %scan3A_46 to %scan3A_48 step %scan3A_49 iter_args(%scan3A_54 = %scan3A_45) -> (i32)  : i32 {
        %iota3A = tpu.iota {dimensions = array<i32: 0>} : vector<16xi32>
        %mul3A_55 = arith.constant 16 : i32
        %mul3A_56 = arith.muli %scan3A_53, %mul3A_55 : i32
        %add3A_57 = arith.addi %mul3A_43, %mul3A_56 : i32
        %add3A_58 = vector.broadcast %add3A_57 : i32 to vector<16xi32>
        %add3A_59 = arith.addi %iota3A, %add3A_58 : vector<16xi32>
        %mul3A_60 = arith.constant 16 : i32
        %mul3A_61 = arith.muli %scan3A_53, %mul3A_60 : i32
        %swap3A = arith.index_cast %mul3A_61 : i32 to index
        %swap3A_62 = tpu.vector_load %arg7[%swap3A] {strides = array<i32>} : memref<80xi32, #tpu.memory_space<vmem>>, vector<16xi32>,
        %swap3A_63 = vector.shape_cast %swap3A_62 : vector<16xi32> to vector<16xi32>
        %swap3A_64 = vector.shape_cast %add3A_59 : vector<16xi32> to vector<16xi32>
        tpu.vector_store %arg7[%swap3A], %swap3A_64 {strides = array<i32>} : memref<80xi32, #tpu.memory_space<vmem>>, vector<16xi32>,
        %scan3A_65 = arith.constant 0 : i32
        scf.yield %scan3A_65 : i32
      }
      %scan3A_51 = arith.constant 5 : i32
      "tpu.region"() ({
        %run_scoped3A = tpu.sem_alloc : memref<!tpu.dma_semaphore, #tpu.memory_space<semaphore_mem>>
        %dma_start3A = arith.constant 0 : i32
        %dma_start3A_53 = arith.constant 0 : i32
        %dma_start3A_54 = tpu.memref_slice %arg12[%dma_start3A, %dma_start3A_53] : memref<10000x128xf32, #tpu.memory_space<vmem_shared>> -> memref<10000x128xf32, #tpu.memory_space<vmem_shared>>
        tpu.enqueue_indirect_dma source(%arg8 : memref<80x128xf32, #tpu.memory_space<vmem>>) target(%dma_start3A_54 : memref<10000x128xf32, #tpu.memory_space<vmem_shared>>) offsets(%arg7 : memref<80xi32, #tpu.memory_space<vmem>>) semaphore(%run_scoped3A : memref<!tpu.dma_semaphore, #tpu.memory_space<semaphore_mem>>)
        %dma_wait3A = arith.constant 0 : i32
        %dma_wait3A_55 = arith.constant 0 : i32
        %dma_wait3A_56 = tpu.memref_slice %arg12[%dma_wait3A, %dma_wait3A_55] : memref<10000x128xf32, #tpu.memory_space<vmem_shared>> -> memref<10000x128xf32, #tpu.memory_space<vmem_shared>>
        tpu.wait_indirect_dma semaphore(%run_scoped3A : memref<!tpu.dma_semaphore, #tpu.memory_space<semaphore_mem>>) src(%arg8 : memref<80x128xf32, #tpu.memory_space<vmem>>) dst(%dma_wait3A_56 : memref<10000x128xf32, #tpu.memory_space<vmem_shared>>)
        tpu.yield
      }) : () -> ()
      %while3A_52 = arith.constant 0 : i32
      scf.yield %while3A_52 : i32
    }
    %barrier3A = arith.constant 0 : index
    tpu.barrier barrier_id(%barrier3A)
    %mul3A_19 = arith.constant 20000 : i32
    %mul3A_20 = arith.muli %arg1, %mul3A_19 : i32
    %scan3A = arith.constant 0 : i32
    %scan3A_21 = arith.constant 0 : i32
    %scan3A_22 = arith.constant 125 : i32
    %scan3A_23 = arith.addi %scan3A_21, %scan3A_22 : i32
    %scan3A_24 = arith.constant 1 : i32
    %scan3A_25 = scf.for %scan3A_40 = %scan3A_21 to %scan3A_23 step %scan3A_24 iter_args(%scan3A_41 = %scan3A) -> (i32)  : i32 {
      %mul3A_42 = arith.constant 2 : i32
      %mul3A_43 = arith.muli %mul3A_42, %scan3A_40 : i32
      %mul3A_44 = arith.constant 80 : i32
      %mul3A_45 = arith.muli %mul3A_43, %mul3A_44 : i32
      %add3A = arith.addi %mul3A_20, %mul3A_45 : i32
      %add3A_46 = arith.constant 80 : i32
      %add3A_47 = arith.addi %add3A, %add3A_46 : i32
      %dma_start3A = tpu.memref_slice %arg3[%add3A] : memref<320000xi32, #tpu.memory_space<hbm>> -> memref<80xi32, #tpu.memory_space<hbm>>
      %dma_start3A_48 = tpu.memref_slice %arg3[%add3A] : memref<320000xi32, #tpu.memory_space<hbm>> -> memref<80xi32, #tpu.memory_space<hbm>>
      tpu.enqueue_dma source(%dma_start3A_48 : memref<80xi32, #tpu.memory_space<hbm>>) target(%arg6 : memref<80xi32, #tpu.memory_space<vmem>>) target_semaphore(%arg13 : memref<!tpu.dma_semaphore, #tpu.memory_space<semaphore_mem>>)
      %dma_start3A_49 = tpu.memref_slice %arg4[%add3A] : memref<320000xi32, #tpu.memory_space<hbm>> -> memref<80xi32, #tpu.memory_space<hbm>>
      %dma_start3A_50 = tpu.memref_slice %arg4[%add3A] : memref<320000xi32, #tpu.memory_space<hbm>> -> memref<80xi32, #tpu.memory_space<hbm>>
      tpu.enqueue_dma source(%dma_start3A_50 : memref<80xi32, #tpu.memory_space<hbm>>) target(%arg7 : memref<80xi32, #tpu.memory_space<vmem>>) target_semaphore(%arg13 : memref<!tpu.dma_semaphore, #tpu.memory_space<semaphore_mem>>)
      %dma_start3A_51 = tpu.memref_slice %arg3[%add3A_47] : memref<320000xi32, #tpu.memory_space<hbm>> -> memref<80xi32, #tpu.memory_space<hbm>>
      %dma_start3A_52 = tpu.memref_slice %arg3[%add3A_47] : memref<320000xi32, #tpu.memory_space<hbm>> -> memref<80xi32, #tpu.memory_space<hbm>>
      tpu.enqueue_dma source(%dma_start3A_52 : memref<80xi32, #tpu.memory_space<hbm>>) target(%arg9 : memref<80xi32, #tpu.memory_space<vmem>>) target_semaphore(%arg13 : memref<!tpu.dma_semaphore, #tpu.memory_space<semaphore_mem>>)
      %dma_start3A_53 = tpu.memref_slice %arg4[%add3A_47] : memref<320000xi32, #tpu.memory_space<hbm>> -> memref<80xi32, #tpu.memory_space<hbm>>
      %dma_start3A_54 = tpu.memref_slice %arg4[%add3A_47] : memref<320000xi32, #tpu.memory_space<hbm>> -> memref<80xi32, #tpu.memory_space<hbm>>
      tpu.enqueue_dma source(%dma_start3A_54 : memref<80xi32, #tpu.memory_space<hbm>>) target(%arg10 : memref<80xi32, #tpu.memory_space<vmem>>) target_semaphore(%arg13 : memref<!tpu.dma_semaphore, #tpu.memory_space<semaphore_mem>>)
      %dma_wait3A = tpu.memref_slice %arg3[%add3A] : memref<320000xi32, #tpu.memory_space<hbm>> -> memref<80xi32, #tpu.memory_space<hbm>>
      %dma_wait3A_55 = tpu.memref_slice %arg3[%add3A] : memref<320000xi32, #tpu.memory_space<hbm>> -> memref<80xi32, #tpu.memory_space<hbm>>
      tpu.wait_dma2 semaphore(%arg13 : memref<!tpu.dma_semaphore, #tpu.memory_space<semaphore_mem>>) src(%dma_wait3A_55 : memref<80xi32, #tpu.memory_space<hbm>>) dst(%arg6 : memref<80xi32, #tpu.memory_space<vmem>>)
      %dma_wait3A_56 = tpu.memref_slice %arg4[%add3A] : memref<320000xi32, #tpu.memory_space<hbm>> -> memref<80xi32, #tpu.memory_space<hbm>>
      %dma_wait3A_57 = tpu.memref_slice %arg4[%add3A] : memref<320000xi32, #tpu.memory_space<hbm>> -> memref<80xi32, #tpu.memory_space<hbm>>
      tpu.wait_dma2 semaphore(%arg13 : memref<!tpu.dma_semaphore, #tpu.memory_space<semaphore_mem>>) src(%dma_wait3A_57 : memref<80xi32, #tpu.memory_space<hbm>>) dst(%arg7 : memref<80xi32, #tpu.memory_space<vmem>>)
      %dma_wait3A_58 = tpu.memref_slice %arg3[%add3A_47] : memref<320000xi32, #tpu.memory_space<hbm>> -> memref<80xi32, #tpu.memory_space<hbm>>
      %dma_wait3A_59 = tpu.memref_slice %arg3[%add3A_47] : memref<320000xi32, #tpu.memory_space<hbm>> -> memref<80xi32, #tpu.memory_space<hbm>>
      tpu.wait_dma2 semaphore(%arg13 : memref<!tpu.dma_semaphore, #tpu.memory_space<semaphore_mem>>) src(%dma_wait3A_59 : memref<80xi32, #tpu.memory_space<hbm>>) dst(%arg9 : memref<80xi32, #tpu.memory_space<vmem>>)
      %dma_wait3A_60 = tpu.memref_slice %arg4[%add3A_47] : memref<320000xi32, #tpu.memory_space<hbm>> -> memref<80xi32, #tpu.memory_space<hbm>>
      %dma_wait3A_61 = tpu.memref_slice %arg4[%add3A_47] : memref<320000xi32, #tpu.memory_space<hbm>> -> memref<80xi32, #tpu.memory_space<hbm>>
      tpu.wait_dma2 semaphore(%arg13 : memref<!tpu.dma_semaphore, #tpu.memory_space<semaphore_mem>>) src(%dma_wait3A_61 : memref<80xi32, #tpu.memory_space<hbm>>) dst(%arg10 : memref<80xi32, #tpu.memory_space<vmem>>)
      %scan3A_62 = arith.constant 0 : i32
      %scan3A_63 = arith.constant 0 : i32
      %scan3A_64 = arith.constant 5 : i32
      %scan3A_65 = arith.addi %scan3A_63, %scan3A_64 : i32
      %scan3A_66 = arith.constant 1 : i32
      %scan3A_67 = scf.for %scan3A_94 = %scan3A_63 to %scan3A_65 step %scan3A_66 iter_args(%scan3A_95 = %scan3A_62) -> (i32)  : i32 {
        %mul3A_96 = arith.constant 16 : i32
        %mul3A_97 = arith.muli %scan3A_94, %mul3A_96 : i32
        %get3A = arith.index_cast %mul3A_97 : i32 to index
        %get3A_98 = tpu.vector_load %arg6[%get3A] {strides = array<i32>} : memref<80xi32, #tpu.memory_space<vmem>>, vector<16xi32>,
        %get3A_99 = vector.shape_cast %get3A_98 : vector<16xi32> to vector<16xi32>
        %add3A_100 = vector.broadcast %mul3A_0 : i32 to vector<16xi32>
        %add3A_101 = arith.addi %get3A_99, %add3A_100 : vector<16xi32>
        %mul3A_102 = arith.constant 16 : i32
        %mul3A_103 = arith.muli %scan3A_94, %mul3A_102 : i32
        %swap3A = arith.index_cast %mul3A_103 : i32 to index
        %swap3A_104 = tpu.vector_load %arg6[%swap3A] {strides = array<i32>} : memref<80xi32, #tpu.memory_space<vmem>>, vector<16xi32>,
        %swap3A_105 = vector.shape_cast %swap3A_104 : vector<16xi32> to vector<16xi32>
        %swap3A_106 = vector.shape_cast %add3A_101 : vector<16xi32> to vector<16xi32>
        tpu.vector_store %arg6[%swap3A], %swap3A_106 {strides = array<i32>} : memref<80xi32, #tpu.memory_space<vmem>>, vector<16xi32>,
        %mul3A_107 = arith.constant 16 : i32
        %mul3A_108 = arith.muli %scan3A_94, %mul3A_107 : i32
        %get3A_109 = arith.index_cast %mul3A_108 : i32 to index
        %get3A_110 = tpu.vector_load %arg9[%get3A_109] {strides = array<i32>} : memref<80xi32, #tpu.memory_space<vmem>>, vector<16xi32>,
        %get3A_111 = vector.shape_cast %get3A_110 : vector<16xi32> to vector<16xi32>
        %add3A_112 = vector.broadcast %mul3A_0 : i32 to vector<16xi32>
        %add3A_113 = arith.addi %get3A_111, %add3A_112 : vector<16xi32>
        %mul3A_114 = arith.constant 16 : i32
        %mul3A_115 = arith.muli %scan3A_94, %mul3A_114 : i32
        %swap3A_116 = arith.index_cast %mul3A_115 : i32 to index
        %swap3A_117 = tpu.vector_load %arg9[%swap3A_116] {strides = array<i32>} : memref<80xi32, #tpu.memory_space<vmem>>, vector<16xi32>,
        %swap3A_118 = vector.shape_cast %swap3A_117 : vector<16xi32> to vector<16xi32>
        %swap3A_119 = vector.shape_cast %add3A_113 : vector<16xi32> to vector<16xi32>
        tpu.vector_store %arg9[%swap3A_116], %swap3A_119 {strides = array<i32>} : memref<80xi32, #tpu.memory_space<vmem>>, vector<16xi32>,
        %scan3A_120 = arith.constant 0 : i32
        scf.yield %scan3A_120 : i32
      }
      %scan3A_68 = arith.constant 5 : i32
      %dma_start3A_69 = arith.constant 0 : i32
      %dma_start3A_70 = arith.constant 0 : i32
      %dma_start3A_71 = tpu.memref_slice %arg2[%dma_start3A_69, %dma_start3A_70] : memref<20000x128xf32, #tpu.memory_space<hbm>> -> memref<20000x128xf32, #tpu.memory_space<hbm>>
      tpu.enqueue_indirect_dma source(%dma_start3A_71 : memref<20000x128xf32, #tpu.memory_space<hbm>>) target(%arg8 : memref<80x128xf32, #tpu.memory_space<vmem>>) offsets(%arg6 : memref<80xi32, #tpu.memory_space<vmem>>) semaphore(%arg14 : memref<!tpu.dma_semaphore, #tpu.memory_space<semaphore_mem>>)
      %dma_start3A_72 = arith.constant 0 : i32
      %dma_start3A_73 = arith.constant 0 : i32
      %dma_start3A_74 = tpu.memref_slice %arg2[%dma_start3A_72, %dma_start3A_73] : memref<20000x128xf32, #tpu.memory_space<hbm>> -> memref<20000x128xf32, #tpu.memory_space<hbm>>
      tpu.enqueue_indirect_dma source(%dma_start3A_74 : memref<20000x128xf32, #tpu.memory_space<hbm>>) target(%arg11 : memref<80x128xf32, #tpu.memory_space<vmem>>) offsets(%arg9 : memref<80xi32, #tpu.memory_space<vmem>>) semaphore(%arg15 : memref<!tpu.dma_semaphore, #tpu.memory_space<semaphore_mem>>)
      %dma_wait3A_75 = arith.constant 0 : i32
      %dma_wait3A_76 = arith.constant 0 : i32
      %dma_wait3A_77 = tpu.memref_slice %arg2[%dma_wait3A_75, %dma_wait3A_76] : memref<20000x128xf32, #tpu.memory_space<hbm>> -> memref<20000x128xf32, #tpu.memory_space<hbm>>
      tpu.wait_indirect_dma semaphore(%arg14 : memref<!tpu.dma_semaphore, #tpu.memory_space<semaphore_mem>>) src(%dma_wait3A_77 : memref<20000x128xf32, #tpu.memory_space<hbm>>) dst(%arg8 : memref<80x128xf32, #tpu.memory_space<vmem>>)
      %dma_start3A_78 = arith.constant 0 : i32
      %dma_start3A_79 = arith.constant 0 : i32
      %dma_start3A_80 = tpu.memref_slice %arg12[%dma_start3A_78, %dma_start3A_79] : memref<10000x128xf32, #tpu.memory_space<vmem_shared>> -> memref<10000x128xf32, #tpu.memory_space<vmem_shared>>
      tpu.enqueue_indirect_dma source(%arg8 : memref<80x128xf32, #tpu.memory_space<vmem>>) target(%dma_start3A_80 : memref<10000x128xf32, #tpu.memory_space<vmem_shared>>) offsets(%arg7 : memref<80xi32, #tpu.memory_space<vmem>>) semaphore(%arg16 : memref<!tpu.dma_semaphore, #tpu.memory_space<semaphore_mem>>) {add = true}
      %dma_wait3A_81 = arith.constant 0 : i32
      %dma_wait3A_82 = arith.constant 0 : i32
      %dma_wait3A_83 = tpu.memref_slice %arg2[%dma_wait3A_81, %dma_wait3A_82] : memref<20000x128xf32, #tpu.memory_space<hbm>> -> memref<20000x128xf32, #tpu.memory_space<hbm>>
      tpu.wait_indirect_dma semaphore(%arg15 : memref<!tpu.dma_semaphore, #tpu.memory_space<semaphore_mem>>) src(%dma_wait3A_83 : memref<20000x128xf32, #tpu.memory_space<hbm>>) dst(%arg11 : memref<80x128xf32, #tpu.memory_space<vmem>>)
      %dma_start3A_84 = arith.constant 0 : i32
      %dma_start3A_85 = arith.constant 0 : i32
      %dma_start3A_86 = tpu.memref_slice %arg12[%dma_start3A_84, %dma_start3A_85] : memref<10000x128xf32, #tpu.memory_space<vmem_shared>> -> memref<10000x128xf32, #tpu.memory_space<vmem_shared>>
      tpu.enqueue_indirect_dma source(%arg11 : memref<80x128xf32, #tpu.memory_space<vmem>>) target(%dma_start3A_86 : memref<10000x128xf32, #tpu.memory_space<vmem_shared>>) offsets(%arg10 : memref<80xi32, #tpu.memory_space<vmem>>) semaphore(%arg17 : memref<!tpu.dma_semaphore, #tpu.memory_space<semaphore_mem>>) {add = true}
      %dma_wait3A_87 = arith.constant 0 : i32
      %dma_wait3A_88 = arith.constant 0 : i32
      %dma_wait3A_89 = tpu.memref_slice %arg12[%dma_wait3A_87, %dma_wait3A_88] : memref<10000x128xf32, #tpu.memory_space<vmem_shared>> -> memref<10000x128xf32, #tpu.memory_space<vmem_shared>>
      tpu.wait_indirect_dma semaphore(%arg16 : memref<!tpu.dma_semaphore, #tpu.memory_space<semaphore_mem>>) src(%arg8 : memref<80x128xf32, #tpu.memory_space<vmem>>) dst(%dma_wait3A_89 : memref<10000x128xf32, #tpu.memory_space<vmem_shared>>)
      %dma_wait3A_90 = arith.constant 0 : i32
      %dma_wait3A_91 = arith.constant 0 : i32
      %dma_wait3A_92 = tpu.memref_slice %arg12[%dma_wait3A_90, %dma_wait3A_91] : memref<10000x128xf32, #tpu.memory_space<vmem_shared>> -> memref<10000x128xf32, #tpu.memory_space<vmem_shared>>
      tpu.wait_indirect_dma semaphore(%arg17 : memref<!tpu.dma_semaphore, #tpu.memory_space<semaphore_mem>>) src(%arg11 : memref<80x128xf32, #tpu.memory_space<vmem>>) dst(%dma_wait3A_92 : memref<10000x128xf32, #tpu.memory_space<vmem_shared>>)
      %scan3A_93 = arith.constant 0 : i32
      scf.yield %scan3A_93 : i32
    }
    %scan3A_26 = arith.constant 125 : i32
    %barrier3A_27 = arith.constant 0 : index
    tpu.barrier barrier_id(%barrier3A_27)
    %while3A_28 = arith.constant 0 : i32
    %while3A_29 = arith.constant 0 : i32
    %while3A_30 = arith.subi %select_n3A, %while3A_28 : i32
    %while3A_31 = arith.addi %while3A_28, %while3A_30 : i32
    %while3A_32 = arith.constant 1 : i32
    %while3A_33 = arith.divsi %while3A_30, %while3A_32 : i32
    %while3A_34 = arith.muli %while3A_33, %while3A_32 : i32
    %while3A_35 = arith.addi %while3A_28, %while3A_34 : i32
    %while3A_36 = arith.constant 1 : i32
    %while3A_37 = scf.for %while3A_40 = %while3A_28 to %while3A_35 step %while3A_36 iter_args(%while3A_41 = %while3A_29) -> (i32)  : i32 {
      %add3A = arith.addi %sub3A_7, %while3A_40 : i32
      %mul3A_42 = arith.constant 80 : i32
      %mul3A_43 = arith.muli %add3A, %mul3A_42 : i32
      %scan3A_44 = arith.constant 0 : i32
      %scan3A_45 = arith.constant 0 : i32
      %scan3A_46 = arith.constant 5 : i32
      %scan3A_47 = arith.addi %scan3A_45, %scan3A_46 : i32
      %scan3A_48 = arith.constant 1 : i32
      %scan3A_49 = scf.for %scan3A_57 = %scan3A_45 to %scan3A_47 step %scan3A_48 iter_args(%scan3A_58 = %scan3A_44) -> (i32)  : i32 {
        %iota3A = tpu.iota {dimensions = array<i32: 0>} : vector<16xi32>
        %mul3A_59 = arith.constant 16 : i32
        %mul3A_60 = arith.muli %scan3A_57, %mul3A_59 : i32
        %add3A_61 = arith.addi %mul3A_43, %mul3A_60 : i32
        %add3A_62 = vector.broadcast %add3A_61 : i32 to vector<16xi32>
        %add3A_63 = arith.addi %iota3A, %add3A_62 : vector<16xi32>
        %mul3A_64 = arith.constant 16 : i32
        %mul3A_65 = arith.muli %scan3A_57, %mul3A_64 : i32
        %swap3A = arith.index_cast %mul3A_65 : i32 to index
        %swap3A_66 = tpu.vector_load %arg7[%swap3A] {strides = array<i32>} : memref<80xi32, #tpu.memory_space<vmem>>, vector<16xi32>,
        %swap3A_67 = vector.shape_cast %swap3A_66 : vector<16xi32> to vector<16xi32>
        %swap3A_68 = vector.shape_cast %add3A_63 : vector<16xi32> to vector<16xi32>
        tpu.vector_store %arg7[%swap3A], %swap3A_68 {strides = array<i32>} : memref<80xi32, #tpu.memory_space<vmem>>, vector<16xi32>,
        %scan3A_69 = arith.constant 0 : i32
        scf.yield %scan3A_69 : i32
      }
      %scan3A_50 = arith.constant 5 : i32
      %dma_start3A = arith.constant 0 : i32
      %dma_start3A_51 = arith.constant 0 : i32
      %dma_start3A_52 = tpu.memref_slice %arg12[%dma_start3A, %dma_start3A_51] : memref<10000x128xf32, #tpu.memory_space<vmem_shared>> -> memref<10000x128xf32, #tpu.memory_space<vmem_shared>>
      tpu.enqueue_indirect_dma source(%dma_start3A_52 : memref<10000x128xf32, #tpu.memory_space<vmem_shared>>) target(%arg8 : memref<80x128xf32, #tpu.memory_space<vmem>>) offsets(%arg7 : memref<80xi32, #tpu.memory_space<vmem>>) semaphore(%arg14 : memref<!tpu.dma_semaphore, #tpu.memory_space<semaphore_mem>>)
      %dma_wait3A = arith.constant 0 : i32
      %dma_wait3A_53 = arith.constant 0 : i32
      %dma_wait3A_54 = tpu.memref_slice %arg12[%dma_wait3A, %dma_wait3A_53] : memref<10000x128xf32, #tpu.memory_space<vmem_shared>> -> memref<10000x128xf32, #tpu.memory_space<vmem_shared>>
      tpu.wait_indirect_dma semaphore(%arg14 : memref<!tpu.dma_semaphore, #tpu.memory_space<semaphore_mem>>) src(%dma_wait3A_54 : memref<10000x128xf32, #tpu.memory_space<vmem_shared>>) dst(%arg8 : memref<80x128xf32, #tpu.memory_space<vmem>>)
      %add3A_55 = arith.addi %mul3A_0, %mul3A_43 : i32
      "tpu.region"() ({
        %run_scoped3A = tpu.sem_alloc : memref<!tpu.dma_semaphore, #tpu.memory_space<semaphore_mem>>
        %dma_start3A_57 = arith.constant 0 : i32
        %dma_start3A_58 = tpu.memref_slice %arg5[%add3A_55, %dma_start3A_57] : memref<20000x128xf32, #tpu.memory_space<hbm>> -> memref<80x128xf32, #tpu.memory_space<hbm>>
        %dma_start3A_59 = arith.constant 0 : i32
        %dma_start3A_60 = tpu.memref_slice %arg5[%add3A_55, %dma_start3A_59] : memref<20000x128xf32, #tpu.memory_space<hbm>> -> memref<80x128xf32, #tpu.memory_space<hbm>>
        tpu.enqueue_dma source(%arg8 : memref<80x128xf32, #tpu.memory_space<vmem>>) target(%dma_start3A_60 : memref<80x128xf32, #tpu.memory_space<hbm>>) target_semaphore(%run_scoped3A : memref<!tpu.dma_semaphore, #tpu.memory_space<semaphore_mem>>)
        %dma_wait3A_61 = arith.constant 0 : i32
        %dma_wait3A_62 = tpu.memref_slice %arg5[%add3A_55, %dma_wait3A_61] : memref<20000x128xf32, #tpu.memory_space<hbm>> -> memref<80x128xf32, #tpu.memory_space<hbm>>
        %dma_wait3A_63 = arith.constant 0 : i32
        %dma_wait3A_64 = tpu.memref_slice %arg5[%add3A_55, %dma_wait3A_63] : memref<20000x128xf32, #tpu.memory_space<hbm>> -> memref<80x128xf32, #tpu.memory_space<hbm>>
        tpu.wait_dma2 semaphore(%run_scoped3A : memref<!tpu.dma_semaphore, #tpu.memory_space<semaphore_mem>>) src(%arg8 : memref<80x128xf32, #tpu.memory_space<vmem>>) dst(%dma_wait3A_64 : memref<80x128xf32, #tpu.memory_space<hbm>>)
        tpu.yield
      }) : () -> ()
      %while3A_56 = arith.constant 0 : i32
      scf.yield %while3A_56 : i32
    }
    %while3A_38 = arith.constant 1 : i32
    %while3A_39 = scf.for %while3A_40 = %while3A_35 to %while3A_31 step %while3A_38 iter_args(%while3A_41 = %while3A_37) -> (i32)  : i32 {
      %add3A = arith.addi %sub3A_7, %while3A_40 : i32
      %mul3A_42 = arith.constant 80 : i32
      %mul3A_43 = arith.muli %add3A, %mul3A_42 : i32
      %scan3A_44 = arith.constant 0 : i32
      %scan3A_45 = arith.constant 0 : i32
      %scan3A_46 = arith.constant 5 : i32
      %scan3A_47 = arith.addi %scan3A_45, %scan3A_46 : i32
      %scan3A_48 = arith.constant 1 : i32
      %scan3A_49 = scf.for %scan3A_57 = %scan3A_45 to %scan3A_47 step %scan3A_48 iter_args(%scan3A_58 = %scan3A_44) -> (i32)  : i32 {
        %iota3A = tpu.iota {dimensions = array<i32: 0>} : vector<16xi32>
        %mul3A_59 = arith.constant 16 : i32
        %mul3A_60 = arith.muli %scan3A_57, %mul3A_59 : i32
        %add3A_61 = arith.addi %mul3A_43, %mul3A_60 : i32
        %add3A_62 = vector.broadcast %add3A_61 : i32 to vector<16xi32>
        %add3A_63 = arith.addi %iota3A, %add3A_62 : vector<16xi32>
        %mul3A_64 = arith.constant 16 : i32
        %mul3A_65 = arith.muli %scan3A_57, %mul3A_64 : i32
        %swap3A = arith.index_cast %mul3A_65 : i32 to index
        %swap3A_66 = tpu.vector_load %arg7[%swap3A] {strides = array<i32>} : memref<80xi32, #tpu.memory_space<vmem>>, vector<16xi32>,
        %swap3A_67 = vector.shape_cast %swap3A_66 : vector<16xi32> to vector<16xi32>
        %swap3A_68 = vector.shape_cast %add3A_63 : vector<16xi32> to vector<16xi32>
        tpu.vector_store %arg7[%swap3A], %swap3A_68 {strides = array<i32>} : memref<80xi32, #tpu.memory_space<vmem>>, vector<16xi32>,
        %scan3A_69 = arith.constant 0 : i32
        scf.yield %scan3A_69 : i32
      }
      %scan3A_50 = arith.constant 5 : i32
      %dma_start3A = arith.constant 0 : i32
      %dma_start3A_51 = arith.constant 0 : i32
      %dma_start3A_52 = tpu.memref_slice %arg12[%dma_start3A, %dma_start3A_51] : memref<10000x128xf32, #tpu.memory_space<vmem_shared>> -> memref<10000x128xf32, #tpu.memory_space<vmem_shared>>
      tpu.enqueue_indirect_dma source(%dma_start3A_52 : memref<10000x128xf32, #tpu.memory_space<vmem_shared>>) target(%arg8 : memref<80x128xf32, #tpu.memory_space<vmem>>) offsets(%arg7 : memref<80xi32, #tpu.memory_space<vmem>>) semaphore(%arg14 : memref<!tpu.dma_semaphore, #tpu.memory_space<semaphore_mem>>)
      %dma_wait3A = arith.constant 0 : i32
      %dma_wait3A_53 = arith.constant 0 : i32
      %dma_wait3A_54 = tpu.memref_slice %arg12[%dma_wait3A, %dma_wait3A_53] : memref<10000x128xf32, #tpu.memory_space<vmem_shared>> -> memref<10000x128xf32, #tpu.memory_space<vmem_shared>>
      tpu.wait_indirect_dma semaphore(%arg14 : memref<!tpu.dma_semaphore, #tpu.memory_space<semaphore_mem>>) src(%dma_wait3A_54 : memref<10000x128xf32, #tpu.memory_space<vmem_shared>>) dst(%arg8 : memref<80x128xf32, #tpu.memory_space<vmem>>)
      %add3A_55 = arith.addi %mul3A_0, %mul3A_43 : i32
      "tpu.region"() ({
        %run_scoped3A = tpu.sem_alloc : memref<!tpu.dma_semaphore, #tpu.memory_space<semaphore_mem>>
        %dma_start3A_57 = arith.constant 0 : i32
        %dma_start3A_58 = tpu.memref_slice %arg5[%add3A_55, %dma_start3A_57] : memref<20000x128xf32, #tpu.memory_space<hbm>> -> memref<80x128xf32, #tpu.memory_space<hbm>>
        %dma_start3A_59 = arith.constant 0 : i32
        %dma_start3A_60 = tpu.memref_slice %arg5[%add3A_55, %dma_start3A_59] : memref<20000x128xf32, #tpu.memory_space<hbm>> -> memref<80x128xf32, #tpu.memory_space<hbm>>
        tpu.enqueue_dma source(%arg8 : memref<80x128xf32, #tpu.memory_space<vmem>>) target(%dma_start3A_60 : memref<80x128xf32, #tpu.memory_space<hbm>>) target_semaphore(%run_scoped3A : memref<!tpu.dma_semaphore, #tpu.memory_space<semaphore_mem>>)
        %dma_wait3A_61 = arith.constant 0 : i32
        %dma_wait3A_62 = tpu.memref_slice %arg5[%add3A_55, %dma_wait3A_61] : memref<20000x128xf32, #tpu.memory_space<hbm>> -> memref<80x128xf32, #tpu.memory_space<hbm>>
        %dma_wait3A_63 = arith.constant 0 : i32
        %dma_wait3A_64 = tpu.memref_slice %arg5[%add3A_55, %dma_wait3A_63] : memref<20000x128xf32, #tpu.memory_space<hbm>> -> memref<80x128xf32, #tpu.memory_space<hbm>>
        tpu.wait_dma2 semaphore(%run_scoped3A : memref<!tpu.dma_semaphore, #tpu.memory_space<semaphore_mem>>) src(%arg8 : memref<80x128xf32, #tpu.memory_space<vmem>>) dst(%dma_wait3A_64 : memref<80x128xf32, #tpu.memory_space<hbm>>)
        tpu.yield
      }) : () -> ()
      %while3A_56 = arith.constant 0 : i32
      scf.yield %while3A_56 : i32
    }
    return
  }
}

#map = affine_map<(d0, d1) -> (0, 0)>
#map1 = affine_map<(d0, d1) -> (0)>
module attributes {stable_mosaic.version = 14 : i64} {
  func.func @_agg_body(%arg0: i32, %arg1: i32, %arg2: memref<20000x128xf32, #tpu.memory_space<hbm>>, %arg3: memref<320000xi32, #tpu.memory_space<hbm>>, %arg4: memref<320000xi32, #tpu.memory_space<hbm>>, %arg5: memref<20000x128xf32, #tpu.memory_space<hbm>>, %arg6: memref<80xi32, #tpu.memory_space<vmem>>, %arg7: memref<80xi32, #tpu.memory_space<vmem>>, %arg8: memref<80x128xf32, #tpu.memory_space<vmem>>, %arg9: memref<80xi32, #tpu.memory_space<vmem>>, %arg10: memref<80xi32, #tpu.memory_space<vmem>>, %arg11: memref<80x128xf32, #tpu.memory_space<vmem>>, %arg12: memref<10000x128xf32, #tpu.memory_space<vmem_shared>>, %arg13: memref<!tpu.dma_semaphore, #tpu.memory_space<semaphore_mem>>, %arg14: memref<!tpu.dma_semaphore, #tpu.memory_space<semaphore_mem>>, %arg15: memref<!tpu.dma_semaphore, #tpu.memory_space<semaphore_mem>>, %arg16: memref<!tpu.dma_semaphore, #tpu.memory_space<semaphore_mem>>, %arg17: memref<!tpu.dma_semaphore, #tpu.memory_space<semaphore_mem>>) attributes {dimension_semantics = [#tpu.dimension_semantics<core_parallel>, #tpu.dimension_semantics<subcore_parallel>], iteration_bounds = array<i64: 2, 16>, scalar_prefetch = 0 : i64, scratch_operands = 12 : i64, tpu.core_type = #tpu.core_type<sc_vector_subcore>, window_params = [{transform_indices = #map}, {transform_indices = #map1}, {transform_indices = #map1}, {transform_indices = #map}]} {
    %mul3A = arith.constant 10000 : i32
    %mul3A_0 = arith.muli %arg0, %mul3A : i32
    %lt3A = arith.constant 13 : i32
    %lt3A_1 = arith.cmpi slt, %arg1, %lt3A : i32
    %jit3A = arith.constant 8 : i32
    %jit3A_2 = arith.constant 7 : i32
    %select_n3A = arith.select %lt3A_1, %jit3A, %jit3A_2 : i32
    %mul3A_3 = arith.constant 8 : i32
    %mul3A_4 = arith.muli %arg1, %mul3A_3 : i32
    %sub3A = arith.constant 13 : i32
    %sub3A_5 = arith.subi %arg1, %sub3A : i32
    %max3A = arith.constant 0 : i32
    %max3A_6 = arith.maxsi %sub3A_5, %max3A : i32
    %sub3A_7 = arith.subi %mul3A_4, %max3A_6 : i32
    %while3A = arith.constant 0 : i32
    %while3A_8 = arith.constant 0 : i32
    %while3A_9 = arith.subi %select_n3A, %while3A : i32
    %while3A_10 = arith.addi %while3A, %while3A_9 : i32
    %while3A_11 = arith.constant 1 : i32
    %while3A_12 = arith.divsi %while3A_9, %while3A_11 : i32
    %while3A_13 = arith.muli %while3A_12, %while3A_11 : i32
    %while3A_14 = arith.addi %while3A, %while3A_13 : i32
    %while3A_15 = arith.constant 1 : i32
    %while3A_16 = scf.for %while3A_40 = %while3A to %while3A_14 step %while3A_15 iter_args(%while3A_41 = %while3A_8) -> (i32)  : i32 {
      %add3A = arith.addi %sub3A_7, %while3A_40 : i32
      %mul3A_42 = arith.constant 80 : i32
      %mul3A_43 = arith.muli %add3A, %mul3A_42 : i32
      %add3A_44 = arith.addi %mul3A_0, %mul3A_43 : i32
      "tpu.region"() ({
        %run_scoped3A = tpu.sem_alloc : memref<!tpu.dma_semaphore, #tpu.memory_space<semaphore_mem>>
        %dma_start3A = arith.constant 0 : i32
        %dma_start3A_53 = tpu.memref_slice %arg2[%add3A_44, %dma_start3A] : memref<20000x128xf32, #tpu.memory_space<hbm>> -> memref<80x128xf32, #tpu.memory_space<hbm>>
        %dma_start3A_54 = arith.constant 0 : i32
        %dma_start3A_55 = tpu.memref_slice %arg2[%add3A_44, %dma_start3A_54] : memref<20000x128xf32, #tpu.memory_space<hbm>> -> memref<80x128xf32, #tpu.memory_space<hbm>>
        tpu.enqueue_dma source(%dma_start3A_55 : memref<80x128xf32, #tpu.memory_space<hbm>>) target(%arg8 : memref<80x128xf32, #tpu.memory_space<vmem>>) target_semaphore(%run_scoped3A : memref<!tpu.dma_semaphore, #tpu.memory_space<semaphore_mem>>)
        %dma_wait3A = arith.constant 0 : i32
        %dma_wait3A_56 = tpu.memref_slice %arg2[%add3A_44, %dma_wait3A] : memref<20000x128xf32, #tpu.memory_space<hbm>> -> memref<80x128xf32, #tpu.memory_space<hbm>>
        %dma_wait3A_57 = arith.constant 0 : i32
        %dma_wait3A_58 = tpu.memref_slice %arg2[%add3A_44, %dma_wait3A_57] : memref<20000x128xf32, #tpu.memory_space<hbm>> -> memref<80x128xf32, #tpu.memory_space<hbm>>
        tpu.wait_dma2 semaphore(%run_scoped3A : memref<!tpu.dma_semaphore, #tpu.memory_space<semaphore_mem>>) src(%dma_wait3A_58 : memref<80x128xf32, #tpu.memory_space<hbm>>) dst(%arg8 : memref<80x128xf32, #tpu.memory_space<vmem>>)
        tpu.yield
      }) : () -> ()
      %scan3A_45 = arith.constant 0 : i32
      %scan3A_46 = arith.constant 0 : i32
      %scan3A_47 = arith.constant 5 : i32
      %scan3A_48 = arith.addi %scan3A_46, %scan3A_47 : i32
      %scan3A_49 = arith.constant 1 : i32
      %scan3A_50 = scf.for %scan3A_53 = %scan3A_46 to %scan3A_48 step %scan3A_49 iter_args(%scan3A_54 = %scan3A_45) -> (i32)  : i32 {
        %iota3A = tpu.iota {dimensions = array<i32: 0>} : vector<16xi32>
        %mul3A_55 = arith.constant 16 : i32
        %mul3A_56 = arith.muli %scan3A_53, %mul3A_55 : i32
        %add3A_57 = arith.addi %mul3A_43, %mul3A_56 : i32
        %add3A_58 = vector.broadcast %add3A_57 : i32 to vector<16xi32>
        %add3A_59 = arith.addi %iota3A, %add3A_58 : vector<16xi32>
        %mul3A_60 = arith.constant 16 : i32
        %mul3A_61 = arith.muli %scan3A_53, %mul3A_60 : i32
        %swap3A = arith.index_cast %mul3A_61 : i32 to index
        %swap3A_62 = tpu.vector_load %arg7[%swap3A] {strides = array<i32>} : memref<80xi32, #tpu.memory_space<vmem>>, vector<16xi32>,
        %swap3A_63 = vector.shape_cast %swap3A_62 : vector<16xi32> to vector<16xi32>
        %swap3A_64 = vector.shape_cast %add3A_59 : vector<16xi32> to vector<16xi32>
        tpu.vector_store %arg7[%swap3A], %swap3A_64 {strides = array<i32>} : memref<80xi32, #tpu.memory_space<vmem>>, vector<16xi32>,
        %scan3A_65 = arith.constant 0 : i32
        scf.yield %scan3A_65 : i32
      }
      %scan3A_51 = arith.constant 5 : i32
      "tpu.region"() ({
        %run_scoped3A = tpu.sem_alloc : memref<!tpu.dma_semaphore, #tpu.memory_space<semaphore_mem>>
        %dma_start3A = arith.constant 0 : i32
        %dma_start3A_53 = arith.constant 0 : i32
        %dma_start3A_54 = tpu.memref_slice %arg12[%dma_start3A, %dma_start3A_53] : memref<10000x128xf32, #tpu.memory_space<vmem_shared>> -> memref<10000x128xf32, #tpu.memory_space<vmem_shared>>
        tpu.enqueue_indirect_dma source(%arg8 : memref<80x128xf32, #tpu.memory_space<vmem>>) target(%dma_start3A_54 : memref<10000x128xf32, #tpu.memory_space<vmem_shared>>) offsets(%arg7 : memref<80xi32, #tpu.memory_space<vmem>>) semaphore(%run_scoped3A : memref<!tpu.dma_semaphore, #tpu.memory_space<semaphore_mem>>)
        %dma_wait3A = arith.constant 0 : i32
        %dma_wait3A_55 = arith.constant 0 : i32
        %dma_wait3A_56 = tpu.memref_slice %arg12[%dma_wait3A, %dma_wait3A_55] : memref<10000x128xf32, #tpu.memory_space<vmem_shared>> -> memref<10000x128xf32, #tpu.memory_space<vmem_shared>>
        tpu.wait_indirect_dma semaphore(%run_scoped3A : memref<!tpu.dma_semaphore, #tpu.memory_space<semaphore_mem>>) src(%arg8 : memref<80x128xf32, #tpu.memory_space<vmem>>) dst(%dma_wait3A_56 : memref<10000x128xf32, #tpu.memory_space<vmem_shared>>)
        tpu.yield
      }) : () -> ()
      %while3A_52 = arith.constant 0 : i32
      scf.yield %while3A_52 : i32
    }
    %while3A_17 = arith.constant 1 : i32
    %while3A_18 = scf.for %while3A_40 = %while3A_14 to %while3A_10 step %while3A_17 iter_args(%while3A_41 = %while3A_16) -> (i32)  : i32 {
      %add3A = arith.addi %sub3A_7, %while3A_40 : i32
      %mul3A_42 = arith.constant 80 : i32
      %mul3A_43 = arith.muli %add3A, %mul3A_42 : i32
      %add3A_44 = arith.addi %mul3A_0, %mul3A_43 : i32
      "tpu.region"() ({
        %run_scoped3A = tpu.sem_alloc : memref<!tpu.dma_semaphore, #tpu.memory_space<semaphore_mem>>
        %dma_start3A = arith.constant 0 : i32
        %dma_start3A_53 = tpu.memref_slice %arg2[%add3A_44, %dma_start3A] : memref<20000x128xf32, #tpu.memory_space<hbm>> -> memref<80x128xf32, #tpu.memory_space<hbm>>
        %dma_start3A_54 = arith.constant 0 : i32
        %dma_start3A_55 = tpu.memref_slice %arg2[%add3A_44, %dma_start3A_54] : memref<20000x128xf32, #tpu.memory_space<hbm>> -> memref<80x128xf32, #tpu.memory_space<hbm>>
        tpu.enqueue_dma source(%dma_start3A_55 : memref<80x128xf32, #tpu.memory_space<hbm>>) target(%arg8 : memref<80x128xf32, #tpu.memory_space<vmem>>) target_semaphore(%run_scoped3A : memref<!tpu.dma_semaphore, #tpu.memory_space<semaphore_mem>>)
        %dma_wait3A = arith.constant 0 : i32
        %dma_wait3A_56 = tpu.memref_slice %arg2[%add3A_44, %dma_wait3A] : memref<20000x128xf32, #tpu.memory_space<hbm>> -> memref<80x128xf32, #tpu.memory_space<hbm>>
        %dma_wait3A_57 = arith.constant 0 : i32
        %dma_wait3A_58 = tpu.memref_slice %arg2[%add3A_44, %dma_wait3A_57] : memref<20000x128xf32, #tpu.memory_space<hbm>> -> memref<80x128xf32, #tpu.memory_space<hbm>>
        tpu.wait_dma2 semaphore(%run_scoped3A : memref<!tpu.dma_semaphore, #tpu.memory_space<semaphore_mem>>) src(%dma_wait3A_58 : memref<80x128xf32, #tpu.memory_space<hbm>>) dst(%arg8 : memref<80x128xf32, #tpu.memory_space<vmem>>)
        tpu.yield
      }) : () -> ()
      %scan3A_45 = arith.constant 0 : i32
      %scan3A_46 = arith.constant 0 : i32
      %scan3A_47 = arith.constant 5 : i32
      %scan3A_48 = arith.addi %scan3A_46, %scan3A_47 : i32
      %scan3A_49 = arith.constant 1 : i32
      %scan3A_50 = scf.for %scan3A_53 = %scan3A_46 to %scan3A_48 step %scan3A_49 iter_args(%scan3A_54 = %scan3A_45) -> (i32)  : i32 {
        %iota3A = tpu.iota {dimensions = array<i32: 0>} : vector<16xi32>
        %mul3A_55 = arith.constant 16 : i32
        %mul3A_56 = arith.muli %scan3A_53, %mul3A_55 : i32
        %add3A_57 = arith.addi %mul3A_43, %mul3A_56 : i32
        %add3A_58 = vector.broadcast %add3A_57 : i32 to vector<16xi32>
        %add3A_59 = arith.addi %iota3A, %add3A_58 : vector<16xi32>
        %mul3A_60 = arith.constant 16 : i32
        %mul3A_61 = arith.muli %scan3A_53, %mul3A_60 : i32
        %swap3A = arith.index_cast %mul3A_61 : i32 to index
        %swap3A_62 = tpu.vector_load %arg7[%swap3A] {strides = array<i32>} : memref<80xi32, #tpu.memory_space<vmem>>, vector<16xi32>,
        %swap3A_63 = vector.shape_cast %swap3A_62 : vector<16xi32> to vector<16xi32>
        %swap3A_64 = vector.shape_cast %add3A_59 : vector<16xi32> to vector<16xi32>
        tpu.vector_store %arg7[%swap3A], %swap3A_64 {strides = array<i32>} : memref<80xi32, #tpu.memory_space<vmem>>, vector<16xi32>,
        %scan3A_65 = arith.constant 0 : i32
        scf.yield %scan3A_65 : i32
      }
      %scan3A_51 = arith.constant 5 : i32
      "tpu.region"() ({
        %run_scoped3A = tpu.sem_alloc : memref<!tpu.dma_semaphore, #tpu.memory_space<semaphore_mem>>
        %dma_start3A = arith.constant 0 : i32
        %dma_start3A_53 = arith.constant 0 : i32
        %dma_start3A_54 = tpu.memref_slice %arg12[%dma_start3A, %dma_start3A_53] : memref<10000x128xf32, #tpu.memory_space<vmem_shared>> -> memref<10000x128xf32, #tpu.memory_space<vmem_shared>>
        tpu.enqueue_indirect_dma source(%arg8 : memref<80x128xf32, #tpu.memory_space<vmem>>) target(%dma_start3A_54 : memref<10000x128xf32, #tpu.memory_space<vmem_shared>>) offsets(%arg7 : memref<80xi32, #tpu.memory_space<vmem>>) semaphore(%run_scoped3A : memref<!tpu.dma_semaphore, #tpu.memory_space<semaphore_mem>>)
        %dma_wait3A = arith.constant 0 : i32
        %dma_wait3A_55 = arith.constant 0 : i32
        %dma_wait3A_56 = tpu.memref_slice %arg12[%dma_wait3A, %dma_wait3A_55] : memref<10000x128xf32, #tpu.memory_space<vmem_shared>> -> memref<10000x128xf32, #tpu.memory_space<vmem_shared>>
        tpu.wait_indirect_dma semaphore(%run_scoped3A : memref<!tpu.dma_semaphore, #tpu.memory_space<semaphore_mem>>) src(%arg8 : memref<80x128xf32, #tpu.memory_space<vmem>>) dst(%dma_wait3A_56 : memref<10000x128xf32, #tpu.memory_space<vmem_shared>>)
        tpu.yield
      }) : () -> ()
      %while3A_52 = arith.constant 0 : i32
      scf.yield %while3A_52 : i32
    }
    %barrier3A = arith.constant 0 : index
    tpu.barrier barrier_id(%barrier3A)
    %mul3A_19 = arith.constant 20000 : i32
    %mul3A_20 = arith.muli %arg1, %mul3A_19 : i32
    %scan3A = arith.constant 0 : i32
    %scan3A_21 = arith.constant 0 : i32
    %scan3A_22 = arith.constant 125 : i32
    %scan3A_23 = arith.addi %scan3A_21, %scan3A_22 : i32
    %scan3A_24 = arith.constant 1 : i32
    %scan3A_25 = scf.for %scan3A_40 = %scan3A_21 to %scan3A_23 step %scan3A_24 iter_args(%scan3A_41 = %scan3A) -> (i32)  : i32 {
      %mul3A_42 = arith.constant 2 : i32
      %mul3A_43 = arith.muli %mul3A_42, %scan3A_40 : i32
      %mul3A_44 = arith.constant 80 : i32
      %mul3A_45 = arith.muli %mul3A_43, %mul3A_44 : i32
      %add3A = arith.addi %mul3A_20, %mul3A_45 : i32
      %add3A_46 = arith.constant 80 : i32
      %add3A_47 = arith.addi %add3A, %add3A_46 : i32
      %dma_start3A = tpu.memref_slice %arg3[%add3A] : memref<320000xi32, #tpu.memory_space<hbm>> -> memref<80xi32, #tpu.memory_space<hbm>>
      %dma_start3A_48 = tpu.memref_slice %arg3[%add3A] : memref<320000xi32, #tpu.memory_space<hbm>> -> memref<80xi32, #tpu.memory_space<hbm>>
      tpu.enqueue_dma source(%dma_start3A_48 : memref<80xi32, #tpu.memory_space<hbm>>) target(%arg6 : memref<80xi32, #tpu.memory_space<vmem>>) target_semaphore(%arg13 : memref<!tpu.dma_semaphore, #tpu.memory_space<semaphore_mem>>)
      %dma_start3A_49 = tpu.memref_slice %arg4[%add3A] : memref<320000xi32, #tpu.memory_space<hbm>> -> memref<80xi32, #tpu.memory_space<hbm>>
      %dma_start3A_50 = tpu.memref_slice %arg4[%add3A] : memref<320000xi32, #tpu.memory_space<hbm>> -> memref<80xi32, #tpu.memory_space<hbm>>
      tpu.enqueue_dma source(%dma_start3A_50 : memref<80xi32, #tpu.memory_space<hbm>>) target(%arg7 : memref<80xi32, #tpu.memory_space<vmem>>) target_semaphore(%arg13 : memref<!tpu.dma_semaphore, #tpu.memory_space<semaphore_mem>>)
      %dma_start3A_51 = tpu.memref_slice %arg3[%add3A_47] : memref<320000xi32, #tpu.memory_space<hbm>> -> memref<80xi32, #tpu.memory_space<hbm>>
      %dma_start3A_52 = tpu.memref_slice %arg3[%add3A_47] : memref<320000xi32, #tpu.memory_space<hbm>> -> memref<80xi32, #tpu.memory_space<hbm>>
      tpu.enqueue_dma source(%dma_start3A_52 : memref<80xi32, #tpu.memory_space<hbm>>) target(%arg9 : memref<80xi32, #tpu.memory_space<vmem>>) target_semaphore(%arg13 : memref<!tpu.dma_semaphore, #tpu.memory_space<semaphore_mem>>)
      %dma_start3A_53 = tpu.memref_slice %arg4[%add3A_47] : memref<320000xi32, #tpu.memory_space<hbm>> -> memref<80xi32, #tpu.memory_space<hbm>>
      %dma_start3A_54 = tpu.memref_slice %arg4[%add3A_47] : memref<320000xi32, #tpu.memory_space<hbm>> -> memref<80xi32, #tpu.memory_space<hbm>>
      tpu.enqueue_dma source(%dma_start3A_54 : memref<80xi32, #tpu.memory_space<hbm>>) target(%arg10 : memref<80xi32, #tpu.memory_space<vmem>>) target_semaphore(%arg13 : memref<!tpu.dma_semaphore, #tpu.memory_space<semaphore_mem>>)
      %dma_wait3A = tpu.memref_slice %arg3[%add3A] : memref<320000xi32, #tpu.memory_space<hbm>> -> memref<80xi32, #tpu.memory_space<hbm>>
      %dma_wait3A_55 = tpu.memref_slice %arg3[%add3A] : memref<320000xi32, #tpu.memory_space<hbm>> -> memref<80xi32, #tpu.memory_space<hbm>>
      tpu.wait_dma2 semaphore(%arg13 : memref<!tpu.dma_semaphore, #tpu.memory_space<semaphore_mem>>) src(%dma_wait3A_55 : memref<80xi32, #tpu.memory_space<hbm>>) dst(%arg6 : memref<80xi32, #tpu.memory_space<vmem>>)
      %dma_wait3A_56 = tpu.memref_slice %arg4[%add3A] : memref<320000xi32, #tpu.memory_space<hbm>> -> memref<80xi32, #tpu.memory_space<hbm>>
      %dma_wait3A_57 = tpu.memref_slice %arg4[%add3A] : memref<320000xi32, #tpu.memory_space<hbm>> -> memref<80xi32, #tpu.memory_space<hbm>>
      tpu.wait_dma2 semaphore(%arg13 : memref<!tpu.dma_semaphore, #tpu.memory_space<semaphore_mem>>) src(%dma_wait3A_57 : memref<80xi32, #tpu.memory_space<hbm>>) dst(%arg7 : memref<80xi32, #tpu.memory_space<vmem>>)
      %dma_wait3A_58 = tpu.memref_slice %arg3[%add3A_47] : memref<320000xi32, #tpu.memory_space<hbm>> -> memref<80xi32, #tpu.memory_space<hbm>>
      %dma_wait3A_59 = tpu.memref_slice %arg3[%add3A_47] : memref<320000xi32, #tpu.memory_space<hbm>> -> memref<80xi32, #tpu.memory_space<hbm>>
      tpu.wait_dma2 semaphore(%arg13 : memref<!tpu.dma_semaphore, #tpu.memory_space<semaphore_mem>>) src(%dma_wait3A_59 : memref<80xi32, #tpu.memory_space<hbm>>) dst(%arg9 : memref<80xi32, #tpu.memory_space<vmem>>)
      %dma_wait3A_60 = tpu.memref_slice %arg4[%add3A_47] : memref<320000xi32, #tpu.memory_space<hbm>> -> memref<80xi32, #tpu.memory_space<hbm>>
      %dma_wait3A_61 = tpu.memref_slice %arg4[%add3A_47] : memref<320000xi32, #tpu.memory_space<hbm>> -> memref<80xi32, #tpu.memory_space<hbm>>
      tpu.wait_dma2 semaphore(%arg13 : memref<!tpu.dma_semaphore, #tpu.memory_space<semaphore_mem>>) src(%dma_wait3A_61 : memref<80xi32, #tpu.memory_space<hbm>>) dst(%arg10 : memref<80xi32, #tpu.memory_space<vmem>>)
      %scan3A_62 = arith.constant 0 : i32
      %scan3A_63 = arith.constant 0 : i32
      %scan3A_64 = arith.constant 5 : i32
      %scan3A_65 = arith.addi %scan3A_63, %scan3A_64 : i32
      %scan3A_66 = arith.constant 1 : i32
      %scan3A_67 = scf.for %scan3A_94 = %scan3A_63 to %scan3A_65 step %scan3A_66 iter_args(%scan3A_95 = %scan3A_62) -> (i32)  : i32 {
        %mul3A_96 = arith.constant 16 : i32
        %mul3A_97 = arith.muli %scan3A_94, %mul3A_96 : i32
        %get3A = arith.index_cast %mul3A_97 : i32 to index
        %get3A_98 = tpu.vector_load %arg6[%get3A] {strides = array<i32>} : memref<80xi32, #tpu.memory_space<vmem>>, vector<16xi32>,
        %get3A_99 = vector.shape_cast %get3A_98 : vector<16xi32> to vector<16xi32>
        %add3A_100 = vector.broadcast %mul3A_0 : i32 to vector<16xi32>
        %add3A_101 = arith.addi %get3A_99, %add3A_100 : vector<16xi32>
        %mul3A_102 = arith.constant 16 : i32
        %mul3A_103 = arith.muli %scan3A_94, %mul3A_102 : i32
        %swap3A = arith.index_cast %mul3A_103 : i32 to index
        %swap3A_104 = tpu.vector_load %arg6[%swap3A] {strides = array<i32>} : memref<80xi32, #tpu.memory_space<vmem>>, vector<16xi32>,
        %swap3A_105 = vector.shape_cast %swap3A_104 : vector<16xi32> to vector<16xi32>
        %swap3A_106 = vector.shape_cast %add3A_101 : vector<16xi32> to vector<16xi32>
        tpu.vector_store %arg6[%swap3A], %swap3A_106 {strides = array<i32>} : memref<80xi32, #tpu.memory_space<vmem>>, vector<16xi32>,
        %mul3A_107 = arith.constant 16 : i32
        %mul3A_108 = arith.muli %scan3A_94, %mul3A_107 : i32
        %get3A_109 = arith.index_cast %mul3A_108 : i32 to index
        %get3A_110 = tpu.vector_load %arg9[%get3A_109] {strides = array<i32>} : memref<80xi32, #tpu.memory_space<vmem>>, vector<16xi32>,
        %get3A_111 = vector.shape_cast %get3A_110 : vector<16xi32> to vector<16xi32>
        %add3A_112 = vector.broadcast %mul3A_0 : i32 to vector<16xi32>
        %add3A_113 = arith.addi %get3A_111, %add3A_112 : vector<16xi32>
        %mul3A_114 = arith.constant 16 : i32
        %mul3A_115 = arith.muli %scan3A_94, %mul3A_114 : i32
        %swap3A_116 = arith.index_cast %mul3A_115 : i32 to index
        %swap3A_117 = tpu.vector_load %arg9[%swap3A_116] {strides = array<i32>} : memref<80xi32, #tpu.memory_space<vmem>>, vector<16xi32>,
        %swap3A_118 = vector.shape_cast %swap3A_117 : vector<16xi32> to vector<16xi32>
        %swap3A_119 = vector.shape_cast %add3A_113 : vector<16xi32> to vector<16xi32>
        tpu.vector_store %arg9[%swap3A_116], %swap3A_119 {strides = array<i32>} : memref<80xi32, #tpu.memory_space<vmem>>, vector<16xi32>,
        %scan3A_120 = arith.constant 0 : i32
        scf.yield %scan3A_120 : i32
      }
      %scan3A_68 = arith.constant 5 : i32
      %dma_start3A_69 = arith.constant 0 : i32
      %dma_start3A_70 = arith.constant 0 : i32
      %dma_start3A_71 = tpu.memref_slice %arg2[%dma_start3A_69, %dma_start3A_70] : memref<20000x128xf32, #tpu.memory_space<hbm>> -> memref<20000x128xf32, #tpu.memory_space<hbm>>
      tpu.enqueue_indirect_dma source(%dma_start3A_71 : memref<20000x128xf32, #tpu.memory_space<hbm>>) target(%arg8 : memref<80x128xf32, #tpu.memory_space<vmem>>) offsets(%arg6 : memref<80xi32, #tpu.memory_space<vmem>>) semaphore(%arg14 : memref<!tpu.dma_semaphore, #tpu.memory_space<semaphore_mem>>)
      %dma_start3A_72 = arith.constant 0 : i32
      %dma_start3A_73 = arith.constant 0 : i32
      %dma_start3A_74 = tpu.memref_slice %arg2[%dma_start3A_72, %dma_start3A_73] : memref<20000x128xf32, #tpu.memory_space<hbm>> -> memref<20000x128xf32, #tpu.memory_space<hbm>>
      tpu.enqueue_indirect_dma source(%dma_start3A_74 : memref<20000x128xf32, #tpu.memory_space<hbm>>) target(%arg11 : memref<80x128xf32, #tpu.memory_space<vmem>>) offsets(%arg9 : memref<80xi32, #tpu.memory_space<vmem>>) semaphore(%arg15 : memref<!tpu.dma_semaphore, #tpu.memory_space<semaphore_mem>>)
      %dma_wait3A_75 = arith.constant 0 : i32
      %dma_wait3A_76 = arith.constant 0 : i32
      %dma_wait3A_77 = tpu.memref_slice %arg2[%dma_wait3A_75, %dma_wait3A_76] : memref<20000x128xf32, #tpu.memory_space<hbm>> -> memref<20000x128xf32, #tpu.memory_space<hbm>>
      tpu.wait_indirect_dma semaphore(%arg14 : memref<!tpu.dma_semaphore, #tpu.memory_space<semaphore_mem>>) src(%dma_wait3A_77 : memref<20000x128xf32, #tpu.memory_space<hbm>>) dst(%arg8 : memref<80x128xf32, #tpu.memory_space<vmem>>)
      %dma_start3A_78 = arith.constant 0 : i32
      %dma_start3A_79 = arith.constant 0 : i32
      %dma_start3A_80 = tpu.memref_slice %arg12[%dma_start3A_78, %dma_start3A_79] : memref<10000x128xf32, #tpu.memory_space<vmem_shared>> -> memref<10000x128xf32, #tpu.memory_space<vmem_shared>>
      tpu.enqueue_indirect_dma source(%arg8 : memref<80x128xf32, #tpu.memory_space<vmem>>) target(%dma_start3A_80 : memref<10000x128xf32, #tpu.memory_space<vmem_shared>>) offsets(%arg7 : memref<80xi32, #tpu.memory_space<vmem>>) semaphore(%arg16 : memref<!tpu.dma_semaphore, #tpu.memory_space<semaphore_mem>>) {add = true}
      %dma_wait3A_81 = arith.constant 0 : i32
      %dma_wait3A_82 = arith.constant 0 : i32
      %dma_wait3A_83 = tpu.memref_slice %arg2[%dma_wait3A_81, %dma_wait3A_82] : memref<20000x128xf32, #tpu.memory_space<hbm>> -> memref<20000x128xf32, #tpu.memory_space<hbm>>
      tpu.wait_indirect_dma semaphore(%arg15 : memref<!tpu.dma_semaphore, #tpu.memory_space<semaphore_mem>>) src(%dma_wait3A_83 : memref<20000x128xf32, #tpu.memory_space<hbm>>) dst(%arg11 : memref<80x128xf32, #tpu.memory_space<vmem>>)
      %dma_start3A_84 = arith.constant 0 : i32
      %dma_start3A_85 = arith.constant 0 : i32
      %dma_start3A_86 = tpu.memref_slice %arg12[%dma_start3A_84, %dma_start3A_85] : memref<10000x128xf32, #tpu.memory_space<vmem_shared>> -> memref<10000x128xf32, #tpu.memory_space<vmem_shared>>
      tpu.enqueue_indirect_dma source(%arg11 : memref<80x128xf32, #tpu.memory_space<vmem>>) target(%dma_start3A_86 : memref<10000x128xf32, #tpu.memory_space<vmem_shared>>) offsets(%arg10 : memref<80xi32, #tpu.memory_space<vmem>>) semaphore(%arg17 : memref<!tpu.dma_semaphore, #tpu.memory_space<semaphore_mem>>) {add = true}
      %dma_wait3A_87 = arith.constant 0 : i32
      %dma_wait3A_88 = arith.constant 0 : i32
      %dma_wait3A_89 = tpu.memref_slice %arg12[%dma_wait3A_87, %dma_wait3A_88] : memref<10000x128xf32, #tpu.memory_space<vmem_shared>> -> memref<10000x128xf32, #tpu.memory_space<vmem_shared>>
      tpu.wait_indirect_dma semaphore(%arg16 : memref<!tpu.dma_semaphore, #tpu.memory_space<semaphore_mem>>) src(%arg8 : memref<80x128xf32, #tpu.memory_space<vmem>>) dst(%dma_wait3A_89 : memref<10000x128xf32, #tpu.memory_space<vmem_shared>>)
      %dma_wait3A_90 = arith.constant 0 : i32
      %dma_wait3A_91 = arith.constant 0 : i32
      %dma_wait3A_92 = tpu.memref_slice %arg12[%dma_wait3A_90, %dma_wait3A_91] : memref<10000x128xf32, #tpu.memory_space<vmem_shared>> -> memref<10000x128xf32, #tpu.memory_space<vmem_shared>>
      tpu.wait_indirect_dma semaphore(%arg17 : memref<!tpu.dma_semaphore, #tpu.memory_space<semaphore_mem>>) src(%arg11 : memref<80x128xf32, #tpu.memory_space<vmem>>) dst(%dma_wait3A_92 : memref<10000x128xf32, #tpu.memory_space<vmem_shared>>)
      %scan3A_93 = arith.constant 0 : i32
      scf.yield %scan3A_93 : i32
    }
    %scan3A_26 = arith.constant 125 : i32
    %barrier3A_27 = arith.constant 0 : index
    tpu.barrier barrier_id(%barrier3A_27)
    %while3A_28 = arith.constant 0 : i32
    %while3A_29 = arith.constant 0 : i32
    %while3A_30 = arith.subi %select_n3A, %while3A_28 : i32
    %while3A_31 = arith.addi %while3A_28, %while3A_30 : i32
    %while3A_32 = arith.constant 1 : i32
    %while3A_33 = arith.divsi %while3A_30, %while3A_32 : i32
    %while3A_34 = arith.muli %while3A_33, %while3A_32 : i32
    %while3A_35 = arith.addi %while3A_28, %while3A_34 : i32
    %while3A_36 = arith.constant 1 : i32
    %while3A_37 = scf.for %while3A_40 = %while3A_28 to %while3A_35 step %while3A_36 iter_args(%while3A_41 = %while3A_29) -> (i32)  : i32 {
      %add3A = arith.addi %sub3A_7, %while3A_40 : i32
      %mul3A_42 = arith.constant 80 : i32
      %mul3A_43 = arith.muli %add3A, %mul3A_42 : i32
      %scan3A_44 = arith.constant 0 : i32
      %scan3A_45 = arith.constant 0 : i32
      %scan3A_46 = arith.constant 5 : i32
      %scan3A_47 = arith.addi %scan3A_45, %scan3A_46 : i32
      %scan3A_48 = arith.constant 1 : i32
      %scan3A_49 = scf.for %scan3A_57 = %scan3A_45 to %scan3A_47 step %scan3A_48 iter_args(%scan3A_58 = %scan3A_44) -> (i32)  : i32 {
        %iota3A = tpu.iota {dimensions = array<i32: 0>} : vector<16xi32>
        %mul3A_59 = arith.constant 16 : i32
        %mul3A_60 = arith.muli %scan3A_57, %mul3A_59 : i32
        %add3A_61 = arith.addi %mul3A_43, %mul3A_60 : i32
        %add3A_62 = vector.broadcast %add3A_61 : i32 to vector<16xi32>
        %add3A_63 = arith.addi %iota3A, %add3A_62 : vector<16xi32>
        %mul3A_64 = arith.constant 16 : i32
        %mul3A_65 = arith.muli %scan3A_57, %mul3A_64 : i32
        %swap3A = arith.index_cast %mul3A_65 : i32 to index
        %swap3A_66 = tpu.vector_load %arg7[%swap3A] {strides = array<i32>} : memref<80xi32, #tpu.memory_space<vmem>>, vector<16xi32>,
        %swap3A_67 = vector.shape_cast %swap3A_66 : vector<16xi32> to vector<16xi32>
        %swap3A_68 = vector.shape_cast %add3A_63 : vector<16xi32> to vector<16xi32>
        tpu.vector_store %arg7[%swap3A], %swap3A_68 {strides = array<i32>} : memref<80xi32, #tpu.memory_space<vmem>>, vector<16xi32>,
        %scan3A_69 = arith.constant 0 : i32
        scf.yield %scan3A_69 : i32
      }
      %scan3A_50 = arith.constant 5 : i32
      %dma_start3A = arith.constant 0 : i32
      %dma_start3A_51 = arith.constant 0 : i32
      %dma_start3A_52 = tpu.memref_slice %arg12[%dma_start3A, %dma_start3A_51] : memref<10000x128xf32, #tpu.memory_space<vmem_shared>> -> memref<10000x128xf32, #tpu.memory_space<vmem_shared>>
      tpu.enqueue_indirect_dma source(%dma_start3A_52 : memref<10000x128xf32, #tpu.memory_space<vmem_shared>>) target(%arg8 : memref<80x128xf32, #tpu.memory_space<vmem>>) offsets(%arg7 : memref<80xi32, #tpu.memory_space<vmem>>) semaphore(%arg14 : memref<!tpu.dma_semaphore, #tpu.memory_space<semaphore_mem>>)
      %dma_wait3A = arith.constant 0 : i32
      %dma_wait3A_53 = arith.constant 0 : i32
      %dma_wait3A_54 = tpu.memref_slice %arg12[%dma_wait3A, %dma_wait3A_53] : memref<10000x128xf32, #tpu.memory_space<vmem_shared>> -> memref<10000x128xf32, #tpu.memory_space<vmem_shared>>
      tpu.wait_indirect_dma semaphore(%arg14 : memref<!tpu.dma_semaphore, #tpu.memory_space<semaphore_mem>>) src(%dma_wait3A_54 : memref<10000x128xf32, #tpu.memory_space<vmem_shared>>) dst(%arg8 : memref<80x128xf32, #tpu.memory_space<vmem>>)
      %add3A_55 = arith.addi %mul3A_0, %mul3A_43 : i32
      "tpu.region"() ({
        %run_scoped3A = tpu.sem_alloc : memref<!tpu.dma_semaphore, #tpu.memory_space<semaphore_mem>>
        %dma_start3A_57 = arith.constant 0 : i32
        %dma_start3A_58 = tpu.memref_slice %arg5[%add3A_55, %dma_start3A_57] : memref<20000x128xf32, #tpu.memory_space<hbm>> -> memref<80x128xf32, #tpu.memory_space<hbm>>
        %dma_start3A_59 = arith.constant 0 : i32
        %dma_start3A_60 = tpu.memref_slice %arg5[%add3A_55, %dma_start3A_59] : memref<20000x128xf32, #tpu.memory_space<hbm>> -> memref<80x128xf32, #tpu.memory_space<hbm>>
        tpu.enqueue_dma source(%arg8 : memref<80x128xf32, #tpu.memory_space<vmem>>) target(%dma_start3A_60 : memref<80x128xf32, #tpu.memory_space<hbm>>) target_semaphore(%run_scoped3A : memref<!tpu.dma_semaphore, #tpu.memory_space<semaphore_mem>>)
        %dma_wait3A_61 = arith.constant 0 : i32
        %dma_wait3A_62 = tpu.memref_slice %arg5[%add3A_55, %dma_wait3A_61] : memref<20000x128xf32, #tpu.memory_space<hbm>> -> memref<80x128xf32, #tpu.memory_space<hbm>>
        %dma_wait3A_63 = arith.constant 0 : i32
        %dma_wait3A_64 = tpu.memref_slice %arg5[%add3A_55, %dma_wait3A_63] : memref<20000x128xf32, #tpu.memory_space<hbm>> -> memref<80x128xf32, #tpu.memory_space<hbm>>
        tpu.wait_dma2 semaphore(%run_scoped3A : memref<!tpu.dma_semaphore, #tpu.memory_space<semaphore_mem>>) src(%arg8 : memref<80x128xf32, #tpu.memory_space<vmem>>) dst(%dma_wait3A_64 : memref<80x128xf32, #tpu.memory_space<hbm>>)
        tpu.yield
      }) : () -> ()
      %while3A_56 = arith.constant 0 : i32
      scf.yield %while3A_56 : i32
    }
    %while3A_38 = arith.constant 1 : i32
    %while3A_39 = scf.for %while3A_40 = %while3A_35 to %while3A_31 step %while3A_38 iter_args(%while3A_41 = %while3A_37) -> (i32)  : i32 {
      %add3A = arith.addi %sub3A_7, %while3A_40 : i32
      %mul3A_42 = arith.constant 80 : i32
      %mul3A_43 = arith.muli %add3A, %mul3A_42 : i32
      %scan3A_44 = arith.constant 0 : i32
      %scan3A_45 = arith.constant 0 : i32
      %scan3A_46 = arith.constant 5 : i32
      %scan3A_47 = arith.addi %scan3A_45, %scan3A_46 : i32
      %scan3A_48 = arith.constant 1 : i32
      %scan3A_49 = scf.for %scan3A_57 = %scan3A_45 to %scan3A_47 step %scan3A_48 iter_args(%scan3A_58 = %scan3A_44) -> (i32)  : i32 {
        %iota3A = tpu.iota {dimensions = array<i32: 0>} : vector<16xi32>
        %mul3A_59 = arith.constant 16 : i32
        %mul3A_60 = arith.muli %scan3A_57, %mul3A_59 : i32
        %add3A_61 = arith.addi %mul3A_43, %mul3A_60 : i32
        %add3A_62 = vector.broadcast %add3A_61 : i32 to vector<16xi32>
        %add3A_63 = arith.addi %iota3A, %add3A_62 : vector<16xi32>
        %mul3A_64 = arith.constant 16 : i32
        %mul3A_65 = arith.muli %scan3A_57, %mul3A_64 : i32
        %swap3A = arith.index_cast %mul3A_65 : i32 to index
        %swap3A_66 = tpu.vector_load %arg7[%swap3A] {strides = array<i32>} : memref<80xi32, #tpu.memory_space<vmem>>, vector<16xi32>,
        %swap3A_67 = vector.shape_cast %swap3A_66 : vector<16xi32> to vector<16xi32>
        %swap3A_68 = vector.shape_cast %add3A_63 : vector<16xi32> to vector<16xi32>
        tpu.vector_store %arg7[%swap3A], %swap3A_68 {strides = array<i32>} : memref<80xi32, #tpu.memory_space<vmem>>, vector<16xi32>,
        %scan3A_69 = arith.constant 0 : i32
        scf.yield %scan3A_69 : i32
      }
      %scan3A_50 = arith.constant 5 : i32
      %dma_start3A = arith.constant 0 : i32
      %dma_start3A_51 = arith.constant 0 : i32
      %dma_start3A_52 = tpu.memref_slice %arg12[%dma_start3A, %dma_start3A_51] : memref<10000x128xf32, #tpu.memory_space<vmem_shared>> -> memref<10000x128xf32, #tpu.memory_space<vmem_shared>>
      tpu.enqueue_indirect_dma source(%dma_start3A_52 : memref<10000x128xf32, #tpu.memory_space<vmem_shared>>) target(%arg8 : memref<80x128xf32, #tpu.memory_space<vmem>>) offsets(%arg7 : memref<80xi32, #tpu.memory_space<vmem>>) semaphore(%arg14 : memref<!tpu.dma_semaphore, #tpu.memory_space<semaphore_mem>>)
      %dma_wait3A = arith.constant 0 : i32
      %dma_wait3A_53 = arith.constant 0 : i32
      %dma_wait3A_54 = tpu.memref_slice %arg12[%dma_wait3A, %dma_wait3A_53] : memref<10000x128xf32, #tpu.memory_space<vmem_shared>> -> memref<10000x128xf32, #tpu.memory_space<vmem_shared>>
      tpu.wait_indirect_dma semaphore(%arg14 : memref<!tpu.dma_semaphore, #tpu.memory_space<semaphore_mem>>) src(%dma_wait3A_54 : memref<10000x128xf32, #tpu.memory_space<vmem_shared>>) dst(%arg8 : memref<80x128xf32, #tpu.memory_space<vmem>>)
      %add3A_55 = arith.addi %mul3A_0, %mul3A_43 : i32
      "tpu.region"() ({
        %run_scoped3A = tpu.sem_alloc : memref<!tpu.dma_semaphore, #tpu.memory_space<semaphore_mem>>
        %dma_start3A_57 = arith.constant 0 : i32
        %dma_start3A_58 = tpu.memref_slice %arg5[%add3A_55, %dma_start3A_57] : memref<20000x128xf32, #tpu.memory_space<hbm>> -> memref<80x128xf32, #tpu.memory_space<hbm>>
        %dma_start3A_59 = arith.constant 0 : i32
        %dma_start3A_60 = tpu.memref_slice %arg5[%add3A_55, %dma_start3A_59] : memref<20000x128xf32, #tpu.memory_space<hbm>> -> memref<80x128xf32, #tpu.memory_space<hbm>>
        tpu.enqueue_dma source(%arg8 : memref<80x128xf32, #tpu.memory_space<vmem>>) target(%dma_start3A_60 : memref<80x128xf32, #tpu.memory_space<hbm>>) target_semaphore(%run_scoped3A : memref<!tpu.dma_semaphore, #tpu.memory_space<semaphore_mem>>)
        %dma_wait3A_61 = arith.constant 0 : i32
        %dma_wait3A_62 = tpu.memref_slice %arg5[%add3A_55, %dma_wait3A_61] : memref<20000x128xf32, #tpu.memory_space<hbm>> -> memref<80x128xf32, #tpu.memory_space<hbm>>
        %dma_wait3A_63 = arith.constant 0 : i32
        %dma_wait3A_64 = tpu.memref_slice %arg5[%add3A_55, %dma_wait3A_63] : memref<20000x128xf32, #tpu.memory_space<hbm>> -> memref<80x128xf32, #tpu.memory_space<hbm>>
        tpu.wait_dma2 semaphore(%run_scoped3A : memref<!tpu.dma_semaphore, #tpu.memory_space<semaphore_mem>>) src(%arg8 : memref<80x128xf32, #tpu.memory_space<vmem>>) dst(%dma_wait3A_64 : memref<80x128xf32, #tpu.memory_space<hbm>>)
        tpu.yield
      }) : () -> ()
      %while3A_56 = arith.constant 0 : i32
      scf.yield %while3A_56 : i32
    }
    return
  }
}

#map = affine_map<(d0, d1) -> (0)>
#map1 = affine_map<(d0, d1) -> (0, 0)>
module attributes {stable_mosaic.version = 14 : i64} {
  func.func @_deg_body(%arg0: i32, %arg1: i32, %arg2: memref<320000xi32, #tpu.memory_space<hbm>>, %arg3: memref<20000x16xf32, #tpu.memory_space<hbm>>, %arg4: memref<80xi32, #tpu.memory_space<vmem>>, %arg5: memref<80x16xf32, #tpu.memory_space<vmem>>, %arg6: memref<80x16xf32, #tpu.memory_space<vmem>>, %arg7: memref<10000x16xf32, #tpu.memory_space<vmem_shared>>, %arg8: memref<!tpu.dma_semaphore, #tpu.memory_space<semaphore_mem>>) attributes {dimension_semantics = [#tpu.dimension_semantics<core_parallel>, #tpu.dimension_semantics<subcore_parallel>], iteration_bounds = array<i64: 2, 16>, scalar_prefetch = 0 : i64, scratch_operands = 5 : i64, tpu.core_type = #tpu.core_type<sc_vector_subcore>, window_params = [{transform_indices = #map}, {transform_indices = #map1}]} {
    %scan3A = arith.constant 0 : i32
    %scan3A_0 = arith.constant 0 : i32
    %scan3A_1 = arith.constant 80 : i32
    %scan3A_2 = arith.addi %scan3A_0, %scan3A_1 : i32
    %scan3A_3 = arith.constant 1 : i32
    %scan3A_4 = scf.for %scan3A_54 = %scan3A_0 to %scan3A_2 step %scan3A_3 iter_args(%scan3A_55 = %scan3A) -> (i32)  : i32 {
      %broadcast_in_dim3A = arith.constant 1.000000e+00 : f32
      %broadcast_in_dim3A_56 = vector.broadcast %broadcast_in_dim3A : f32 to vector<16xf32>
      %swap3A = arith.index_cast %scan3A_54 : i32 to index
      %swap3A_57 = arith.constant 0 : index
      %swap3A_58 = tpu.vector_load %arg5[%swap3A, %swap3A_57] {strides = array<i32>} : memref<80x16xf32, #tpu.memory_space<vmem>>, vector<1x16xf32>,
      %swap3A_59 = vector.shape_cast %swap3A_58 : vector<1x16xf32> to vector<16xf32>
      %swap3A_60 = vector.shape_cast %broadcast_in_dim3A_56 : vector<16xf32> to vector<1x16xf32>
      tpu.vector_store %arg5[%swap3A, %swap3A_57], %swap3A_60 {strides = array<i32>} : memref<80x16xf32, #tpu.memory_space<vmem>>, vector<1x16xf32>,
      %scan3A_61 = arith.constant 0 : i32
      scf.yield %scan3A_61 : i32
    }
    %scan3A_5 = arith.constant 80 : i32
    %scan3A_6 = arith.constant 0 : i32
    %scan3A_7 = arith.constant 0 : i32
    %scan3A_8 = arith.constant 80 : i32
    %scan3A_9 = arith.addi %scan3A_7, %scan3A_8 : i32
    %scan3A_10 = arith.constant 1 : i32
    %scan3A_11 = scf.for %scan3A_54 = %scan3A_7 to %scan3A_9 step %scan3A_10 iter_args(%scan3A_55 = %scan3A_6) -> (i32)  : i32 {
      %broadcast_in_dim3A = arith.constant 0.000000e+00 : f32
      %broadcast_in_dim3A_56 = vector.broadcast %broadcast_in_dim3A : f32 to vector<16xf32>
      %swap3A = arith.index_cast %scan3A_54 : i32 to index
      %swap3A_57 = arith.constant 0 : index
      %swap3A_58 = tpu.vector_load %arg6[%swap3A, %swap3A_57] {strides = array<i32>} : memref<80x16xf32, #tpu.memory_space<vmem>>, vector<1x16xf32>,
      %swap3A_59 = vector.shape_cast %swap3A_58 : vector<1x16xf32> to vector<16xf32>
      %swap3A_60 = vector.shape_cast %broadcast_in_dim3A_56 : vector<16xf32> to vector<1x16xf32>
      tpu.vector_store %arg6[%swap3A, %swap3A_57], %swap3A_60 {strides = array<i32>} : memref<80x16xf32, #tpu.memory_space<vmem>>, vector<1x16xf32>,
      %scan3A_61 = arith.constant 0 : i32
      scf.yield %scan3A_61 : i32
    }
    %scan3A_12 = arith.constant 80 : i32
    %lt3A = arith.constant 13 : i32
    %lt3A_13 = arith.cmpi slt, %arg1, %lt3A : i32
    %jit3A = arith.constant 8 : i32
    %jit3A_14 = arith.constant 7 : i32
    %select_n3A = arith.select %lt3A_13, %jit3A, %jit3A_14 : i32
    %mul3A = arith.constant 8 : i32
    %mul3A_15 = arith.muli %arg1, %mul3A : i32
    %sub3A = arith.constant 13 : i32
    %sub3A_16 = arith.subi %arg1, %sub3A : i32
    %max3A = arith.constant 0 : i32
    %max3A_17 = arith.maxsi %sub3A_16, %max3A : i32
    %sub3A_18 = arith.subi %mul3A_15, %max3A_17 : i32
    %while3A = arith.constant 0 : i32
    %while3A_19 = arith.constant 0 : i32
    %while3A_20 = arith.subi %select_n3A, %while3A : i32
    %while3A_21 = arith.addi %while3A, %while3A_20 : i32
    %while3A_22 = arith.constant 1 : i32
    %while3A_23 = arith.divsi %while3A_20, %while3A_22 : i32
    %while3A_24 = arith.muli %while3A_23, %while3A_22 : i32
    %while3A_25 = arith.addi %while3A, %while3A_24 : i32
    %while3A_26 = arith.constant 1 : i32
    %while3A_27 = scf.for %while3A_54 = %while3A to %while3A_25 step %while3A_26 iter_args(%while3A_55 = %while3A_19) -> (i32)  : i32 {
      %add3A_56 = arith.addi %sub3A_18, %while3A_54 : i32
      %mul3A_57 = arith.constant 80 : i32
      %mul3A_58 = arith.muli %add3A_56, %mul3A_57 : i32
      %scan3A_59 = arith.constant 0 : i32
      %scan3A_60 = arith.constant 0 : i32
      %scan3A_61 = arith.constant 5 : i32
      %scan3A_62 = arith.addi %scan3A_60, %scan3A_61 : i32
      %scan3A_63 = arith.constant 1 : i32
      %scan3A_64 = scf.for %scan3A_67 = %scan3A_60 to %scan3A_62 step %scan3A_63 iter_args(%scan3A_68 = %scan3A_59) -> (i32)  : i32 {
        %iota3A = tpu.iota {dimensions = array<i32: 0>} : vector<16xi32>
        %mul3A_69 = arith.constant 16 : i32
        %mul3A_70 = arith.muli %scan3A_67, %mul3A_69 : i32
        %add3A_71 = arith.addi %mul3A_58, %mul3A_70 : i32
        %add3A_72 = vector.broadcast %add3A_71 : i32 to vector<16xi32>
        %add3A_73 = arith.addi %iota3A, %add3A_72 : vector<16xi32>
        %mul3A_74 = arith.constant 16 : i32
        %mul3A_75 = arith.muli %scan3A_67, %mul3A_74 : i32
        %swap3A = arith.index_cast %mul3A_75 : i32 to index
        %swap3A_76 = tpu.vector_load %arg4[%swap3A] {strides = array<i32>} : memref<80xi32, #tpu.memory_space<vmem>>, vector<16xi32>,
        %swap3A_77 = vector.shape_cast %swap3A_76 : vector<16xi32> to vector<16xi32>
        %swap3A_78 = vector.shape_cast %add3A_73 : vector<16xi32> to vector<16xi32>
        tpu.vector_store %arg4[%swap3A], %swap3A_78 {strides = array<i32>} : memref<80xi32, #tpu.memory_space<vmem>>, vector<16xi32>,
        %scan3A_79 = arith.constant 0 : i32
        scf.yield %scan3A_79 : i32
      }
      %scan3A_65 = arith.constant 5 : i32
      "tpu.region"() ({
        %run_scoped3A = tpu.sem_alloc : memref<!tpu.dma_semaphore, #tpu.memory_space<semaphore_mem>>
        %dma_start3A = arith.constant 0 : i32
        %dma_start3A_67 = arith.constant 0 : i32
        %dma_start3A_68 = tpu.memref_slice %arg7[%dma_start3A, %dma_start3A_67] : memref<10000x16xf32, #tpu.memory_space<vmem_shared>> -> memref<10000x16xf32, #tpu.memory_space<vmem_shared>>
        tpu.enqueue_indirect_dma source(%arg6 : memref<80x16xf32, #tpu.memory_space<vmem>>) target(%dma_start3A_68 : memref<10000x16xf32, #tpu.memory_space<vmem_shared>>) offsets(%arg4 : memref<80xi32, #tpu.memory_space<vmem>>) semaphore(%run_scoped3A : memref<!tpu.dma_semaphore, #tpu.memory_space<semaphore_mem>>)
        %dma_wait3A = arith.constant 0 : i32
        %dma_wait3A_69 = arith.constant 0 : i32
        %dma_wait3A_70 = tpu.memref_slice %arg7[%dma_wait3A, %dma_wait3A_69] : memref<10000x16xf32, #tpu.memory_space<vmem_shared>> -> memref<10000x16xf32, #tpu.memory_space<vmem_shared>>
        tpu.wait_indirect_dma semaphore(%run_scoped3A : memref<!tpu.dma_semaphore, #tpu.memory_space<semaphore_mem>>) src(%arg6 : memref<80x16xf32, #tpu.memory_space<vmem>>) dst(%dma_wait3A_70 : memref<10000x16xf32, #tpu.memory_space<vmem_shared>>)
        tpu.yield
      }) : () -> ()
      %while3A_66 = arith.constant 0 : i32
      scf.yield %while3A_66 : i32
    }
    %while3A_28 = arith.constant 1 : i32
    %while3A_29 = scf.for %while3A_54 = %while3A_25 to %while3A_21 step %while3A_28 iter_args(%while3A_55 = %while3A_27) -> (i32)  : i32 {
      %add3A_56 = arith.addi %sub3A_18, %while3A_54 : i32
      %mul3A_57 = arith.constant 80 : i32
      %mul3A_58 = arith.muli %add3A_56, %mul3A_57 : i32
      %scan3A_59 = arith.constant 0 : i32
      %scan3A_60 = arith.constant 0 : i32
      %scan3A_61 = arith.constant 5 : i32
      %scan3A_62 = arith.addi %scan3A_60, %scan3A_61 : i32
      %scan3A_63 = arith.constant 1 : i32
      %scan3A_64 = scf.for %scan3A_67 = %scan3A_60 to %scan3A_62 step %scan3A_63 iter_args(%scan3A_68 = %scan3A_59) -> (i32)  : i32 {
        %iota3A = tpu.iota {dimensions = array<i32: 0>} : vector<16xi32>
        %mul3A_69 = arith.constant 16 : i32
        %mul3A_70 = arith.muli %scan3A_67, %mul3A_69 : i32
        %add3A_71 = arith.addi %mul3A_58, %mul3A_70 : i32
        %add3A_72 = vector.broadcast %add3A_71 : i32 to vector<16xi32>
        %add3A_73 = arith.addi %iota3A, %add3A_72 : vector<16xi32>
        %mul3A_74 = arith.constant 16 : i32
        %mul3A_75 = arith.muli %scan3A_67, %mul3A_74 : i32
        %swap3A = arith.index_cast %mul3A_75 : i32 to index
        %swap3A_76 = tpu.vector_load %arg4[%swap3A] {strides = array<i32>} : memref<80xi32, #tpu.memory_space<vmem>>, vector<16xi32>,
        %swap3A_77 = vector.shape_cast %swap3A_76 : vector<16xi32> to vector<16xi32>
        %swap3A_78 = vector.shape_cast %add3A_73 : vector<16xi32> to vector<16xi32>
        tpu.vector_store %arg4[%swap3A], %swap3A_78 {strides = array<i32>} : memref<80xi32, #tpu.memory_space<vmem>>, vector<16xi32>,
        %scan3A_79 = arith.constant 0 : i32
        scf.yield %scan3A_79 : i32
      }
      %scan3A_65 = arith.constant 5 : i32
      "tpu.region"() ({
        %run_scoped3A = tpu.sem_alloc : memref<!tpu.dma_semaphore, #tpu.memory_space<semaphore_mem>>
        %dma_start3A = arith.constant 0 : i32
        %dma_start3A_67 = arith.constant 0 : i32
        %dma_start3A_68 = tpu.memref_slice %arg7[%dma_start3A, %dma_start3A_67] : memref<10000x16xf32, #tpu.memory_space<vmem_shared>> -> memref<10000x16xf32, #tpu.memory_space<vmem_shared>>
        tpu.enqueue_indirect_dma source(%arg6 : memref<80x16xf32, #tpu.memory_space<vmem>>) target(%dma_start3A_68 : memref<10000x16xf32, #tpu.memory_space<vmem_shared>>) offsets(%arg4 : memref<80xi32, #tpu.memory_space<vmem>>) semaphore(%run_scoped3A : memref<!tpu.dma_semaphore, #tpu.memory_space<semaphore_mem>>)
        %dma_wait3A = arith.constant 0 : i32
        %dma_wait3A_69 = arith.constant 0 : i32
        %dma_wait3A_70 = tpu.memref_slice %arg7[%dma_wait3A, %dma_wait3A_69] : memref<10000x16xf32, #tpu.memory_space<vmem_shared>> -> memref<10000x16xf32, #tpu.memory_space<vmem_shared>>
        tpu.wait_indirect_dma semaphore(%run_scoped3A : memref<!tpu.dma_semaphore, #tpu.memory_space<semaphore_mem>>) src(%arg6 : memref<80x16xf32, #tpu.memory_space<vmem>>) dst(%dma_wait3A_70 : memref<10000x16xf32, #tpu.memory_space<vmem_shared>>)
        tpu.yield
      }) : () -> ()
      %while3A_66 = arith.constant 0 : i32
      scf.yield %while3A_66 : i32
    }
    %barrier3A = arith.constant 0 : index
    tpu.barrier barrier_id(%barrier3A)
    %mul3A_30 = arith.constant 16 : i32
    %mul3A_31 = arith.muli %arg0, %mul3A_30 : i32
    %add3A = arith.addi %mul3A_31, %arg1 : i32
    %mul3A_32 = arith.constant 10000 : i32
    %mul3A_33 = arith.muli %add3A, %mul3A_32 : i32
    %scan3A_34 = arith.constant 0 : i32
    %scan3A_35 = arith.constant 0 : i32
    %scan3A_36 = arith.constant 125 : i32
    %scan3A_37 = arith.addi %scan3A_35, %scan3A_36 : i32
    %scan3A_38 = arith.constant 1 : i32
    %scan3A_39 = scf.for %scan3A_54 = %scan3A_35 to %scan3A_37 step %scan3A_38 iter_args(%scan3A_55 = %scan3A_34) -> (i32)  : i32 {
      %mul3A_56 = arith.constant 80 : i32
      %mul3A_57 = arith.muli %scan3A_54, %mul3A_56 : i32
      %add3A_58 = arith.addi %mul3A_33, %mul3A_57 : i32
      "tpu.region"() ({
        %run_scoped3A = tpu.sem_alloc : memref<!tpu.dma_semaphore, #tpu.memory_space<semaphore_mem>>
        %dma_start3A = tpu.memref_slice %arg2[%add3A_58] : memref<320000xi32, #tpu.memory_space<hbm>> -> memref<80xi32, #tpu.memory_space<hbm>>
        %dma_start3A_60 = tpu.memref_slice %arg2[%add3A_58] : memref<320000xi32, #tpu.memory_space<hbm>> -> memref<80xi32, #tpu.memory_space<hbm>>
        tpu.enqueue_dma source(%dma_start3A_60 : memref<80xi32, #tpu.memory_space<hbm>>) target(%arg4 : memref<80xi32, #tpu.memory_space<vmem>>) target_semaphore(%run_scoped3A : memref<!tpu.dma_semaphore, #tpu.memory_space<semaphore_mem>>)
        %dma_wait3A = tpu.memref_slice %arg2[%add3A_58] : memref<320000xi32, #tpu.memory_space<hbm>> -> memref<80xi32, #tpu.memory_space<hbm>>
        %dma_wait3A_61 = tpu.memref_slice %arg2[%add3A_58] : memref<320000xi32, #tpu.memory_space<hbm>> -> memref<80xi32, #tpu.memory_space<hbm>>
        tpu.wait_dma2 semaphore(%run_scoped3A : memref<!tpu.dma_semaphore, #tpu.memory_space<semaphore_mem>>) src(%dma_wait3A_61 : memref<80xi32, #tpu.memory_space<hbm>>) dst(%arg4 : memref<80xi32, #tpu.memory_space<vmem>>)
        tpu.yield
      }) : () -> ()
      "tpu.region"() ({
        %run_scoped3A = tpu.sem_alloc : memref<!tpu.dma_semaphore, #tpu.memory_space<semaphore_mem>>
        %dma_start3A = arith.constant 0 : i32
        %dma_start3A_60 = arith.constant 0 : i32
        %dma_start3A_61 = tpu.memref_slice %arg7[%dma_start3A, %dma_start3A_60] : memref<10000x16xf32, #tpu.memory_space<vmem_shared>> -> memref<10000x16xf32, #tpu.memory_space<vmem_shared>>
        tpu.enqueue_indirect_dma source(%arg5 : memref<80x16xf32, #tpu.memory_space<vmem>>) target(%dma_start3A_61 : memref<10000x16xf32, #tpu.memory_space<vmem_shared>>) offsets(%arg4 : memref<80xi32, #tpu.memory_space<vmem>>) semaphore(%run_scoped3A : memref<!tpu.dma_semaphore, #tpu.memory_space<semaphore_mem>>) {add = true}
        %dma_wait3A = arith.constant 0 : i32
        %dma_wait3A_62 = arith.constant 0 : i32
        %dma_wait3A_63 = tpu.memref_slice %arg7[%dma_wait3A, %dma_wait3A_62] : memref<10000x16xf32, #tpu.memory_space<vmem_shared>> -> memref<10000x16xf32, #tpu.memory_space<vmem_shared>>
        tpu.wait_indirect_dma semaphore(%run_scoped3A : memref<!tpu.dma_semaphore, #tpu.memory_space<semaphore_mem>>) src(%arg5 : memref<80x16xf32, #tpu.memory_space<vmem>>) dst(%dma_wait3A_63 : memref<10000x16xf32, #tpu.memory_space<vmem_shared>>)
        tpu.yield
      }) : () -> ()
      %scan3A_59 = arith.constant 0 : i32
      scf.yield %scan3A_59 : i32
    }
    %scan3A_40 = arith.constant 125 : i32
    %barrier3A_41 = arith.constant 0 : index
    tpu.barrier barrier_id(%barrier3A_41)
    %while3A_42 = arith.constant 0 : i32
    %while3A_43 = arith.constant 0 : i32
    %while3A_44 = arith.subi %select_n3A, %while3A_42 : i32
    %while3A_45 = arith.addi %while3A_42, %while3A_44 : i32
    %while3A_46 = arith.constant 1 : i32
    %while3A_47 = arith.divsi %while3A_44, %while3A_46 : i32
    %while3A_48 = arith.muli %while3A_47, %while3A_46 : i32
    %while3A_49 = arith.addi %while3A_42, %while3A_48 : i32
    %while3A_50 = arith.constant 1 : i32
    %while3A_51 = scf.for %while3A_54 = %while3A_42 to %while3A_49 step %while3A_50 iter_args(%while3A_55 = %while3A_43) -> (i32)  : i32 {
      %add3A_56 = arith.addi %sub3A_18, %while3A_54 : i32
      %mul3A_57 = arith.constant 80 : i32
      %mul3A_58 = arith.muli %add3A_56, %mul3A_57 : i32
      %scan3A_59 = arith.constant 0 : i32
      %scan3A_60 = arith.constant 0 : i32
      %scan3A_61 = arith.constant 5 : i32
      %scan3A_62 = arith.addi %scan3A_60, %scan3A_61 : i32
      %scan3A_63 = arith.constant 1 : i32
      %scan3A_64 = scf.for %scan3A_74 = %scan3A_60 to %scan3A_62 step %scan3A_63 iter_args(%scan3A_75 = %scan3A_59) -> (i32)  : i32 {
        %iota3A = tpu.iota {dimensions = array<i32: 0>} : vector<16xi32>
        %mul3A_76 = arith.constant 16 : i32
        %mul3A_77 = arith.muli %scan3A_74, %mul3A_76 : i32
        %add3A_78 = arith.addi %mul3A_58, %mul3A_77 : i32
        %add3A_79 = vector.broadcast %add3A_78 : i32 to vector<16xi32>
        %add3A_80 = arith.addi %iota3A, %add3A_79 : vector<16xi32>
        %mul3A_81 = arith.constant 16 : i32
        %mul3A_82 = arith.muli %scan3A_74, %mul3A_81 : i32
        %swap3A = arith.index_cast %mul3A_82 : i32 to index
        %swap3A_83 = tpu.vector_load %arg4[%swap3A] {strides = array<i32>} : memref<80xi32, #tpu.memory_space<vmem>>, vector<16xi32>,
        %swap3A_84 = vector.shape_cast %swap3A_83 : vector<16xi32> to vector<16xi32>
        %swap3A_85 = vector.shape_cast %add3A_80 : vector<16xi32> to vector<16xi32>
        tpu.vector_store %arg4[%swap3A], %swap3A_85 {strides = array<i32>} : memref<80xi32, #tpu.memory_space<vmem>>, vector<16xi32>,
        %scan3A_86 = arith.constant 0 : i32
        scf.yield %scan3A_86 : i32
      }
      %scan3A_65 = arith.constant 5 : i32
      %dma_start3A = arith.constant 0 : i32
      %dma_start3A_66 = arith.constant 0 : i32
      %dma_start3A_67 = tpu.memref_slice %arg7[%dma_start3A, %dma_start3A_66] : memref<10000x16xf32, #tpu.memory_space<vmem_shared>> -> memref<10000x16xf32, #tpu.memory_space<vmem_shared>>
      tpu.enqueue_indirect_dma source(%dma_start3A_67 : memref<10000x16xf32, #tpu.memory_space<vmem_shared>>) target(%arg6 : memref<80x16xf32, #tpu.memory_space<vmem>>) offsets(%arg4 : memref<80xi32, #tpu.memory_space<vmem>>) semaphore(%arg8 : memref<!tpu.dma_semaphore, #tpu.memory_space<semaphore_mem>>)
      %dma_wait3A = arith.constant 0 : i32
      %dma_wait3A_68 = arith.constant 0 : i32
      %dma_wait3A_69 = tpu.memref_slice %arg7[%dma_wait3A, %dma_wait3A_68] : memref<10000x16xf32, #tpu.memory_space<vmem_shared>> -> memref<10000x16xf32, #tpu.memory_space<vmem_shared>>
      tpu.wait_indirect_dma semaphore(%arg8 : memref<!tpu.dma_semaphore, #tpu.memory_space<semaphore_mem>>) src(%dma_wait3A_69 : memref<10000x16xf32, #tpu.memory_space<vmem_shared>>) dst(%arg6 : memref<80x16xf32, #tpu.memory_space<vmem>>)
      %mul3A_70 = arith.constant 10000 : i32
      %mul3A_71 = arith.muli %arg0, %mul3A_70 : i32
      %add3A_72 = arith.addi %mul3A_71, %mul3A_58 : i32
      "tpu.region"() ({
        %run_scoped3A = tpu.sem_alloc : memref<!tpu.dma_semaphore, #tpu.memory_space<semaphore_mem>>
        %dma_start3A_74 = arith.constant 0 : i32
        %dma_start3A_75 = tpu.memref_slice %arg3[%add3A_72, %dma_start3A_74] : memref<20000x16xf32, #tpu.memory_space<hbm>> -> memref<80x16xf32, #tpu.memory_space<hbm>>
        %dma_start3A_76 = arith.constant 0 : i32
        %dma_start3A_77 = tpu.memref_slice %arg3[%add3A_72, %dma_start3A_76] : memref<20000x16xf32, #tpu.memory_space<hbm>> -> memref<80x16xf32, #tpu.memory_space<hbm>>
        tpu.enqueue_dma source(%arg6 : memref<80x16xf32, #tpu.memory_space<vmem>>) target(%dma_start3A_77 : memref<80x16xf32, #tpu.memory_space<hbm>>) target_semaphore(%run_scoped3A : memref<!tpu.dma_semaphore, #tpu.memory_space<semaphore_mem>>)
        %dma_wait3A_78 = arith.constant 0 : i32
        %dma_wait3A_79 = tpu.memref_slice %arg3[%add3A_72, %dma_wait3A_78] : memref<20000x16xf32, #tpu.memory_space<hbm>> -> memref<80x16xf32, #tpu.memory_space<hbm>>
        %dma_wait3A_80 = arith.constant 0 : i32
        %dma_wait3A_81 = tpu.memref_slice %arg3[%add3A_72, %dma_wait3A_80] : memref<20000x16xf32, #tpu.memory_space<hbm>> -> memref<80x16xf32, #tpu.memory_space<hbm>>
        tpu.wait_dma2 semaphore(%run_scoped3A : memref<!tpu.dma_semaphore, #tpu.memory_space<semaphore_mem>>) src(%arg6 : memref<80x16xf32, #tpu.memory_space<vmem>>) dst(%dma_wait3A_81 : memref<80x16xf32, #tpu.memory_space<hbm>>)
        tpu.yield
      }) : () -> ()
      %while3A_73 = arith.constant 0 : i32
      scf.yield %while3A_73 : i32
    }
    %while3A_52 = arith.constant 1 : i32
    %while3A_53 = scf.for %while3A_54 = %while3A_49 to %while3A_45 step %while3A_52 iter_args(%while3A_55 = %while3A_51) -> (i32)  : i32 {
      %add3A_56 = arith.addi %sub3A_18, %while3A_54 : i32
      %mul3A_57 = arith.constant 80 : i32
      %mul3A_58 = arith.muli %add3A_56, %mul3A_57 : i32
      %scan3A_59 = arith.constant 0 : i32
      %scan3A_60 = arith.constant 0 : i32
      %scan3A_61 = arith.constant 5 : i32
      %scan3A_62 = arith.addi %scan3A_60, %scan3A_61 : i32
      %scan3A_63 = arith.constant 1 : i32
      %scan3A_64 = scf.for %scan3A_74 = %scan3A_60 to %scan3A_62 step %scan3A_63 iter_args(%scan3A_75 = %scan3A_59) -> (i32)  : i32 {
        %iota3A = tpu.iota {dimensions = array<i32: 0>} : vector<16xi32>
        %mul3A_76 = arith.constant 16 : i32
        %mul3A_77 = arith.muli %scan3A_74, %mul3A_76 : i32
        %add3A_78 = arith.addi %mul3A_58, %mul3A_77 : i32
        %add3A_79 = vector.broadcast %add3A_78 : i32 to vector<16xi32>
        %add3A_80 = arith.addi %iota3A, %add3A_79 : vector<16xi32>
        %mul3A_81 = arith.constant 16 : i32
        %mul3A_82 = arith.muli %scan3A_74, %mul3A_81 : i32
        %swap3A = arith.index_cast %mul3A_82 : i32 to index
        %swap3A_83 = tpu.vector_load %arg4[%swap3A] {strides = array<i32>} : memref<80xi32, #tpu.memory_space<vmem>>, vector<16xi32>,
        %swap3A_84 = vector.shape_cast %swap3A_83 : vector<16xi32> to vector<16xi32>
        %swap3A_85 = vector.shape_cast %add3A_80 : vector<16xi32> to vector<16xi32>
        tpu.vector_store %arg4[%swap3A], %swap3A_85 {strides = array<i32>} : memref<80xi32, #tpu.memory_space<vmem>>, vector<16xi32>,
        %scan3A_86 = arith.constant 0 : i32
        scf.yield %scan3A_86 : i32
      }
      %scan3A_65 = arith.constant 5 : i32
      %dma_start3A = arith.constant 0 : i32
      %dma_start3A_66 = arith.constant 0 : i32
      %dma_start3A_67 = tpu.memref_slice %arg7[%dma_start3A, %dma_start3A_66] : memref<10000x16xf32, #tpu.memory_space<vmem_shared>> -> memref<10000x16xf32, #tpu.memory_space<vmem_shared>>
      tpu.enqueue_indirect_dma source(%dma_start3A_67 : memref<10000x16xf32, #tpu.memory_space<vmem_shared>>) target(%arg6 : memref<80x16xf32, #tpu.memory_space<vmem>>) offsets(%arg4 : memref<80xi32, #tpu.memory_space<vmem>>) semaphore(%arg8 : memref<!tpu.dma_semaphore, #tpu.memory_space<semaphore_mem>>)
      %dma_wait3A = arith.constant 0 : i32
      %dma_wait3A_68 = arith.constant 0 : i32
      %dma_wait3A_69 = tpu.memref_slice %arg7[%dma_wait3A, %dma_wait3A_68] : memref<10000x16xf32, #tpu.memory_space<vmem_shared>> -> memref<10000x16xf32, #tpu.memory_space<vmem_shared>>
      tpu.wait_indirect_dma semaphore(%arg8 : memref<!tpu.dma_semaphore, #tpu.memory_space<semaphore_mem>>) src(%dma_wait3A_69 : memref<10000x16xf32, #tpu.memory_space<vmem_shared>>) dst(%arg6 : memref<80x16xf32, #tpu.memory_space<vmem>>)
      %mul3A_70 = arith.constant 10000 : i32
      %mul3A_71 = arith.muli %arg0, %mul3A_70 : i32
      %add3A_72 = arith.addi %mul3A_71, %mul3A_58 : i32
      "tpu.region"() ({
        %run_scoped3A = tpu.sem_alloc : memref<!tpu.dma_semaphore, #tpu.memory_space<semaphore_mem>>
        %dma_start3A_74 = arith.constant 0 : i32
        %dma_start3A_75 = tpu.memref_slice %arg3[%add3A_72, %dma_start3A_74] : memref<20000x16xf32, #tpu.memory_space<hbm>> -> memref<80x16xf32, #tpu.memory_space<hbm>>
        %dma_start3A_76 = arith.constant 0 : i32
        %dma_start3A_77 = tpu.memref_slice %arg3[%add3A_72, %dma_start3A_76] : memref<20000x16xf32, #tpu.memory_space<hbm>> -> memref<80x16xf32, #tpu.memory_space<hbm>>
        tpu.enqueue_dma source(%arg6 : memref<80x16xf32, #tpu.memory_space<vmem>>) target(%dma_start3A_77 : memref<80x16xf32, #tpu.memory_space<hbm>>) target_semaphore(%run_scoped3A : memref<!tpu.dma_semaphore, #tpu.memory_space<semaphore_mem>>)
        %dma_wait3A_78 = arith.constant 0 : i32
        %dma_wait3A_79 = tpu.memref_slice %arg3[%add3A_72, %dma_wait3A_78] : memref<20000x16xf32, #tpu.memory_space<hbm>> -> memref<80x16xf32, #tpu.memory_space<hbm>>
        %dma_wait3A_80 = arith.constant 0 : i32
        %dma_wait3A_81 = tpu.memref_slice %arg3[%add3A_72, %dma_wait3A_80] : memref<20000x16xf32, #tpu.memory_space<hbm>> -> memref<80x16xf32, #tpu.memory_space<hbm>>
        tpu.wait_dma2 semaphore(%run_scoped3A : memref<!tpu.dma_semaphore, #tpu.memory_space<semaphore_mem>>) src(%arg6 : memref<80x16xf32, #tpu.memory_space<vmem>>) dst(%dma_wait3A_81 : memref<80x16xf32, #tpu.memory_space<hbm>>)
        tpu.yield
      }) : () -> ()
      %while3A_73 = arith.constant 0 : i32
      scf.yield %while3A_73 : i32
    }
    return
  }
}

#map = affine_map<(d0, d1) -> (0, 0)>
#map1 = affine_map<(d0, d1) -> (0)>
module attributes {stable_mosaic.version = 14 : i64} {
  func.func @_agg_body(%arg0: i32, %arg1: i32, %arg2: memref<20000x128xf32, #tpu.memory_space<hbm>>, %arg3: memref<320000xi32, #tpu.memory_space<hbm>>, %arg4: memref<320000xi32, #tpu.memory_space<hbm>>, %arg5: memref<20000x128xf32, #tpu.memory_space<hbm>>, %arg6: memref<80xi32, #tpu.memory_space<vmem>>, %arg7: memref<80xi32, #tpu.memory_space<vmem>>, %arg8: memref<80x128xf32, #tpu.memory_space<vmem>>, %arg9: memref<80xi32, #tpu.memory_space<vmem>>, %arg10: memref<80xi32, #tpu.memory_space<vmem>>, %arg11: memref<80x128xf32, #tpu.memory_space<vmem>>, %arg12: memref<10000x128xf32, #tpu.memory_space<vmem_shared>>, %arg13: memref<!tpu.dma_semaphore, #tpu.memory_space<semaphore_mem>>, %arg14: memref<!tpu.dma_semaphore, #tpu.memory_space<semaphore_mem>>, %arg15: memref<!tpu.dma_semaphore, #tpu.memory_space<semaphore_mem>>, %arg16: memref<!tpu.dma_semaphore, #tpu.memory_space<semaphore_mem>>, %arg17: memref<!tpu.dma_semaphore, #tpu.memory_space<semaphore_mem>>) attributes {dimension_semantics = [#tpu.dimension_semantics<core_parallel>, #tpu.dimension_semantics<subcore_parallel>], iteration_bounds = array<i64: 2, 16>, scalar_prefetch = 0 : i64, scratch_operands = 12 : i64, tpu.core_type = #tpu.core_type<sc_vector_subcore>, window_params = [{transform_indices = #map}, {transform_indices = #map1}, {transform_indices = #map1}, {transform_indices = #map}]} {
    %mul3A = arith.constant 10000 : i32
    %mul3A_0 = arith.muli %arg0, %mul3A : i32
    %lt3A = arith.constant 13 : i32
    %lt3A_1 = arith.cmpi slt, %arg1, %lt3A : i32
    %jit3A = arith.constant 8 : i32
    %jit3A_2 = arith.constant 7 : i32
    %select_n3A = arith.select %lt3A_1, %jit3A, %jit3A_2 : i32
    %mul3A_3 = arith.constant 8 : i32
    %mul3A_4 = arith.muli %arg1, %mul3A_3 : i32
    %sub3A = arith.constant 13 : i32
    %sub3A_5 = arith.subi %arg1, %sub3A : i32
    %max3A = arith.constant 0 : i32
    %max3A_6 = arith.maxsi %sub3A_5, %max3A : i32
    %sub3A_7 = arith.subi %mul3A_4, %max3A_6 : i32
    %while3A = arith.constant 0 : i32
    %while3A_8 = arith.constant 0 : i32
    %while3A_9 = arith.subi %select_n3A, %while3A : i32
    %while3A_10 = arith.addi %while3A, %while3A_9 : i32
    %while3A_11 = arith.constant 1 : i32
    %while3A_12 = arith.divsi %while3A_9, %while3A_11 : i32
    %while3A_13 = arith.muli %while3A_12, %while3A_11 : i32
    %while3A_14 = arith.addi %while3A, %while3A_13 : i32
    %while3A_15 = arith.constant 1 : i32
    %while3A_16 = scf.for %while3A_40 = %while3A to %while3A_14 step %while3A_15 iter_args(%while3A_41 = %while3A_8) -> (i32)  : i32 {
      %add3A = arith.addi %sub3A_7, %while3A_40 : i32
      %mul3A_42 = arith.constant 80 : i32
      %mul3A_43 = arith.muli %add3A, %mul3A_42 : i32
      %add3A_44 = arith.addi %mul3A_0, %mul3A_43 : i32
      "tpu.region"() ({
        %run_scoped3A = tpu.sem_alloc : memref<!tpu.dma_semaphore, #tpu.memory_space<semaphore_mem>>
        %dma_start3A = arith.constant 0 : i32
        %dma_start3A_53 = tpu.memref_slice %arg2[%add3A_44, %dma_start3A] : memref<20000x128xf32, #tpu.memory_space<hbm>> -> memref<80x128xf32, #tpu.memory_space<hbm>>
        %dma_start3A_54 = arith.constant 0 : i32
        %dma_start3A_55 = tpu.memref_slice %arg2[%add3A_44, %dma_start3A_54] : memref<20000x128xf32, #tpu.memory_space<hbm>> -> memref<80x128xf32, #tpu.memory_space<hbm>>
        tpu.enqueue_dma source(%dma_start3A_55 : memref<80x128xf32, #tpu.memory_space<hbm>>) target(%arg8 : memref<80x128xf32, #tpu.memory_space<vmem>>) target_semaphore(%run_scoped3A : memref<!tpu.dma_semaphore, #tpu.memory_space<semaphore_mem>>)
        %dma_wait3A = arith.constant 0 : i32
        %dma_wait3A_56 = tpu.memref_slice %arg2[%add3A_44, %dma_wait3A] : memref<20000x128xf32, #tpu.memory_space<hbm>> -> memref<80x128xf32, #tpu.memory_space<hbm>>
        %dma_wait3A_57 = arith.constant 0 : i32
        %dma_wait3A_58 = tpu.memref_slice %arg2[%add3A_44, %dma_wait3A_57] : memref<20000x128xf32, #tpu.memory_space<hbm>> -> memref<80x128xf32, #tpu.memory_space<hbm>>
        tpu.wait_dma2 semaphore(%run_scoped3A : memref<!tpu.dma_semaphore, #tpu.memory_space<semaphore_mem>>) src(%dma_wait3A_58 : memref<80x128xf32, #tpu.memory_space<hbm>>) dst(%arg8 : memref<80x128xf32, #tpu.memory_space<vmem>>)
        tpu.yield
      }) : () -> ()
      %scan3A_45 = arith.constant 0 : i32
      %scan3A_46 = arith.constant 0 : i32
      %scan3A_47 = arith.constant 5 : i32
      %scan3A_48 = arith.addi %scan3A_46, %scan3A_47 : i32
      %scan3A_49 = arith.constant 1 : i32
      %scan3A_50 = scf.for %scan3A_53 = %scan3A_46 to %scan3A_48 step %scan3A_49 iter_args(%scan3A_54 = %scan3A_45) -> (i32)  : i32 {
        %iota3A = tpu.iota {dimensions = array<i32: 0>} : vector<16xi32>
        %mul3A_55 = arith.constant 16 : i32
        %mul3A_56 = arith.muli %scan3A_53, %mul3A_55 : i32
        %add3A_57 = arith.addi %mul3A_43, %mul3A_56 : i32
        %add3A_58 = vector.broadcast %add3A_57 : i32 to vector<16xi32>
        %add3A_59 = arith.addi %iota3A, %add3A_58 : vector<16xi32>
        %mul3A_60 = arith.constant 16 : i32
        %mul3A_61 = arith.muli %scan3A_53, %mul3A_60 : i32
        %swap3A = arith.index_cast %mul3A_61 : i32 to index
        %swap3A_62 = tpu.vector_load %arg7[%swap3A] {strides = array<i32>} : memref<80xi32, #tpu.memory_space<vmem>>, vector<16xi32>,
        %swap3A_63 = vector.shape_cast %swap3A_62 : vector<16xi32> to vector<16xi32>
        %swap3A_64 = vector.shape_cast %add3A_59 : vector<16xi32> to vector<16xi32>
        tpu.vector_store %arg7[%swap3A], %swap3A_64 {strides = array<i32>} : memref<80xi32, #tpu.memory_space<vmem>>, vector<16xi32>,
        %scan3A_65 = arith.constant 0 : i32
        scf.yield %scan3A_65 : i32
      }
      %scan3A_51 = arith.constant 5 : i32
      "tpu.region"() ({
        %run_scoped3A = tpu.sem_alloc : memref<!tpu.dma_semaphore, #tpu.memory_space<semaphore_mem>>
        %dma_start3A = arith.constant 0 : i32
        %dma_start3A_53 = arith.constant 0 : i32
        %dma_start3A_54 = tpu.memref_slice %arg12[%dma_start3A, %dma_start3A_53] : memref<10000x128xf32, #tpu.memory_space<vmem_shared>> -> memref<10000x128xf32, #tpu.memory_space<vmem_shared>>
        tpu.enqueue_indirect_dma source(%arg8 : memref<80x128xf32, #tpu.memory_space<vmem>>) target(%dma_start3A_54 : memref<10000x128xf32, #tpu.memory_space<vmem_shared>>) offsets(%arg7 : memref<80xi32, #tpu.memory_space<vmem>>) semaphore(%run_scoped3A : memref<!tpu.dma_semaphore, #tpu.memory_space<semaphore_mem>>)
        %dma_wait3A = arith.constant 0 : i32
        %dma_wait3A_55 = arith.constant 0 : i32
        %dma_wait3A_56 = tpu.memref_slice %arg12[%dma_wait3A, %dma_wait3A_55] : memref<10000x128xf32, #tpu.memory_space<vmem_shared>> -> memref<10000x128xf32, #tpu.memory_space<vmem_shared>>
        tpu.wait_indirect_dma semaphore(%run_scoped3A : memref<!tpu.dma_semaphore, #tpu.memory_space<semaphore_mem>>) src(%arg8 : memref<80x128xf32, #tpu.memory_space<vmem>>) dst(%dma_wait3A_56 : memref<10000x128xf32, #tpu.memory_space<vmem_shared>>)
        tpu.yield
      }) : () -> ()
      %while3A_52 = arith.constant 0 : i32
      scf.yield %while3A_52 : i32
    }
    %while3A_17 = arith.constant 1 : i32
    %while3A_18 = scf.for %while3A_40 = %while3A_14 to %while3A_10 step %while3A_17 iter_args(%while3A_41 = %while3A_16) -> (i32)  : i32 {
      %add3A = arith.addi %sub3A_7, %while3A_40 : i32
      %mul3A_42 = arith.constant 80 : i32
      %mul3A_43 = arith.muli %add3A, %mul3A_42 : i32
      %add3A_44 = arith.addi %mul3A_0, %mul3A_43 : i32
      "tpu.region"() ({
        %run_scoped3A = tpu.sem_alloc : memref<!tpu.dma_semaphore, #tpu.memory_space<semaphore_mem>>
        %dma_start3A = arith.constant 0 : i32
        %dma_start3A_53 = tpu.memref_slice %arg2[%add3A_44, %dma_start3A] : memref<20000x128xf32, #tpu.memory_space<hbm>> -> memref<80x128xf32, #tpu.memory_space<hbm>>
        %dma_start3A_54 = arith.constant 0 : i32
        %dma_start3A_55 = tpu.memref_slice %arg2[%add3A_44, %dma_start3A_54] : memref<20000x128xf32, #tpu.memory_space<hbm>> -> memref<80x128xf32, #tpu.memory_space<hbm>>
        tpu.enqueue_dma source(%dma_start3A_55 : memref<80x128xf32, #tpu.memory_space<hbm>>) target(%arg8 : memref<80x128xf32, #tpu.memory_space<vmem>>) target_semaphore(%run_scoped3A : memref<!tpu.dma_semaphore, #tpu.memory_space<semaphore_mem>>)
        %dma_wait3A = arith.constant 0 : i32
        %dma_wait3A_56 = tpu.memref_slice %arg2[%add3A_44, %dma_wait3A] : memref<20000x128xf32, #tpu.memory_space<hbm>> -> memref<80x128xf32, #tpu.memory_space<hbm>>
        %dma_wait3A_57 = arith.constant 0 : i32
        %dma_wait3A_58 = tpu.memref_slice %arg2[%add3A_44, %dma_wait3A_57] : memref<20000x128xf32, #tpu.memory_space<hbm>> -> memref<80x128xf32, #tpu.memory_space<hbm>>
        tpu.wait_dma2 semaphore(%run_scoped3A : memref<!tpu.dma_semaphore, #tpu.memory_space<semaphore_mem>>) src(%dma_wait3A_58 : memref<80x128xf32, #tpu.memory_space<hbm>>) dst(%arg8 : memref<80x128xf32, #tpu.memory_space<vmem>>)
        tpu.yield
      }) : () -> ()
      %scan3A_45 = arith.constant 0 : i32
      %scan3A_46 = arith.constant 0 : i32
      %scan3A_47 = arith.constant 5 : i32
      %scan3A_48 = arith.addi %scan3A_46, %scan3A_47 : i32
      %scan3A_49 = arith.constant 1 : i32
      %scan3A_50 = scf.for %scan3A_53 = %scan3A_46 to %scan3A_48 step %scan3A_49 iter_args(%scan3A_54 = %scan3A_45) -> (i32)  : i32 {
        %iota3A = tpu.iota {dimensions = array<i32: 0>} : vector<16xi32>
        %mul3A_55 = arith.constant 16 : i32
        %mul3A_56 = arith.muli %scan3A_53, %mul3A_55 : i32
        %add3A_57 = arith.addi %mul3A_43, %mul3A_56 : i32
        %add3A_58 = vector.broadcast %add3A_57 : i32 to vector<16xi32>
        %add3A_59 = arith.addi %iota3A, %add3A_58 : vector<16xi32>
        %mul3A_60 = arith.constant 16 : i32
        %mul3A_61 = arith.muli %scan3A_53, %mul3A_60 : i32
        %swap3A = arith.index_cast %mul3A_61 : i32 to index
        %swap3A_62 = tpu.vector_load %arg7[%swap3A] {strides = array<i32>} : memref<80xi32, #tpu.memory_space<vmem>>, vector<16xi32>,
        %swap3A_63 = vector.shape_cast %swap3A_62 : vector<16xi32> to vector<16xi32>
        %swap3A_64 = vector.shape_cast %add3A_59 : vector<16xi32> to vector<16xi32>
        tpu.vector_store %arg7[%swap3A], %swap3A_64 {strides = array<i32>} : memref<80xi32, #tpu.memory_space<vmem>>, vector<16xi32>,
        %scan3A_65 = arith.constant 0 : i32
        scf.yield %scan3A_65 : i32
      }
      %scan3A_51 = arith.constant 5 : i32
      "tpu.region"() ({
        %run_scoped3A = tpu.sem_alloc : memref<!tpu.dma_semaphore, #tpu.memory_space<semaphore_mem>>
        %dma_start3A = arith.constant 0 : i32
        %dma_start3A_53 = arith.constant 0 : i32
        %dma_start3A_54 = tpu.memref_slice %arg12[%dma_start3A, %dma_start3A_53] : memref<10000x128xf32, #tpu.memory_space<vmem_shared>> -> memref<10000x128xf32, #tpu.memory_space<vmem_shared>>
        tpu.enqueue_indirect_dma source(%arg8 : memref<80x128xf32, #tpu.memory_space<vmem>>) target(%dma_start3A_54 : memref<10000x128xf32, #tpu.memory_space<vmem_shared>>) offsets(%arg7 : memref<80xi32, #tpu.memory_space<vmem>>) semaphore(%run_scoped3A : memref<!tpu.dma_semaphore, #tpu.memory_space<semaphore_mem>>)
        %dma_wait3A = arith.constant 0 : i32
        %dma_wait3A_55 = arith.constant 0 : i32
        %dma_wait3A_56 = tpu.memref_slice %arg12[%dma_wait3A, %dma_wait3A_55] : memref<10000x128xf32, #tpu.memory_space<vmem_shared>> -> memref<10000x128xf32, #tpu.memory_space<vmem_shared>>
        tpu.wait_indirect_dma semaphore(%run_scoped3A : memref<!tpu.dma_semaphore, #tpu.memory_space<semaphore_mem>>) src(%arg8 : memref<80x128xf32, #tpu.memory_space<vmem>>) dst(%dma_wait3A_56 : memref<10000x128xf32, #tpu.memory_space<vmem_shared>>)
        tpu.yield
      }) : () -> ()
      %while3A_52 = arith.constant 0 : i32
      scf.yield %while3A_52 : i32
    }
    %barrier3A = arith.constant 0 : index
    tpu.barrier barrier_id(%barrier3A)
    %mul3A_19 = arith.constant 20000 : i32
    %mul3A_20 = arith.muli %arg1, %mul3A_19 : i32
    %scan3A = arith.constant 0 : i32
    %scan3A_21 = arith.constant 0 : i32
    %scan3A_22 = arith.constant 125 : i32
    %scan3A_23 = arith.addi %scan3A_21, %scan3A_22 : i32
    %scan3A_24 = arith.constant 1 : i32
    %scan3A_25 = scf.for %scan3A_40 = %scan3A_21 to %scan3A_23 step %scan3A_24 iter_args(%scan3A_41 = %scan3A) -> (i32)  : i32 {
      %mul3A_42 = arith.constant 2 : i32
      %mul3A_43 = arith.muli %mul3A_42, %scan3A_40 : i32
      %mul3A_44 = arith.constant 80 : i32
      %mul3A_45 = arith.muli %mul3A_43, %mul3A_44 : i32
      %add3A = arith.addi %mul3A_20, %mul3A_45 : i32
      %add3A_46 = arith.constant 80 : i32
      %add3A_47 = arith.addi %add3A, %add3A_46 : i32
      %dma_start3A = tpu.memref_slice %arg3[%add3A] : memref<320000xi32, #tpu.memory_space<hbm>> -> memref<80xi32, #tpu.memory_space<hbm>>
      %dma_start3A_48 = tpu.memref_slice %arg3[%add3A] : memref<320000xi32, #tpu.memory_space<hbm>> -> memref<80xi32, #tpu.memory_space<hbm>>
      tpu.enqueue_dma source(%dma_start3A_48 : memref<80xi32, #tpu.memory_space<hbm>>) target(%arg6 : memref<80xi32, #tpu.memory_space<vmem>>) target_semaphore(%arg13 : memref<!tpu.dma_semaphore, #tpu.memory_space<semaphore_mem>>)
      %dma_start3A_49 = tpu.memref_slice %arg4[%add3A] : memref<320000xi32, #tpu.memory_space<hbm>> -> memref<80xi32, #tpu.memory_space<hbm>>
      %dma_start3A_50 = tpu.memref_slice %arg4[%add3A] : memref<320000xi32, #tpu.memory_space<hbm>> -> memref<80xi32, #tpu.memory_space<hbm>>
      tpu.enqueue_dma source(%dma_start3A_50 : memref<80xi32, #tpu.memory_space<hbm>>) target(%arg7 : memref<80xi32, #tpu.memory_space<vmem>>) target_semaphore(%arg13 : memref<!tpu.dma_semaphore, #tpu.memory_space<semaphore_mem>>)
      %dma_start3A_51 = tpu.memref_slice %arg3[%add3A_47] : memref<320000xi32, #tpu.memory_space<hbm>> -> memref<80xi32, #tpu.memory_space<hbm>>
      %dma_start3A_52 = tpu.memref_slice %arg3[%add3A_47] : memref<320000xi32, #tpu.memory_space<hbm>> -> memref<80xi32, #tpu.memory_space<hbm>>
      tpu.enqueue_dma source(%dma_start3A_52 : memref<80xi32, #tpu.memory_space<hbm>>) target(%arg9 : memref<80xi32, #tpu.memory_space<vmem>>) target_semaphore(%arg13 : memref<!tpu.dma_semaphore, #tpu.memory_space<semaphore_mem>>)
      %dma_start3A_53 = tpu.memref_slice %arg4[%add3A_47] : memref<320000xi32, #tpu.memory_space<hbm>> -> memref<80xi32, #tpu.memory_space<hbm>>
      %dma_start3A_54 = tpu.memref_slice %arg4[%add3A_47] : memref<320000xi32, #tpu.memory_space<hbm>> -> memref<80xi32, #tpu.memory_space<hbm>>
      tpu.enqueue_dma source(%dma_start3A_54 : memref<80xi32, #tpu.memory_space<hbm>>) target(%arg10 : memref<80xi32, #tpu.memory_space<vmem>>) target_semaphore(%arg13 : memref<!tpu.dma_semaphore, #tpu.memory_space<semaphore_mem>>)
      %dma_wait3A = tpu.memref_slice %arg3[%add3A] : memref<320000xi32, #tpu.memory_space<hbm>> -> memref<80xi32, #tpu.memory_space<hbm>>
      %dma_wait3A_55 = tpu.memref_slice %arg3[%add3A] : memref<320000xi32, #tpu.memory_space<hbm>> -> memref<80xi32, #tpu.memory_space<hbm>>
      tpu.wait_dma2 semaphore(%arg13 : memref<!tpu.dma_semaphore, #tpu.memory_space<semaphore_mem>>) src(%dma_wait3A_55 : memref<80xi32, #tpu.memory_space<hbm>>) dst(%arg6 : memref<80xi32, #tpu.memory_space<vmem>>)
      %dma_wait3A_56 = tpu.memref_slice %arg4[%add3A] : memref<320000xi32, #tpu.memory_space<hbm>> -> memref<80xi32, #tpu.memory_space<hbm>>
      %dma_wait3A_57 = tpu.memref_slice %arg4[%add3A] : memref<320000xi32, #tpu.memory_space<hbm>> -> memref<80xi32, #tpu.memory_space<hbm>>
      tpu.wait_dma2 semaphore(%arg13 : memref<!tpu.dma_semaphore, #tpu.memory_space<semaphore_mem>>) src(%dma_wait3A_57 : memref<80xi32, #tpu.memory_space<hbm>>) dst(%arg7 : memref<80xi32, #tpu.memory_space<vmem>>)
      %dma_wait3A_58 = tpu.memref_slice %arg3[%add3A_47] : memref<320000xi32, #tpu.memory_space<hbm>> -> memref<80xi32, #tpu.memory_space<hbm>>
      %dma_wait3A_59 = tpu.memref_slice %arg3[%add3A_47] : memref<320000xi32, #tpu.memory_space<hbm>> -> memref<80xi32, #tpu.memory_space<hbm>>
      tpu.wait_dma2 semaphore(%arg13 : memref<!tpu.dma_semaphore, #tpu.memory_space<semaphore_mem>>) src(%dma_wait3A_59 : memref<80xi32, #tpu.memory_space<hbm>>) dst(%arg9 : memref<80xi32, #tpu.memory_space<vmem>>)
      %dma_wait3A_60 = tpu.memref_slice %arg4[%add3A_47] : memref<320000xi32, #tpu.memory_space<hbm>> -> memref<80xi32, #tpu.memory_space<hbm>>
      %dma_wait3A_61 = tpu.memref_slice %arg4[%add3A_47] : memref<320000xi32, #tpu.memory_space<hbm>> -> memref<80xi32, #tpu.memory_space<hbm>>
      tpu.wait_dma2 semaphore(%arg13 : memref<!tpu.dma_semaphore, #tpu.memory_space<semaphore_mem>>) src(%dma_wait3A_61 : memref<80xi32, #tpu.memory_space<hbm>>) dst(%arg10 : memref<80xi32, #tpu.memory_space<vmem>>)
      %scan3A_62 = arith.constant 0 : i32
      %scan3A_63 = arith.constant 0 : i32
      %scan3A_64 = arith.constant 5 : i32
      %scan3A_65 = arith.addi %scan3A_63, %scan3A_64 : i32
      %scan3A_66 = arith.constant 1 : i32
      %scan3A_67 = scf.for %scan3A_94 = %scan3A_63 to %scan3A_65 step %scan3A_66 iter_args(%scan3A_95 = %scan3A_62) -> (i32)  : i32 {
        %mul3A_96 = arith.constant 16 : i32
        %mul3A_97 = arith.muli %scan3A_94, %mul3A_96 : i32
        %get3A = arith.index_cast %mul3A_97 : i32 to index
        %get3A_98 = tpu.vector_load %arg6[%get3A] {strides = array<i32>} : memref<80xi32, #tpu.memory_space<vmem>>, vector<16xi32>,
        %get3A_99 = vector.shape_cast %get3A_98 : vector<16xi32> to vector<16xi32>
        %add3A_100 = vector.broadcast %mul3A_0 : i32 to vector<16xi32>
        %add3A_101 = arith.addi %get3A_99, %add3A_100 : vector<16xi32>
        %mul3A_102 = arith.constant 16 : i32
        %mul3A_103 = arith.muli %scan3A_94, %mul3A_102 : i32
        %swap3A = arith.index_cast %mul3A_103 : i32 to index
        %swap3A_104 = tpu.vector_load %arg6[%swap3A] {strides = array<i32>} : memref<80xi32, #tpu.memory_space<vmem>>, vector<16xi32>,
        %swap3A_105 = vector.shape_cast %swap3A_104 : vector<16xi32> to vector<16xi32>
        %swap3A_106 = vector.shape_cast %add3A_101 : vector<16xi32> to vector<16xi32>
        tpu.vector_store %arg6[%swap3A], %swap3A_106 {strides = array<i32>} : memref<80xi32, #tpu.memory_space<vmem>>, vector<16xi32>,
        %mul3A_107 = arith.constant 16 : i32
        %mul3A_108 = arith.muli %scan3A_94, %mul3A_107 : i32
        %get3A_109 = arith.index_cast %mul3A_108 : i32 to index
        %get3A_110 = tpu.vector_load %arg9[%get3A_109] {strides = array<i32>} : memref<80xi32, #tpu.memory_space<vmem>>, vector<16xi32>,
        %get3A_111 = vector.shape_cast %get3A_110 : vector<16xi32> to vector<16xi32>
        %add3A_112 = vector.broadcast %mul3A_0 : i32 to vector<16xi32>
        %add3A_113 = arith.addi %get3A_111, %add3A_112 : vector<16xi32>
        %mul3A_114 = arith.constant 16 : i32
        %mul3A_115 = arith.muli %scan3A_94, %mul3A_114 : i32
        %swap3A_116 = arith.index_cast %mul3A_115 : i32 to index
        %swap3A_117 = tpu.vector_load %arg9[%swap3A_116] {strides = array<i32>} : memref<80xi32, #tpu.memory_space<vmem>>, vector<16xi32>,
        %swap3A_118 = vector.shape_cast %swap3A_117 : vector<16xi32> to vector<16xi32>
        %swap3A_119 = vector.shape_cast %add3A_113 : vector<16xi32> to vector<16xi32>
        tpu.vector_store %arg9[%swap3A_116], %swap3A_119 {strides = array<i32>} : memref<80xi32, #tpu.memory_space<vmem>>, vector<16xi32>,
        %scan3A_120 = arith.constant 0 : i32
        scf.yield %scan3A_120 : i32
      }
      %scan3A_68 = arith.constant 5 : i32
      %dma_start3A_69 = arith.constant 0 : i32
      %dma_start3A_70 = arith.constant 0 : i32
      %dma_start3A_71 = tpu.memref_slice %arg2[%dma_start3A_69, %dma_start3A_70] : memref<20000x128xf32, #tpu.memory_space<hbm>> -> memref<20000x128xf32, #tpu.memory_space<hbm>>
      tpu.enqueue_indirect_dma source(%dma_start3A_71 : memref<20000x128xf32, #tpu.memory_space<hbm>>) target(%arg8 : memref<80x128xf32, #tpu.memory_space<vmem>>) offsets(%arg6 : memref<80xi32, #tpu.memory_space<vmem>>) semaphore(%arg14 : memref<!tpu.dma_semaphore, #tpu.memory_space<semaphore_mem>>)
      %dma_start3A_72 = arith.constant 0 : i32
      %dma_start3A_73 = arith.constant 0 : i32
      %dma_start3A_74 = tpu.memref_slice %arg2[%dma_start3A_72, %dma_start3A_73] : memref<20000x128xf32, #tpu.memory_space<hbm>> -> memref<20000x128xf32, #tpu.memory_space<hbm>>
      tpu.enqueue_indirect_dma source(%dma_start3A_74 : memref<20000x128xf32, #tpu.memory_space<hbm>>) target(%arg11 : memref<80x128xf32, #tpu.memory_space<vmem>>) offsets(%arg9 : memref<80xi32, #tpu.memory_space<vmem>>) semaphore(%arg15 : memref<!tpu.dma_semaphore, #tpu.memory_space<semaphore_mem>>)
      %dma_wait3A_75 = arith.constant 0 : i32
      %dma_wait3A_76 = arith.constant 0 : i32
      %dma_wait3A_77 = tpu.memref_slice %arg2[%dma_wait3A_75, %dma_wait3A_76] : memref<20000x128xf32, #tpu.memory_space<hbm>> -> memref<20000x128xf32, #tpu.memory_space<hbm>>
      tpu.wait_indirect_dma semaphore(%arg14 : memref<!tpu.dma_semaphore, #tpu.memory_space<semaphore_mem>>) src(%dma_wait3A_77 : memref<20000x128xf32, #tpu.memory_space<hbm>>) dst(%arg8 : memref<80x128xf32, #tpu.memory_space<vmem>>)
      %dma_start3A_78 = arith.constant 0 : i32
      %dma_start3A_79 = arith.constant 0 : i32
      %dma_start3A_80 = tpu.memref_slice %arg12[%dma_start3A_78, %dma_start3A_79] : memref<10000x128xf32, #tpu.memory_space<vmem_shared>> -> memref<10000x128xf32, #tpu.memory_space<vmem_shared>>
      tpu.enqueue_indirect_dma source(%arg8 : memref<80x128xf32, #tpu.memory_space<vmem>>) target(%dma_start3A_80 : memref<10000x128xf32, #tpu.memory_space<vmem_shared>>) offsets(%arg7 : memref<80xi32, #tpu.memory_space<vmem>>) semaphore(%arg16 : memref<!tpu.dma_semaphore, #tpu.memory_space<semaphore_mem>>) {add = true}
      %dma_wait3A_81 = arith.constant 0 : i32
      %dma_wait3A_82 = arith.constant 0 : i32
      %dma_wait3A_83 = tpu.memref_slice %arg2[%dma_wait3A_81, %dma_wait3A_82] : memref<20000x128xf32, #tpu.memory_space<hbm>> -> memref<20000x128xf32, #tpu.memory_space<hbm>>
      tpu.wait_indirect_dma semaphore(%arg15 : memref<!tpu.dma_semaphore, #tpu.memory_space<semaphore_mem>>) src(%dma_wait3A_83 : memref<20000x128xf32, #tpu.memory_space<hbm>>) dst(%arg11 : memref<80x128xf32, #tpu.memory_space<vmem>>)
      %dma_start3A_84 = arith.constant 0 : i32
      %dma_start3A_85 = arith.constant 0 : i32
      %dma_start3A_86 = tpu.memref_slice %arg12[%dma_start3A_84, %dma_start3A_85] : memref<10000x128xf32, #tpu.memory_space<vmem_shared>> -> memref<10000x128xf32, #tpu.memory_space<vmem_shared>>
      tpu.enqueue_indirect_dma source(%arg11 : memref<80x128xf32, #tpu.memory_space<vmem>>) target(%dma_start3A_86 : memref<10000x128xf32, #tpu.memory_space<vmem_shared>>) offsets(%arg10 : memref<80xi32, #tpu.memory_space<vmem>>) semaphore(%arg17 : memref<!tpu.dma_semaphore, #tpu.memory_space<semaphore_mem>>) {add = true}
      %dma_wait3A_87 = arith.constant 0 : i32
      %dma_wait3A_88 = arith.constant 0 : i32
      %dma_wait3A_89 = tpu.memref_slice %arg12[%dma_wait3A_87, %dma_wait3A_88] : memref<10000x128xf32, #tpu.memory_space<vmem_shared>> -> memref<10000x128xf32, #tpu.memory_space<vmem_shared>>
      tpu.wait_indirect_dma semaphore(%arg16 : memref<!tpu.dma_semaphore, #tpu.memory_space<semaphore_mem>>) src(%arg8 : memref<80x128xf32, #tpu.memory_space<vmem>>) dst(%dma_wait3A_89 : memref<10000x128xf32, #tpu.memory_space<vmem_shared>>)
      %dma_wait3A_90 = arith.constant 0 : i32
      %dma_wait3A_91 = arith.constant 0 : i32
      %dma_wait3A_92 = tpu.memref_slice %arg12[%dma_wait3A_90, %dma_wait3A_91] : memref<10000x128xf32, #tpu.memory_space<vmem_shared>> -> memref<10000x128xf32, #tpu.memory_space<vmem_shared>>
      tpu.wait_indirect_dma semaphore(%arg17 : memref<!tpu.dma_semaphore, #tpu.memory_space<semaphore_mem>>) src(%arg11 : memref<80x128xf32, #tpu.memory_space<vmem>>) dst(%dma_wait3A_92 : memref<10000x128xf32, #tpu.memory_space<vmem_shared>>)
      %scan3A_93 = arith.constant 0 : i32
      scf.yield %scan3A_93 : i32
    }
    %scan3A_26 = arith.constant 125 : i32
    %barrier3A_27 = arith.constant 0 : index
    tpu.barrier barrier_id(%barrier3A_27)
    %while3A_28 = arith.constant 0 : i32
    %while3A_29 = arith.constant 0 : i32
    %while3A_30 = arith.subi %select_n3A, %while3A_28 : i32
    %while3A_31 = arith.addi %while3A_28, %while3A_30 : i32
    %while3A_32 = arith.constant 1 : i32
    %while3A_33 = arith.divsi %while3A_30, %while3A_32 : i32
    %while3A_34 = arith.muli %while3A_33, %while3A_32 : i32
    %while3A_35 = arith.addi %while3A_28, %while3A_34 : i32
    %while3A_36 = arith.constant 1 : i32
    %while3A_37 = scf.for %while3A_40 = %while3A_28 to %while3A_35 step %while3A_36 iter_args(%while3A_41 = %while3A_29) -> (i32)  : i32 {
      %add3A = arith.addi %sub3A_7, %while3A_40 : i32
      %mul3A_42 = arith.constant 80 : i32
      %mul3A_43 = arith.muli %add3A, %mul3A_42 : i32
      %scan3A_44 = arith.constant 0 : i32
      %scan3A_45 = arith.constant 0 : i32
      %scan3A_46 = arith.constant 5 : i32
      %scan3A_47 = arith.addi %scan3A_45, %scan3A_46 : i32
      %scan3A_48 = arith.constant 1 : i32
      %scan3A_49 = scf.for %scan3A_57 = %scan3A_45 to %scan3A_47 step %scan3A_48 iter_args(%scan3A_58 = %scan3A_44) -> (i32)  : i32 {
        %iota3A = tpu.iota {dimensions = array<i32: 0>} : vector<16xi32>
        %mul3A_59 = arith.constant 16 : i32
        %mul3A_60 = arith.muli %scan3A_57, %mul3A_59 : i32
        %add3A_61 = arith.addi %mul3A_43, %mul3A_60 : i32
        %add3A_62 = vector.broadcast %add3A_61 : i32 to vector<16xi32>
        %add3A_63 = arith.addi %iota3A, %add3A_62 : vector<16xi32>
        %mul3A_64 = arith.constant 16 : i32
        %mul3A_65 = arith.muli %scan3A_57, %mul3A_64 : i32
        %swap3A = arith.index_cast %mul3A_65 : i32 to index
        %swap3A_66 = tpu.vector_load %arg7[%swap3A] {strides = array<i32>} : memref<80xi32, #tpu.memory_space<vmem>>, vector<16xi32>,
        %swap3A_67 = vector.shape_cast %swap3A_66 : vector<16xi32> to vector<16xi32>
        %swap3A_68 = vector.shape_cast %add3A_63 : vector<16xi32> to vector<16xi32>
        tpu.vector_store %arg7[%swap3A], %swap3A_68 {strides = array<i32>} : memref<80xi32, #tpu.memory_space<vmem>>, vector<16xi32>,
        %scan3A_69 = arith.constant 0 : i32
        scf.yield %scan3A_69 : i32
      }
      %scan3A_50 = arith.constant 5 : i32
      %dma_start3A = arith.constant 0 : i32
      %dma_start3A_51 = arith.constant 0 : i32
      %dma_start3A_52 = tpu.memref_slice %arg12[%dma_start3A, %dma_start3A_51] : memref<10000x128xf32, #tpu.memory_space<vmem_shared>> -> memref<10000x128xf32, #tpu.memory_space<vmem_shared>>
      tpu.enqueue_indirect_dma source(%dma_start3A_52 : memref<10000x128xf32, #tpu.memory_space<vmem_shared>>) target(%arg8 : memref<80x128xf32, #tpu.memory_space<vmem>>) offsets(%arg7 : memref<80xi32, #tpu.memory_space<vmem>>) semaphore(%arg14 : memref<!tpu.dma_semaphore, #tpu.memory_space<semaphore_mem>>)
      %dma_wait3A = arith.constant 0 : i32
      %dma_wait3A_53 = arith.constant 0 : i32
      %dma_wait3A_54 = tpu.memref_slice %arg12[%dma_wait3A, %dma_wait3A_53] : memref<10000x128xf32, #tpu.memory_space<vmem_shared>> -> memref<10000x128xf32, #tpu.memory_space<vmem_shared>>
      tpu.wait_indirect_dma semaphore(%arg14 : memref<!tpu.dma_semaphore, #tpu.memory_space<semaphore_mem>>) src(%dma_wait3A_54 : memref<10000x128xf32, #tpu.memory_space<vmem_shared>>) dst(%arg8 : memref<80x128xf32, #tpu.memory_space<vmem>>)
      %add3A_55 = arith.addi %mul3A_0, %mul3A_43 : i32
      "tpu.region"() ({
        %run_scoped3A = tpu.sem_alloc : memref<!tpu.dma_semaphore, #tpu.memory_space<semaphore_mem>>
        %dma_start3A_57 = arith.constant 0 : i32
        %dma_start3A_58 = tpu.memref_slice %arg5[%add3A_55, %dma_start3A_57] : memref<20000x128xf32, #tpu.memory_space<hbm>> -> memref<80x128xf32, #tpu.memory_space<hbm>>
        %dma_start3A_59 = arith.constant 0 : i32
        %dma_start3A_60 = tpu.memref_slice %arg5[%add3A_55, %dma_start3A_59] : memref<20000x128xf32, #tpu.memory_space<hbm>> -> memref<80x128xf32, #tpu.memory_space<hbm>>
        tpu.enqueue_dma source(%arg8 : memref<80x128xf32, #tpu.memory_space<vmem>>) target(%dma_start3A_60 : memref<80x128xf32, #tpu.memory_space<hbm>>) target_semaphore(%run_scoped3A : memref<!tpu.dma_semaphore, #tpu.memory_space<semaphore_mem>>)
        %dma_wait3A_61 = arith.constant 0 : i32
        %dma_wait3A_62 = tpu.memref_slice %arg5[%add3A_55, %dma_wait3A_61] : memref<20000x128xf32, #tpu.memory_space<hbm>> -> memref<80x128xf32, #tpu.memory_space<hbm>>
        %dma_wait3A_63 = arith.constant 0 : i32
        %dma_wait3A_64 = tpu.memref_slice %arg5[%add3A_55, %dma_wait3A_63] : memref<20000x128xf32, #tpu.memory_space<hbm>> -> memref<80x128xf32, #tpu.memory_space<hbm>>
        tpu.wait_dma2 semaphore(%run_scoped3A : memref<!tpu.dma_semaphore, #tpu.memory_space<semaphore_mem>>) src(%arg8 : memref<80x128xf32, #tpu.memory_space<vmem>>) dst(%dma_wait3A_64 : memref<80x128xf32, #tpu.memory_space<hbm>>)
        tpu.yield
      }) : () -> ()
      %while3A_56 = arith.constant 0 : i32
      scf.yield %while3A_56 : i32
    }
    %while3A_38 = arith.constant 1 : i32
    %while3A_39 = scf.for %while3A_40 = %while3A_35 to %while3A_31 step %while3A_38 iter_args(%while3A_41 = %while3A_37) -> (i32)  : i32 {
      %add3A = arith.addi %sub3A_7, %while3A_40 : i32
      %mul3A_42 = arith.constant 80 : i32
      %mul3A_43 = arith.muli %add3A, %mul3A_42 : i32
      %scan3A_44 = arith.constant 0 : i32
      %scan3A_45 = arith.constant 0 : i32
      %scan3A_46 = arith.constant 5 : i32
      %scan3A_47 = arith.addi %scan3A_45, %scan3A_46 : i32
      %scan3A_48 = arith.constant 1 : i32
      %scan3A_49 = scf.for %scan3A_57 = %scan3A_45 to %scan3A_47 step %scan3A_48 iter_args(%scan3A_58 = %scan3A_44) -> (i32)  : i32 {
        %iota3A = tpu.iota {dimensions = array<i32: 0>} : vector<16xi32>
        %mul3A_59 = arith.constant 16 : i32
        %mul3A_60 = arith.muli %scan3A_57, %mul3A_59 : i32
        %add3A_61 = arith.addi %mul3A_43, %mul3A_60 : i32
        %add3A_62 = vector.broadcast %add3A_61 : i32 to vector<16xi32>
        %add3A_63 = arith.addi %iota3A, %add3A_62 : vector<16xi32>
        %mul3A_64 = arith.constant 16 : i32
        %mul3A_65 = arith.muli %scan3A_57, %mul3A_64 : i32
        %swap3A = arith.index_cast %mul3A_65 : i32 to index
        %swap3A_66 = tpu.vector_load %arg7[%swap3A] {strides = array<i32>} : memref<80xi32, #tpu.memory_space<vmem>>, vector<16xi32>,
        %swap3A_67 = vector.shape_cast %swap3A_66 : vector<16xi32> to vector<16xi32>
        %swap3A_68 = vector.shape_cast %add3A_63 : vector<16xi32> to vector<16xi32>
        tpu.vector_store %arg7[%swap3A], %swap3A_68 {strides = array<i32>} : memref<80xi32, #tpu.memory_space<vmem>>, vector<16xi32>,
        %scan3A_69 = arith.constant 0 : i32
        scf.yield %scan3A_69 : i32
      }
      %scan3A_50 = arith.constant 5 : i32
      %dma_start3A = arith.constant 0 : i32
      %dma_start3A_51 = arith.constant 0 : i32
      %dma_start3A_52 = tpu.memref_slice %arg12[%dma_start3A, %dma_start3A_51] : memref<10000x128xf32, #tpu.memory_space<vmem_shared>> -> memref<10000x128xf32, #tpu.memory_space<vmem_shared>>
      tpu.enqueue_indirect_dma source(%dma_start3A_52 : memref<10000x128xf32, #tpu.memory_space<vmem_shared>>) target(%arg8 : memref<80x128xf32, #tpu.memory_space<vmem>>) offsets(%arg7 : memref<80xi32, #tpu.memory_space<vmem>>) semaphore(%arg14 : memref<!tpu.dma_semaphore, #tpu.memory_space<semaphore_mem>>)
      %dma_wait3A = arith.constant 0 : i32
      %dma_wait3A_53 = arith.constant 0 : i32
      %dma_wait3A_54 = tpu.memref_slice %arg12[%dma_wait3A, %dma_wait3A_53] : memref<10000x128xf32, #tpu.memory_space<vmem_shared>> -> memref<10000x128xf32, #tpu.memory_space<vmem_shared>>
      tpu.wait_indirect_dma semaphore(%arg14 : memref<!tpu.dma_semaphore, #tpu.memory_space<semaphore_mem>>) src(%dma_wait3A_54 : memref<10000x128xf32, #tpu.memory_space<vmem_shared>>) dst(%arg8 : memref<80x128xf32, #tpu.memory_space<vmem>>)
      %add3A_55 = arith.addi %mul3A_0, %mul3A_43 : i32
      "tpu.region"() ({
        %run_scoped3A = tpu.sem_alloc : memref<!tpu.dma_semaphore, #tpu.memory_space<semaphore_mem>>
        %dma_start3A_57 = arith.constant 0 : i32
        %dma_start3A_58 = tpu.memref_slice %arg5[%add3A_55, %dma_start3A_57] : memref<20000x128xf32, #tpu.memory_space<hbm>> -> memref<80x128xf32, #tpu.memory_space<hbm>>
        %dma_start3A_59 = arith.constant 0 : i32
        %dma_start3A_60 = tpu.memref_slice %arg5[%add3A_55, %dma_start3A_59] : memref<20000x128xf32, #tpu.memory_space<hbm>> -> memref<80x128xf32, #tpu.memory_space<hbm>>
        tpu.enqueue_dma source(%arg8 : memref<80x128xf32, #tpu.memory_space<vmem>>) target(%dma_start3A_60 : memref<80x128xf32, #tpu.memory_space<hbm>>) target_semaphore(%run_scoped3A : memref<!tpu.dma_semaphore, #tpu.memory_space<semaphore_mem>>)
        %dma_wait3A_61 = arith.constant 0 : i32
        %dma_wait3A_62 = tpu.memref_slice %arg5[%add3A_55, %dma_wait3A_61] : memref<20000x128xf32, #tpu.memory_space<hbm>> -> memref<80x128xf32, #tpu.memory_space<hbm>>
        %dma_wait3A_63 = arith.constant 0 : i32
        %dma_wait3A_64 = tpu.memref_slice %arg5[%add3A_55, %dma_wait3A_63] : memref<20000x128xf32, #tpu.memory_space<hbm>> -> memref<80x128xf32, #tpu.memory_space<hbm>>
        tpu.wait_dma2 semaphore(%run_scoped3A : memref<!tpu.dma_semaphore, #tpu.memory_space<semaphore_mem>>) src(%arg8 : memref<80x128xf32, #tpu.memory_space<vmem>>) dst(%dma_wait3A_64 : memref<80x128xf32, #tpu.memory_space<hbm>>)
        tpu.yield
      }) : () -> ()
      %while3A_56 = arith.constant 0 : i32
      scf.yield %while3A_56 : i32
    }
    return
  }
}

#map = affine_map<(d0, d1) -> (0, 0)>
#map1 = affine_map<(d0, d1) -> (0)>
module attributes {stable_mosaic.version = 14 : i64} {
  func.func @_agg_body(%arg0: i32, %arg1: i32, %arg2: memref<20000x128xf32, #tpu.memory_space<hbm>>, %arg3: memref<320000xi32, #tpu.memory_space<hbm>>, %arg4: memref<320000xi32, #tpu.memory_space<hbm>>, %arg5: memref<20000x128xf32, #tpu.memory_space<hbm>>, %arg6: memref<80xi32, #tpu.memory_space<vmem>>, %arg7: memref<80xi32, #tpu.memory_space<vmem>>, %arg8: memref<80x128xf32, #tpu.memory_space<vmem>>, %arg9: memref<80xi32, #tpu.memory_space<vmem>>, %arg10: memref<80xi32, #tpu.memory_space<vmem>>, %arg11: memref<80x128xf32, #tpu.memory_space<vmem>>, %arg12: memref<10000x128xf32, #tpu.memory_space<vmem_shared>>, %arg13: memref<!tpu.dma_semaphore, #tpu.memory_space<semaphore_mem>>, %arg14: memref<!tpu.dma_semaphore, #tpu.memory_space<semaphore_mem>>, %arg15: memref<!tpu.dma_semaphore, #tpu.memory_space<semaphore_mem>>, %arg16: memref<!tpu.dma_semaphore, #tpu.memory_space<semaphore_mem>>, %arg17: memref<!tpu.dma_semaphore, #tpu.memory_space<semaphore_mem>>) attributes {dimension_semantics = [#tpu.dimension_semantics<core_parallel>, #tpu.dimension_semantics<subcore_parallel>], iteration_bounds = array<i64: 2, 16>, scalar_prefetch = 0 : i64, scratch_operands = 12 : i64, tpu.core_type = #tpu.core_type<sc_vector_subcore>, window_params = [{transform_indices = #map}, {transform_indices = #map1}, {transform_indices = #map1}, {transform_indices = #map}]} {
    %mul3A = arith.constant 10000 : i32
    %mul3A_0 = arith.muli %arg0, %mul3A : i32
    %lt3A = arith.constant 13 : i32
    %lt3A_1 = arith.cmpi slt, %arg1, %lt3A : i32
    %jit3A = arith.constant 8 : i32
    %jit3A_2 = arith.constant 7 : i32
    %select_n3A = arith.select %lt3A_1, %jit3A, %jit3A_2 : i32
    %mul3A_3 = arith.constant 8 : i32
    %mul3A_4 = arith.muli %arg1, %mul3A_3 : i32
    %sub3A = arith.constant 13 : i32
    %sub3A_5 = arith.subi %arg1, %sub3A : i32
    %max3A = arith.constant 0 : i32
    %max3A_6 = arith.maxsi %sub3A_5, %max3A : i32
    %sub3A_7 = arith.subi %mul3A_4, %max3A_6 : i32
    %while3A = arith.constant 0 : i32
    %while3A_8 = arith.constant 0 : i32
    %while3A_9 = arith.subi %select_n3A, %while3A : i32
    %while3A_10 = arith.addi %while3A, %while3A_9 : i32
    %while3A_11 = arith.constant 1 : i32
    %while3A_12 = arith.divsi %while3A_9, %while3A_11 : i32
    %while3A_13 = arith.muli %while3A_12, %while3A_11 : i32
    %while3A_14 = arith.addi %while3A, %while3A_13 : i32
    %while3A_15 = arith.constant 1 : i32
    %while3A_16 = scf.for %while3A_40 = %while3A to %while3A_14 step %while3A_15 iter_args(%while3A_41 = %while3A_8) -> (i32)  : i32 {
      %add3A = arith.addi %sub3A_7, %while3A_40 : i32
      %mul3A_42 = arith.constant 80 : i32
      %mul3A_43 = arith.muli %add3A, %mul3A_42 : i32
      %add3A_44 = arith.addi %mul3A_0, %mul3A_43 : i32
      "tpu.region"() ({
        %run_scoped3A = tpu.sem_alloc : memref<!tpu.dma_semaphore, #tpu.memory_space<semaphore_mem>>
        %dma_start3A = arith.constant 0 : i32
        %dma_start3A_53 = tpu.memref_slice %arg2[%add3A_44, %dma_start3A] : memref<20000x128xf32, #tpu.memory_space<hbm>> -> memref<80x128xf32, #tpu.memory_space<hbm>>
        %dma_start3A_54 = arith.constant 0 : i32
        %dma_start3A_55 = tpu.memref_slice %arg2[%add3A_44, %dma_start3A_54] : memref<20000x128xf32, #tpu.memory_space<hbm>> -> memref<80x128xf32, #tpu.memory_space<hbm>>
        tpu.enqueue_dma source(%dma_start3A_55 : memref<80x128xf32, #tpu.memory_space<hbm>>) target(%arg8 : memref<80x128xf32, #tpu.memory_space<vmem>>) target_semaphore(%run_scoped3A : memref<!tpu.dma_semaphore, #tpu.memory_space<semaphore_mem>>)
        %dma_wait3A = arith.constant 0 : i32
        %dma_wait3A_56 = tpu.memref_slice %arg2[%add3A_44, %dma_wait3A] : memref<20000x128xf32, #tpu.memory_space<hbm>> -> memref<80x128xf32, #tpu.memory_space<hbm>>
        %dma_wait3A_57 = arith.constant 0 : i32
        %dma_wait3A_58 = tpu.memref_slice %arg2[%add3A_44, %dma_wait3A_57] : memref<20000x128xf32, #tpu.memory_space<hbm>> -> memref<80x128xf32, #tpu.memory_space<hbm>>
        tpu.wait_dma2 semaphore(%run_scoped3A : memref<!tpu.dma_semaphore, #tpu.memory_space<semaphore_mem>>) src(%dma_wait3A_58 : memref<80x128xf32, #tpu.memory_space<hbm>>) dst(%arg8 : memref<80x128xf32, #tpu.memory_space<vmem>>)
        tpu.yield
      }) : () -> ()
      %scan3A_45 = arith.constant 0 : i32
      %scan3A_46 = arith.constant 0 : i32
      %scan3A_47 = arith.constant 5 : i32
      %scan3A_48 = arith.addi %scan3A_46, %scan3A_47 : i32
      %scan3A_49 = arith.constant 1 : i32
      %scan3A_50 = scf.for %scan3A_53 = %scan3A_46 to %scan3A_48 step %scan3A_49 iter_args(%scan3A_54 = %scan3A_45) -> (i32)  : i32 {
        %iota3A = tpu.iota {dimensions = array<i32: 0>} : vector<16xi32>
        %mul3A_55 = arith.constant 16 : i32
        %mul3A_56 = arith.muli %scan3A_53, %mul3A_55 : i32
        %add3A_57 = arith.addi %mul3A_43, %mul3A_56 : i32
        %add3A_58 = vector.broadcast %add3A_57 : i32 to vector<16xi32>
        %add3A_59 = arith.addi %iota3A, %add3A_58 : vector<16xi32>
        %mul3A_60 = arith.constant 16 : i32
        %mul3A_61 = arith.muli %scan3A_53, %mul3A_60 : i32
        %swap3A = arith.index_cast %mul3A_61 : i32 to index
        %swap3A_62 = tpu.vector_load %arg7[%swap3A] {strides = array<i32>} : memref<80xi32, #tpu.memory_space<vmem>>, vector<16xi32>,
        %swap3A_63 = vector.shape_cast %swap3A_62 : vector<16xi32> to vector<16xi32>
        %swap3A_64 = vector.shape_cast %add3A_59 : vector<16xi32> to vector<16xi32>
        tpu.vector_store %arg7[%swap3A], %swap3A_64 {strides = array<i32>} : memref<80xi32, #tpu.memory_space<vmem>>, vector<16xi32>,
        %scan3A_65 = arith.constant 0 : i32
        scf.yield %scan3A_65 : i32
      }
      %scan3A_51 = arith.constant 5 : i32
      "tpu.region"() ({
        %run_scoped3A = tpu.sem_alloc : memref<!tpu.dma_semaphore, #tpu.memory_space<semaphore_mem>>
        %dma_start3A = arith.constant 0 : i32
        %dma_start3A_53 = arith.constant 0 : i32
        %dma_start3A_54 = tpu.memref_slice %arg12[%dma_start3A, %dma_start3A_53] : memref<10000x128xf32, #tpu.memory_space<vmem_shared>> -> memref<10000x128xf32, #tpu.memory_space<vmem_shared>>
        tpu.enqueue_indirect_dma source(%arg8 : memref<80x128xf32, #tpu.memory_space<vmem>>) target(%dma_start3A_54 : memref<10000x128xf32, #tpu.memory_space<vmem_shared>>) offsets(%arg7 : memref<80xi32, #tpu.memory_space<vmem>>) semaphore(%run_scoped3A : memref<!tpu.dma_semaphore, #tpu.memory_space<semaphore_mem>>)
        %dma_wait3A = arith.constant 0 : i32
        %dma_wait3A_55 = arith.constant 0 : i32
        %dma_wait3A_56 = tpu.memref_slice %arg12[%dma_wait3A, %dma_wait3A_55] : memref<10000x128xf32, #tpu.memory_space<vmem_shared>> -> memref<10000x128xf32, #tpu.memory_space<vmem_shared>>
        tpu.wait_indirect_dma semaphore(%run_scoped3A : memref<!tpu.dma_semaphore, #tpu.memory_space<semaphore_mem>>) src(%arg8 : memref<80x128xf32, #tpu.memory_space<vmem>>) dst(%dma_wait3A_56 : memref<10000x128xf32, #tpu.memory_space<vmem_shared>>)
        tpu.yield
      }) : () -> ()
      %while3A_52 = arith.constant 0 : i32
      scf.yield %while3A_52 : i32
    }
    %while3A_17 = arith.constant 1 : i32
    %while3A_18 = scf.for %while3A_40 = %while3A_14 to %while3A_10 step %while3A_17 iter_args(%while3A_41 = %while3A_16) -> (i32)  : i32 {
      %add3A = arith.addi %sub3A_7, %while3A_40 : i32
      %mul3A_42 = arith.constant 80 : i32
      %mul3A_43 = arith.muli %add3A, %mul3A_42 : i32
      %add3A_44 = arith.addi %mul3A_0, %mul3A_43 : i32
      "tpu.region"() ({
        %run_scoped3A = tpu.sem_alloc : memref<!tpu.dma_semaphore, #tpu.memory_space<semaphore_mem>>
        %dma_start3A = arith.constant 0 : i32
        %dma_start3A_53 = tpu.memref_slice %arg2[%add3A_44, %dma_start3A] : memref<20000x128xf32, #tpu.memory_space<hbm>> -> memref<80x128xf32, #tpu.memory_space<hbm>>
        %dma_start3A_54 = arith.constant 0 : i32
        %dma_start3A_55 = tpu.memref_slice %arg2[%add3A_44, %dma_start3A_54] : memref<20000x128xf32, #tpu.memory_space<hbm>> -> memref<80x128xf32, #tpu.memory_space<hbm>>
        tpu.enqueue_dma source(%dma_start3A_55 : memref<80x128xf32, #tpu.memory_space<hbm>>) target(%arg8 : memref<80x128xf32, #tpu.memory_space<vmem>>) target_semaphore(%run_scoped3A : memref<!tpu.dma_semaphore, #tpu.memory_space<semaphore_mem>>)
        %dma_wait3A = arith.constant 0 : i32
        %dma_wait3A_56 = tpu.memref_slice %arg2[%add3A_44, %dma_wait3A] : memref<20000x128xf32, #tpu.memory_space<hbm>> -> memref<80x128xf32, #tpu.memory_space<hbm>>
        %dma_wait3A_57 = arith.constant 0 : i32
        %dma_wait3A_58 = tpu.memref_slice %arg2[%add3A_44, %dma_wait3A_57] : memref<20000x128xf32, #tpu.memory_space<hbm>> -> memref<80x128xf32, #tpu.memory_space<hbm>>
        tpu.wait_dma2 semaphore(%run_scoped3A : memref<!tpu.dma_semaphore, #tpu.memory_space<semaphore_mem>>) src(%dma_wait3A_58 : memref<80x128xf32, #tpu.memory_space<hbm>>) dst(%arg8 : memref<80x128xf32, #tpu.memory_space<vmem>>)
        tpu.yield
      }) : () -> ()
      %scan3A_45 = arith.constant 0 : i32
      %scan3A_46 = arith.constant 0 : i32
      %scan3A_47 = arith.constant 5 : i32
      %scan3A_48 = arith.addi %scan3A_46, %scan3A_47 : i32
      %scan3A_49 = arith.constant 1 : i32
      %scan3A_50 = scf.for %scan3A_53 = %scan3A_46 to %scan3A_48 step %scan3A_49 iter_args(%scan3A_54 = %scan3A_45) -> (i32)  : i32 {
        %iota3A = tpu.iota {dimensions = array<i32: 0>} : vector<16xi32>
        %mul3A_55 = arith.constant 16 : i32
        %mul3A_56 = arith.muli %scan3A_53, %mul3A_55 : i32
        %add3A_57 = arith.addi %mul3A_43, %mul3A_56 : i32
        %add3A_58 = vector.broadcast %add3A_57 : i32 to vector<16xi32>
        %add3A_59 = arith.addi %iota3A, %add3A_58 : vector<16xi32>
        %mul3A_60 = arith.constant 16 : i32
        %mul3A_61 = arith.muli %scan3A_53, %mul3A_60 : i32
        %swap3A = arith.index_cast %mul3A_61 : i32 to index
        %swap3A_62 = tpu.vector_load %arg7[%swap3A] {strides = array<i32>} : memref<80xi32, #tpu.memory_space<vmem>>, vector<16xi32>,
        %swap3A_63 = vector.shape_cast %swap3A_62 : vector<16xi32> to vector<16xi32>
        %swap3A_64 = vector.shape_cast %add3A_59 : vector<16xi32> to vector<16xi32>
        tpu.vector_store %arg7[%swap3A], %swap3A_64 {strides = array<i32>} : memref<80xi32, #tpu.memory_space<vmem>>, vector<16xi32>,
        %scan3A_65 = arith.constant 0 : i32
        scf.yield %scan3A_65 : i32
      }
      %scan3A_51 = arith.constant 5 : i32
      "tpu.region"() ({
        %run_scoped3A = tpu.sem_alloc : memref<!tpu.dma_semaphore, #tpu.memory_space<semaphore_mem>>
        %dma_start3A = arith.constant 0 : i32
        %dma_start3A_53 = arith.constant 0 : i32
        %dma_start3A_54 = tpu.memref_slice %arg12[%dma_start3A, %dma_start3A_53] : memref<10000x128xf32, #tpu.memory_space<vmem_shared>> -> memref<10000x128xf32, #tpu.memory_space<vmem_shared>>
        tpu.enqueue_indirect_dma source(%arg8 : memref<80x128xf32, #tpu.memory_space<vmem>>) target(%dma_start3A_54 : memref<10000x128xf32, #tpu.memory_space<vmem_shared>>) offsets(%arg7 : memref<80xi32, #tpu.memory_space<vmem>>) semaphore(%run_scoped3A : memref<!tpu.dma_semaphore, #tpu.memory_space<semaphore_mem>>)
        %dma_wait3A = arith.constant 0 : i32
        %dma_wait3A_55 = arith.constant 0 : i32
        %dma_wait3A_56 = tpu.memref_slice %arg12[%dma_wait3A, %dma_wait3A_55] : memref<10000x128xf32, #tpu.memory_space<vmem_shared>> -> memref<10000x128xf32, #tpu.memory_space<vmem_shared>>
        tpu.wait_indirect_dma semaphore(%run_scoped3A : memref<!tpu.dma_semaphore, #tpu.memory_space<semaphore_mem>>) src(%arg8 : memref<80x128xf32, #tpu.memory_space<vmem>>) dst(%dma_wait3A_56 : memref<10000x128xf32, #tpu.memory_space<vmem_shared>>)
        tpu.yield
      }) : () -> ()
      %while3A_52 = arith.constant 0 : i32
      scf.yield %while3A_52 : i32
    }
    %barrier3A = arith.constant 0 : index
    tpu.barrier barrier_id(%barrier3A)
    %mul3A_19 = arith.constant 20000 : i32
    %mul3A_20 = arith.muli %arg1, %mul3A_19 : i32
    %scan3A = arith.constant 0 : i32
    %scan3A_21 = arith.constant 0 : i32
    %scan3A_22 = arith.constant 125 : i32
    %scan3A_23 = arith.addi %scan3A_21, %scan3A_22 : i32
    %scan3A_24 = arith.constant 1 : i32
    %scan3A_25 = scf.for %scan3A_40 = %scan3A_21 to %scan3A_23 step %scan3A_24 iter_args(%scan3A_41 = %scan3A) -> (i32)  : i32 {
      %mul3A_42 = arith.constant 2 : i32
      %mul3A_43 = arith.muli %mul3A_42, %scan3A_40 : i32
      %mul3A_44 = arith.constant 80 : i32
      %mul3A_45 = arith.muli %mul3A_43, %mul3A_44 : i32
      %add3A = arith.addi %mul3A_20, %mul3A_45 : i32
      %add3A_46 = arith.constant 80 : i32
      %add3A_47 = arith.addi %add3A, %add3A_46 : i32
      %dma_start3A = tpu.memref_slice %arg3[%add3A] : memref<320000xi32, #tpu.memory_space<hbm>> -> memref<80xi32, #tpu.memory_space<hbm>>
      %dma_start3A_48 = tpu.memref_slice %arg3[%add3A] : memref<320000xi32, #tpu.memory_space<hbm>> -> memref<80xi32, #tpu.memory_space<hbm>>
      tpu.enqueue_dma source(%dma_start3A_48 : memref<80xi32, #tpu.memory_space<hbm>>) target(%arg6 : memref<80xi32, #tpu.memory_space<vmem>>) target_semaphore(%arg13 : memref<!tpu.dma_semaphore, #tpu.memory_space<semaphore_mem>>)
      %dma_start3A_49 = tpu.memref_slice %arg4[%add3A] : memref<320000xi32, #tpu.memory_space<hbm>> -> memref<80xi32, #tpu.memory_space<hbm>>
      %dma_start3A_50 = tpu.memref_slice %arg4[%add3A] : memref<320000xi32, #tpu.memory_space<hbm>> -> memref<80xi32, #tpu.memory_space<hbm>>
      tpu.enqueue_dma source(%dma_start3A_50 : memref<80xi32, #tpu.memory_space<hbm>>) target(%arg7 : memref<80xi32, #tpu.memory_space<vmem>>) target_semaphore(%arg13 : memref<!tpu.dma_semaphore, #tpu.memory_space<semaphore_mem>>)
      %dma_start3A_51 = tpu.memref_slice %arg3[%add3A_47] : memref<320000xi32, #tpu.memory_space<hbm>> -> memref<80xi32, #tpu.memory_space<hbm>>
      %dma_start3A_52 = tpu.memref_slice %arg3[%add3A_47] : memref<320000xi32, #tpu.memory_space<hbm>> -> memref<80xi32, #tpu.memory_space<hbm>>
      tpu.enqueue_dma source(%dma_start3A_52 : memref<80xi32, #tpu.memory_space<hbm>>) target(%arg9 : memref<80xi32, #tpu.memory_space<vmem>>) target_semaphore(%arg13 : memref<!tpu.dma_semaphore, #tpu.memory_space<semaphore_mem>>)
      %dma_start3A_53 = tpu.memref_slice %arg4[%add3A_47] : memref<320000xi32, #tpu.memory_space<hbm>> -> memref<80xi32, #tpu.memory_space<hbm>>
      %dma_start3A_54 = tpu.memref_slice %arg4[%add3A_47] : memref<320000xi32, #tpu.memory_space<hbm>> -> memref<80xi32, #tpu.memory_space<hbm>>
      tpu.enqueue_dma source(%dma_start3A_54 : memref<80xi32, #tpu.memory_space<hbm>>) target(%arg10 : memref<80xi32, #tpu.memory_space<vmem>>) target_semaphore(%arg13 : memref<!tpu.dma_semaphore, #tpu.memory_space<semaphore_mem>>)
      %dma_wait3A = tpu.memref_slice %arg3[%add3A] : memref<320000xi32, #tpu.memory_space<hbm>> -> memref<80xi32, #tpu.memory_space<hbm>>
      %dma_wait3A_55 = tpu.memref_slice %arg3[%add3A] : memref<320000xi32, #tpu.memory_space<hbm>> -> memref<80xi32, #tpu.memory_space<hbm>>
      tpu.wait_dma2 semaphore(%arg13 : memref<!tpu.dma_semaphore, #tpu.memory_space<semaphore_mem>>) src(%dma_wait3A_55 : memref<80xi32, #tpu.memory_space<hbm>>) dst(%arg6 : memref<80xi32, #tpu.memory_space<vmem>>)
      %dma_wait3A_56 = tpu.memref_slice %arg4[%add3A] : memref<320000xi32, #tpu.memory_space<hbm>> -> memref<80xi32, #tpu.memory_space<hbm>>
      %dma_wait3A_57 = tpu.memref_slice %arg4[%add3A] : memref<320000xi32, #tpu.memory_space<hbm>> -> memref<80xi32, #tpu.memory_space<hbm>>
      tpu.wait_dma2 semaphore(%arg13 : memref<!tpu.dma_semaphore, #tpu.memory_space<semaphore_mem>>) src(%dma_wait3A_57 : memref<80xi32, #tpu.memory_space<hbm>>) dst(%arg7 : memref<80xi32, #tpu.memory_space<vmem>>)
      %dma_wait3A_58 = tpu.memref_slice %arg3[%add3A_47] : memref<320000xi32, #tpu.memory_space<hbm>> -> memref<80xi32, #tpu.memory_space<hbm>>
      %dma_wait3A_59 = tpu.memref_slice %arg3[%add3A_47] : memref<320000xi32, #tpu.memory_space<hbm>> -> memref<80xi32, #tpu.memory_space<hbm>>
      tpu.wait_dma2 semaphore(%arg13 : memref<!tpu.dma_semaphore, #tpu.memory_space<semaphore_mem>>) src(%dma_wait3A_59 : memref<80xi32, #tpu.memory_space<hbm>>) dst(%arg9 : memref<80xi32, #tpu.memory_space<vmem>>)
      %dma_wait3A_60 = tpu.memref_slice %arg4[%add3A_47] : memref<320000xi32, #tpu.memory_space<hbm>> -> memref<80xi32, #tpu.memory_space<hbm>>
      %dma_wait3A_61 = tpu.memref_slice %arg4[%add3A_47] : memref<320000xi32, #tpu.memory_space<hbm>> -> memref<80xi32, #tpu.memory_space<hbm>>
      tpu.wait_dma2 semaphore(%arg13 : memref<!tpu.dma_semaphore, #tpu.memory_space<semaphore_mem>>) src(%dma_wait3A_61 : memref<80xi32, #tpu.memory_space<hbm>>) dst(%arg10 : memref<80xi32, #tpu.memory_space<vmem>>)
      %scan3A_62 = arith.constant 0 : i32
      %scan3A_63 = arith.constant 0 : i32
      %scan3A_64 = arith.constant 5 : i32
      %scan3A_65 = arith.addi %scan3A_63, %scan3A_64 : i32
      %scan3A_66 = arith.constant 1 : i32
      %scan3A_67 = scf.for %scan3A_94 = %scan3A_63 to %scan3A_65 step %scan3A_66 iter_args(%scan3A_95 = %scan3A_62) -> (i32)  : i32 {
        %mul3A_96 = arith.constant 16 : i32
        %mul3A_97 = arith.muli %scan3A_94, %mul3A_96 : i32
        %get3A = arith.index_cast %mul3A_97 : i32 to index
        %get3A_98 = tpu.vector_load %arg6[%get3A] {strides = array<i32>} : memref<80xi32, #tpu.memory_space<vmem>>, vector<16xi32>,
        %get3A_99 = vector.shape_cast %get3A_98 : vector<16xi32> to vector<16xi32>
        %add3A_100 = vector.broadcast %mul3A_0 : i32 to vector<16xi32>
        %add3A_101 = arith.addi %get3A_99, %add3A_100 : vector<16xi32>
        %mul3A_102 = arith.constant 16 : i32
        %mul3A_103 = arith.muli %scan3A_94, %mul3A_102 : i32
        %swap3A = arith.index_cast %mul3A_103 : i32 to index
        %swap3A_104 = tpu.vector_load %arg6[%swap3A] {strides = array<i32>} : memref<80xi32, #tpu.memory_space<vmem>>, vector<16xi32>,
        %swap3A_105 = vector.shape_cast %swap3A_104 : vector<16xi32> to vector<16xi32>
        %swap3A_106 = vector.shape_cast %add3A_101 : vector<16xi32> to vector<16xi32>
        tpu.vector_store %arg6[%swap3A], %swap3A_106 {strides = array<i32>} : memref<80xi32, #tpu.memory_space<vmem>>, vector<16xi32>,
        %mul3A_107 = arith.constant 16 : i32
        %mul3A_108 = arith.muli %scan3A_94, %mul3A_107 : i32
        %get3A_109 = arith.index_cast %mul3A_108 : i32 to index
        %get3A_110 = tpu.vector_load %arg9[%get3A_109] {strides = array<i32>} : memref<80xi32, #tpu.memory_space<vmem>>, vector<16xi32>,
        %get3A_111 = vector.shape_cast %get3A_110 : vector<16xi32> to vector<16xi32>
        %add3A_112 = vector.broadcast %mul3A_0 : i32 to vector<16xi32>
        %add3A_113 = arith.addi %get3A_111, %add3A_112 : vector<16xi32>
        %mul3A_114 = arith.constant 16 : i32
        %mul3A_115 = arith.muli %scan3A_94, %mul3A_114 : i32
        %swap3A_116 = arith.index_cast %mul3A_115 : i32 to index
        %swap3A_117 = tpu.vector_load %arg9[%swap3A_116] {strides = array<i32>} : memref<80xi32, #tpu.memory_space<vmem>>, vector<16xi32>,
        %swap3A_118 = vector.shape_cast %swap3A_117 : vector<16xi32> to vector<16xi32>
        %swap3A_119 = vector.shape_cast %add3A_113 : vector<16xi32> to vector<16xi32>
        tpu.vector_store %arg9[%swap3A_116], %swap3A_119 {strides = array<i32>} : memref<80xi32, #tpu.memory_space<vmem>>, vector<16xi32>,
        %scan3A_120 = arith.constant 0 : i32
        scf.yield %scan3A_120 : i32
      }
      %scan3A_68 = arith.constant 5 : i32
      %dma_start3A_69 = arith.constant 0 : i32
      %dma_start3A_70 = arith.constant 0 : i32
      %dma_start3A_71 = tpu.memref_slice %arg2[%dma_start3A_69, %dma_start3A_70] : memref<20000x128xf32, #tpu.memory_space<hbm>> -> memref<20000x128xf32, #tpu.memory_space<hbm>>
      tpu.enqueue_indirect_dma source(%dma_start3A_71 : memref<20000x128xf32, #tpu.memory_space<hbm>>) target(%arg8 : memref<80x128xf32, #tpu.memory_space<vmem>>) offsets(%arg6 : memref<80xi32, #tpu.memory_space<vmem>>) semaphore(%arg14 : memref<!tpu.dma_semaphore, #tpu.memory_space<semaphore_mem>>)
      %dma_start3A_72 = arith.constant 0 : i32
      %dma_start3A_73 = arith.constant 0 : i32
      %dma_start3A_74 = tpu.memref_slice %arg2[%dma_start3A_72, %dma_start3A_73] : memref<20000x128xf32, #tpu.memory_space<hbm>> -> memref<20000x128xf32, #tpu.memory_space<hbm>>
      tpu.enqueue_indirect_dma source(%dma_start3A_74 : memref<20000x128xf32, #tpu.memory_space<hbm>>) target(%arg11 : memref<80x128xf32, #tpu.memory_space<vmem>>) offsets(%arg9 : memref<80xi32, #tpu.memory_space<vmem>>) semaphore(%arg15 : memref<!tpu.dma_semaphore, #tpu.memory_space<semaphore_mem>>)
      %dma_wait3A_75 = arith.constant 0 : i32
      %dma_wait3A_76 = arith.constant 0 : i32
      %dma_wait3A_77 = tpu.memref_slice %arg2[%dma_wait3A_75, %dma_wait3A_76] : memref<20000x128xf32, #tpu.memory_space<hbm>> -> memref<20000x128xf32, #tpu.memory_space<hbm>>
      tpu.wait_indirect_dma semaphore(%arg14 : memref<!tpu.dma_semaphore, #tpu.memory_space<semaphore_mem>>) src(%dma_wait3A_77 : memref<20000x128xf32, #tpu.memory_space<hbm>>) dst(%arg8 : memref<80x128xf32, #tpu.memory_space<vmem>>)
      %dma_start3A_78 = arith.constant 0 : i32
      %dma_start3A_79 = arith.constant 0 : i32
      %dma_start3A_80 = tpu.memref_slice %arg12[%dma_start3A_78, %dma_start3A_79] : memref<10000x128xf32, #tpu.memory_space<vmem_shared>> -> memref<10000x128xf32, #tpu.memory_space<vmem_shared>>
      tpu.enqueue_indirect_dma source(%arg8 : memref<80x128xf32, #tpu.memory_space<vmem>>) target(%dma_start3A_80 : memref<10000x128xf32, #tpu.memory_space<vmem_shared>>) offsets(%arg7 : memref<80xi32, #tpu.memory_space<vmem>>) semaphore(%arg16 : memref<!tpu.dma_semaphore, #tpu.memory_space<semaphore_mem>>) {add = true}
      %dma_wait3A_81 = arith.constant 0 : i32
      %dma_wait3A_82 = arith.constant 0 : i32
      %dma_wait3A_83 = tpu.memref_slice %arg2[%dma_wait3A_81, %dma_wait3A_82] : memref<20000x128xf32, #tpu.memory_space<hbm>> -> memref<20000x128xf32, #tpu.memory_space<hbm>>
      tpu.wait_indirect_dma semaphore(%arg15 : memref<!tpu.dma_semaphore, #tpu.memory_space<semaphore_mem>>) src(%dma_wait3A_83 : memref<20000x128xf32, #tpu.memory_space<hbm>>) dst(%arg11 : memref<80x128xf32, #tpu.memory_space<vmem>>)
      %dma_start3A_84 = arith.constant 0 : i32
      %dma_start3A_85 = arith.constant 0 : i32
      %dma_start3A_86 = tpu.memref_slice %arg12[%dma_start3A_84, %dma_start3A_85] : memref<10000x128xf32, #tpu.memory_space<vmem_shared>> -> memref<10000x128xf32, #tpu.memory_space<vmem_shared>>
      tpu.enqueue_indirect_dma source(%arg11 : memref<80x128xf32, #tpu.memory_space<vmem>>) target(%dma_start3A_86 : memref<10000x128xf32, #tpu.memory_space<vmem_shared>>) offsets(%arg10 : memref<80xi32, #tpu.memory_space<vmem>>) semaphore(%arg17 : memref<!tpu.dma_semaphore, #tpu.memory_space<semaphore_mem>>) {add = true}
      %dma_wait3A_87 = arith.constant 0 : i32
      %dma_wait3A_88 = arith.constant 0 : i32
      %dma_wait3A_89 = tpu.memref_slice %arg12[%dma_wait3A_87, %dma_wait3A_88] : memref<10000x128xf32, #tpu.memory_space<vmem_shared>> -> memref<10000x128xf32, #tpu.memory_space<vmem_shared>>
      tpu.wait_indirect_dma semaphore(%arg16 : memref<!tpu.dma_semaphore, #tpu.memory_space<semaphore_mem>>) src(%arg8 : memref<80x128xf32, #tpu.memory_space<vmem>>) dst(%dma_wait3A_89 : memref<10000x128xf32, #tpu.memory_space<vmem_shared>>)
      %dma_wait3A_90 = arith.constant 0 : i32
      %dma_wait3A_91 = arith.constant 0 : i32
      %dma_wait3A_92 = tpu.memref_slice %arg12[%dma_wait3A_90, %dma_wait3A_91] : memref<10000x128xf32, #tpu.memory_space<vmem_shared>> -> memref<10000x128xf32, #tpu.memory_space<vmem_shared>>
      tpu.wait_indirect_dma semaphore(%arg17 : memref<!tpu.dma_semaphore, #tpu.memory_space<semaphore_mem>>) src(%arg11 : memref<80x128xf32, #tpu.memory_space<vmem>>) dst(%dma_wait3A_92 : memref<10000x128xf32, #tpu.memory_space<vmem_shared>>)
      %scan3A_93 = arith.constant 0 : i32
      scf.yield %scan3A_93 : i32
    }
    %scan3A_26 = arith.constant 125 : i32
    %barrier3A_27 = arith.constant 0 : index
    tpu.barrier barrier_id(%barrier3A_27)
    %while3A_28 = arith.constant 0 : i32
    %while3A_29 = arith.constant 0 : i32
    %while3A_30 = arith.subi %select_n3A, %while3A_28 : i32
    %while3A_31 = arith.addi %while3A_28, %while3A_30 : i32
    %while3A_32 = arith.constant 1 : i32
    %while3A_33 = arith.divsi %while3A_30, %while3A_32 : i32
    %while3A_34 = arith.muli %while3A_33, %while3A_32 : i32
    %while3A_35 = arith.addi %while3A_28, %while3A_34 : i32
    %while3A_36 = arith.constant 1 : i32
    %while3A_37 = scf.for %while3A_40 = %while3A_28 to %while3A_35 step %while3A_36 iter_args(%while3A_41 = %while3A_29) -> (i32)  : i32 {
      %add3A = arith.addi %sub3A_7, %while3A_40 : i32
      %mul3A_42 = arith.constant 80 : i32
      %mul3A_43 = arith.muli %add3A, %mul3A_42 : i32
      %scan3A_44 = arith.constant 0 : i32
      %scan3A_45 = arith.constant 0 : i32
      %scan3A_46 = arith.constant 5 : i32
      %scan3A_47 = arith.addi %scan3A_45, %scan3A_46 : i32
      %scan3A_48 = arith.constant 1 : i32
      %scan3A_49 = scf.for %scan3A_57 = %scan3A_45 to %scan3A_47 step %scan3A_48 iter_args(%scan3A_58 = %scan3A_44) -> (i32)  : i32 {
        %iota3A = tpu.iota {dimensions = array<i32: 0>} : vector<16xi32>
        %mul3A_59 = arith.constant 16 : i32
        %mul3A_60 = arith.muli %scan3A_57, %mul3A_59 : i32
        %add3A_61 = arith.addi %mul3A_43, %mul3A_60 : i32
        %add3A_62 = vector.broadcast %add3A_61 : i32 to vector<16xi32>
        %add3A_63 = arith.addi %iota3A, %add3A_62 : vector<16xi32>
        %mul3A_64 = arith.constant 16 : i32
        %mul3A_65 = arith.muli %scan3A_57, %mul3A_64 : i32
        %swap3A = arith.index_cast %mul3A_65 : i32 to index
        %swap3A_66 = tpu.vector_load %arg7[%swap3A] {strides = array<i32>} : memref<80xi32, #tpu.memory_space<vmem>>, vector<16xi32>,
        %swap3A_67 = vector.shape_cast %swap3A_66 : vector<16xi32> to vector<16xi32>
        %swap3A_68 = vector.shape_cast %add3A_63 : vector<16xi32> to vector<16xi32>
        tpu.vector_store %arg7[%swap3A], %swap3A_68 {strides = array<i32>} : memref<80xi32, #tpu.memory_space<vmem>>, vector<16xi32>,
        %scan3A_69 = arith.constant 0 : i32
        scf.yield %scan3A_69 : i32
      }
      %scan3A_50 = arith.constant 5 : i32
      %dma_start3A = arith.constant 0 : i32
      %dma_start3A_51 = arith.constant 0 : i32
      %dma_start3A_52 = tpu.memref_slice %arg12[%dma_start3A, %dma_start3A_51] : memref<10000x128xf32, #tpu.memory_space<vmem_shared>> -> memref<10000x128xf32, #tpu.memory_space<vmem_shared>>
      tpu.enqueue_indirect_dma source(%dma_start3A_52 : memref<10000x128xf32, #tpu.memory_space<vmem_shared>>) target(%arg8 : memref<80x128xf32, #tpu.memory_space<vmem>>) offsets(%arg7 : memref<80xi32, #tpu.memory_space<vmem>>) semaphore(%arg14 : memref<!tpu.dma_semaphore, #tpu.memory_space<semaphore_mem>>)
      %dma_wait3A = arith.constant 0 : i32
      %dma_wait3A_53 = arith.constant 0 : i32
      %dma_wait3A_54 = tpu.memref_slice %arg12[%dma_wait3A, %dma_wait3A_53] : memref<10000x128xf32, #tpu.memory_space<vmem_shared>> -> memref<10000x128xf32, #tpu.memory_space<vmem_shared>>
      tpu.wait_indirect_dma semaphore(%arg14 : memref<!tpu.dma_semaphore, #tpu.memory_space<semaphore_mem>>) src(%dma_wait3A_54 : memref<10000x128xf32, #tpu.memory_space<vmem_shared>>) dst(%arg8 : memref<80x128xf32, #tpu.memory_space<vmem>>)
      %add3A_55 = arith.addi %mul3A_0, %mul3A_43 : i32
      "tpu.region"() ({
        %run_scoped3A = tpu.sem_alloc : memref<!tpu.dma_semaphore, #tpu.memory_space<semaphore_mem>>
        %dma_start3A_57 = arith.constant 0 : i32
        %dma_start3A_58 = tpu.memref_slice %arg5[%add3A_55, %dma_start3A_57] : memref<20000x128xf32, #tpu.memory_space<hbm>> -> memref<80x128xf32, #tpu.memory_space<hbm>>
        %dma_start3A_59 = arith.constant 0 : i32
        %dma_start3A_60 = tpu.memref_slice %arg5[%add3A_55, %dma_start3A_59] : memref<20000x128xf32, #tpu.memory_space<hbm>> -> memref<80x128xf32, #tpu.memory_space<hbm>>
        tpu.enqueue_dma source(%arg8 : memref<80x128xf32, #tpu.memory_space<vmem>>) target(%dma_start3A_60 : memref<80x128xf32, #tpu.memory_space<hbm>>) target_semaphore(%run_scoped3A : memref<!tpu.dma_semaphore, #tpu.memory_space<semaphore_mem>>)
        %dma_wait3A_61 = arith.constant 0 : i32
        %dma_wait3A_62 = tpu.memref_slice %arg5[%add3A_55, %dma_wait3A_61] : memref<20000x128xf32, #tpu.memory_space<hbm>> -> memref<80x128xf32, #tpu.memory_space<hbm>>
        %dma_wait3A_63 = arith.constant 0 : i32
        %dma_wait3A_64 = tpu.memref_slice %arg5[%add3A_55, %dma_wait3A_63] : memref<20000x128xf32, #tpu.memory_space<hbm>> -> memref<80x128xf32, #tpu.memory_space<hbm>>
        tpu.wait_dma2 semaphore(%run_scoped3A : memref<!tpu.dma_semaphore, #tpu.memory_space<semaphore_mem>>) src(%arg8 : memref<80x128xf32, #tpu.memory_space<vmem>>) dst(%dma_wait3A_64 : memref<80x128xf32, #tpu.memory_space<hbm>>)
        tpu.yield
      }) : () -> ()
      %while3A_56 = arith.constant 0 : i32
      scf.yield %while3A_56 : i32
    }
    %while3A_38 = arith.constant 1 : i32
    %while3A_39 = scf.for %while3A_40 = %while3A_35 to %while3A_31 step %while3A_38 iter_args(%while3A_41 = %while3A_37) -> (i32)  : i32 {
      %add3A = arith.addi %sub3A_7, %while3A_40 : i32
      %mul3A_42 = arith.constant 80 : i32
      %mul3A_43 = arith.muli %add3A, %mul3A_42 : i32
      %scan3A_44 = arith.constant 0 : i32
      %scan3A_45 = arith.constant 0 : i32
      %scan3A_46 = arith.constant 5 : i32
      %scan3A_47 = arith.addi %scan3A_45, %scan3A_46 : i32
      %scan3A_48 = arith.constant 1 : i32
      %scan3A_49 = scf.for %scan3A_57 = %scan3A_45 to %scan3A_47 step %scan3A_48 iter_args(%scan3A_58 = %scan3A_44) -> (i32)  : i32 {
        %iota3A = tpu.iota {dimensions = array<i32: 0>} : vector<16xi32>
        %mul3A_59 = arith.constant 16 : i32
        %mul3A_60 = arith.muli %scan3A_57, %mul3A_59 : i32
        %add3A_61 = arith.addi %mul3A_43, %mul3A_60 : i32
        %add3A_62 = vector.broadcast %add3A_61 : i32 to vector<16xi32>
        %add3A_63 = arith.addi %iota3A, %add3A_62 : vector<16xi32>
        %mul3A_64 = arith.constant 16 : i32
        %mul3A_65 = arith.muli %scan3A_57, %mul3A_64 : i32
        %swap3A = arith.index_cast %mul3A_65 : i32 to index
        %swap3A_66 = tpu.vector_load %arg7[%swap3A] {strides = array<i32>} : memref<80xi32, #tpu.memory_space<vmem>>, vector<16xi32>,
        %swap3A_67 = vector.shape_cast %swap3A_66 : vector<16xi32> to vector<16xi32>
        %swap3A_68 = vector.shape_cast %add3A_63 : vector<16xi32> to vector<16xi32>
        tpu.vector_store %arg7[%swap3A], %swap3A_68 {strides = array<i32>} : memref<80xi32, #tpu.memory_space<vmem>>, vector<16xi32>,
        %scan3A_69 = arith.constant 0 : i32
        scf.yield %scan3A_69 : i32
      }
      %scan3A_50 = arith.constant 5 : i32
      %dma_start3A = arith.constant 0 : i32
      %dma_start3A_51 = arith.constant 0 : i32
      %dma_start3A_52 = tpu.memref_slice %arg12[%dma_start3A, %dma_start3A_51] : memref<10000x128xf32, #tpu.memory_space<vmem_shared>> -> memref<10000x128xf32, #tpu.memory_space<vmem_shared>>
      tpu.enqueue_indirect_dma source(%dma_start3A_52 : memref<10000x128xf32, #tpu.memory_space<vmem_shared>>) target(%arg8 : memref<80x128xf32, #tpu.memory_space<vmem>>) offsets(%arg7 : memref<80xi32, #tpu.memory_space<vmem>>) semaphore(%arg14 : memref<!tpu.dma_semaphore, #tpu.memory_space<semaphore_mem>>)
      %dma_wait3A = arith.constant 0 : i32
      %dma_wait3A_53 = arith.constant 0 : i32
      %dma_wait3A_54 = tpu.memref_slice %arg12[%dma_wait3A, %dma_wait3A_53] : memref<10000x128xf32, #tpu.memory_space<vmem_shared>> -> memref<10000x128xf32, #tpu.memory_space<vmem_shared>>
      tpu.wait_indirect_dma semaphore(%arg14 : memref<!tpu.dma_semaphore, #tpu.memory_space<semaphore_mem>>) src(%dma_wait3A_54 : memref<10000x128xf32, #tpu.memory_space<vmem_shared>>) dst(%arg8 : memref<80x128xf32, #tpu.memory_space<vmem>>)
      %add3A_55 = arith.addi %mul3A_0, %mul3A_43 : i32
      "tpu.region"() ({
        %run_scoped3A = tpu.sem_alloc : memref<!tpu.dma_semaphore, #tpu.memory_space<semaphore_mem>>
        %dma_start3A_57 = arith.constant 0 : i32
        %dma_start3A_58 = tpu.memref_slice %arg5[%add3A_55, %dma_start3A_57] : memref<20000x128xf32, #tpu.memory_space<hbm>> -> memref<80x128xf32, #tpu.memory_space<hbm>>
        %dma_start3A_59 = arith.constant 0 : i32
        %dma_start3A_60 = tpu.memref_slice %arg5[%add3A_55, %dma_start3A_59] : memref<20000x128xf32, #tpu.memory_space<hbm>> -> memref<80x128xf32, #tpu.memory_space<hbm>>
        tpu.enqueue_dma source(%arg8 : memref<80x128xf32, #tpu.memory_space<vmem>>) target(%dma_start3A_60 : memref<80x128xf32, #tpu.memory_space<hbm>>) target_semaphore(%run_scoped3A : memref<!tpu.dma_semaphore, #tpu.memory_space<semaphore_mem>>)
        %dma_wait3A_61 = arith.constant 0 : i32
        %dma_wait3A_62 = tpu.memref_slice %arg5[%add3A_55, %dma_wait3A_61] : memref<20000x128xf32, #tpu.memory_space<hbm>> -> memref<80x128xf32, #tpu.memory_space<hbm>>
        %dma_wait3A_63 = arith.constant 0 : i32
        %dma_wait3A_64 = tpu.memref_slice %arg5[%add3A_55, %dma_wait3A_63] : memref<20000x128xf32, #tpu.memory_space<hbm>> -> memref<80x128xf32, #tpu.memory_space<hbm>>
        tpu.wait_dma2 semaphore(%run_scoped3A : memref<!tpu.dma_semaphore, #tpu.memory_space<semaphore_mem>>) src(%arg8 : memref<80x128xf32, #tpu.memory_space<vmem>>) dst(%dma_wait3A_64 : memref<80x128xf32, #tpu.memory_space<hbm>>)
        tpu.yield
      }) : () -> ()
      %while3A_56 = arith.constant 0 : i32
      scf.yield %while3A_56 : i32
    }
    return
  }
}

#map = affine_map<(d0, d1) -> (0, 0)>
#map1 = affine_map<(d0, d1) -> (0)>
module attributes {stable_mosaic.version = 14 : i64} {
  func.func @_pool_body(%arg0: i32, %arg1: i32, %arg2: memref<20000x128xf32, #tpu.memory_space<hbm>>, %arg3: memref<10000xi32, #tpu.memory_space<hbm>>, %arg4: memref<128x128xf32, #tpu.memory_space<hbm>>, %arg5: memref<16xi32, #tpu.memory_space<vmem>>, %arg6: memref<16xi32, #tpu.memory_space<vmem>>, %arg7: memref<16x128xf32, #tpu.memory_space<vmem>>, %arg8: memref<16x128xf32, #tpu.memory_space<vmem>>, %arg9: memref<64x128xf32, #tpu.memory_space<vmem_shared>>, %arg10: memref<!tpu.dma_semaphore, #tpu.memory_space<semaphore_mem>>) attributes {dimension_semantics = [#tpu.dimension_semantics<core_parallel>, #tpu.dimension_semantics<subcore_parallel>], iteration_bounds = array<i64: 2, 16>, scalar_prefetch = 0 : i64, scratch_operands = 6 : i64, tpu.core_type = #tpu.core_type<sc_vector_subcore>, window_params = [{transform_indices = #map}, {transform_indices = #map1}, {transform_indices = #map}]} {
    %scan3A = arith.constant 0 : i32
    %scan3A_0 = arith.constant 0 : i32
    %scan3A_1 = arith.constant 16 : i32
    %scan3A_2 = arith.addi %scan3A_0, %scan3A_1 : i32
    %scan3A_3 = arith.constant 1 : i32
    %scan3A_4 = scf.for %scan3A_28 = %scan3A_0 to %scan3A_2 step %scan3A_3 iter_args(%scan3A_29 = %scan3A) -> (i32)  : i32 {
      %scan3A_30 = arith.constant 0 : i32
      %scan3A_31 = arith.constant 0 : i32
      %scan3A_32 = arith.constant 8 : i32
      %scan3A_33 = arith.addi %scan3A_31, %scan3A_32 : i32
      %scan3A_34 = arith.constant 1 : i32
      %scan3A_35 = scf.for %scan3A_38 = %scan3A_31 to %scan3A_33 step %scan3A_34 iter_args(%scan3A_39 = %scan3A_30) -> (i32)  : i32 {
        %broadcast_in_dim3A = arith.constant 0.000000e+00 : f32
        %broadcast_in_dim3A_40 = vector.broadcast %broadcast_in_dim3A : f32 to vector<16xf32>
        %mul3A_41 = arith.constant 16 : i32
        %mul3A_42 = arith.muli %scan3A_38, %mul3A_41 : i32
        %swap3A = arith.index_cast %scan3A_28 : i32 to index
        %swap3A_43 = arith.index_cast %mul3A_42 : i32 to index
        %swap3A_44 = tpu.vector_load %arg8[%swap3A, %swap3A_43] {strides = array<i32>} : memref<16x128xf32, #tpu.memory_space<vmem>>, vector<1x16xf32>,
        %swap3A_45 = vector.shape_cast %swap3A_44 : vector<1x16xf32> to vector<16xf32>
        %swap3A_46 = vector.shape_cast %broadcast_in_dim3A_40 : vector<16xf32> to vector<1x16xf32>
        tpu.vector_store %arg8[%swap3A, %swap3A_43], %swap3A_46 {strides = array<i32>} : memref<16x128xf32, #tpu.memory_space<vmem>>, vector<1x16xf32>,
        %scan3A_47 = arith.constant 0 : i32
        scf.yield %scan3A_47 : i32
      }
      %scan3A_36 = arith.constant 8 : i32
      %scan3A_37 = arith.constant 0 : i32
      scf.yield %scan3A_37 : i32
    }
    %scan3A_5 = arith.constant 16 : i32
    %lt3A = arith.constant 4 : i32
    %lt3A_6 = arith.cmpi slt, %arg1, %lt3A : i32
    %convert_element_type3A = arith.extui %lt3A_6 : i1 to i32
    %cond3A = arith.constant 0 : i32
    %cond3A_7 = arith.cmpi ne, %convert_element_type3A, %cond3A : i32
    scf.if %cond3A_7 {
      %iota3A = tpu.iota {dimensions = array<i32: 0>} : vector<16xi32>
      %mul3A_28 = arith.constant 16 : i32
      %mul3A_29 = arith.muli %arg1, %mul3A_28 : i32
      %add3A = vector.broadcast %mul3A_29 : i32 to vector<16xi32>
      %add3A_30 = arith.addi %iota3A, %add3A : vector<16xi32>
      %swap3A = arith.constant 0 : index
      %swap3A_31 = tpu.vector_load %arg6[%swap3A] {strides = array<i32>} : memref<16xi32, #tpu.memory_space<vmem>>, vector<16xi32>,
      %swap3A_32 = vector.shape_cast %swap3A_31 : vector<16xi32> to vector<16xi32>
      %swap3A_33 = vector.shape_cast %add3A_30 : vector<16xi32> to vector<16xi32>
      tpu.vector_store %arg6[%swap3A], %swap3A_33 {strides = array<i32>} : memref<16xi32, #tpu.memory_space<vmem>>, vector<16xi32>,
      "tpu.region"() ({
        %run_scoped3A = tpu.sem_alloc : memref<!tpu.dma_semaphore, #tpu.memory_space<semaphore_mem>>
        %dma_start3A = arith.constant 0 : i32
        %dma_start3A_34 = arith.constant 0 : i32
        %dma_start3A_35 = tpu.memref_slice %arg9[%dma_start3A, %dma_start3A_34] : memref<64x128xf32, #tpu.memory_space<vmem_shared>> -> memref<64x128xf32, #tpu.memory_space<vmem_shared>>
        tpu.enqueue_indirect_dma source(%arg8 : memref<16x128xf32, #tpu.memory_space<vmem>>) target(%dma_start3A_35 : memref<64x128xf32, #tpu.memory_space<vmem_shared>>) offsets(%arg6 : memref<16xi32, #tpu.memory_space<vmem>>) semaphore(%run_scoped3A : memref<!tpu.dma_semaphore, #tpu.memory_space<semaphore_mem>>)
        %dma_wait3A = arith.constant 0 : i32
        %dma_wait3A_36 = arith.constant 0 : i32
        %dma_wait3A_37 = tpu.memref_slice %arg9[%dma_wait3A, %dma_wait3A_36] : memref<64x128xf32, #tpu.memory_space<vmem_shared>> -> memref<64x128xf32, #tpu.memory_space<vmem_shared>>
        tpu.wait_indirect_dma semaphore(%run_scoped3A : memref<!tpu.dma_semaphore, #tpu.memory_space<semaphore_mem>>) src(%arg8 : memref<16x128xf32, #tpu.memory_space<vmem>>) dst(%dma_wait3A_37 : memref<64x128xf32, #tpu.memory_space<vmem_shared>>)
        tpu.yield
      }) : () -> ()
    } else {
    }
    %barrier3A = arith.constant 0 : index
    tpu.barrier barrier_id(%barrier3A)
    %mul3A = arith.constant 624 : i32
    %mul3A_8 = arith.muli %arg1, %mul3A : i32
    %eq3A = arith.constant 15 : i32
    %eq3A_9 = arith.cmpi eq, %arg1, %eq3A : i32
    %jit3A = arith.constant 40 : i32
    %jit3A_10 = arith.constant 39 : i32
    %select_n3A = arith.select %eq3A_9, %jit3A, %jit3A_10 : i32
    %while3A = arith.constant 0 : i32
    %while3A_11 = arith.constant 0 : i32
    %while3A_12 = arith.subi %select_n3A, %while3A : i32
    %while3A_13 = arith.addi %while3A, %while3A_12 : i32
    %while3A_14 = arith.constant 1 : i32
    %while3A_15 = arith.divsi %while3A_12, %while3A_14 : i32
    %while3A_16 = arith.muli %while3A_15, %while3A_14 : i32
    %while3A_17 = arith.addi %while3A, %while3A_16 : i32
    %while3A_18 = arith.constant 1 : i32
    %while3A_19 = scf.for %while3A_28 = %while3A to %while3A_17 step %while3A_18 iter_args(%while3A_29 = %while3A_11) -> (i32)  : i32 {
      %mul3A_30 = arith.constant 16 : i32
      %mul3A_31 = arith.muli %while3A_28, %mul3A_30 : i32
      %add3A = arith.addi %mul3A_8, %mul3A_31 : i32
      "tpu.region"() ({
        %run_scoped3A = tpu.sem_alloc : memref<!tpu.dma_semaphore, #tpu.memory_space<semaphore_mem>>
        %dma_start3A = tpu.memref_slice %arg3[%add3A] : memref<10000xi32, #tpu.memory_space<hbm>> -> memref<16xi32, #tpu.memory_space<hbm>>
        %dma_start3A_36 = tpu.memref_slice %arg3[%add3A] : memref<10000xi32, #tpu.memory_space<hbm>> -> memref<16xi32, #tpu.memory_space<hbm>>
        tpu.enqueue_dma source(%dma_start3A_36 : memref<16xi32, #tpu.memory_space<hbm>>) target(%arg5 : memref<16xi32, #tpu.memory_space<vmem>>) target_semaphore(%run_scoped3A : memref<!tpu.dma_semaphore, #tpu.memory_space<semaphore_mem>>)
        %dma_wait3A = tpu.memref_slice %arg3[%add3A] : memref<10000xi32, #tpu.memory_space<hbm>> -> memref<16xi32, #tpu.memory_space<hbm>>
        %dma_wait3A_37 = tpu.memref_slice %arg3[%add3A] : memref<10000xi32, #tpu.memory_space<hbm>> -> memref<16xi32, #tpu.memory_space<hbm>>
        tpu.wait_dma2 semaphore(%run_scoped3A : memref<!tpu.dma_semaphore, #tpu.memory_space<semaphore_mem>>) src(%dma_wait3A_37 : memref<16xi32, #tpu.memory_space<hbm>>) dst(%arg5 : memref<16xi32, #tpu.memory_space<vmem>>)
        tpu.yield
      }) : () -> ()
      %mul3A_32 = arith.constant 10000 : i32
      %mul3A_33 = arith.muli %arg0, %mul3A_32 : i32
      %add3A_34 = arith.addi %mul3A_33, %add3A : i32
      "tpu.region"() ({
        %run_scoped3A = tpu.sem_alloc : memref<!tpu.dma_semaphore, #tpu.memory_space<semaphore_mem>>
        %dma_start3A = arith.constant 0 : i32
        %dma_start3A_36 = tpu.memref_slice %arg2[%add3A_34, %dma_start3A] : memref<20000x128xf32, #tpu.memory_space<hbm>> -> memref<16x128xf32, #tpu.memory_space<hbm>>
        %dma_start3A_37 = arith.constant 0 : i32
        %dma_start3A_38 = tpu.memref_slice %arg2[%add3A_34, %dma_start3A_37] : memref<20000x128xf32, #tpu.memory_space<hbm>> -> memref<16x128xf32, #tpu.memory_space<hbm>>
        tpu.enqueue_dma source(%dma_start3A_38 : memref<16x128xf32, #tpu.memory_space<hbm>>) target(%arg7 : memref<16x128xf32, #tpu.memory_space<vmem>>) target_semaphore(%run_scoped3A : memref<!tpu.dma_semaphore, #tpu.memory_space<semaphore_mem>>)
        %dma_wait3A = arith.constant 0 : i32
        %dma_wait3A_39 = tpu.memref_slice %arg2[%add3A_34, %dma_wait3A] : memref<20000x128xf32, #tpu.memory_space<hbm>> -> memref<16x128xf32, #tpu.memory_space<hbm>>
        %dma_wait3A_40 = arith.constant 0 : i32
        %dma_wait3A_41 = tpu.memref_slice %arg2[%add3A_34, %dma_wait3A_40] : memref<20000x128xf32, #tpu.memory_space<hbm>> -> memref<16x128xf32, #tpu.memory_space<hbm>>
        tpu.wait_dma2 semaphore(%run_scoped3A : memref<!tpu.dma_semaphore, #tpu.memory_space<semaphore_mem>>) src(%dma_wait3A_41 : memref<16x128xf32, #tpu.memory_space<hbm>>) dst(%arg7 : memref<16x128xf32, #tpu.memory_space<vmem>>)
        tpu.yield
      }) : () -> ()
      "tpu.region"() ({
        %run_scoped3A = tpu.sem_alloc : memref<!tpu.dma_semaphore, #tpu.memory_space<semaphore_mem>>
        %dma_start3A = arith.constant 0 : i32
        %dma_start3A_36 = arith.constant 0 : i32
        %dma_start3A_37 = tpu.memref_slice %arg9[%dma_start3A, %dma_start3A_36] : memref<64x128xf32, #tpu.memory_space<vmem_shared>> -> memref<64x128xf32, #tpu.memory_space<vmem_shared>>
        tpu.enqueue_indirect_dma source(%arg7 : memref<16x128xf32, #tpu.memory_space<vmem>>) target(%dma_start3A_37 : memref<64x128xf32, #tpu.memory_space<vmem_shared>>) offsets(%arg5 : memref<16xi32, #tpu.memory_space<vmem>>) semaphore(%run_scoped3A : memref<!tpu.dma_semaphore, #tpu.memory_space<semaphore_mem>>) {add = true}
        %dma_wait3A = arith.constant 0 : i32
        %dma_wait3A_38 = arith.constant 0 : i32
        %dma_wait3A_39 = tpu.memref_slice %arg9[%dma_wait3A, %dma_wait3A_38] : memref<64x128xf32, #tpu.memory_space<vmem_shared>> -> memref<64x128xf32, #tpu.memory_space<vmem_shared>>
        tpu.wait_indirect_dma semaphore(%run_scoped3A : memref<!tpu.dma_semaphore, #tpu.memory_space<semaphore_mem>>) src(%arg7 : memref<16x128xf32, #tpu.memory_space<vmem>>) dst(%dma_wait3A_39 : memref<64x128xf32, #tpu.memory_space<vmem_shared>>)
        tpu.yield
      }) : () -> ()
      %while3A_35 = arith.constant 0 : i32
      scf.yield %while3A_35 : i32
    }
    %while3A_20 = arith.constant 1 : i32
    %while3A_21 = scf.for %while3A_28 = %while3A_17 to %while3A_13 step %while3A_20 iter_args(%while3A_29 = %while3A_19) -> (i32)  : i32 {
      %mul3A_30 = arith.constant 16 : i32
      %mul3A_31 = arith.muli %while3A_28, %mul3A_30 : i32
      %add3A = arith.addi %mul3A_8, %mul3A_31 : i32
      "tpu.region"() ({
        %run_scoped3A = tpu.sem_alloc : memref<!tpu.dma_semaphore, #tpu.memory_space<semaphore_mem>>
        %dma_start3A = tpu.memref_slice %arg3[%add3A] : memref<10000xi32, #tpu.memory_space<hbm>> -> memref<16xi32, #tpu.memory_space<hbm>>
        %dma_start3A_36 = tpu.memref_slice %arg3[%add3A] : memref<10000xi32, #tpu.memory_space<hbm>> -> memref<16xi32, #tpu.memory_space<hbm>>
        tpu.enqueue_dma source(%dma_start3A_36 : memref<16xi32, #tpu.memory_space<hbm>>) target(%arg5 : memref<16xi32, #tpu.memory_space<vmem>>) target_semaphore(%run_scoped3A : memref<!tpu.dma_semaphore, #tpu.memory_space<semaphore_mem>>)
        %dma_wait3A = tpu.memref_slice %arg3[%add3A] : memref<10000xi32, #tpu.memory_space<hbm>> -> memref<16xi32, #tpu.memory_space<hbm>>
        %dma_wait3A_37 = tpu.memref_slice %arg3[%add3A] : memref<10000xi32, #tpu.memory_space<hbm>> -> memref<16xi32, #tpu.memory_space<hbm>>
        tpu.wait_dma2 semaphore(%run_scoped3A : memref<!tpu.dma_semaphore, #tpu.memory_space<semaphore_mem>>) src(%dma_wait3A_37 : memref<16xi32, #tpu.memory_space<hbm>>) dst(%arg5 : memref<16xi32, #tpu.memory_space<vmem>>)
        tpu.yield
      }) : () -> ()
      %mul3A_32 = arith.constant 10000 : i32
      %mul3A_33 = arith.muli %arg0, %mul3A_32 : i32
      %add3A_34 = arith.addi %mul3A_33, %add3A : i32
      "tpu.region"() ({
        %run_scoped3A = tpu.sem_alloc : memref<!tpu.dma_semaphore, #tpu.memory_space<semaphore_mem>>
        %dma_start3A = arith.constant 0 : i32
        %dma_start3A_36 = tpu.memref_slice %arg2[%add3A_34, %dma_start3A] : memref<20000x128xf32, #tpu.memory_space<hbm>> -> memref<16x128xf32, #tpu.memory_space<hbm>>
        %dma_start3A_37 = arith.constant 0 : i32
        %dma_start3A_38 = tpu.memref_slice %arg2[%add3A_34, %dma_start3A_37] : memref<20000x128xf32, #tpu.memory_space<hbm>> -> memref<16x128xf32, #tpu.memory_space<hbm>>
        tpu.enqueue_dma source(%dma_start3A_38 : memref<16x128xf32, #tpu.memory_space<hbm>>) target(%arg7 : memref<16x128xf32, #tpu.memory_space<vmem>>) target_semaphore(%run_scoped3A : memref<!tpu.dma_semaphore, #tpu.memory_space<semaphore_mem>>)
        %dma_wait3A = arith.constant 0 : i32
        %dma_wait3A_39 = tpu.memref_slice %arg2[%add3A_34, %dma_wait3A] : memref<20000x128xf32, #tpu.memory_space<hbm>> -> memref<16x128xf32, #tpu.memory_space<hbm>>
        %dma_wait3A_40 = arith.constant 0 : i32
        %dma_wait3A_41 = tpu.memref_slice %arg2[%add3A_34, %dma_wait3A_40] : memref<20000x128xf32, #tpu.memory_space<hbm>> -> memref<16x128xf32, #tpu.memory_space<hbm>>
        tpu.wait_dma2 semaphore(%run_scoped3A : memref<!tpu.dma_semaphore, #tpu.memory_space<semaphore_mem>>) src(%dma_wait3A_41 : memref<16x128xf32, #tpu.memory_space<hbm>>) dst(%arg7 : memref<16x128xf32, #tpu.memory_space<vmem>>)
        tpu.yield
      }) : () -> ()
      "tpu.region"() ({
        %run_scoped3A = tpu.sem_alloc : memref<!tpu.dma_semaphore, #tpu.memory_space<semaphore_mem>>
        %dma_start3A = arith.constant 0 : i32
        %dma_start3A_36 = arith.constant 0 : i32
        %dma_start3A_37 = tpu.memref_slice %arg9[%dma_start3A, %dma_start3A_36] : memref<64x128xf32, #tpu.memory_space<vmem_shared>> -> memref<64x128xf32, #tpu.memory_space<vmem_shared>>
        tpu.enqueue_indirect_dma source(%arg7 : memref<16x128xf32, #tpu.memory_space<vmem>>) target(%dma_start3A_37 : memref<64x128xf32, #tpu.memory_space<vmem_shared>>) offsets(%arg5 : memref<16xi32, #tpu.memory_space<vmem>>) semaphore(%run_scoped3A : memref<!tpu.dma_semaphore, #tpu.memory_space<semaphore_mem>>) {add = true}
        %dma_wait3A = arith.constant 0 : i32
        %dma_wait3A_38 = arith.constant 0 : i32
        %dma_wait3A_39 = tpu.memref_slice %arg9[%dma_wait3A, %dma_wait3A_38] : memref<64x128xf32, #tpu.memory_space<vmem_shared>> -> memref<64x128xf32, #tpu.memory_space<vmem_shared>>
        tpu.wait_indirect_dma semaphore(%run_scoped3A : memref<!tpu.dma_semaphore, #tpu.memory_space<semaphore_mem>>) src(%arg7 : memref<16x128xf32, #tpu.memory_space<vmem>>) dst(%dma_wait3A_39 : memref<64x128xf32, #tpu.memory_space<vmem_shared>>)
        tpu.yield
      }) : () -> ()
      %while3A_35 = arith.constant 0 : i32
      scf.yield %while3A_35 : i32
    }
    %barrier3A_22 = arith.constant 0 : index
    tpu.barrier barrier_id(%barrier3A_22)
    %lt3A_23 = arith.constant 4 : i32
    %lt3A_24 = arith.cmpi slt, %arg1, %lt3A_23 : i32
    %convert_element_type3A_25 = arith.extui %lt3A_24 : i1 to i32
    %cond3A_26 = arith.constant 0 : i32
    %cond3A_27 = arith.cmpi ne, %convert_element_type3A_25, %cond3A_26 : i32
    scf.if %cond3A_27 {
      %dma_start3A = arith.constant 0 : i32
      %dma_start3A_28 = arith.constant 0 : i32
      %dma_start3A_29 = tpu.memref_slice %arg9[%dma_start3A, %dma_start3A_28] : memref<64x128xf32, #tpu.memory_space<vmem_shared>> -> memref<64x128xf32, #tpu.memory_space<vmem_shared>>
      tpu.enqueue_indirect_dma source(%dma_start3A_29 : memref<64x128xf32, #tpu.memory_space<vmem_shared>>) target(%arg8 : memref<16x128xf32, #tpu.memory_space<vmem>>) offsets(%arg6 : memref<16xi32, #tpu.memory_space<vmem>>) semaphore(%arg10 : memref<!tpu.dma_semaphore, #tpu.memory_space<semaphore_mem>>)
      %dma_wait3A = arith.constant 0 : i32
      %dma_wait3A_30 = arith.constant 0 : i32
      %dma_wait3A_31 = tpu.memref_slice %arg9[%dma_wait3A, %dma_wait3A_30] : memref<64x128xf32, #tpu.memory_space<vmem_shared>> -> memref<64x128xf32, #tpu.memory_space<vmem_shared>>
      tpu.wait_indirect_dma semaphore(%arg10 : memref<!tpu.dma_semaphore, #tpu.memory_space<semaphore_mem>>) src(%dma_wait3A_31 : memref<64x128xf32, #tpu.memory_space<vmem_shared>>) dst(%arg8 : memref<16x128xf32, #tpu.memory_space<vmem>>)
      %mul3A_32 = arith.constant 64 : i32
      %mul3A_33 = arith.muli %arg0, %mul3A_32 : i32
      %mul3A_34 = arith.constant 16 : i32
      %mul3A_35 = arith.muli %arg1, %mul3A_34 : i32
      %add3A = arith.addi %mul3A_33, %mul3A_35 : i32
      "tpu.region"() ({
        %run_scoped3A = tpu.sem_alloc : memref<!tpu.dma_semaphore, #tpu.memory_space<semaphore_mem>>
        %dma_start3A_36 = arith.constant 0 : i32
        %dma_start3A_37 = tpu.memref_slice %arg4[%add3A, %dma_start3A_36] : memref<128x128xf32, #tpu.memory_space<hbm>> -> memref<16x128xf32, #tpu.memory_space<hbm>>
        %dma_start3A_38 = arith.constant 0 : i32
        %dma_start3A_39 = tpu.memref_slice %arg4[%add3A, %dma_start3A_38] : memref<128x128xf32, #tpu.memory_space<hbm>> -> memref<16x128xf32, #tpu.memory_space<hbm>>
        tpu.enqueue_dma source(%arg8 : memref<16x128xf32, #tpu.memory_space<vmem>>) target(%dma_start3A_39 : memref<16x128xf32, #tpu.memory_space<hbm>>) target_semaphore(%run_scoped3A : memref<!tpu.dma_semaphore, #tpu.memory_space<semaphore_mem>>)
        %dma_wait3A_40 = arith.constant 0 : i32
        %dma_wait3A_41 = tpu.memref_slice %arg4[%add3A, %dma_wait3A_40] : memref<128x128xf32, #tpu.memory_space<hbm>> -> memref<16x128xf32, #tpu.memory_space<hbm>>
        %dma_wait3A_42 = arith.constant 0 : i32
        %dma_wait3A_43 = tpu.memref_slice %arg4[%add3A, %dma_wait3A_42] : memref<128x128xf32, #tpu.memory_space<hbm>> -> memref<16x128xf32, #tpu.memory_space<hbm>>
        tpu.wait_dma2 semaphore(%run_scoped3A : memref<!tpu.dma_semaphore, #tpu.memory_space<semaphore_mem>>) src(%arg8 : memref<16x128xf32, #tpu.memory_space<vmem>>) dst(%dma_wait3A_43 : memref<16x128xf32, #tpu.memory_space<hbm>>)
        tpu.yield
      }) : () -> ()
    } else {
    }
    return
  }
}

module attributes {stable_mosaic.version = 14 : i64} {
  func.func @_tc_mid_body(%arg0: i32, %arg1: i32, %arg2: memref<2x2000x128xf32, #tpu.memory_space<vmem>>, %arg3: memref<2000x1xf32, #tpu.memory_space<vmem>>, %arg4: memref<1x256xf32, #tpu.memory_space<vmem>>, %arg5: memref<1x256xf32, #tpu.memory_space<vmem>>, %arg6: memref<1x256xf32, #tpu.memory_space<vmem>>, %arg7: memref<256x256xf32, #tpu.memory_space<vmem>>, %arg8: memref<2x2000x128xf32, #tpu.memory_space<vmem>>, %arg9: memref<8x128xf32, #tpu.memory_space<vmem>>) attributes {dimension_semantics = [#tpu.dimension_semantics<arbitrary>, #tpu.dimension_semantics<arbitrary>], iteration_bounds = array<i64: 2, 5>, scalar_prefetch = 0 : i64, scratch_operands = 1 : i64, tpu.core_type = #tpu.core_type<tc>, window_params = [{transform_indices = @transform_0, window_bounds = array<i64: 2, 2000, 128>}, {transform_indices = @transform_1, window_bounds = array<i64: 2000, 1>}, {pipeline_mode = #tpu.pipeline_mode<synchronous>, transform_indices = @transform_2, window_bounds = array<i64: 1, 256>}, {pipeline_mode = #tpu.pipeline_mode<synchronous>, transform_indices = @transform_3, window_bounds = array<i64: 1, 256>}, {pipeline_mode = #tpu.pipeline_mode<synchronous>, transform_indices = @transform_4, window_bounds = array<i64: 1, 256>}, {pipeline_mode = #tpu.pipeline_mode<synchronous>, transform_indices = @transform_5, window_bounds = array<i64: 256, 256>}, {transform_indices = @transform_6, window_bounds = array<i64: 2, 2000, 128>}]} {
    %get3A = arith.constant 0 : index
    %get3A_0 = arith.constant 0 : index
    %get3A_1 = vector.load %arg3[%get3A, %get3A_0] : memref<2000x1xf32, #tpu.memory_space<vmem>>, vector<2000x1xf32>
    %get3A_2 = arith.constant 0 : index
    %get3A_3 = arith.constant 0 : index
    %get3A_4 = arith.constant 0 : index
    %get3A_5 = vector.load %arg2[%get3A_2, %get3A_3, %get3A_4] : memref<2x2000x128xf32, #tpu.memory_space<vmem>>, vector<1x2000x128xf32>
    %get3A_6 = vector.shape_cast %get3A_5 : vector<1x2000x128xf32> to vector<2000x128xf32>
    %mul3A = vector.broadcast %get3A_1 : vector<2000x1xf32> to vector<2000x128xf32>
    %mul3A_7 = arith.mulf %mul3A, %get3A_6 : vector<2000x128xf32>
    %get3A_8 = arith.constant 0 : index
    %get3A_9 = arith.constant 0 : index
    %get3A_10 = vector.load %arg4[%get3A_8, %get3A_9] : memref<1x256xf32, #tpu.memory_space<vmem>>, vector<1x128xf32>
    %add3A = vector.broadcast %get3A_10 : vector<1x128xf32> to vector<2000x128xf32>
    %add3A_11 = arith.addf %mul3A_7, %add3A : vector<2000x128xf32>
    %get3A_12 = arith.constant 1 : index
    %get3A_13 = arith.constant 0 : index
    %get3A_14 = arith.constant 0 : index
    %get3A_15 = vector.load %arg2[%get3A_12, %get3A_13, %get3A_14] : memref<2x2000x128xf32, #tpu.memory_space<vmem>>, vector<1x2000x128xf32>
    %get3A_16 = vector.shape_cast %get3A_15 : vector<1x2000x128xf32> to vector<2000x128xf32>
    %mul3A_17 = vector.broadcast %get3A_1 : vector<2000x1xf32> to vector<2000x128xf32>
    %mul3A_18 = arith.mulf %mul3A_17, %get3A_16 : vector<2000x128xf32>
    %get3A_19 = arith.constant 0 : index
    %get3A_20 = arith.constant 128 : index
    %get3A_21 = vector.load %arg4[%get3A_19, %get3A_20] : memref<1x256xf32, #tpu.memory_space<vmem>>, vector<1x128xf32>
    %add3A_22 = vector.broadcast %get3A_21 : vector<1x128xf32> to vector<2000x128xf32>
    %add3A_23 = arith.addf %mul3A_18, %add3A_22 : vector<2000x128xf32>
    %max3A = arith.constant 0.000000e+00 : f32
    %max3A_24 = vector.broadcast %max3A : f32 to vector<2000x128xf32>
    %max3A_25 = arith.maximumf %add3A_11, %max3A_24 : vector<2000x128xf32>
    %max3A_26 = arith.constant 0.000000e+00 : f32
    %max3A_27 = vector.broadcast %max3A_26 : f32 to vector<2000x128xf32>
    %max3A_28 = arith.maximumf %add3A_23, %max3A_27 : vector<2000x128xf32>
    %eq3A = arith.constant 0 : i32
    %eq3A_29 = arith.cmpi eq, %arg0, %eq3A : i32
    %eq3A_30 = arith.constant 0 : i32
    %eq3A_31 = arith.cmpi eq, %arg1, %eq3A_30 : i32
    %and3A = arith.andi %eq3A_29, %eq3A_31 : i1
    %convert_element_type3A = arith.extui %and3A : i1 to i32
    %cond3A = arith.constant 0 : i32
    %cond3A_32 = arith.cmpi ne, %convert_element_type3A, %cond3A : i32
    scf.if %cond3A_32 {
      %broadcast_in_dim3A = arith.constant 0.000000e+00 : f32
      %broadcast_in_dim3A_48 = vector.broadcast %broadcast_in_dim3A : f32 to vector<8x128xf32>
      %swap3A = arith.constant 0 : index
      %swap3A_49 = arith.constant 0 : index
      %swap3A_50 = vector.load %arg9[%swap3A, %swap3A_49] : memref<8x128xf32, #tpu.memory_space<vmem>>, vector<8x128xf32>
      tpu.vector_store %arg9[%swap3A, %swap3A_49], %broadcast_in_dim3A_48 {strides = array<i32>} : memref<8x128xf32, #tpu.memory_space<vmem>>, vector<8x128xf32>,
    } else {
    }
    %eq3A_33 = arith.constant 0 : i32
    %eq3A_34 = arith.cmpi eq, %arg0, %eq3A_33 : i32
    %convert_element_type3A_35 = arith.extui %eq3A_34 : i1 to i32
    %cond3A_36 = arith.constant 0 : i32
    %cond3A_37 = arith.cmpi ne, %convert_element_type3A_35, %cond3A_36 : i32
    scf.if %cond3A_37 {
      %get3A_48 = arith.constant 0 : index
      %get3A_49 = arith.constant 0 : index
      %get3A_50 = vector.load %arg9[%get3A_48, %get3A_49] : memref<8x128xf32, #tpu.memory_space<vmem>>, vector<1x128xf32>
      %reduce_sum3A = arith.constant dense<0.000000e+00> : vector<128xf32>
      %reduce_sum3A_51 = vector.multi_reduction <add>, %max3A_25, %reduce_sum3A [0] : vector<2000x128xf32> to vector<128xf32>
      %broadcast_in_dim3A = vector.shape_cast %reduce_sum3A_51 : vector<128xf32> to vector<1x128xf32>
      %add3A_52 = arith.addf %get3A_50, %broadcast_in_dim3A : vector<1x128xf32>
      %swap3A = arith.constant 0 : index
      %swap3A_53 = arith.constant 0 : index
      %swap3A_54 = vector.load %arg9[%swap3A, %swap3A_53] : memref<8x128xf32, #tpu.memory_space<vmem>>, vector<1x128xf32>
      tpu.vector_store %arg9[%swap3A, %swap3A_53], %add3A_52 {strides = array<i32>} : memref<8x128xf32, #tpu.memory_space<vmem>>, vector<1x128xf32>,
      %get3A_55 = arith.constant 1 : index
      %get3A_56 = arith.constant 0 : index
      %get3A_57 = vector.load %arg9[%get3A_55, %get3A_56] : memref<8x128xf32, #tpu.memory_space<vmem>>, vector<1x128xf32>
      %reduce_sum3A_58 = arith.constant dense<0.000000e+00> : vector<128xf32>
      %reduce_sum3A_59 = vector.multi_reduction <add>, %max3A_28, %reduce_sum3A_58 [0] : vector<2000x128xf32> to vector<128xf32>
      %broadcast_in_dim3A_60 = vector.shape_cast %reduce_sum3A_59 : vector<128xf32> to vector<1x128xf32>
      %add3A_61 = arith.addf %get3A_57, %broadcast_in_dim3A_60 : vector<1x128xf32>
      %swap3A_62 = arith.constant 1 : index
      %swap3A_63 = arith.constant 0 : index
      %swap3A_64 = vector.load %arg9[%swap3A_62, %swap3A_63] : memref<8x128xf32, #tpu.memory_space<vmem>>, vector<1x128xf32>
      tpu.vector_store %arg9[%swap3A_62, %swap3A_63], %add3A_61 {strides = array<i32>} : memref<8x128xf32, #tpu.memory_space<vmem>>, vector<1x128xf32>,
      %get3A_65 = arith.constant 2 : index
      %get3A_66 = arith.constant 0 : index
      %get3A_67 = vector.load %arg9[%get3A_65, %get3A_66] : memref<8x128xf32, #tpu.memory_space<vmem>>, vector<1x128xf32>
      %mul3A_68 = arith.mulf %max3A_25, %max3A_25 : vector<2000x128xf32>
      %reduce_sum3A_69 = arith.constant dense<0.000000e+00> : vector<128xf32>
      %reduce_sum3A_70 = vector.multi_reduction <add>, %mul3A_68, %reduce_sum3A_69 [0] : vector<2000x128xf32> to vector<128xf32>
      %broadcast_in_dim3A_71 = vector.shape_cast %reduce_sum3A_70 : vector<128xf32> to vector<1x128xf32>
      %add3A_72 = arith.addf %get3A_67, %broadcast_in_dim3A_71 : vector<1x128xf32>
      %swap3A_73 = arith.constant 2 : index
      %swap3A_74 = arith.constant 0 : index
      %swap3A_75 = vector.load %arg9[%swap3A_73, %swap3A_74] : memref<8x128xf32, #tpu.memory_space<vmem>>, vector<1x128xf32>
      tpu.vector_store %arg9[%swap3A_73, %swap3A_74], %add3A_72 {strides = array<i32>} : memref<8x128xf32, #tpu.memory_space<vmem>>, vector<1x128xf32>,
      %get3A_76 = arith.constant 3 : index
      %get3A_77 = arith.constant 0 : index
      %get3A_78 = vector.load %arg9[%get3A_76, %get3A_77] : memref<8x128xf32, #tpu.memory_space<vmem>>, vector<1x128xf32>
      %mul3A_79 = arith.mulf %max3A_28, %max3A_28 : vector<2000x128xf32>
      %reduce_sum3A_80 = arith.constant dense<0.000000e+00> : vector<128xf32>
      %reduce_sum3A_81 = vector.multi_reduction <add>, %mul3A_79, %reduce_sum3A_80 [0] : vector<2000x128xf32> to vector<128xf32>
      %broadcast_in_dim3A_82 = vector.shape_cast %reduce_sum3A_81 : vector<128xf32> to vector<1x128xf32>
      %add3A_83 = arith.addf %get3A_78, %broadcast_in_dim3A_82 : vector<1x128xf32>
      %swap3A_84 = arith.constant 3 : index
      %swap3A_85 = arith.constant 0 : index
      %swap3A_86 = vector.load %arg9[%swap3A_84, %swap3A_85] : memref<8x128xf32, #tpu.memory_space<vmem>>, vector<1x128xf32>
      tpu.vector_store %arg9[%swap3A_84, %swap3A_85], %add3A_83 {strides = array<i32>} : memref<8x128xf32, #tpu.memory_space<vmem>>, vector<1x128xf32>,
    } else {
    }
    %eq3A_38 = arith.constant 0 : i32
    %eq3A_39 = arith.cmpi eq, %arg0, %eq3A_38 : i32
    %convert_element_type3A_40 = arith.extui %eq3A_39 : i1 to i32
    %cond3A_41 = arith.constant 0 : i32
    %cond3A_42 = arith.cmpi ne, %convert_element_type3A_40, %cond3A_41 : i32
    scf.if %cond3A_42 {
      %swap3A = arith.constant 0 : index
      %swap3A_48 = arith.constant 0 : index
      %swap3A_49 = arith.constant 0 : index
      %swap3A_50 = vector.load %arg8[%swap3A, %swap3A_48, %swap3A_49] : memref<2x2000x128xf32, #tpu.memory_space<vmem>>, vector<1x2000x128xf32>
      %swap3A_51 = vector.shape_cast %swap3A_50 : vector<1x2000x128xf32> to vector<2000x128xf32>
      %swap3A_52 = vector.shape_cast %max3A_25 : vector<2000x128xf32> to vector<1x2000x128xf32>
      tpu.vector_store %arg8[%swap3A, %swap3A_48, %swap3A_49], %swap3A_52 {strides = array<i32>} : memref<2x2000x128xf32, #tpu.memory_space<vmem>>, vector<1x2000x128xf32>,
      %swap3A_53 = arith.constant 1 : index
      %swap3A_54 = arith.constant 0 : index
      %swap3A_55 = arith.constant 0 : index
      %swap3A_56 = vector.load %arg8[%swap3A_53, %swap3A_54, %swap3A_55] : memref<2x2000x128xf32, #tpu.memory_space<vmem>>, vector<1x2000x128xf32>
      %swap3A_57 = vector.shape_cast %swap3A_56 : vector<1x2000x128xf32> to vector<2000x128xf32>
      %swap3A_58 = vector.shape_cast %max3A_28 : vector<2000x128xf32> to vector<1x2000x128xf32>
      tpu.vector_store %arg8[%swap3A_53, %swap3A_54, %swap3A_55], %swap3A_58 {strides = array<i32>} : memref<2x2000x128xf32, #tpu.memory_space<vmem>>, vector<1x2000x128xf32>,
    } else {
    }
    %eq3A_43 = arith.constant 1 : i32
    %eq3A_44 = arith.cmpi eq, %arg0, %eq3A_43 : i32
    %convert_element_type3A_45 = arith.extui %eq3A_44 : i1 to i32
    %cond3A_46 = arith.constant 0 : i32
    %cond3A_47 = arith.cmpi ne, %convert_element_type3A_45, %cond3A_46 : i32
    scf.if %cond3A_47 {
      %get3A_48 = arith.constant 0 : index
      %get3A_49 = arith.constant 0 : index
      %get3A_50 = vector.load %arg9[%get3A_48, %get3A_49] : memref<8x128xf32, #tpu.memory_space<vmem>>, vector<8x128xf32>
      %slice3A = vector.extract_strided_slice %get3A_50 {offsets = [0, 0], sizes = [1, 128], strides = [1, 1]} : vector<8x128xf32> to vector<1x128xf32>
      %mul3A_51 = arith.constant 9.99999974E-5 : f32
      %mul3A_52 = vector.broadcast %mul3A_51 : f32 to vector<1x128xf32>
      %mul3A_53 = arith.mulf %slice3A, %mul3A_52 : vector<1x128xf32>
      %slice3A_54 = vector.extract_strided_slice %get3A_50 {offsets = [1, 0], sizes = [1, 128], strides = [1, 1]} : vector<8x128xf32> to vector<1x128xf32>
      %mul3A_55 = arith.constant 9.99999974E-5 : f32
      %mul3A_56 = vector.broadcast %mul3A_55 : f32 to vector<1x128xf32>
      %mul3A_57 = arith.mulf %slice3A_54, %mul3A_56 : vector<1x128xf32>
      %slice3A_58 = vector.extract_strided_slice %get3A_50 {offsets = [2, 0], sizes = [1, 128], strides = [1, 1]} : vector<8x128xf32> to vector<1x128xf32>
      %mul3A_59 = arith.constant 9.99999974E-5 : f32
      %mul3A_60 = vector.broadcast %mul3A_59 : f32 to vector<1x128xf32>
      %mul3A_61 = arith.mulf %slice3A_58, %mul3A_60 : vector<1x128xf32>
      %mul3A_62 = arith.mulf %mul3A_53, %mul3A_53 : vector<1x128xf32>
      %sub3A = arith.subf %mul3A_61, %mul3A_62 : vector<1x128xf32>
      %slice3A_63 = vector.extract_strided_slice %get3A_50 {offsets = [3, 0], sizes = [1, 128], strides = [1, 1]} : vector<8x128xf32> to vector<1x128xf32>
      %mul3A_64 = arith.constant 9.99999974E-5 : f32
      %mul3A_65 = vector.broadcast %mul3A_64 : f32 to vector<1x128xf32>
      %mul3A_66 = arith.mulf %slice3A_63, %mul3A_65 : vector<1x128xf32>
      %mul3A_67 = arith.mulf %mul3A_57, %mul3A_57 : vector<1x128xf32>
      %sub3A_68 = arith.subf %mul3A_66, %mul3A_67 : vector<1x128xf32>
      %get3A_69 = arith.constant 0 : index
      %get3A_70 = arith.constant 0 : index
      %get3A_71 = vector.load %arg5[%get3A_69, %get3A_70] : memref<1x256xf32, #tpu.memory_space<vmem>>, vector<1x128xf32>
      %sub3A_72 = vector.broadcast %mul3A_53 : vector<1x128xf32> to vector<2000x128xf32>
      %sub3A_73 = arith.subf %max3A_25, %sub3A_72 : vector<2000x128xf32>
      %mul3A_74 = vector.broadcast %get3A_71 : vector<1x128xf32> to vector<2000x128xf32>
      %mul3A_75 = arith.mulf %mul3A_74, %sub3A_73 : vector<2000x128xf32>
      %add3A_76 = arith.constant 9.99999974E-6 : f32
      %add3A_77 = vector.broadcast %add3A_76 : f32 to vector<1x128xf32>
      %add3A_78 = arith.addf %sub3A, %add3A_77 : vector<1x128xf32>
      %rsqrt3A = math.rsqrt %add3A_78 : vector<1x128xf32>
      %mul3A_79 = vector.broadcast %rsqrt3A : vector<1x128xf32> to vector<2000x128xf32>
      %mul3A_80 = arith.mulf %mul3A_75, %mul3A_79 : vector<2000x128xf32>
      %get3A_81 = arith.constant 0 : index
      %get3A_82 = arith.constant 0 : index
      %get3A_83 = vector.load %arg6[%get3A_81, %get3A_82] : memref<1x256xf32, #tpu.memory_space<vmem>>, vector<1x128xf32>
      %add3A_84 = vector.broadcast %get3A_83 : vector<1x128xf32> to vector<2000x128xf32>
      %add3A_85 = arith.addf %mul3A_80, %add3A_84 : vector<2000x128xf32>
      %get3A_86 = arith.constant 0 : index
      %get3A_87 = arith.constant 128 : index
      %get3A_88 = vector.load %arg5[%get3A_86, %get3A_87] : memref<1x256xf32, #tpu.memory_space<vmem>>, vector<1x128xf32>
      %sub3A_89 = vector.broadcast %mul3A_57 : vector<1x128xf32> to vector<2000x128xf32>
      %sub3A_90 = arith.subf %max3A_28, %sub3A_89 : vector<2000x128xf32>
      %mul3A_91 = vector.broadcast %get3A_88 : vector<1x128xf32> to vector<2000x128xf32>
      %mul3A_92 = arith.mulf %mul3A_91, %sub3A_90 : vector<2000x128xf32>
      %add3A_93 = arith.constant 9.99999974E-6 : f32
      %add3A_94 = vector.broadcast %add3A_93 : f32 to vector<1x128xf32>
      %add3A_95 = arith.addf %sub3A_68, %add3A_94 : vector<1x128xf32>
      %rsqrt3A_96 = math.rsqrt %add3A_95 : vector<1x128xf32>
      %mul3A_97 = vector.broadcast %rsqrt3A_96 : vector<1x128xf32> to vector<2000x128xf32>
      %mul3A_98 = arith.mulf %mul3A_92, %mul3A_97 : vector<2000x128xf32>
      %get3A_99 = arith.constant 0 : index
      %get3A_100 = arith.constant 128 : index
      %get3A_101 = vector.load %arg6[%get3A_99, %get3A_100] : memref<1x256xf32, #tpu.memory_space<vmem>>, vector<1x128xf32>
      %add3A_102 = vector.broadcast %get3A_101 : vector<1x128xf32> to vector<2000x128xf32>
      %add3A_103 = arith.addf %mul3A_98, %add3A_102 : vector<2000x128xf32>
      %get3A_104 = arith.constant 0 : index
      %get3A_105 = arith.constant 0 : index
      %get3A_106 = vector.load %arg7[%get3A_104, %get3A_105] : memref<256x256xf32, #tpu.memory_space<vmem>>, vector<256x256xf32>
      %slice3A_107 = vector.extract_strided_slice %get3A_106 {offsets = [0, 0], sizes = [128, 256], strides = [1, 1]} : vector<256x256xf32> to vector<128x256xf32>
      %dot_general3A = arith.constant dense<0.000000e+00> : vector<2000x256xf32>
      %dot_general3A_108 = tpu.matmul %add3A_85, %slice3A_107, %dot_general3A {dimension_numbers = #tpu.dot_dimension_numbers<[1], [0], [0], [1], [0, 0, 1, 1], [], []>, precision = #tpu.contract_precision<fp32>, transpose_lhs_hint = false} : vector<2000x128xf32>, vector<128x256xf32>, vector<2000x256xf32> -> vector<2000x256xf32>
      %slice3A_109 = vector.extract_strided_slice %get3A_106 {offsets = [128, 0], sizes = [128, 256], strides = [1, 1]} : vector<256x256xf32> to vector<128x256xf32>
      %dot_general3A_110 = arith.constant dense<0.000000e+00> : vector<2000x256xf32>
      %dot_general3A_111 = tpu.matmul %add3A_103, %slice3A_109, %dot_general3A_110 {dimension_numbers = #tpu.dot_dimension_numbers<[1], [0], [0], [1], [0, 0, 1, 1], [], []>, precision = #tpu.contract_precision<fp32>, transpose_lhs_hint = false} : vector<2000x128xf32>, vector<128x256xf32>, vector<2000x256xf32> -> vector<2000x256xf32>
      %add3A_112 = arith.addf %dot_general3A_108, %dot_general3A_111 : vector<2000x256xf32>
      %slice3A_113 = vector.extract_strided_slice %add3A_112 {offsets = [0, 0], sizes = [2000, 128], strides = [1, 1]} : vector<2000x256xf32> to vector<2000x128xf32>
      %mul3A_114 = vector.broadcast %get3A_1 : vector<2000x1xf32> to vector<2000x128xf32>
      %mul3A_115 = arith.mulf %mul3A_114, %slice3A_113 : vector<2000x128xf32>
      %swap3A = arith.constant 0 : index
      %swap3A_116 = arith.constant 0 : index
      %swap3A_117 = arith.constant 0 : index
      %swap3A_118 = vector.load %arg8[%swap3A, %swap3A_116, %swap3A_117] : memref<2x2000x128xf32, #tpu.memory_space<vmem>>, vector<1x2000x128xf32>
      %swap3A_119 = vector.shape_cast %swap3A_118 : vector<1x2000x128xf32> to vector<2000x128xf32>
      %swap3A_120 = vector.shape_cast %mul3A_115 : vector<2000x128xf32> to vector<1x2000x128xf32>
      tpu.vector_store %arg8[%swap3A, %swap3A_116, %swap3A_117], %swap3A_120 {strides = array<i32>} : memref<2x2000x128xf32, #tpu.memory_space<vmem>>, vector<1x2000x128xf32>,
      %slice3A_121 = vector.extract_strided_slice %add3A_112 {offsets = [0, 128], sizes = [2000, 128], strides = [1, 1]} : vector<2000x256xf32> to vector<2000x128xf32>
      %mul3A_122 = vector.broadcast %get3A_1 : vector<2000x1xf32> to vector<2000x128xf32>
      %mul3A_123 = arith.mulf %mul3A_122, %slice3A_121 : vector<2000x128xf32>
      %swap3A_124 = arith.constant 1 : index
      %swap3A_125 = arith.constant 0 : index
      %swap3A_126 = arith.constant 0 : index
      %swap3A_127 = vector.load %arg8[%swap3A_124, %swap3A_125, %swap3A_126] : memref<2x2000x128xf32, #tpu.memory_space<vmem>>, vector<1x2000x128xf32>
      %swap3A_128 = vector.shape_cast %swap3A_127 : vector<1x2000x128xf32> to vector<2000x128xf32>
      %swap3A_129 = vector.shape_cast %mul3A_123 : vector<2000x128xf32> to vector<1x2000x128xf32>
      tpu.vector_store %arg8[%swap3A_124, %swap3A_125, %swap3A_126], %swap3A_129 {strides = array<i32>} : memref<2x2000x128xf32, #tpu.memory_space<vmem>>, vector<1x2000x128xf32>,
    } else {
    }
    return
  }
  func.func @transform_0(%arg0: i32, %arg1: i32) -> (i32, i32, i32) {
    %c0_i32 = arith.constant 0 : i32
    %c0_i32_0 = arith.constant 0 : i32
    %c0_i32_1 = arith.constant 0 : i32
    return %c0_i32, %arg1, %c0_i32_0 : i32, i32, i32
  }
  func.func @transform_1(%arg0: i32, %arg1: i32) -> (i32, i32) {
    %c0_i32 = arith.constant 0 : i32
    %c0_i32_0 = arith.constant 0 : i32
    return %arg1, %c0_i32 : i32, i32
  }
  func.func @transform_2(%arg0: i32, %arg1: i32) -> (i32, i32) {
    %c0_i32 = arith.constant 0 : i32
    %c0_i32_0 = arith.constant 0 : i32
    %c0_i32_1 = arith.constant 0 : i32
    return %c0_i32, %c0_i32_0 : i32, i32
  }
  func.func @transform_3(%arg0: i32, %arg1: i32) -> (i32, i32) {
    %c0_i32 = arith.constant 0 : i32
    %c0_i32_0 = arith.constant 0 : i32
    %c0_i32_1 = arith.constant 0 : i32
    return %c0_i32, %c0_i32_0 : i32, i32
  }
  func.func @transform_4(%arg0: i32, %arg1: i32) -> (i32, i32) {
    %c0_i32 = arith.constant 0 : i32
    %c0_i32_0 = arith.constant 0 : i32
    %c0_i32_1 = arith.constant 0 : i32
    return %c0_i32, %c0_i32_0 : i32, i32
  }
  func.func @transform_5(%arg0: i32, %arg1: i32) -> (i32, i32) {
    %c0_i32 = arith.constant 0 : i32
    %c0_i32_0 = arith.constant 0 : i32
    %c0_i32_1 = arith.constant 0 : i32
    return %c0_i32, %c0_i32_0 : i32, i32
  }
  func.func @transform_6(%arg0: i32, %arg1: i32) -> (i32, i32, i32) {
    %c0_i32 = arith.constant 0 : i32
    %c0_i32_0 = arith.constant 0 : i32
    %c0_i32_1 = arith.constant 0 : i32
    return %c0_i32, %arg1, %c0_i32_0 : i32, i32, i32
  }
}

module attributes {stable_mosaic.version = 14 : i64} {
  func.func @_tc_pre_body(%arg0: i32, %arg1: memref<2000x128xf32, #tpu.memory_space<vmem>>, %arg2: memref<128x256xf32, #tpu.memory_space<vmem>>, %arg3: memref<2x2000x16xf32, #tpu.memory_space<vmem>>, %arg4: memref<2x2000x128xf32, #tpu.memory_space<vmem>>, %arg5: memref<2000x1xf32, #tpu.memory_space<vmem>>) attributes {dimension_semantics = [#tpu.dimension_semantics<arbitrary>], iteration_bounds = array<i64: 5>, scalar_prefetch = 0 : i64, scratch_operands = 0 : i64, tpu.core_type = #tpu.core_type<tc>, window_params = [{transform_indices = @transform_0, window_bounds = array<i64: 2000, 128>}, {pipeline_mode = #tpu.pipeline_mode<synchronous>, transform_indices = @transform_1, window_bounds = array<i64: 128, 256>}, {transform_indices = @transform_2, window_bounds = array<i64: 2, 2000, 16>}, {transform_indices = @transform_3, window_bounds = array<i64: 2, 2000, 128>}, {transform_indices = @transform_4, window_bounds = array<i64: 2000, 1>}]} {
    %get3A = arith.constant 0 : index
    %get3A_0 = arith.constant 0 : index
    %get3A_1 = arith.constant 0 : index
    %get3A_2 = vector.load %arg3[%get3A, %get3A_0, %get3A_1] : memref<2x2000x16xf32, #tpu.memory_space<vmem>>, vector<1x2000x1xf32>
    %get3A_3 = vector.shape_cast %get3A_2 : vector<1x2000x1xf32> to vector<2000x1xf32>
    %get3A_4 = arith.constant 1 : index
    %get3A_5 = arith.constant 0 : index
    %get3A_6 = arith.constant 0 : index
    %get3A_7 = vector.load %arg3[%get3A_4, %get3A_5, %get3A_6] : memref<2x2000x16xf32, #tpu.memory_space<vmem>>, vector<1x2000x1xf32>
    %get3A_8 = vector.shape_cast %get3A_7 : vector<1x2000x1xf32> to vector<2000x1xf32>
    %add3A = arith.addf %get3A_3, %get3A_8 : vector<2000x1xf32>
    %add3A_9 = arith.constant 1.000000e+00 : f32
    %add3A_10 = vector.broadcast %add3A_9 : f32 to vector<2000x1xf32>
    %add3A_11 = arith.addf %add3A, %add3A_10 : vector<2000x1xf32>
    %rsqrt3A = math.rsqrt %add3A_11 : vector<2000x1xf32>
    %get3A_12 = arith.constant 0 : index
    %get3A_13 = arith.constant 0 : index
    %get3A_14 = vector.load %arg1[%get3A_12, %get3A_13] : memref<2000x128xf32, #tpu.memory_space<vmem>>, vector<2000x128xf32>
    %get3A_15 = arith.constant 0 : index
    %get3A_16 = arith.constant 0 : index
    %get3A_17 = vector.load %arg2[%get3A_15, %get3A_16] : memref<128x256xf32, #tpu.memory_space<vmem>>, vector<128x256xf32>
    %dot_general3A = arith.constant dense<0.000000e+00> : vector<2000x256xf32>
    %dot_general3A_18 = tpu.matmul %get3A_14, %get3A_17, %dot_general3A {dimension_numbers = #tpu.dot_dimension_numbers<[1], [0], [0], [1], [0, 0, 1, 1], [], []>, precision = #tpu.contract_precision<fp32>, transpose_lhs_hint = false} : vector<2000x128xf32>, vector<128x256xf32>, vector<2000x256xf32> -> vector<2000x256xf32>
    %slice3A = vector.extract_strided_slice %dot_general3A_18 {offsets = [0, 0], sizes = [2000, 128], strides = [1, 1]} : vector<2000x256xf32> to vector<2000x128xf32>
    %mul3A = vector.broadcast %rsqrt3A : vector<2000x1xf32> to vector<2000x128xf32>
    %mul3A_19 = arith.mulf %mul3A, %slice3A : vector<2000x128xf32>
    %swap3A = arith.constant 0 : index
    %swap3A_20 = arith.constant 0 : index
    %swap3A_21 = arith.constant 0 : index
    %swap3A_22 = vector.load %arg4[%swap3A, %swap3A_20, %swap3A_21] : memref<2x2000x128xf32, #tpu.memory_space<vmem>>, vector<1x2000x128xf32>
    %swap3A_23 = vector.shape_cast %swap3A_22 : vector<1x2000x128xf32> to vector<2000x128xf32>
    %swap3A_24 = vector.shape_cast %mul3A_19 : vector<2000x128xf32> to vector<1x2000x128xf32>
    tpu.vector_store %arg4[%swap3A, %swap3A_20, %swap3A_21], %swap3A_24 {strides = array<i32>} : memref<2x2000x128xf32, #tpu.memory_space<vmem>>, vector<1x2000x128xf32>,
    %slice3A_25 = vector.extract_strided_slice %dot_general3A_18 {offsets = [0, 128], sizes = [2000, 128], strides = [1, 1]} : vector<2000x256xf32> to vector<2000x128xf32>
    %mul3A_26 = vector.broadcast %rsqrt3A : vector<2000x1xf32> to vector<2000x128xf32>
    %mul3A_27 = arith.mulf %mul3A_26, %slice3A_25 : vector<2000x128xf32>
    %swap3A_28 = arith.constant 1 : index
    %swap3A_29 = arith.constant 0 : index
    %swap3A_30 = arith.constant 0 : index
    %swap3A_31 = vector.load %arg4[%swap3A_28, %swap3A_29, %swap3A_30] : memref<2x2000x128xf32, #tpu.memory_space<vmem>>, vector<1x2000x128xf32>
    %swap3A_32 = vector.shape_cast %swap3A_31 : vector<1x2000x128xf32> to vector<2000x128xf32>
    %swap3A_33 = vector.shape_cast %mul3A_27 : vector<2000x128xf32> to vector<1x2000x128xf32>
    tpu.vector_store %arg4[%swap3A_28, %swap3A_29, %swap3A_30], %swap3A_33 {strides = array<i32>} : memref<2x2000x128xf32, #tpu.memory_space<vmem>>, vector<1x2000x128xf32>,
    %swap3A_34 = arith.constant 0 : index
    %swap3A_35 = arith.constant 0 : index
    %swap3A_36 = vector.load %arg5[%swap3A_34, %swap3A_35] : memref<2000x1xf32, #tpu.memory_space<vmem>>, vector<2000x1xf32>
    tpu.vector_store %arg5[%swap3A_34, %swap3A_35], %rsqrt3A {strides = array<i32>} : memref<2000x1xf32, #tpu.memory_space<vmem>>, vector<2000x1xf32>,
    return
  }
  func.func @transform_0(%arg0: i32) -> (i32, i32) {
    %c0_i32 = arith.constant 0 : i32
    %c0_i32_0 = arith.constant 0 : i32
    return %arg0, %c0_i32 : i32, i32
  }
  func.func @transform_1(%arg0: i32) -> (i32, i32) {
    %c0_i32 = arith.constant 0 : i32
    %c0_i32_0 = arith.constant 0 : i32
    %c0_i32_1 = arith.constant 0 : i32
    return %c0_i32, %c0_i32_0 : i32, i32
  }
  func.func @transform_2(%arg0: i32) -> (i32, i32, i32) {
    %c0_i32 = arith.constant 0 : i32
    %c0_i32_0 = arith.constant 0 : i32
    %c0_i32_1 = arith.constant 0 : i32
    return %c0_i32, %arg0, %c0_i32_0 : i32, i32, i32
  }
  func.func @transform_3(%arg0: i32) -> (i32, i32, i32) {
    %c0_i32 = arith.constant 0 : i32
    %c0_i32_0 = arith.constant 0 : i32
    %c0_i32_1 = arith.constant 0 : i32
    return %c0_i32, %arg0, %c0_i32_0 : i32, i32, i32
  }
  func.func @transform_4(%arg0: i32) -> (i32, i32) {
    %c0_i32 = arith.constant 0 : i32
    %c0_i32_0 = arith.constant 0 : i32
    return %arg0, %c0_i32 : i32, i32
  }
}

module attributes {stable_mosaic.version = 14 : i64} {
  func.func @_tc_mid_body(%arg0: i32, %arg1: i32, %arg2: memref<2x2000x128xf32, #tpu.memory_space<vmem>>, %arg3: memref<2000x1xf32, #tpu.memory_space<vmem>>, %arg4: memref<1x256xf32, #tpu.memory_space<vmem>>, %arg5: memref<1x256xf32, #tpu.memory_space<vmem>>, %arg6: memref<1x256xf32, #tpu.memory_space<vmem>>, %arg7: memref<256x256xf32, #tpu.memory_space<vmem>>, %arg8: memref<2x2000x128xf32, #tpu.memory_space<vmem>>, %arg9: memref<8x128xf32, #tpu.memory_space<vmem>>) attributes {dimension_semantics = [#tpu.dimension_semantics<arbitrary>, #tpu.dimension_semantics<arbitrary>], iteration_bounds = array<i64: 2, 5>, scalar_prefetch = 0 : i64, scratch_operands = 1 : i64, tpu.core_type = #tpu.core_type<tc>, window_params = [{transform_indices = @transform_0, window_bounds = array<i64: 2, 2000, 128>}, {transform_indices = @transform_1, window_bounds = array<i64: 2000, 1>}, {pipeline_mode = #tpu.pipeline_mode<synchronous>, transform_indices = @transform_2, window_bounds = array<i64: 1, 256>}, {pipeline_mode = #tpu.pipeline_mode<synchronous>, transform_indices = @transform_3, window_bounds = array<i64: 1, 256>}, {pipeline_mode = #tpu.pipeline_mode<synchronous>, transform_indices = @transform_4, window_bounds = array<i64: 1, 256>}, {pipeline_mode = #tpu.pipeline_mode<synchronous>, transform_indices = @transform_5, window_bounds = array<i64: 256, 256>}, {transform_indices = @transform_6, window_bounds = array<i64: 2, 2000, 128>}]} {
    %get3A = arith.constant 0 : index
    %get3A_0 = arith.constant 0 : index
    %get3A_1 = vector.load %arg3[%get3A, %get3A_0] : memref<2000x1xf32, #tpu.memory_space<vmem>>, vector<2000x1xf32>
    %get3A_2 = arith.constant 0 : index
    %get3A_3 = arith.constant 0 : index
    %get3A_4 = arith.constant 0 : index
    %get3A_5 = vector.load %arg2[%get3A_2, %get3A_3, %get3A_4] : memref<2x2000x128xf32, #tpu.memory_space<vmem>>, vector<1x2000x128xf32>
    %get3A_6 = vector.shape_cast %get3A_5 : vector<1x2000x128xf32> to vector<2000x128xf32>
    %mul3A = vector.broadcast %get3A_1 : vector<2000x1xf32> to vector<2000x128xf32>
    %mul3A_7 = arith.mulf %mul3A, %get3A_6 : vector<2000x128xf32>
    %get3A_8 = arith.constant 0 : index
    %get3A_9 = arith.constant 0 : index
    %get3A_10 = vector.load %arg4[%get3A_8, %get3A_9] : memref<1x256xf32, #tpu.memory_space<vmem>>, vector<1x128xf32>
    %add3A = vector.broadcast %get3A_10 : vector<1x128xf32> to vector<2000x128xf32>
    %add3A_11 = arith.addf %mul3A_7, %add3A : vector<2000x128xf32>
    %get3A_12 = arith.constant 1 : index
    %get3A_13 = arith.constant 0 : index
    %get3A_14 = arith.constant 0 : index
    %get3A_15 = vector.load %arg2[%get3A_12, %get3A_13, %get3A_14] : memref<2x2000x128xf32, #tpu.memory_space<vmem>>, vector<1x2000x128xf32>
    %get3A_16 = vector.shape_cast %get3A_15 : vector<1x2000x128xf32> to vector<2000x128xf32>
    %mul3A_17 = vector.broadcast %get3A_1 : vector<2000x1xf32> to vector<2000x128xf32>
    %mul3A_18 = arith.mulf %mul3A_17, %get3A_16 : vector<2000x128xf32>
    %get3A_19 = arith.constant 0 : index
    %get3A_20 = arith.constant 128 : index
    %get3A_21 = vector.load %arg4[%get3A_19, %get3A_20] : memref<1x256xf32, #tpu.memory_space<vmem>>, vector<1x128xf32>
    %add3A_22 = vector.broadcast %get3A_21 : vector<1x128xf32> to vector<2000x128xf32>
    %add3A_23 = arith.addf %mul3A_18, %add3A_22 : vector<2000x128xf32>
    %eq3A = arith.constant 0 : i32
    %eq3A_24 = arith.cmpi eq, %arg0, %eq3A : i32
    %eq3A_25 = arith.constant 0 : i32
    %eq3A_26 = arith.cmpi eq, %arg1, %eq3A_25 : i32
    %and3A = arith.andi %eq3A_24, %eq3A_26 : i1
    %convert_element_type3A = arith.extui %and3A : i1 to i32
    %cond3A = arith.constant 0 : i32
    %cond3A_27 = arith.cmpi ne, %convert_element_type3A, %cond3A : i32
    scf.if %cond3A_27 {
      %broadcast_in_dim3A = arith.constant 0.000000e+00 : f32
      %broadcast_in_dim3A_43 = vector.broadcast %broadcast_in_dim3A : f32 to vector<8x128xf32>
      %swap3A = arith.constant 0 : index
      %swap3A_44 = arith.constant 0 : index
      %swap3A_45 = vector.load %arg9[%swap3A, %swap3A_44] : memref<8x128xf32, #tpu.memory_space<vmem>>, vector<8x128xf32>
      tpu.vector_store %arg9[%swap3A, %swap3A_44], %broadcast_in_dim3A_43 {strides = array<i32>} : memref<8x128xf32, #tpu.memory_space<vmem>>, vector<8x128xf32>,
    } else {
    }
    %eq3A_28 = arith.constant 0 : i32
    %eq3A_29 = arith.cmpi eq, %arg0, %eq3A_28 : i32
    %convert_element_type3A_30 = arith.extui %eq3A_29 : i1 to i32
    %cond3A_31 = arith.constant 0 : i32
    %cond3A_32 = arith.cmpi ne, %convert_element_type3A_30, %cond3A_31 : i32
    scf.if %cond3A_32 {
      %get3A_43 = arith.constant 0 : index
      %get3A_44 = arith.constant 0 : index
      %get3A_45 = vector.load %arg9[%get3A_43, %get3A_44] : memref<8x128xf32, #tpu.memory_space<vmem>>, vector<1x128xf32>
      %reduce_sum3A = arith.constant dense<0.000000e+00> : vector<128xf32>
      %reduce_sum3A_46 = vector.multi_reduction <add>, %add3A_11, %reduce_sum3A [0] : vector<2000x128xf32> to vector<128xf32>
      %broadcast_in_dim3A = vector.shape_cast %reduce_sum3A_46 : vector<128xf32> to vector<1x128xf32>
      %add3A_47 = arith.addf %get3A_45, %broadcast_in_dim3A : vector<1x128xf32>
      %swap3A = arith.constant 0 : index
      %swap3A_48 = arith.constant 0 : index
      %swap3A_49 = vector.load %arg9[%swap3A, %swap3A_48] : memref<8x128xf32, #tpu.memory_space<vmem>>, vector<1x128xf32>
      tpu.vector_store %arg9[%swap3A, %swap3A_48], %add3A_47 {strides = array<i32>} : memref<8x128xf32, #tpu.memory_space<vmem>>, vector<1x128xf32>,
      %get3A_50 = arith.constant 1 : index
      %get3A_51 = arith.constant 0 : index
      %get3A_52 = vector.load %arg9[%get3A_50, %get3A_51] : memref<8x128xf32, #tpu.memory_space<vmem>>, vector<1x128xf32>
      %reduce_sum3A_53 = arith.constant dense<0.000000e+00> : vector<128xf32>
      %reduce_sum3A_54 = vector.multi_reduction <add>, %add3A_23, %reduce_sum3A_53 [0] : vector<2000x128xf32> to vector<128xf32>
      %broadcast_in_dim3A_55 = vector.shape_cast %reduce_sum3A_54 : vector<128xf32> to vector<1x128xf32>
      %add3A_56 = arith.addf %get3A_52, %broadcast_in_dim3A_55 : vector<1x128xf32>
      %swap3A_57 = arith.constant 1 : index
      %swap3A_58 = arith.constant 0 : index
      %swap3A_59 = vector.load %arg9[%swap3A_57, %swap3A_58] : memref<8x128xf32, #tpu.memory_space<vmem>>, vector<1x128xf32>
      tpu.vector_store %arg9[%swap3A_57, %swap3A_58], %add3A_56 {strides = array<i32>} : memref<8x128xf32, #tpu.memory_space<vmem>>, vector<1x128xf32>,
      %get3A_60 = arith.constant 2 : index
      %get3A_61 = arith.constant 0 : index
      %get3A_62 = vector.load %arg9[%get3A_60, %get3A_61] : memref<8x128xf32, #tpu.memory_space<vmem>>, vector<1x128xf32>
      %mul3A_63 = arith.mulf %add3A_11, %add3A_11 : vector<2000x128xf32>
      %reduce_sum3A_64 = arith.constant dense<0.000000e+00> : vector<128xf32>
      %reduce_sum3A_65 = vector.multi_reduction <add>, %mul3A_63, %reduce_sum3A_64 [0] : vector<2000x128xf32> to vector<128xf32>
      %broadcast_in_dim3A_66 = vector.shape_cast %reduce_sum3A_65 : vector<128xf32> to vector<1x128xf32>
      %add3A_67 = arith.addf %get3A_62, %broadcast_in_dim3A_66 : vector<1x128xf32>
      %swap3A_68 = arith.constant 2 : index
      %swap3A_69 = arith.constant 0 : index
      %swap3A_70 = vector.load %arg9[%swap3A_68, %swap3A_69] : memref<8x128xf32, #tpu.memory_space<vmem>>, vector<1x128xf32>
      tpu.vector_store %arg9[%swap3A_68, %swap3A_69], %add3A_67 {strides = array<i32>} : memref<8x128xf32, #tpu.memory_space<vmem>>, vector<1x128xf32>,
      %get3A_71 = arith.constant 3 : index
      %get3A_72 = arith.constant 0 : index
      %get3A_73 = vector.load %arg9[%get3A_71, %get3A_72] : memref<8x128xf32, #tpu.memory_space<vmem>>, vector<1x128xf32>
      %mul3A_74 = arith.mulf %add3A_23, %add3A_23 : vector<2000x128xf32>
      %reduce_sum3A_75 = arith.constant dense<0.000000e+00> : vector<128xf32>
      %reduce_sum3A_76 = vector.multi_reduction <add>, %mul3A_74, %reduce_sum3A_75 [0] : vector<2000x128xf32> to vector<128xf32>
      %broadcast_in_dim3A_77 = vector.shape_cast %reduce_sum3A_76 : vector<128xf32> to vector<1x128xf32>
      %add3A_78 = arith.addf %get3A_73, %broadcast_in_dim3A_77 : vector<1x128xf32>
      %swap3A_79 = arith.constant 3 : index
      %swap3A_80 = arith.constant 0 : index
      %swap3A_81 = vector.load %arg9[%swap3A_79, %swap3A_80] : memref<8x128xf32, #tpu.memory_space<vmem>>, vector<1x128xf32>
      tpu.vector_store %arg9[%swap3A_79, %swap3A_80], %add3A_78 {strides = array<i32>} : memref<8x128xf32, #tpu.memory_space<vmem>>, vector<1x128xf32>,
    } else {
    }
    %eq3A_33 = arith.constant 0 : i32
    %eq3A_34 = arith.cmpi eq, %arg0, %eq3A_33 : i32
    %convert_element_type3A_35 = arith.extui %eq3A_34 : i1 to i32
    %cond3A_36 = arith.constant 0 : i32
    %cond3A_37 = arith.cmpi ne, %convert_element_type3A_35, %cond3A_36 : i32
    scf.if %cond3A_37 {
      %swap3A = arith.constant 0 : index
      %swap3A_43 = arith.constant 0 : index
      %swap3A_44 = arith.constant 0 : index
      %swap3A_45 = vector.load %arg8[%swap3A, %swap3A_43, %swap3A_44] : memref<2x2000x128xf32, #tpu.memory_space<vmem>>, vector<1x2000x128xf32>
      %swap3A_46 = vector.shape_cast %swap3A_45 : vector<1x2000x128xf32> to vector<2000x128xf32>
      %swap3A_47 = vector.shape_cast %add3A_11 : vector<2000x128xf32> to vector<1x2000x128xf32>
      tpu.vector_store %arg8[%swap3A, %swap3A_43, %swap3A_44], %swap3A_47 {strides = array<i32>} : memref<2x2000x128xf32, #tpu.memory_space<vmem>>, vector<1x2000x128xf32>,
      %swap3A_48 = arith.constant 1 : index
      %swap3A_49 = arith.constant 0 : index
      %swap3A_50 = arith.constant 0 : index
      %swap3A_51 = vector.load %arg8[%swap3A_48, %swap3A_49, %swap3A_50] : memref<2x2000x128xf32, #tpu.memory_space<vmem>>, vector<1x2000x128xf32>
      %swap3A_52 = vector.shape_cast %swap3A_51 : vector<1x2000x128xf32> to vector<2000x128xf32>
      %swap3A_53 = vector.shape_cast %add3A_23 : vector<2000x128xf32> to vector<1x2000x128xf32>
      tpu.vector_store %arg8[%swap3A_48, %swap3A_49, %swap3A_50], %swap3A_53 {strides = array<i32>} : memref<2x2000x128xf32, #tpu.memory_space<vmem>>, vector<1x2000x128xf32>,
    } else {
    }
    %eq3A_38 = arith.constant 1 : i32
    %eq3A_39 = arith.cmpi eq, %arg0, %eq3A_38 : i32
    %convert_element_type3A_40 = arith.extui %eq3A_39 : i1 to i32
    %cond3A_41 = arith.constant 0 : i32
    %cond3A_42 = arith.cmpi ne, %convert_element_type3A_40, %cond3A_41 : i32
    scf.if %cond3A_42 {
      %get3A_43 = arith.constant 0 : index
      %get3A_44 = arith.constant 0 : index
      %get3A_45 = vector.load %arg9[%get3A_43, %get3A_44] : memref<8x128xf32, #tpu.memory_space<vmem>>, vector<8x128xf32>
      %slice3A = vector.extract_strided_slice %get3A_45 {offsets = [0, 0], sizes = [1, 128], strides = [1, 1]} : vector<8x128xf32> to vector<1x128xf32>
      %mul3A_46 = arith.constant 9.99999974E-5 : f32
      %mul3A_47 = vector.broadcast %mul3A_46 : f32 to vector<1x128xf32>
      %mul3A_48 = arith.mulf %slice3A, %mul3A_47 : vector<1x128xf32>
      %slice3A_49 = vector.extract_strided_slice %get3A_45 {offsets = [1, 0], sizes = [1, 128], strides = [1, 1]} : vector<8x128xf32> to vector<1x128xf32>
      %mul3A_50 = arith.constant 9.99999974E-5 : f32
      %mul3A_51 = vector.broadcast %mul3A_50 : f32 to vector<1x128xf32>
      %mul3A_52 = arith.mulf %slice3A_49, %mul3A_51 : vector<1x128xf32>
      %slice3A_53 = vector.extract_strided_slice %get3A_45 {offsets = [2, 0], sizes = [1, 128], strides = [1, 1]} : vector<8x128xf32> to vector<1x128xf32>
      %mul3A_54 = arith.constant 9.99999974E-5 : f32
      %mul3A_55 = vector.broadcast %mul3A_54 : f32 to vector<1x128xf32>
      %mul3A_56 = arith.mulf %slice3A_53, %mul3A_55 : vector<1x128xf32>
      %mul3A_57 = arith.mulf %mul3A_48, %mul3A_48 : vector<1x128xf32>
      %sub3A = arith.subf %mul3A_56, %mul3A_57 : vector<1x128xf32>
      %slice3A_58 = vector.extract_strided_slice %get3A_45 {offsets = [3, 0], sizes = [1, 128], strides = [1, 1]} : vector<8x128xf32> to vector<1x128xf32>
      %mul3A_59 = arith.constant 9.99999974E-5 : f32
      %mul3A_60 = vector.broadcast %mul3A_59 : f32 to vector<1x128xf32>
      %mul3A_61 = arith.mulf %slice3A_58, %mul3A_60 : vector<1x128xf32>
      %mul3A_62 = arith.mulf %mul3A_52, %mul3A_52 : vector<1x128xf32>
      %sub3A_63 = arith.subf %mul3A_61, %mul3A_62 : vector<1x128xf32>
      %get3A_64 = arith.constant 0 : index
      %get3A_65 = arith.constant 0 : index
      %get3A_66 = vector.load %arg5[%get3A_64, %get3A_65] : memref<1x256xf32, #tpu.memory_space<vmem>>, vector<1x128xf32>
      %sub3A_67 = vector.broadcast %mul3A_48 : vector<1x128xf32> to vector<2000x128xf32>
      %sub3A_68 = arith.subf %add3A_11, %sub3A_67 : vector<2000x128xf32>
      %mul3A_69 = vector.broadcast %get3A_66 : vector<1x128xf32> to vector<2000x128xf32>
      %mul3A_70 = arith.mulf %mul3A_69, %sub3A_68 : vector<2000x128xf32>
      %add3A_71 = arith.constant 9.99999974E-6 : f32
      %add3A_72 = vector.broadcast %add3A_71 : f32 to vector<1x128xf32>
      %add3A_73 = arith.addf %sub3A, %add3A_72 : vector<1x128xf32>
      %rsqrt3A = math.rsqrt %add3A_73 : vector<1x128xf32>
      %mul3A_74 = vector.broadcast %rsqrt3A : vector<1x128xf32> to vector<2000x128xf32>
      %mul3A_75 = arith.mulf %mul3A_70, %mul3A_74 : vector<2000x128xf32>
      %get3A_76 = arith.constant 0 : index
      %get3A_77 = arith.constant 0 : index
      %get3A_78 = vector.load %arg6[%get3A_76, %get3A_77] : memref<1x256xf32, #tpu.memory_space<vmem>>, vector<1x128xf32>
      %add3A_79 = vector.broadcast %get3A_78 : vector<1x128xf32> to vector<2000x128xf32>
      %add3A_80 = arith.addf %mul3A_75, %add3A_79 : vector<2000x128xf32>
      %get3A_81 = arith.constant 0 : index
      %get3A_82 = arith.constant 128 : index
      %get3A_83 = vector.load %arg5[%get3A_81, %get3A_82] : memref<1x256xf32, #tpu.memory_space<vmem>>, vector<1x128xf32>
      %sub3A_84 = vector.broadcast %mul3A_52 : vector<1x128xf32> to vector<2000x128xf32>
      %sub3A_85 = arith.subf %add3A_23, %sub3A_84 : vector<2000x128xf32>
      %mul3A_86 = vector.broadcast %get3A_83 : vector<1x128xf32> to vector<2000x128xf32>
      %mul3A_87 = arith.mulf %mul3A_86, %sub3A_85 : vector<2000x128xf32>
      %add3A_88 = arith.constant 9.99999974E-6 : f32
      %add3A_89 = vector.broadcast %add3A_88 : f32 to vector<1x128xf32>
      %add3A_90 = arith.addf %sub3A_63, %add3A_89 : vector<1x128xf32>
      %rsqrt3A_91 = math.rsqrt %add3A_90 : vector<1x128xf32>
      %mul3A_92 = vector.broadcast %rsqrt3A_91 : vector<1x128xf32> to vector<2000x128xf32>
      %mul3A_93 = arith.mulf %mul3A_87, %mul3A_92 : vector<2000x128xf32>
      %get3A_94 = arith.constant 0 : index
      %get3A_95 = arith.constant 128 : index
      %get3A_96 = vector.load %arg6[%get3A_94, %get3A_95] : memref<1x256xf32, #tpu.memory_space<vmem>>, vector<1x128xf32>
      %add3A_97 = vector.broadcast %get3A_96 : vector<1x128xf32> to vector<2000x128xf32>
      %add3A_98 = arith.addf %mul3A_93, %add3A_97 : vector<2000x128xf32>
      %get3A_99 = arith.constant 0 : index
      %get3A_100 = arith.constant 0 : index
      %get3A_101 = vector.load %arg7[%get3A_99, %get3A_100] : memref<256x256xf32, #tpu.memory_space<vmem>>, vector<256x256xf32>
      %slice3A_102 = vector.extract_strided_slice %get3A_101 {offsets = [0, 0], sizes = [128, 256], strides = [1, 1]} : vector<256x256xf32> to vector<128x256xf32>
      %dot_general3A = arith.constant dense<0.000000e+00> : vector<2000x256xf32>
      %dot_general3A_103 = tpu.matmul %add3A_80, %slice3A_102, %dot_general3A {dimension_numbers = #tpu.dot_dimension_numbers<[1], [0], [0], [1], [0, 0, 1, 1], [], []>, precision = #tpu.contract_precision<fp32>, transpose_lhs_hint = false} : vector<2000x128xf32>, vector<128x256xf32>, vector<2000x256xf32> -> vector<2000x256xf32>
      %slice3A_104 = vector.extract_strided_slice %get3A_101 {offsets = [128, 0], sizes = [128, 256], strides = [1, 1]} : vector<256x256xf32> to vector<128x256xf32>
      %dot_general3A_105 = arith.constant dense<0.000000e+00> : vector<2000x256xf32>
      %dot_general3A_106 = tpu.matmul %add3A_98, %slice3A_104, %dot_general3A_105 {dimension_numbers = #tpu.dot_dimension_numbers<[1], [0], [0], [1], [0, 0, 1, 1], [], []>, precision = #tpu.contract_precision<fp32>, transpose_lhs_hint = false} : vector<2000x128xf32>, vector<128x256xf32>, vector<2000x256xf32> -> vector<2000x256xf32>
      %add3A_107 = arith.addf %dot_general3A_103, %dot_general3A_106 : vector<2000x256xf32>
      %slice3A_108 = vector.extract_strided_slice %add3A_107 {offsets = [0, 0], sizes = [2000, 128], strides = [1, 1]} : vector<2000x256xf32> to vector<2000x128xf32>
      %mul3A_109 = vector.broadcast %get3A_1 : vector<2000x1xf32> to vector<2000x128xf32>
      %mul3A_110 = arith.mulf %mul3A_109, %slice3A_108 : vector<2000x128xf32>
      %swap3A = arith.constant 0 : index
      %swap3A_111 = arith.constant 0 : index
      %swap3A_112 = arith.constant 0 : index
      %swap3A_113 = vector.load %arg8[%swap3A, %swap3A_111, %swap3A_112] : memref<2x2000x128xf32, #tpu.memory_space<vmem>>, vector<1x2000x128xf32>
      %swap3A_114 = vector.shape_cast %swap3A_113 : vector<1x2000x128xf32> to vector<2000x128xf32>
      %swap3A_115 = vector.shape_cast %mul3A_110 : vector<2000x128xf32> to vector<1x2000x128xf32>
      tpu.vector_store %arg8[%swap3A, %swap3A_111, %swap3A_112], %swap3A_115 {strides = array<i32>} : memref<2x2000x128xf32, #tpu.memory_space<vmem>>, vector<1x2000x128xf32>,
      %slice3A_116 = vector.extract_strided_slice %add3A_107 {offsets = [0, 128], sizes = [2000, 128], strides = [1, 1]} : vector<2000x256xf32> to vector<2000x128xf32>
      %mul3A_117 = vector.broadcast %get3A_1 : vector<2000x1xf32> to vector<2000x128xf32>
      %mul3A_118 = arith.mulf %mul3A_117, %slice3A_116 : vector<2000x128xf32>
      %swap3A_119 = arith.constant 1 : index
      %swap3A_120 = arith.constant 0 : index
      %swap3A_121 = arith.constant 0 : index
      %swap3A_122 = vector.load %arg8[%swap3A_119, %swap3A_120, %swap3A_121] : memref<2x2000x128xf32, #tpu.memory_space<vmem>>, vector<1x2000x128xf32>
      %swap3A_123 = vector.shape_cast %swap3A_122 : vector<1x2000x128xf32> to vector<2000x128xf32>
      %swap3A_124 = vector.shape_cast %mul3A_118 : vector<2000x128xf32> to vector<1x2000x128xf32>
      tpu.vector_store %arg8[%swap3A_119, %swap3A_120, %swap3A_121], %swap3A_124 {strides = array<i32>} : memref<2x2000x128xf32, #tpu.memory_space<vmem>>, vector<1x2000x128xf32>,
    } else {
    }
    return
  }
  func.func @transform_0(%arg0: i32, %arg1: i32) -> (i32, i32, i32) {
    %c0_i32 = arith.constant 0 : i32
    %c0_i32_0 = arith.constant 0 : i32
    %c0_i32_1 = arith.constant 0 : i32
    return %c0_i32, %arg1, %c0_i32_0 : i32, i32, i32
  }
  func.func @transform_1(%arg0: i32, %arg1: i32) -> (i32, i32) {
    %c0_i32 = arith.constant 0 : i32
    %c0_i32_0 = arith.constant 0 : i32
    return %arg1, %c0_i32 : i32, i32
  }
  func.func @transform_2(%arg0: i32, %arg1: i32) -> (i32, i32) {
    %c0_i32 = arith.constant 0 : i32
    %c0_i32_0 = arith.constant 0 : i32
    %c0_i32_1 = arith.constant 0 : i32
    return %c0_i32, %c0_i32_0 : i32, i32
  }
  func.func @transform_3(%arg0: i32, %arg1: i32) -> (i32, i32) {
    %c0_i32 = arith.constant 0 : i32
    %c0_i32_0 = arith.constant 0 : i32
    %c0_i32_1 = arith.constant 0 : i32
    return %c0_i32, %c0_i32_0 : i32, i32
  }
  func.func @transform_4(%arg0: i32, %arg1: i32) -> (i32, i32) {
    %c0_i32 = arith.constant 0 : i32
    %c0_i32_0 = arith.constant 0 : i32
    %c0_i32_1 = arith.constant 0 : i32
    return %c0_i32, %c0_i32_0 : i32, i32
  }
  func.func @transform_5(%arg0: i32, %arg1: i32) -> (i32, i32) {
    %c0_i32 = arith.constant 0 : i32
    %c0_i32_0 = arith.constant 0 : i32
    %c0_i32_1 = arith.constant 0 : i32
    return %c0_i32, %c0_i32_0 : i32, i32
  }
  func.func @transform_6(%arg0: i32, %arg1: i32) -> (i32, i32, i32) {
    %c0_i32 = arith.constant 0 : i32
    %c0_i32_0 = arith.constant 0 : i32
    %c0_i32_1 = arith.constant 0 : i32
    return %c0_i32, %arg1, %c0_i32_0 : i32, i32, i32
  }
}

module attributes {stable_mosaic.version = 14 : i64} {
  func.func @_tc_last_body(%arg0: i32, %arg1: i32, %arg2: memref<2x2000x128xf32, #tpu.memory_space<vmem>>, %arg3: memref<2000x1xf32, #tpu.memory_space<vmem>>, %arg4: memref<1x256xf32, #tpu.memory_space<vmem>>, %arg5: memref<1x256xf32, #tpu.memory_space<vmem>>, %arg6: memref<1x256xf32, #tpu.memory_space<vmem>>, %arg7: memref<2x2000x128xf32, #tpu.memory_space<vmem>>, %arg8: memref<8x128xf32, #tpu.memory_space<vmem>>) attributes {dimension_semantics = [#tpu.dimension_semantics<arbitrary>, #tpu.dimension_semantics<arbitrary>], iteration_bounds = array<i64: 2, 5>, scalar_prefetch = 0 : i64, scratch_operands = 1 : i64, tpu.core_type = #tpu.core_type<tc>, window_params = [{transform_indices = @transform_0, window_bounds = array<i64: 2, 2000, 128>}, {transform_indices = @transform_1, window_bounds = array<i64: 2000, 1>}, {pipeline_mode = #tpu.pipeline_mode<synchronous>, transform_indices = @transform_2, window_bounds = array<i64: 1, 256>}, {pipeline_mode = #tpu.pipeline_mode<synchronous>, transform_indices = @transform_3, window_bounds = array<i64: 1, 256>}, {pipeline_mode = #tpu.pipeline_mode<synchronous>, transform_indices = @transform_4, window_bounds = array<i64: 1, 256>}, {transform_indices = @transform_5, window_bounds = array<i64: 2, 2000, 128>}]} {
    %get3A = arith.constant 0 : index
    %get3A_0 = arith.constant 0 : index
    %get3A_1 = vector.load %arg3[%get3A, %get3A_0] : memref<2000x1xf32, #tpu.memory_space<vmem>>, vector<2000x1xf32>
    %get3A_2 = arith.constant 0 : index
    %get3A_3 = arith.constant 0 : index
    %get3A_4 = arith.constant 0 : index
    %get3A_5 = vector.load %arg2[%get3A_2, %get3A_3, %get3A_4] : memref<2x2000x128xf32, #tpu.memory_space<vmem>>, vector<1x2000x128xf32>
    %get3A_6 = vector.shape_cast %get3A_5 : vector<1x2000x128xf32> to vector<2000x128xf32>
    %mul3A = vector.broadcast %get3A_1 : vector<2000x1xf32> to vector<2000x128xf32>
    %mul3A_7 = arith.mulf %mul3A, %get3A_6 : vector<2000x128xf32>
    %get3A_8 = arith.constant 0 : index
    %get3A_9 = arith.constant 0 : index
    %get3A_10 = vector.load %arg4[%get3A_8, %get3A_9] : memref<1x256xf32, #tpu.memory_space<vmem>>, vector<1x128xf32>
    %add3A = vector.broadcast %get3A_10 : vector<1x128xf32> to vector<2000x128xf32>
    %add3A_11 = arith.addf %mul3A_7, %add3A : vector<2000x128xf32>
    %get3A_12 = arith.constant 1 : index
    %get3A_13 = arith.constant 0 : index
    %get3A_14 = arith.constant 0 : index
    %get3A_15 = vector.load %arg2[%get3A_12, %get3A_13, %get3A_14] : memref<2x2000x128xf32, #tpu.memory_space<vmem>>, vector<1x2000x128xf32>
    %get3A_16 = vector.shape_cast %get3A_15 : vector<1x2000x128xf32> to vector<2000x128xf32>
    %mul3A_17 = vector.broadcast %get3A_1 : vector<2000x1xf32> to vector<2000x128xf32>
    %mul3A_18 = arith.mulf %mul3A_17, %get3A_16 : vector<2000x128xf32>
    %get3A_19 = arith.constant 0 : index
    %get3A_20 = arith.constant 128 : index
    %get3A_21 = vector.load %arg4[%get3A_19, %get3A_20] : memref<1x256xf32, #tpu.memory_space<vmem>>, vector<1x128xf32>
    %add3A_22 = vector.broadcast %get3A_21 : vector<1x128xf32> to vector<2000x128xf32>
    %add3A_23 = arith.addf %mul3A_18, %add3A_22 : vector<2000x128xf32>
    %eq3A = arith.constant 0 : i32
    %eq3A_24 = arith.cmpi eq, %arg0, %eq3A : i32
    %eq3A_25 = arith.constant 0 : i32
    %eq3A_26 = arith.cmpi eq, %arg1, %eq3A_25 : i32
    %and3A = arith.andi %eq3A_24, %eq3A_26 : i1
    %convert_element_type3A = arith.extui %and3A : i1 to i32
    %cond3A = arith.constant 0 : i32
    %cond3A_27 = arith.cmpi ne, %convert_element_type3A, %cond3A : i32
    scf.if %cond3A_27 {
      %broadcast_in_dim3A = arith.constant 0.000000e+00 : f32
      %broadcast_in_dim3A_43 = vector.broadcast %broadcast_in_dim3A : f32 to vector<8x128xf32>
      %swap3A = arith.constant 0 : index
      %swap3A_44 = arith.constant 0 : index
      %swap3A_45 = vector.load %arg8[%swap3A, %swap3A_44] : memref<8x128xf32, #tpu.memory_space<vmem>>, vector<8x128xf32>
      tpu.vector_store %arg8[%swap3A, %swap3A_44], %broadcast_in_dim3A_43 {strides = array<i32>} : memref<8x128xf32, #tpu.memory_space<vmem>>, vector<8x128xf32>,
    } else {
    }
    %eq3A_28 = arith.constant 0 : i32
    %eq3A_29 = arith.cmpi eq, %arg0, %eq3A_28 : i32
    %convert_element_type3A_30 = arith.extui %eq3A_29 : i1 to i32
    %cond3A_31 = arith.constant 0 : i32
    %cond3A_32 = arith.cmpi ne, %convert_element_type3A_30, %cond3A_31 : i32
    scf.if %cond3A_32 {
      %get3A_43 = arith.constant 0 : index
      %get3A_44 = arith.constant 0 : index
      %get3A_45 = vector.load %arg8[%get3A_43, %get3A_44] : memref<8x128xf32, #tpu.memory_space<vmem>>, vector<1x128xf32>
      %reduce_sum3A = arith.constant dense<0.000000e+00> : vector<128xf32>
      %reduce_sum3A_46 = vector.multi_reduction <add>, %add3A_11, %reduce_sum3A [0] : vector<2000x128xf32> to vector<128xf32>
      %broadcast_in_dim3A = vector.shape_cast %reduce_sum3A_46 : vector<128xf32> to vector<1x128xf32>
      %add3A_47 = arith.addf %get3A_45, %broadcast_in_dim3A : vector<1x128xf32>
      %swap3A = arith.constant 0 : index
      %swap3A_48 = arith.constant 0 : index
      %swap3A_49 = vector.load %arg8[%swap3A, %swap3A_48] : memref<8x128xf32, #tpu.memory_space<vmem>>, vector<1x128xf32>
      tpu.vector_store %arg8[%swap3A, %swap3A_48], %add3A_47 {strides = array<i32>} : memref<8x128xf32, #tpu.memory_space<vmem>>, vector<1x128xf32>,
      %get3A_50 = arith.constant 1 : index
      %get3A_51 = arith.constant 0 : index
      %get3A_52 = vector.load %arg8[%get3A_50, %get3A_51] : memref<8x128xf32, #tpu.memory_space<vmem>>, vector<1x128xf32>
      %reduce_sum3A_53 = arith.constant dense<0.000000e+00> : vector<128xf32>
      %reduce_sum3A_54 = vector.multi_reduction <add>, %add3A_23, %reduce_sum3A_53 [0] : vector<2000x128xf32> to vector<128xf32>
      %broadcast_in_dim3A_55 = vector.shape_cast %reduce_sum3A_54 : vector<128xf32> to vector<1x128xf32>
      %add3A_56 = arith.addf %get3A_52, %broadcast_in_dim3A_55 : vector<1x128xf32>
      %swap3A_57 = arith.constant 1 : index
      %swap3A_58 = arith.constant 0 : index
      %swap3A_59 = vector.load %arg8[%swap3A_57, %swap3A_58] : memref<8x128xf32, #tpu.memory_space<vmem>>, vector<1x128xf32>
      tpu.vector_store %arg8[%swap3A_57, %swap3A_58], %add3A_56 {strides = array<i32>} : memref<8x128xf32, #tpu.memory_space<vmem>>, vector<1x128xf32>,
      %get3A_60 = arith.constant 2 : index
      %get3A_61 = arith.constant 0 : index
      %get3A_62 = vector.load %arg8[%get3A_60, %get3A_61] : memref<8x128xf32, #tpu.memory_space<vmem>>, vector<1x128xf32>
      %mul3A_63 = arith.mulf %add3A_11, %add3A_11 : vector<2000x128xf32>
      %reduce_sum3A_64 = arith.constant dense<0.000000e+00> : vector<128xf32>
      %reduce_sum3A_65 = vector.multi_reduction <add>, %mul3A_63, %reduce_sum3A_64 [0] : vector<2000x128xf32> to vector<128xf32>
      %broadcast_in_dim3A_66 = vector.shape_cast %reduce_sum3A_65 : vector<128xf32> to vector<1x128xf32>
      %add3A_67 = arith.addf %get3A_62, %broadcast_in_dim3A_66 : vector<1x128xf32>
      %swap3A_68 = arith.constant 2 : index
      %swap3A_69 = arith.constant 0 : index
      %swap3A_70 = vector.load %arg8[%swap3A_68, %swap3A_69] : memref<8x128xf32, #tpu.memory_space<vmem>>, vector<1x128xf32>
      tpu.vector_store %arg8[%swap3A_68, %swap3A_69], %add3A_67 {strides = array<i32>} : memref<8x128xf32, #tpu.memory_space<vmem>>, vector<1x128xf32>,
      %get3A_71 = arith.constant 3 : index
      %get3A_72 = arith.constant 0 : index
      %get3A_73 = vector.load %arg8[%get3A_71, %get3A_72] : memref<8x128xf32, #tpu.memory_space<vmem>>, vector<1x128xf32>
      %mul3A_74 = arith.mulf %add3A_23, %add3A_23 : vector<2000x128xf32>
      %reduce_sum3A_75 = arith.constant dense<0.000000e+00> : vector<128xf32>
      %reduce_sum3A_76 = vector.multi_reduction <add>, %mul3A_74, %reduce_sum3A_75 [0] : vector<2000x128xf32> to vector<128xf32>
      %broadcast_in_dim3A_77 = vector.shape_cast %reduce_sum3A_76 : vector<128xf32> to vector<1x128xf32>
      %add3A_78 = arith.addf %get3A_73, %broadcast_in_dim3A_77 : vector<1x128xf32>
      %swap3A_79 = arith.constant 3 : index
      %swap3A_80 = arith.constant 0 : index
      %swap3A_81 = vector.load %arg8[%swap3A_79, %swap3A_80] : memref<8x128xf32, #tpu.memory_space<vmem>>, vector<1x128xf32>
      tpu.vector_store %arg8[%swap3A_79, %swap3A_80], %add3A_78 {strides = array<i32>} : memref<8x128xf32, #tpu.memory_space<vmem>>, vector<1x128xf32>,
    } else {
    }
    %eq3A_33 = arith.constant 0 : i32
    %eq3A_34 = arith.cmpi eq, %arg0, %eq3A_33 : i32
    %convert_element_type3A_35 = arith.extui %eq3A_34 : i1 to i32
    %cond3A_36 = arith.constant 0 : i32
    %cond3A_37 = arith.cmpi ne, %convert_element_type3A_35, %cond3A_36 : i32
    scf.if %cond3A_37 {
      %swap3A = arith.constant 0 : index
      %swap3A_43 = arith.constant 0 : index
      %swap3A_44 = arith.constant 0 : index
      %swap3A_45 = vector.load %arg7[%swap3A, %swap3A_43, %swap3A_44] : memref<2x2000x128xf32, #tpu.memory_space<vmem>>, vector<1x2000x128xf32>
      %swap3A_46 = vector.shape_cast %swap3A_45 : vector<1x2000x128xf32> to vector<2000x128xf32>
      %swap3A_47 = vector.shape_cast %add3A_11 : vector<2000x128xf32> to vector<1x2000x128xf32>
      tpu.vector_store %arg7[%swap3A, %swap3A_43, %swap3A_44], %swap3A_47 {strides = array<i32>} : memref<2x2000x128xf32, #tpu.memory_space<vmem>>, vector<1x2000x128xf32>,
      %swap3A_48 = arith.constant 1 : index
      %swap3A_49 = arith.constant 0 : index
      %swap3A_50 = arith.constant 0 : index
      %swap3A_51 = vector.load %arg7[%swap3A_48, %swap3A_49, %swap3A_50] : memref<2x2000x128xf32, #tpu.memory_space<vmem>>, vector<1x2000x128xf32>
      %swap3A_52 = vector.shape_cast %swap3A_51 : vector<1x2000x128xf32> to vector<2000x128xf32>
      %swap3A_53 = vector.shape_cast %add3A_23 : vector<2000x128xf32> to vector<1x2000x128xf32>
      tpu.vector_store %arg7[%swap3A_48, %swap3A_49, %swap3A_50], %swap3A_53 {strides = array<i32>} : memref<2x2000x128xf32, #tpu.memory_space<vmem>>, vector<1x2000x128xf32>,
    } else {
    }
    %eq3A_38 = arith.constant 1 : i32
    %eq3A_39 = arith.cmpi eq, %arg0, %eq3A_38 : i32
    %convert_element_type3A_40 = arith.extui %eq3A_39 : i1 to i32
    %cond3A_41 = arith.constant 0 : i32
    %cond3A_42 = arith.cmpi ne, %convert_element_type3A_40, %cond3A_41 : i32
    scf.if %cond3A_42 {
      %get3A_43 = arith.constant 0 : index
      %get3A_44 = arith.constant 0 : index
      %get3A_45 = vector.load %arg8[%get3A_43, %get3A_44] : memref<8x128xf32, #tpu.memory_space<vmem>>, vector<8x128xf32>
      %slice3A = vector.extract_strided_slice %get3A_45 {offsets = [0, 0], sizes = [1, 128], strides = [1, 1]} : vector<8x128xf32> to vector<1x128xf32>
      %mul3A_46 = arith.constant 9.99999974E-5 : f32
      %mul3A_47 = vector.broadcast %mul3A_46 : f32 to vector<1x128xf32>
      %mul3A_48 = arith.mulf %slice3A, %mul3A_47 : vector<1x128xf32>
      %slice3A_49 = vector.extract_strided_slice %get3A_45 {offsets = [1, 0], sizes = [1, 128], strides = [1, 1]} : vector<8x128xf32> to vector<1x128xf32>
      %mul3A_50 = arith.constant 9.99999974E-5 : f32
      %mul3A_51 = vector.broadcast %mul3A_50 : f32 to vector<1x128xf32>
      %mul3A_52 = arith.mulf %slice3A_49, %mul3A_51 : vector<1x128xf32>
      %slice3A_53 = vector.extract_strided_slice %get3A_45 {offsets = [2, 0], sizes = [1, 128], strides = [1, 1]} : vector<8x128xf32> to vector<1x128xf32>
      %mul3A_54 = arith.constant 9.99999974E-5 : f32
      %mul3A_55 = vector.broadcast %mul3A_54 : f32 to vector<1x128xf32>
      %mul3A_56 = arith.mulf %slice3A_53, %mul3A_55 : vector<1x128xf32>
      %mul3A_57 = arith.mulf %mul3A_48, %mul3A_48 : vector<1x128xf32>
      %sub3A = arith.subf %mul3A_56, %mul3A_57 : vector<1x128xf32>
      %slice3A_58 = vector.extract_strided_slice %get3A_45 {offsets = [3, 0], sizes = [1, 128], strides = [1, 1]} : vector<8x128xf32> to vector<1x128xf32>
      %mul3A_59 = arith.constant 9.99999974E-5 : f32
      %mul3A_60 = vector.broadcast %mul3A_59 : f32 to vector<1x128xf32>
      %mul3A_61 = arith.mulf %slice3A_58, %mul3A_60 : vector<1x128xf32>
      %mul3A_62 = arith.mulf %mul3A_52, %mul3A_52 : vector<1x128xf32>
      %sub3A_63 = arith.subf %mul3A_61, %mul3A_62 : vector<1x128xf32>
      %get3A_64 = arith.constant 0 : index
      %get3A_65 = arith.constant 0 : index
      %get3A_66 = vector.load %arg5[%get3A_64, %get3A_65] : memref<1x256xf32, #tpu.memory_space<vmem>>, vector<1x128xf32>
      %sub3A_67 = vector.broadcast %mul3A_48 : vector<1x128xf32> to vector<2000x128xf32>
      %sub3A_68 = arith.subf %add3A_11, %sub3A_67 : vector<2000x128xf32>
      %mul3A_69 = vector.broadcast %get3A_66 : vector<1x128xf32> to vector<2000x128xf32>
      %mul3A_70 = arith.mulf %mul3A_69, %sub3A_68 : vector<2000x128xf32>
      %add3A_71 = arith.constant 9.99999974E-6 : f32
      %add3A_72 = vector.broadcast %add3A_71 : f32 to vector<1x128xf32>
      %add3A_73 = arith.addf %sub3A, %add3A_72 : vector<1x128xf32>
      %rsqrt3A = math.rsqrt %add3A_73 : vector<1x128xf32>
      %mul3A_74 = vector.broadcast %rsqrt3A : vector<1x128xf32> to vector<2000x128xf32>
      %mul3A_75 = arith.mulf %mul3A_70, %mul3A_74 : vector<2000x128xf32>
      %get3A_76 = arith.constant 0 : index
      %get3A_77 = arith.constant 0 : index
      %get3A_78 = vector.load %arg6[%get3A_76, %get3A_77] : memref<1x256xf32, #tpu.memory_space<vmem>>, vector<1x128xf32>
      %add3A_79 = vector.broadcast %get3A_78 : vector<1x128xf32> to vector<2000x128xf32>
      %add3A_80 = arith.addf %mul3A_75, %add3A_79 : vector<2000x128xf32>
      %get3A_81 = arith.constant 0 : index
      %get3A_82 = arith.constant 128 : index
      %get3A_83 = vector.load %arg5[%get3A_81, %get3A_82] : memref<1x256xf32, #tpu.memory_space<vmem>>, vector<1x128xf32>
      %sub3A_84 = vector.broadcast %mul3A_52 : vector<1x128xf32> to vector<2000x128xf32>
      %sub3A_85 = arith.subf %add3A_23, %sub3A_84 : vector<2000x128xf32>
      %mul3A_86 = vector.broadcast %get3A_83 : vector<1x128xf32> to vector<2000x128xf32>
      %mul3A_87 = arith.mulf %mul3A_86, %sub3A_85 : vector<2000x128xf32>
      %add3A_88 = arith.constant 9.99999974E-6 : f32
      %add3A_89 = vector.broadcast %add3A_88 : f32 to vector<1x128xf32>
      %add3A_90 = arith.addf %sub3A_63, %add3A_89 : vector<1x128xf32>
      %rsqrt3A_91 = math.rsqrt %add3A_90 : vector<1x128xf32>
      %mul3A_92 = vector.broadcast %rsqrt3A_91 : vector<1x128xf32> to vector<2000x128xf32>
      %mul3A_93 = arith.mulf %mul3A_87, %mul3A_92 : vector<2000x128xf32>
      %get3A_94 = arith.constant 0 : index
      %get3A_95 = arith.constant 128 : index
      %get3A_96 = vector.load %arg6[%get3A_94, %get3A_95] : memref<1x256xf32, #tpu.memory_space<vmem>>, vector<1x128xf32>
      %add3A_97 = vector.broadcast %get3A_96 : vector<1x128xf32> to vector<2000x128xf32>
      %add3A_98 = arith.addf %mul3A_93, %add3A_97 : vector<2000x128xf32>
      %swap3A = arith.constant 0 : index
      %swap3A_99 = arith.constant 0 : index
      %swap3A_100 = arith.constant 0 : index
      %swap3A_101 = vector.load %arg7[%swap3A, %swap3A_99, %swap3A_100] : memref<2x2000x128xf32, #tpu.memory_space<vmem>>, vector<1x2000x128xf32>
      %swap3A_102 = vector.shape_cast %swap3A_101 : vector<1x2000x128xf32> to vector<2000x128xf32>
      %swap3A_103 = vector.shape_cast %add3A_80 : vector<2000x128xf32> to vector<1x2000x128xf32>
      tpu.vector_store %arg7[%swap3A, %swap3A_99, %swap3A_100], %swap3A_103 {strides = array<i32>} : memref<2x2000x128xf32, #tpu.memory_space<vmem>>, vector<1x2000x128xf32>,
      %swap3A_104 = arith.constant 1 : index
      %swap3A_105 = arith.constant 0 : index
      %swap3A_106 = arith.constant 0 : index
      %swap3A_107 = vector.load %arg7[%swap3A_104, %swap3A_105, %swap3A_106] : memref<2x2000x128xf32, #tpu.memory_space<vmem>>, vector<1x2000x128xf32>
      %swap3A_108 = vector.shape_cast %swap3A_107 : vector<1x2000x128xf32> to vector<2000x128xf32>
      %swap3A_109 = vector.shape_cast %add3A_98 : vector<2000x128xf32> to vector<1x2000x128xf32>
      tpu.vector_store %arg7[%swap3A_104, %swap3A_105, %swap3A_106], %swap3A_109 {strides = array<i32>} : memref<2x2000x128xf32, #tpu.memory_space<vmem>>, vector<1x2000x128xf32>,
    } else {
    }
    return
  }
  func.func @transform_0(%arg0: i32, %arg1: i32) -> (i32, i32, i32) {
    %c0_i32 = arith.constant 0 : i32
    %c0_i32_0 = arith.constant 0 : i32
    %c0_i32_1 = arith.constant 0 : i32
    return %c0_i32, %arg1, %c0_i32_0 : i32, i32, i32
  }
  func.func @transform_1(%arg0: i32, %arg1: i32) -> (i32, i32) {
    %c0_i32 = arith.constant 0 : i32
    %c0_i32_0 = arith.constant 0 : i32
    return %arg1, %c0_i32 : i32, i32
  }
  func.func @transform_2(%arg0: i32, %arg1: i32) -> (i32, i32) {
    %c0_i32 = arith.constant 0 : i32
    %c0_i32_0 = arith.constant 0 : i32
    %c0_i32_1 = arith.constant 0 : i32
    return %c0_i32, %c0_i32_0 : i32, i32
  }
  func.func @transform_3(%arg0: i32, %arg1: i32) -> (i32, i32) {
    %c0_i32 = arith.constant 0 : i32
    %c0_i32_0 = arith.constant 0 : i32
    %c0_i32_1 = arith.constant 0 : i32
    return %c0_i32, %c0_i32_0 : i32, i32
  }
  func.func @transform_4(%arg0: i32, %arg1: i32) -> (i32, i32) {
    %c0_i32 = arith.constant 0 : i32
    %c0_i32_0 = arith.constant 0 : i32
    %c0_i32_1 = arith.constant 0 : i32
    return %c0_i32, %c0_i32_0 : i32, i32
  }
  func.func @transform_5(%arg0: i32, %arg1: i32) -> (i32, i32, i32) {
    %c0_i32 = arith.constant 0 : i32
    %c0_i32_0 = arith.constant 0 : i32
    %c0_i32_1 = arith.constant 0 : i32
    return %c0_i32, %arg1, %c0_i32_0 : i32, i32, i32
  }
}

module attributes {stable_mosaic.version = 14 : i64} {
  func.func @_tc_mlp_body(%arg0: memref<128x128xf32, #tpu.memory_space<vmem>>, %arg1: memref<256x256xf32, #tpu.memory_space<vmem>>, %arg2: memref<256x256xf32, #tpu.memory_space<vmem>>, %arg3: memref<1x256xf32, #tpu.memory_space<vmem>>, %arg4: memref<1x256xf32, #tpu.memory_space<vmem>>, %arg5: memref<1x256xf32, #tpu.memory_space<vmem>>, %arg6: memref<1x256xf32, #tpu.memory_space<vmem>>, %arg7: memref<1x256xf32, #tpu.memory_space<vmem>>, %arg8: memref<1x256xf32, #tpu.memory_space<vmem>>, %arg9: memref<256x1xf32, #tpu.memory_space<vmem>>, %arg10: memref<1x1xf32, #tpu.memory_space<vmem>>, %arg11: memref<64x1xf32, #tpu.memory_space<vmem>>) attributes {dimension_semantics = [], scalar_prefetch = 0 : i64, scratch_operands = 0 : i64, tpu.core_type = #tpu.core_type<tc>} {
    %get3A = arith.constant 0 : index
    %get3A_0 = arith.constant 0 : index
    %get3A_1 = vector.load %arg0[%get3A, %get3A_0] : memref<128x128xf32, #tpu.memory_space<vmem>>, vector<64x128xf32>
    %get3A_2 = arith.constant 64 : index
    %get3A_3 = arith.constant 0 : index
    %get3A_4 = vector.load %arg0[%get3A_2, %get3A_3] : memref<128x128xf32, #tpu.memory_space<vmem>>, vector<64x128xf32>
    %concatenate3A = tpu.concatenate %get3A_1, %get3A_4 in 1 : vector<64x128xf32>, vector<64x128xf32> -> vector<64x256xf32>
    %get3A_5 = arith.constant 0 : index
    %get3A_6 = arith.constant 0 : index
    %get3A_7 = vector.load %arg1[%get3A_5, %get3A_6] : memref<256x256xf32, #tpu.memory_space<vmem>>, vector<256x256xf32>
    %dot_general3A = arith.constant dense<0.000000e+00> : vector<64x256xf32>
    %dot_general3A_8 = tpu.matmul %concatenate3A, %get3A_7, %dot_general3A {dimension_numbers = #tpu.dot_dimension_numbers<[1], [0], [0], [1], [0, 0, 1, 1], [], []>, precision = #tpu.contract_precision<fp32>, transpose_lhs_hint = false} : vector<64x256xf32>, vector<256x256xf32>, vector<64x256xf32> -> vector<64x256xf32>
    %get3A_9 = arith.constant 0 : index
    %get3A_10 = arith.constant 0 : index
    %get3A_11 = vector.load %arg3[%get3A_9, %get3A_10] : memref<1x256xf32, #tpu.memory_space<vmem>>, vector<1x256xf32>
    %add3A = vector.broadcast %get3A_11 : vector<1x256xf32> to vector<64x256xf32>
    %add3A_12 = arith.addf %dot_general3A_8, %add3A : vector<64x256xf32>
    %max3A = arith.constant 0.000000e+00 : f32
    %max3A_13 = vector.broadcast %max3A : f32 to vector<64x256xf32>
    %max3A_14 = arith.maximumf %add3A_12, %max3A_13 : vector<64x256xf32>
    %get3A_15 = arith.constant 0 : index
    %get3A_16 = arith.constant 0 : index
    %get3A_17 = vector.load %arg5[%get3A_15, %get3A_16] : memref<1x256xf32, #tpu.memory_space<vmem>>, vector<1x256xf32>
    %get3A_18 = arith.constant 0 : index
    %get3A_19 = arith.constant 0 : index
    %get3A_20 = vector.load %arg7[%get3A_18, %get3A_19] : memref<1x256xf32, #tpu.memory_space<vmem>>, vector<1x256xf32>
    %reduce_sum3A = arith.constant dense<0.000000e+00> : vector<256xf32>
    %reduce_sum3A_21 = vector.multi_reduction <add>, %max3A_14, %reduce_sum3A [0] : vector<64x256xf32> to vector<256xf32>
    %div3A = arith.constant 6.400000e+01 : f32
    %div3A_22 = vector.broadcast %div3A : f32 to vector<256xf32>
    %div3A_23 = arith.divf %reduce_sum3A_21, %div3A_22 : vector<256xf32>
    %jit3A = arith.constant 0 : i32
    %reduce_sum3A_24 = arith.constant dense<0.000000e+00> : vector<256xf32>
    %reduce_sum3A_25 = vector.multi_reduction <add>, %max3A_14, %reduce_sum3A_24 [0] : vector<64x256xf32> to vector<256xf32>
    %broadcast_in_dim3A = vector.shape_cast %reduce_sum3A_25 : vector<256xf32> to vector<1x256xf32>
    %div3A_26 = arith.constant 6.400000e+01 : f32
    %div3A_27 = vector.broadcast %div3A_26 : f32 to vector<1x256xf32>
    %div3A_28 = arith.divf %broadcast_in_dim3A, %div3A_27 : vector<1x256xf32>
    %sub3A = vector.broadcast %div3A_28 : vector<1x256xf32> to vector<64x256xf32>
    %sub3A_29 = arith.subf %max3A_14, %sub3A : vector<64x256xf32>
    %square3A = arith.mulf %sub3A_29, %sub3A_29 : vector<64x256xf32>
    %convert_element_type3A = arith.sitofp %jit3A : i32 to f32
    %sub3A_30 = arith.constant 6.400000e+01 : f32
    %sub3A_31 = arith.subf %sub3A_30, %convert_element_type3A : f32
    %reduce_sum3A_32 = arith.constant dense<0.000000e+00> : vector<256xf32>
    %reduce_sum3A_33 = vector.multi_reduction <add>, %square3A, %reduce_sum3A_32 [0] : vector<64x256xf32> to vector<256xf32>
    %div3A_34 = vector.broadcast %sub3A_31 : f32 to vector<256xf32>
    %div3A_35 = arith.divf %reduce_sum3A_33, %div3A_34 : vector<256xf32>
    %gt3A = arith.constant 0.000000e+00 : f32
    %gt3A_36 = arith.cmpf ogt, %sub3A_31, %gt3A : f32
    %jit3A_37 = arith.constant 0x7FC00000 : f32
    %broadcast_in_dim3A_38 = vector.broadcast %jit3A_37 : f32 to vector<256xf32>
    %select_n3A = arith.select %gt3A_36, %div3A_35, %broadcast_in_dim3A_38 : vector<256xf32>
    %broadcast_in_dim3A_39 = vector.shape_cast %div3A_23 : vector<256xf32> to vector<1x256xf32>
    %sub3A_40 = vector.broadcast %broadcast_in_dim3A_39 : vector<1x256xf32> to vector<64x256xf32>
    %sub3A_41 = arith.subf %max3A_14, %sub3A_40 : vector<64x256xf32>
    %mul3A = vector.broadcast %get3A_17 : vector<1x256xf32> to vector<64x256xf32>
    %mul3A_42 = arith.mulf %mul3A, %sub3A_41 : vector<64x256xf32>
    %add3A_43 = arith.constant 9.99999974E-6 : f32
    %add3A_44 = vector.broadcast %add3A_43 : f32 to vector<256xf32>
    %add3A_45 = arith.addf %select_n3A, %add3A_44 : vector<256xf32>
    %rsqrt3A = math.rsqrt %add3A_45 : vector<256xf32>
    %broadcast_in_dim3A_46 = vector.shape_cast %rsqrt3A : vector<256xf32> to vector<1x256xf32>
    %mul3A_47 = vector.broadcast %broadcast_in_dim3A_46 : vector<1x256xf32> to vector<64x256xf32>
    %mul3A_48 = arith.mulf %mul3A_42, %mul3A_47 : vector<64x256xf32>
    %add3A_49 = vector.broadcast %get3A_20 : vector<1x256xf32> to vector<64x256xf32>
    %add3A_50 = arith.addf %mul3A_48, %add3A_49 : vector<64x256xf32>
    %get3A_51 = arith.constant 0 : index
    %get3A_52 = arith.constant 0 : index
    %get3A_53 = vector.load %arg2[%get3A_51, %get3A_52] : memref<256x256xf32, #tpu.memory_space<vmem>>, vector<256x256xf32>
    %dot_general3A_54 = arith.constant dense<0.000000e+00> : vector<64x256xf32>
    %dot_general3A_55 = tpu.matmul %add3A_50, %get3A_53, %dot_general3A_54 {dimension_numbers = #tpu.dot_dimension_numbers<[1], [0], [0], [1], [0, 0, 1, 1], [], []>, precision = #tpu.contract_precision<fp32>, transpose_lhs_hint = false} : vector<64x256xf32>, vector<256x256xf32>, vector<64x256xf32> -> vector<64x256xf32>
    %get3A_56 = arith.constant 0 : index
    %get3A_57 = arith.constant 0 : index
    %get3A_58 = vector.load %arg4[%get3A_56, %get3A_57] : memref<1x256xf32, #tpu.memory_space<vmem>>, vector<1x256xf32>
    %add3A_59 = vector.broadcast %get3A_58 : vector<1x256xf32> to vector<64x256xf32>
    %add3A_60 = arith.addf %dot_general3A_55, %add3A_59 : vector<64x256xf32>
    %max3A_61 = arith.constant 0.000000e+00 : f32
    %max3A_62 = vector.broadcast %max3A_61 : f32 to vector<64x256xf32>
    %max3A_63 = arith.maximumf %add3A_60, %max3A_62 : vector<64x256xf32>
    %get3A_64 = arith.constant 0 : index
    %get3A_65 = arith.constant 0 : index
    %get3A_66 = vector.load %arg6[%get3A_64, %get3A_65] : memref<1x256xf32, #tpu.memory_space<vmem>>, vector<1x256xf32>
    %get3A_67 = arith.constant 0 : index
    %get3A_68 = arith.constant 0 : index
    %get3A_69 = vector.load %arg8[%get3A_67, %get3A_68] : memref<1x256xf32, #tpu.memory_space<vmem>>, vector<1x256xf32>
    %reduce_sum3A_70 = arith.constant dense<0.000000e+00> : vector<256xf32>
    %reduce_sum3A_71 = vector.multi_reduction <add>, %max3A_63, %reduce_sum3A_70 [0] : vector<64x256xf32> to vector<256xf32>
    %div3A_72 = arith.constant 6.400000e+01 : f32
    %div3A_73 = vector.broadcast %div3A_72 : f32 to vector<256xf32>
    %div3A_74 = arith.divf %reduce_sum3A_71, %div3A_73 : vector<256xf32>
    %jit3A_75 = arith.constant 0 : i32
    %reduce_sum3A_76 = arith.constant dense<0.000000e+00> : vector<256xf32>
    %reduce_sum3A_77 = vector.multi_reduction <add>, %max3A_63, %reduce_sum3A_76 [0] : vector<64x256xf32> to vector<256xf32>
    %broadcast_in_dim3A_78 = vector.shape_cast %reduce_sum3A_77 : vector<256xf32> to vector<1x256xf32>
    %div3A_79 = arith.constant 6.400000e+01 : f32
    %div3A_80 = vector.broadcast %div3A_79 : f32 to vector<1x256xf32>
    %div3A_81 = arith.divf %broadcast_in_dim3A_78, %div3A_80 : vector<1x256xf32>
    %sub3A_82 = vector.broadcast %div3A_81 : vector<1x256xf32> to vector<64x256xf32>
    %sub3A_83 = arith.subf %max3A_63, %sub3A_82 : vector<64x256xf32>
    %square3A_84 = arith.mulf %sub3A_83, %sub3A_83 : vector<64x256xf32>
    %convert_element_type3A_85 = arith.sitofp %jit3A_75 : i32 to f32
    %sub3A_86 = arith.constant 6.400000e+01 : f32
    %sub3A_87 = arith.subf %sub3A_86, %convert_element_type3A_85 : f32
    %reduce_sum3A_88 = arith.constant dense<0.000000e+00> : vector<256xf32>
    %reduce_sum3A_89 = vector.multi_reduction <add>, %square3A_84, %reduce_sum3A_88 [0] : vector<64x256xf32> to vector<256xf32>
    %div3A_90 = vector.broadcast %sub3A_87 : f32 to vector<256xf32>
    %div3A_91 = arith.divf %reduce_sum3A_89, %div3A_90 : vector<256xf32>
    %gt3A_92 = arith.constant 0.000000e+00 : f32
    %gt3A_93 = arith.cmpf ogt, %sub3A_87, %gt3A_92 : f32
    %jit3A_94 = arith.constant 0x7FC00000 : f32
    %broadcast_in_dim3A_95 = vector.broadcast %jit3A_94 : f32 to vector<256xf32>
    %select_n3A_96 = arith.select %gt3A_93, %div3A_91, %broadcast_in_dim3A_95 : vector<256xf32>
    %broadcast_in_dim3A_97 = vector.shape_cast %div3A_74 : vector<256xf32> to vector<1x256xf32>
    %sub3A_98 = vector.broadcast %broadcast_in_dim3A_97 : vector<1x256xf32> to vector<64x256xf32>
    %sub3A_99 = arith.subf %max3A_63, %sub3A_98 : vector<64x256xf32>
    %mul3A_100 = vector.broadcast %get3A_66 : vector<1x256xf32> to vector<64x256xf32>
    %mul3A_101 = arith.mulf %mul3A_100, %sub3A_99 : vector<64x256xf32>
    %add3A_102 = arith.constant 9.99999974E-6 : f32
    %add3A_103 = vector.broadcast %add3A_102 : f32 to vector<256xf32>
    %add3A_104 = arith.addf %select_n3A_96, %add3A_103 : vector<256xf32>
    %rsqrt3A_105 = math.rsqrt %add3A_104 : vector<256xf32>
    %broadcast_in_dim3A_106 = vector.shape_cast %rsqrt3A_105 : vector<256xf32> to vector<1x256xf32>
    %mul3A_107 = vector.broadcast %broadcast_in_dim3A_106 : vector<1x256xf32> to vector<64x256xf32>
    %mul3A_108 = arith.mulf %mul3A_101, %mul3A_107 : vector<64x256xf32>
    %add3A_109 = vector.broadcast %get3A_69 : vector<1x256xf32> to vector<64x256xf32>
    %add3A_110 = arith.addf %mul3A_108, %add3A_109 : vector<64x256xf32>
    %get3A_111 = arith.constant 0 : index
    %get3A_112 = arith.constant 0 : index
    %get3A_113 = vector.load %arg9[%get3A_111, %get3A_112] : memref<256x1xf32, #tpu.memory_space<vmem>>, vector<256x1xf32>
    %dot_general3A_114 = arith.constant dense<0.000000e+00> : vector<64x1xf32>
    %dot_general3A_115 = tpu.matmul %add3A_110, %get3A_113, %dot_general3A_114 {dimension_numbers = #tpu.dot_dimension_numbers<[1], [0], [0], [1], [0, 0, 1, 1], [], []>, precision = #tpu.contract_precision<fp32>, transpose_lhs_hint = false} : vector<64x256xf32>, vector<256x1xf32>, vector<64x1xf32> -> vector<64x1xf32>
    %get3A_116 = arith.constant 0 : index
    %get3A_117 = arith.constant 0 : index
    %get3A_118 = vector.load %arg10[%get3A_116, %get3A_117] : memref<1x1xf32, #tpu.memory_space<vmem>>, vector<1x1xf32>
    %add3A_119 = vector.broadcast %get3A_118 : vector<1x1xf32> to vector<64x1xf32>
    %add3A_120 = arith.addf %dot_general3A_115, %add3A_119 : vector<64x1xf32>
    %swap3A = arith.constant 0 : index
    %swap3A_121 = arith.constant 0 : index
    %swap3A_122 = vector.load %arg11[%swap3A, %swap3A_121] : memref<64x1xf32, #tpu.memory_space<vmem>>, vector<64x1xf32>
    tpu.vector_store %arg11[%swap3A, %swap3A_121], %add3A_120 {strides = array<i32>} : memref<64x1xf32, #tpu.memory_space<vmem>>, vector<64x1xf32>,
    return
  }
}

</mosaic_0001>

<sc_bundles>
// kernel: kernel.14.cloned.1.call-start
scs
__scs_entry_jumppad:
0x0: {  	(pc) =	sbr.rel $0x88, $3  }
0x1: {  	(tag) =	ssettag $0x0;
	lr =	simm.s32 $0x1  }
0x2: {  	[smem:$0x3F90] =	sst lr;
	_ =	strace $0xD0000000  }
0x3: {  	_ = 	snop  }
0x4: {  	_ = 	snop  }
0x5: {  	_ = 	snop  }
0x6: {  	_ = 	snop  }
0x7: {  	_ = 	snop  }
__scs_overlays_trampoline_lowered:
0x8: {  	[smem:$0x3F9F] =	sst s0  }
0x9: {  	[smem:$0x3FA0] =	sst s1  }
0xa: {  	[smem:$0x3FA1] =	sst s2  }
0xb: {  	[smem:$0x3FA2] =	sst s3  }
0xc: {  	[smem:$0x3FA3] =	sst s4  }
0xd: {  	[smem:$0x3FA4] =	sst s5  }
0xe: {  	[smem:$0x3FA5] =	sst s6  }
0xf: {  	[smem:$0x3FA6] =	sst s7  }
0x10: {  	[smem:$0x3FA7] =	sst s8  }
0x11: {  	[smem:$0x3FA8] =	sst s9;
	s0 =	simm.s32 @!p0 $0x0  }
0x12: {  	s1 =	sld [smem:$0x3F8E];
	s0 =	simm.s32 @p0 $0x1  }
0x13: {  	[smem:$0x3FA9] =	sst s0;
	s0 =	simm.s32 @!p1 $0x0  }
0x14: {  	s2 =	sld [smem:$0x3F8D];
	s0 =	simm.s32 @p1 $0x1  }
0x15: {  	[smem:$0x3FAA] =	sst s0;
	s0 =	simm.s32 @!p2 $0x0  }
0x16: {  	s3 =	sld [smem:$0x3FDB];
	s0 =	simm.s32 @p2 $0x1  }
0x17: {  	s4 =	simm.s32 $0x1BF5;
	[smem:$0x3FAC] =	sst s0  }
0x18: {  	s0 =	sld [smem:$0x3F8F];
	_ =	swait.ge [sflag:s4], $0x0  }
0x19: {  	s7 =	sld [smem:$0x3F90]  }
0x1a: {  	s8 =	sadd.s32 $0xFFFFE003, lr  }
0x1b: {  	s9 =	sadd.s32 $0xFFFFFEF7, lr;
	s5 =	simm.s32 $0xFFFFFFFF;
	p2 =	slt.u32 s8, $0xFFFFF086  }
0x1c: {  	p1 =	slt.u32 s9, $0xF7A;
	s5 =	simm.s32 @!p2 $0x0  }
0x1d: {  	s5 =	simm.s32 @p1 $0x1;
	p0 =	seq.s32 s7, s2  }
0x1e: {  	s7 =	smul.u32 @!p0 $0xF7A, s2;
	p2 =	seq.s32 @!p0 s5, $0x0  }
0x1f: {  	s9 =	smul.u32 $0xF7A, s1;
	s8 =	simm.s32 @!p0 $0x1BF5;
	p2 =	por !p2, p0  }
0x20: {  	[sflag:s8] =	ssyncset.s32 @!p0 $0xFFFFF086;
	s6 =	sadd.s32 @!p0 s3, s7;
	s7 =	simm.s32 @!p0 $0x108  }
0x21: {  	s3 =	sadd.s32 s3, s9;
	s6 =	sadd.s32 @!p0 $0x88, s6;
	s7 =	simm.s32 @p2 $0x1082  }
0x22: {  	[simem:s7], [sflag:s8] =	dma.local @!p0 [hbm:s6], $0xF7A  }
0x23: {  	s9 =	sor.u32 $0xD0000000, s2;
	s6 =	simm.s32 $0x108;
	_ =	swait.ge @!p0 [sflag:s8], $0x0  }
0x24: {  	s3 =	sadd.s32 $0x88, s3;
	s6 =	simm.s32 @!p1 $0x1082;
	[sflag:s4] =	ssyncset.s32 $0xFFFFF086  }
0x25: {  	[simem:s6], [sflag:s4] =	dma.local [hbm:s3], $0xF7A  }
0x26: {  	[smem:$0x3F90] =	sst s1;
	(tag) =	ssettag s2;
	_ =	strace s9  }
0x27: {  	s1 =	sld [smem:$0x3FA0]  }
0x28: {  	s2 =	sld [smem:$0x3FA1]  }
0x29: {  	s4 =	sld [smem:$0x3FA3]  }
0x2a: {  	p0 =	seq.s32 s5, $0x0;
	s5 =	sld [smem:$0x3FA4]  }
0x2b: {  	s6 =	sld [smem:$0x3FA5]  }
0x2c: {  	s7 =	sld [smem:$0x3FA6]  }
0x2d: {  	s3 =	simm.s32 $0x108;
	s8 =	sld [smem:$0x3FA7]  }
0x2e: {  	s3 =	simm.s32 @!p0 $0x1082;
	s9 =	sld [smem:$0x3FA8]  }
0x2f: {  	lr =	sadd.s32 s0, s3;
	s0 =	sld [smem:$0x3F9F]  }
0x30: {  	s3 =	sld [smem:$0x3FA2]  }
0x31: {  	[smem:$0x3FAB] =	sst s10  }
0x32: {  	s10 =	sld [smem:$0x3FA9];
	_ =	sdelay $0x3  }
0x33: {  	p0 =	seq.s32 s10, $0x1;
	s10 =	sld [smem:$0x3FAB];
	_ =	sdelay $0x3  }
0x34: {  	[smem:$0x3FAB] =	sst s10  }
0x35: {  	s10 =	sld [smem:$0x3FAA];
	_ =	sdelay $0x3  }
0x36: {  	p1 =	seq.s32 s10, $0x1;
	s10 =	sld [smem:$0x3FAB];
	_ =	sdelay $0x3  }
0x37: {  	[smem:$0x3FAB] =	sst s10  }
0x38: {  	s10 =	sld [smem:$0x3FAC]  }
0x39: {  	_ = 	snop;
	(pc) =	sbr.ind lr, $3  }
0x3a: {  	_ = 	snop  }
0x3b: {  	_ = 	snop  }
0x3c: {  	p2 =	seq.s32 s10, $0x1;
	s10 =	sld [smem:$0x3FAB]  }
0x3d: {  	_ =	shalt  }
0x3e: {  	_ =	shalt  }
0x3f: {  	_ =	shalt  }
0x40: {  	_ =	shalt  }
0x41: {  	_ =	shalt  }
0x42: {  	_ =	shalt  }
0x43: {  	_ =	shalt  }
0x44: {  	_ =	shalt  }
0x45: {  	_ =	shalt  }
0x46: {  	_ =	shalt  }
0x47: {  	_ =	shalt  }
0x48: {  	_ =	shalt  }
0x49: {  	_ =	shalt  }
0x4a: {  	_ =	shalt  }
0x4b: {  	_ =	shalt  }
0x4c: {  	_ =	shalt  }
0x4d: {  	_ =	shalt  }
0x4e: {  	_ =	shalt  }
0x4f: {  	_ =	shalt  }
0x50: {  	_ =	shalt  }
0x51: {  	_ =	shalt  }
0x52: {  	_ =	shalt  }
0x53: {  	_ =	shalt  }
0x54: {  	_ =	shalt  }
0x55: {  	_ =	shalt  }
0x56: {  	_ =	shalt  }
0x57: {  	_ =	shalt  }
0x58: {  	_ =	shalt  }
0x59: {  	_ =	shalt  }
0x5a: {  	_ =	shalt  }
0x5b: {  	_ =	shalt  }
0x5c: {  	_ =	shalt  }
0x5d: {  	_ =	shalt  }
0x5e: {  	_ =	shalt  }
0x5f: {  	_ =	shalt  }
0x60: {  	_ =	shalt  }
0x61: {  	_ =	shalt  }
0x62: {  	_ =	shalt  }
0x63: {  	_ =	shalt  }
0x64: {  	_ =	shalt  }
0x65: {  	_ =	shalt  }
0x66: {  	_ =	shalt  }
0x67: {  	_ =	shalt  }
0x68: {  	_ =	shalt  }
0x69: {  	_ =	shalt  }
0x6a: {  	_ =	shalt  }
0x6b: {  	_ =	shalt  }
0x6c: {  	_ =	shalt  }
0x6d: {  	_ =	shalt  }
0x6e: {  	_ =	shalt  }
0x6f: {  	_ =	shalt  }
0x70: {  	_ =	shalt  }
0x71: {  	_ =	shalt  }
0x72: {  	_ =	shalt  }
0x73: {  	_ =	shalt  }
0x74: {  	_ =	shalt  }
0x75: {  	_ =	shalt  }
0x76: {  	_ =	shalt  }
0x77: {  	_ =	shalt  }
0x78: {  	_ =	shalt  }
0x79: {  	_ =	shalt  }
0x7a: {  	_ =	shalt  }
0x7b: {  	_ =	shalt  }
0x7c: {  	_ =	shalt  }
0x7d: {  	_ =	shalt  }
0x7e: {  	_ =	shalt  }
0x7f: {  	_ =	shalt  }
0x80: {  	_ =	shalt  }
0x81: {  	_ =	shalt  }
0x82: {  	_ =	shalt  }
0x83: {  	_ =	shalt  }
0x84: {  	_ =	shalt  }
0x85: {  	_ =	shalt  }
0x86: {  	_ =	shalt  }
0x87: {  	_ =	shalt  }
.Lfunc_end0:
.L_simem_size_0:
called_computation_lowered:
.L_overlay_start_0:
0x88: {  	s2 =	sld [smem:$0x3FD9]  }
0x89: {  	s3 =	sld [smem:$0x3FFE];
	_ =	sdelay $0x1  }
0x8a: {  	s1 =	srdreg.scid  }
0x8b: {  	s0 =	sand.u32 $0x1, s1  }
0x8c: {  	s16 =	sshll.u32 s0, $0xA;
	s2 =	sadd.s32 s3, s2  }
0x8d: {  	s2 =	sadd.s32 s2, s16  }
0x8e: {  	[smem:$0x3FB7] =	sst s2  }
0x8f: {  	_ = 	snop  }
0x90: {  	(tm) =	ssettm $0x1  }
0x91: {  	s17 =	sld [smem:$0x3FFB];
	_ =	sdelay $0x3  }
0x92: {  	_ =	strace s17  }
0x93: {  	s2 =	sld [smem:$0x3FFC];
	_ =	sdelay $0x3  }
0x94: {  	_ =	strace s2  }
0x95: {  	s2 =	sld [smem:$0x3FFD];
	_ =	sdelay $0x3  }
0x96: {  	_ =	strace s2  }
0x97: {  	_ =	strace $0x8FFFFFFF  }
0x98: {  	s18 =	sld [smem:$0x3FDB];
	_ =	sdelay $0x1  }
0x99: {  	s19 =	simm.s32 $_scs_section_size  }
0x9a: {  	s4 =	simm.s32 $_size__tile_overlayer_lowered;
	s5 =	simm.s32 $_tile_overlayer_lowered  }
0x9b: {  	s22 =	simm.s32 $0x1BFF;
	s21 =	sshll.u32 s5, $0x1;
	s2 =	sadd.s32 s19, s18  }
0x9c: {  	s6 =	simm.s32 $0x0;
	s20 =	sshll.u32 s4, $0x1;
	s4 =	sadd.s32 s21, s2  }
0x9d: {  	[timem:s6], [sflag:s22] =	dma.local [hbm:s4], s20  }
0x9e: {  	_ =	swait.ge [sflag:s22], s20  }
0x9f: {  	s3 =	ssub.s32 $0x0, s20;
	[sflag:s22] =	ssyncset.done $0x0  }
0xa0: {  	[sflag:s22] =	ssyncadd.s32 s3;
	_ =	sdelay $0x1  }
0xa1: {  	s23 =	simm.s32 $0x1B8B  }
0xa2: {  	_ =	swait.ge [sflag:s23], $0x1  }
0xa3: {  	[sflag:s23] =	ssyncset.done $0x0  }
0xa4: {  	s25 =	simm.s32 $0x1B8E;
	s24 =	sld [smem:$0x3FFE];
	[sflag:s23] =	ssyncadd.s32 $0xFFFFFFFF  }
0xa5: {  	s26 =	simm.s32 $execute0_lowered;
	[smem:$0x3FD2] =	sst s25  }
0xa6: {  	s4 =	sshll.u32 s26, $0x1;
	_ =	strace $0x80000046;
	[dreg:$0x1] =	wrdreg $0xFFFFFFFF  }
0xa7: {  	s28 =	simm.s32 $_size_execute0_lowered;
	s2 =	sadd.s32 s2, s4;
	[dreg:$0x0] =	wrdreg $0x0  }
0xa8: {  	s4 =	sshll.u32 s28, $0x1;
	[dreg:$0x2] =	wrdreg s2  }
0xa9: {  	[dreg:$0x3] =	wrdreg s4  }
0xaa: {  	[dreg:$0x4] =	wrdreg $0xC0  }
0xab: {  	_ =	task [dreg:s6], $0x5FFFF  }
0xac: {  	[dreg:$0x1] =	wrdreg $0xFFFFFFFF  }
0xad: {  	[dreg:$0x0] =	wrdreg $0x60  }
0xae: {  	[dreg:$0x2] =	wrdreg s24  }
0xaf: {  	[dreg:$0x3] =	wrdreg $0x50800  }
0xb0: {  	[dreg:$0x4] =	wrdreg $0x9  }
0xb1: {  	_ =	task.clear_ibuf [dreg:s6], $0x5FFFF;
	_ =	strace $0x90000046  }
0xb2: {  	s29 =	simm.s32 $0x9;
	_ =	strace $0x80000048  }
0xb3: {  	_ =	swait.ge [sflag:s29], $0x1  }
0xb4: {  	[sflag:s29] =	ssyncadd.s32 $0xFFFFFFFF  }
0xb5: {  	_ =	strace $0x90000048  }
0xb6: {  	_ =	sfence  }
0xb7: {  	s30 =	sld [smem:$0x0];
	_ =	sdelay $0x2  }
0xb8: {  	s31 =	sshll.u32 s1, $0xD;
	s1 =	sshrl.u32 s1, $0x2  }
0xb9: {  	s3 =	sand.u32 $0x4000, s31;
	s1 =	sadd.s32 s1, s30  }
0xba: {  	s0 =	sor.u32 s3, s0;
	s1 =	sshll.u32 s1, $0x11  }
0xbb: {  	s0 =	sor.u32 s1, s0  }
0xbc: {  	s0 =	sadd.s32 $0x8F2B, s0  }
0xbd: {  	[sflag:s0] =	ssyncadd.remote.s32 $0x1  }
0xbe: {  	_ =	sfence.sel $0xFFFF  }
0xbf: {  	[dreg:$0x0] =	wrdreg $0xFFFFFFFF;
	(pc) =	sbr.abs _section_cstart, $3  }
0xc0: {  	[dreg:$0x1] =	wrdreg $0xFFFFFFFF  }
0xc1: {  	_ =	task.clear_ibuf [dreg:s6], $0x2FFFF;
	_ =	strace $0x9FFFFFFF  }
0xc2: {  	(tm) =	ssettm $0x7FFFFFFF  }
0xc3: {  	_ =	shalt  }
tec
execute0_lowered:
.L_overlay_start_1:
0x0: {  	(tag) =	ssettag $0x1  }
0x1: {  	s4 =	rddreg [dreg:$0x0]  }
0x2: {  	s0 =	srdreg.scid;
	s1 =	stileid.u32  }
0x3: {  	s2 =	rddreg [dreg:$0x1];
	s3 =	simm.s32 $0x0;
	s7 =	smul.u32 $0x2710, s1  }
0x4: {  	s13 =	simm.s32 $0x1;
	s14 =	simm.s32 $0x0;
	s9 =	smul.u32 $0x280, s1  }
0x5: {  	s5 =	sand.u32 $0x1, s0;
	s0 =	rddreg [dreg:$0x2];
	s12 =	smul.u32 $0x2800, s1  }
0x6: {  	[smem:$0x7FF] =	sst s3;
	s8 =	smax.u32 s1, $0xD;
	s6 =	smul.u32 $0x27100, s5  }
0x7: {  	p0 =	slt.u32 s1, $0xD;
	s5 =	ssub.s32 $0x2, s5;
	s10 =	smul.u32 $0x50, s8  }
0x8: {  	_ =	strace $0x80000047;
	s8 =	smul.u32 $0x500, s8;
	s11 =	sshrl.u32 s5, $0x1  }
0x9: {  	s7 =	sadd.s32 s7, s6;
	s6 =	sadd.s32 s6, s4;
	s5 =	ssub.s32 s5, s11  }
0xa: {  	s9 =	ssub.s32 s9, s10;
	s10 =	simm.s32 $0x2880;
	s11 =	simm.s32 $0x2  }
0xb: {  	s7 =	sshrl.u32 s7, $0x3;
	s6 =	sadd.s32 s12, s6;
	s5 =	smax.u32 s5, $0x1  }
0xc: {  	s12 =	simm.s32 $0x80;
	s7 =	sadd.s32 s7, s4;
	s4 =	simm.s32 $0x8  }
0xd: {  	s8 =	ssub.s32 s6, s8;
	s6 =	sadd.s32 $0x450, s9;
	s9 =	simm.s32 $0x50  }
0xe: {  	v0 =	vimm.f32 $1.000000000e+00;
	v1 =	vimm.f32 $0.0e+00;
	v2 =	vlaneseq.u32;
	s4 =	simm.s32 @!p0 $0x7;
	s7 =	sadd.s32 $0xEA00, s7;
	s8 =	sadd.s32 $0x1C900, s8  }
.LBB2_1:
0xf: {  	s15 =	simm.s32 $0x0  }
.LBB2_2:
0x10: {  	p0 =	sne.s32 s15, $0x9E00  }
.Ltmp0:
0x11: {  	_ = 	snop;
	(pc) =	sbr.rel @p0 .LBB2_2-.Ltmp0, $3  }
0x12: {  	_ =	sdelay $0x1  }
0x13: {  	s16 =	sshra.s32 s15, $0x2  }
0x14: {  	s15 =	sadd.s32 $0x200, s15;
	[tilespmem:s16+$0x80] =	vst v0  }
0x15: {  	s15 =	simm.s32 $0x200;
	s16 =	simm.s32 $0x0  }
.LBB2_4:
0x16: {  	p0 =	sne.s32 s15, $0x9E00;
	[tilespmem:s16+$0x2880] =	vst v1;
	s16 =	smov.u32 s15;
	s15 =	sadd.s32 $0x200, s15  }
.Ltmp1:
0x17: {  	(pc) =	sbr.rel @p0 .LBB2_4-.Ltmp1, $2  }
0x18: {  	_ =	sdelay $0x2  }
0x19: {  	s16 =	sshra.s32 s16, $0x2  }
0x1a: {  	[tilespmem:s16+$0x2880] =	vst v1;
	s15 =	sadd.s32 $0xFFFFFFC0, s6;
	v3 =	vor.u32 s6, v2  }
0x1b: {  	s29 =	sadd.s32 $0xFFFFFFF0, s6;
	p0 =	sne.s32 s4, $0x1;
	v4 =	vor.u32 s15, v2;
	[tilespmem:$0x40] =	vst v3  }
.Ltmp2:
0x1c: {  	s30 =	sadd.s32 $0xFFFFFFD0, s6;
	v5 =	vor.u32 s29, v2;
	[tilespmem:$0x0] =	vst v4;
	(pc) =	sbr.rel @!p0 .LBB2_7-.Ltmp2, $4  }
0x1d: {  	s31 =	sadd.s32 $0xFFFFFFE0, s6;
	v6 =	vor.u32 s30, v2;
	[tilespmem:$0x30] =	vst v5  }
0x1e: {  	v7 =	vor.u32 s31, v2;
	[tilespmem:$0x10] =	vst v6  }
0x1f: {  	s16 =	smov.u32 s6;
	s15 =	sadd.s32 $0xFFFFFFFF, s4;
	[tilespmem:$0x20] =	vst v7  }
0x20: {  	[spmem:s2] =	stream.indirect.scatter [tilespmem:s10], [sflag:$0x2], $0x10, s3, s9, $0xb8;
	[tilespmem:$0x7790] =	vst v63  }
.LBB2_6:
0x21: {  	p1 =	sne.s32 s15, $0x1;
	_ =	swait.ge [sflag:s11], $0x500;
	s16 =	sadd.s32 $0x50, s16  }
0x22: {  	s15 =	sadd.s32 $0xFFFFFFFF, s15;
	[sflag:s11] =	ssyncset.done $0x0  }
0x23: {  	s17 =	sadd.s32 $0xFFFFFFC0, s16;
	v8 =	vor.u32 s16, v2;
	[sflag:s11] =	ssyncadd.s32 $0xFFFFFB00  }
0x24: {  	s18 =	sadd.s32 $0xFFFFFFE0, s16;
	s19 =	sadd.s32 $0xFFFFFFF0, s16;
	v9 =	vor.u32 s17, v2;
	s17 =	sadd.s32 $0xFFFFFFD0, s16;
	[tilespmem:$0x40] =	vst v8  }
.Ltmp3:
0x25: {  	v10 =	vor.u32 s19, v2;
	v8 =	vor.u32 s17, v2;
	[tilespmem:$0x0] =	vst v9;
	v9 =	vor.u32 s18, v2;
	(pc) =	sbr.rel @p1 .LBB2_6-.Ltmp3, $4  }
0x26: {  	[tilespmem:$0x30] =	vst v10  }
0x27: {  	[tilespmem:$0x10] =	vst v8  }
0x28: {  	[tilespmem:$0x20] =	vst v9  }
0x29: {  	[spmem:s2] =	stream.indirect.scatter [tilespmem:s10], [sflag:$0x2], $0x10, s3, s9, $0xb8;
	[tilespmem:$0x7790] =	vst v63  }
.LBB2_7:
0x2a: {  	_ =	swait.ge [sflag:s11], $0x500  }
0x2b: {  	[sflag:s11] =	ssyncset.done $0x0  }
0x2c: {  	[sflag:s11] =	ssyncadd.s32 $0xFFFFFB00  }
0x2d: {  	s15 =	sadd.s32 $0x0, s7;
	[bflag:$0x0] =	sbarrier.arrive $0xFFFF  }
0x2e: {  	[tilespmem:s3], [sflag:$0x2] =	stream.linear.gather [hbm4b:s15+s3], $0x50, $0x38;
	[tilespmem:$0x7790] =	vst v63  }
0x2f: {  	_ =	swait.ge [sflag:s11], $0x50  }
0x30: {  	[sflag:s11] =	ssyncset.done $0x0  }
0x31: {  	[sflag:s11] =	ssyncadd.s32 $0xFFFFFFB0  }
0x32: {  	[spmem:s2] =	stream.indirect.scatter.add.f32 [tilespmem:s12], [sflag:$0x2], $0x10, s3, s9, $0xb8;
	[tilespmem:$0x7790] =	vst v63  }
0x33: {  	_ =	swait.ge [sflag:s11], $0x500  }
0x34: {  	s16 =	simm.s32 $0x14;
	s15 =	simm.s32 $0xA;
	[sflag:s11] =	ssyncset.done $0x0  }
.LBB2_8:
0x35: {  	s17 =	sadd.s32 s15, s7  }
0x36: {  	[sflag:s11] =	ssyncadd.s32 $0xFFFFFB00;
	s15 =	smov.u32 s16;
	s18 =	sadd.s32 $0xA, s16  }
0x37: {  	[tilespmem:s3], [sflag:$0x2] =	stream.linear.gather [hbm4b:s17+s3], $0x50, $0x38;
	[tilespmem:$0x7790] =	vst v63  }
0x38: {  	p1 =	sne.s32 s16, $0x4D8;
	_ =	swait.ge [sflag:s11], $0x50  }
.Ltmp4:
0x39: {  	[sflag:s11] =	ssyncset.done $0x0;
	(pc) =	sbr.rel @p1 .LBB2_8-.Ltmp4, $4  }
0x3a: {  	[sflag:s11] =	ssyncadd.s32 $0xFFFFFFB0  }
0x3b: {  	[spmem:s2] =	stream.indirect.scatter.add.f32 [tilespmem:s12], [sflag:$0x2], $0x10, s3, s9, $0xb8;
	[tilespmem:$0x7790] =	vst v63  }
0x3c: {  	_ =	swait.ge [sflag:s11], $0x500  }
0x3d: {  	s16 =	smov.u32 s18;
	[sflag:s11] =	ssyncset.done $0x0  }
0x3e: {  	s15 =	sadd.s32 s15, s7;
	[sflag:s11] =	ssyncadd.s32 $0xFFFFFB00  }
0x3f: {  	[tilespmem:s3], [sflag:$0x2] =	stream.linear.gather [hbm4b:s15+s3], $0x50, $0x38;
	[tilespmem:$0x7790] =	vst v63  }
0x40: {  	_ =	swait.ge [sflag:s11], $0x50  }
0x41: {  	[sflag:s11] =	ssyncset.done $0x0  }
0x42: {  	[sflag:s11] =	ssyncadd.s32 $0xFFFFFFB0  }
0x43: {  	[spmem:s2] =	stream.indirect.scatter.add.f32 [tilespmem:s12], [sflag:$0x2], $0x10, s3, s9, $0xb8;
	[tilespmem:$0x7790] =	vst v63  }
0x44: {  	_ =	swait.ge [sflag:s11], $0x500  }
0x45: {  	[sflag:s11] =	ssyncset.done $0x0  }
0x46: {  	[sflag:s11] =	ssyncadd.s32 $0xFFFFFB00  }
0x47: {  	[bflag:$0x0] =	sbarrier.arrive $0xFFFF  }
0x48: {  	[tilespmem:$0x40] =	vst v3  }
0x49: {  	[tilespmem:$0x0] =	vst v4  }
0x4a: {  	[tilespmem:$0x30] =	vst v5  }
0x4b: {  	[tilespmem:$0x10] =	vst v6  }
0x4c: {  	[tilespmem:$0x20] =	vst v7  }
0x4d: {  	[tilespmem:s10], [sflag:$0x1] =	stream.indirect.gather [spmem:s2], $0x10, s3, s9, $0xb8;
	[tilespmem:$0x7790] =	vst v63  }
.Ltmp5:
0x4e: {  	_ = 	snop;
	(pc) =	sbr.rel @!p0 .LBB2_11-.Ltmp5, $4  }
0x4f: {  	_ =	swait.ge [sflag:s13], $0x500  }
0x50: {  	s16 =	smov.u32 s6;
	[sflag:s13] =	ssyncset.done $0x0  }
0x51: {  	s17 =	smov.u32 s8;
	s15 =	sadd.s32 $0xFFFFFFFF, s4;
	[sflag:s13] =	ssyncadd.s32 $0xFFFFFB00  }
0x52: {  	[hbm4b:s8+s3] =	stream.linear.scatter [tilespmem:s10], [sflag:$0x2], $0x2800, $0x38;
	[tilespmem:$0x7790] =	vst v63  }
.LBB2_10:
0x53: {  	_ =	swait.ge [sflag:s11], $0x2800;
	s16 =	sadd.s32 $0x50, s16;
	s17 =	sadd.s32 $0x500, s17  }
0x54: {  	p0 =	sne.s32 s15, $0x1;
	s15 =	sadd.s32 $0xFFFFFFFF, s15;
	[sflag:s11] =	ssyncset.done $0x0  }
0x55: {  	s18 =	sadd.s32 $0xFFFFFFC0, s16;
	v3 =	vor.u32 s16, v2;
	[sflag:s11] =	ssyncadd.s32 $0xFFFFD800  }
0x56: {  	s19 =	sadd.s32 $0xFFFFFFE0, s16;
	s20 =	sadd.s32 $0xFFFFFFF0, s16;
	v4 =	vor.u32 s18, v2;
	s18 =	sadd.s32 $0xFFFFFFD0, s16;
	[tilespmem:$0x40] =	vst v3  }
0x57: {  	v5 =	vor.u32 s20, v2;
	v3 =	vor.u32 s18, v2;
	[tilespmem:$0x0] =	vst v4;
	v4 =	vor.u32 s19, v2  }
0x58: {  	[tilespmem:$0x30] =	vst v5  }
0x59: {  	[tilespmem:$0x10] =	vst v3  }
0x5a: {  	[tilespmem:$0x20] =	vst v4  }
0x5b: {  	[tilespmem:s10], [sflag:$0x1] =	stream.indirect.gather [spmem:s2], $0x10, s3, s9, $0xb8;
	[tilespmem:$0x7790] =	vst v63  }
.Ltmp6:
0x5c: {  	_ = 	snop;
	(pc) =	sbr.rel @p0 .LBB2_10-.Ltmp6, $4  }
0x5d: {  	_ =	swait.ge [sflag:s13], $0x500  }
0x5e: {  	[sflag:s13] =	ssyncset.done $0x0  }
0x5f: {  	[sflag:s13] =	ssyncadd.s32 $0xFFFFFB00  }
0x60: {  	[hbm4b:s17+s3] =	stream.linear.scatter [tilespmem:s10], [sflag:$0x2], $0x2800, $0x38;
	[tilespmem:$0x7790] =	vst v63  }
.LBB2_11:
0x61: {  	s14 =	sadd.s32 $0x1, s14  }
0x62: {  	p0 =	sne.s32 s14, s5  }
.Ltmp7:
0x63: {  	_ = 	snop;
	(pc) =	sbr.rel @p0 .LBB2_1-.Ltmp7, $4  }
0x64: {  	_ = 	snop  }
0x65: {  	_ =	swait.ge [sflag:s11], $0x2800  }
0x66: {  	[sflag:s11] =	ssyncset.done $0x0  }
0x67: {  	[sflag:s11] =	ssyncadd.s32 $0xFFFFD800  }
0x68: {  	_ =	sfence.sel $0x180000  }
0x69: {  	[bflag:$0x0] =	sbarrier.arrive $0xFFFF  }
0x6a: {  	p0 =	sne.s32 s1, $0x0;
	_ =	strace $0x90000047  }
0x6b: {  	s0 =	sadd.s32 @!p0 $0x100000, s0;
	[bflag:$0x2] =	sbarrier.arrive $0xFFFF  }
0x6c: {  	[sflag:s0] =	ssyncadd.tile.s32 @!p0 $0x1;
	_ =	shalt  }
.Lfunc_end2:
_tile_overlayer_lowered:
.L_overlay_start_2:
0x6d: {  	(tag) =	ssettag $0x2  }
0x6e: {  	s0 =	rddreg [dreg:$0x0];
	s2 =	stileid.u32  }
0x6f: {  	s1 =	rddreg [dreg:$0x1];
	p0 =	sne.s32 s2, $0x0  }
0x70: {  	s3 =	rddreg [dreg:$0x2];
	[bflag:$0x3] =	sbarrier.arrive $0xFFFF;
	s2 =	simm.s32 @!p0 $0x1C02  }
0x71: {  	[timem:s3], [sflag:s2] =	dma.local @!p0 [hbm:s0], s1  }
0x72: {  	s0 =	simm.s32 @!p0 $0x2  }
0x73: {  	_ =	swait.ge @!p0 [sflag:s0], s1  }
0x74: {  	s1 =	ssub.s32 @!p0 $0x0, s1;
	[sflag:s0] =	ssyncset.done @!p0 $0x0  }
0x75: {  	[sflag:s0] =	ssyncadd.s32 @!p0 s1  }
0x76: {  	[bflag:$0x3] =	sbarrier.arrive $0xFFFF  }
0x77: {  	_ =	shalt  }

// kernel: kernel.17.cloned.1.call-start
scs
__scs_entry_jumppad:
0x0: {  	(pc) =	sbr.rel $0x88, $3  }
0x1: {  	(tag) =	ssettag $0x0;
	lr =	simm.s32 $0x1  }
0x2: {  	[smem:$0x3F90] =	sst lr;
	_ =	strace $0xD0000000  }
0x3: {  	_ = 	snop  }
0x4: {  	_ = 	snop  }
0x5: {  	_ = 	snop  }
0x6: {  	_ = 	snop  }
0x7: {  	_ = 	snop  }
__scs_overlays_trampoline_lowered:
0x8: {  	[smem:$0x3F9F] =	sst s0  }
0x9: {  	[smem:$0x3FA0] =	sst s1  }
0xa: {  	[smem:$0x3FA1] =	sst s2  }
0xb: {  	[smem:$0x3FA2] =	sst s3  }
0xc: {  	[smem:$0x3FA3] =	sst s4  }
0xd: {  	[smem:$0x3FA4] =	sst s5  }
0xe: {  	[smem:$0x3FA5] =	sst s6  }
0xf: {  	[smem:$0x3FA6] =	sst s7  }
0x10: {  	[smem:$0x3FA7] =	sst s8  }
0x11: {  	[smem:$0x3FA8] =	sst s9;
	s0 =	simm.s32 @!p0 $0x0  }
0x12: {  	s1 =	sld [smem:$0x3F8E];
	s0 =	simm.s32 @p0 $0x1  }
0x13: {  	[smem:$0x3FA9] =	sst s0;
	s0 =	simm.s32 @!p1 $0x0  }
0x14: {  	s2 =	sld [smem:$0x3F8D];
	s0 =	simm.s32 @p1 $0x1  }
0x15: {  	[smem:$0x3FAA] =	sst s0;
	s0 =	simm.s32 @!p2 $0x0  }
0x16: {  	s3 =	sld [smem:$0x3FDB];
	s0 =	simm.s32 @p2 $0x1  }
0x17: {  	s4 =	simm.s32 $0x1BF5;
	[smem:$0x3FAC] =	sst s0  }
0x18: {  	s0 =	sld [smem:$0x3F8F];
	_ =	swait.ge [sflag:s4], $0x0  }
0x19: {  	s7 =	sld [smem:$0x3F90]  }
0x1a: {  	s8 =	sadd.s32 $0xFFFFE003, lr  }
0x1b: {  	s9 =	sadd.s32 $0xFFFFFEF7, lr;
	s5 =	simm.s32 $0xFFFFFFFF;
	p2 =	slt.u32 s8, $0xFFFFF086  }
0x1c: {  	p1 =	slt.u32 s9, $0xF7A;
	s5 =	simm.s32 @!p2 $0x0  }
0x1d: {  	s5 =	simm.s32 @p1 $0x1;
	p0 =	seq.s32 s7, s2  }
0x1e: {  	s7 =	smul.u32 @!p0 $0xF7A, s2;
	p2 =	seq.s32 @!p0 s5, $0x0  }
0x1f: {  	s9 =	smul.u32 $0xF7A, s1;
	s8 =	simm.s32 @!p0 $0x1BF5;
	p2 =	por !p2, p0  }
0x20: {  	[sflag:s8] =	ssyncset.s32 @!p0 $0xFFFFF086;
	s6 =	sadd.s32 @!p0 s3, s7;
	s7 =	simm.s32 @!p0 $0x108  }
0x21: {  	s3 =	sadd.s32 s3, s9;
	s6 =	sadd.s32 @!p0 $0x88, s6;
	s7 =	simm.s32 @p2 $0x1082  }
0x22: {  	[simem:s7], [sflag:s8] =	dma.local @!p0 [hbm:s6], $0xF7A  }
0x23: {  	s9 =	sor.u32 $0xD0000000, s2;
	s6 =	simm.s32 $0x108;
	_ =	swait.ge @!p0 [sflag:s8], $0x0  }
0x24: {  	s3 =	sadd.s32 $0x88, s3;
	s6 =	simm.s32 @!p1 $0x1082;
	[sflag:s4] =	ssyncset.s32 $0xFFFFF086  }
0x25: {  	[simem:s6], [sflag:s4] =	dma.local [hbm:s3], $0xF7A  }
0x26: {  	[smem:$0x3F90] =	sst s1;
	(tag) =	ssettag s2;
	_ =	strace s9  }
0x27: {  	s1 =	sld [smem:$0x3FA0]  }
0x28: {  	s2 =	sld [smem:$0x3FA1]  }
0x29: {  	s4 =	sld [smem:$0x3FA3]  }
0x2a: {  	p0 =	seq.s32 s5, $0x0;
	s5 =	sld [smem:$0x3FA4]  }
0x2b: {  	s6 =	sld [smem:$0x3FA5]  }
0x2c: {  	s7 =	sld [smem:$0x3FA6]  }
0x2d: {  	s3 =	simm.s32 $0x108;
	s8 =	sld [smem:$0x3FA7]  }
0x2e: {  	s3 =	simm.s32 @!p0 $0x1082;
	s9 =	sld [smem:$0x3FA8]  }
0x2f: {  	lr =	sadd.s32 s0, s3;
	s0 =	sld [smem:$0x3F9F]  }
0x30: {  	s3 =	sld [smem:$0x3FA2]  }
0x31: {  	[smem:$0x3FAB] =	sst s10  }
0x32: {  	s10 =	sld [smem:$0x3FA9];
	_ =	sdelay $0x3  }
0x33: {  	p0 =	seq.s32 s10, $0x1;
	s10 =	sld [smem:$0x3FAB];
	_ =	sdelay $0x3  }
0x34: {  	[smem:$0x3FAB] =	sst s10  }
0x35: {  	s10 =	sld [smem:$0x3FAA];
	_ =	sdelay $0x3  }
0x36: {  	p1 =	seq.s32 s10, $0x1;
	s10 =	sld [smem:$0x3FAB];
	_ =	sdelay $0x3  }
0x37: {  	[smem:$0x3FAB] =	sst s10  }
0x38: {  	s10 =	sld [smem:$0x3FAC]  }
0x39: {  	_ = 	snop;
	(pc) =	sbr.ind lr, $3  }
0x3a: {  	_ = 	snop  }
0x3b: {  	_ = 	snop  }
0x3c: {  	p2 =	seq.s32 s10, $0x1;
	s10 =	sld [smem:$0x3FAB]  }
0x3d: {  	_ =	shalt  }
0x3e: {  	_ =	shalt  }
0x3f: {  	_ =	shalt  }
0x40: {  	_ =	shalt  }
0x41: {  	_ =	shalt  }
0x42: {  	_ =	shalt  }
0x43: {  	_ =	shalt  }
0x44: {  	_ =	shalt  }
0x45: {  	_ =	shalt  }
0x46: {  	_ =	shalt  }
0x47: {  	_ =	shalt  }
0x48: {  	_ =	shalt  }
0x49: {  	_ =	shalt  }
0x4a: {  	_ =	shalt  }
0x4b: {  	_ =	shalt  }
0x4c: {  	_ =	shalt  }
0x4d: {  	_ =	shalt  }
0x4e: {  	_ =	shalt  }
0x4f: {  	_ =	shalt  }
0x50: {  	_ =	shalt  }
0x51: {  	_ =	shalt  }
0x52: {  	_ =	shalt  }
0x53: {  	_ =	shalt  }
0x54: {  	_ =	shalt  }
0x55: {  	_ =	shalt  }
0x56: {  	_ =	shalt  }
0x57: {  	_ =	shalt  }
0x58: {  	_ =	shalt  }
0x59: {  	_ =	shalt  }
0x5a: {  	_ =	shalt  }
0x5b: {  	_ =	shalt  }
0x5c: {  	_ =	shalt  }
0x5d: {  	_ =	shalt  }
0x5e: {  	_ =	shalt  }
0x5f: {  	_ =	shalt  }
0x60: {  	_ =	shalt  }
0x61: {  	_ =	shalt  }
0x62: {  	_ =	shalt  }
0x63: {  	_ =	shalt  }
0x64: {  	_ =	shalt  }
0x65: {  	_ =	shalt  }
0x66: {  	_ =	shalt  }
0x67: {  	_ =	shalt  }
0x68: {  	_ =	shalt  }
0x69: {  	_ =	shalt  }
0x6a: {  	_ =	shalt  }
0x6b: {  	_ =	shalt  }
0x6c: {  	_ =	shalt  }
0x6d: {  	_ =	shalt  }
0x6e: {  	_ =	shalt  }
0x6f: {  	_ =	shalt  }
0x70: {  	_ =	shalt  }
0x71: {  	_ =	shalt  }
0x72: {  	_ =	shalt  }
0x73: {  	_ =	shalt  }
0x74: {  	_ =	shalt  }
0x75: {  	_ =	shalt  }
0x76: {  	_ =	shalt  }
0x77: {  	_ =	shalt  }
0x78: {  	_ =	shalt  }
0x79: {  	_ =	shalt  }
0x7a: {  	_ =	shalt  }
0x7b: {  	_ =	shalt  }
0x7c: {  	_ =	shalt  }
0x7d: {  	_ =	shalt  }
0x7e: {  	_ =	shalt  }
0x7f: {  	_ =	shalt  }
0x80: {  	_ =	shalt  }
0x81: {  	_ =	shalt  }
0x82: {  	_ =	shalt  }
0x83: {  	_ =	shalt  }
0x84: {  	_ =	shalt  }
0x85: {  	_ =	shalt  }
0x86: {  	_ =	shalt  }
0x87: {  	_ =	shalt  }
.Lfunc_end0:
.L_simem_size_0:
called_computation.1_lowered:
.L_overlay_start_0:
0x88: {  	s2 =	sld [smem:$0x3FD9]  }
0x89: {  	s3 =	sld [smem:$0x3FFE];
	_ =	sdelay $0x1  }
0x8a: {  	s1 =	srdreg.scid  }
0x8b: {  	s0 =	sand.u32 $0x1, s1  }
0x8c: {  	s16 =	sshll.u32 s0, $0xA;
	s2 =	sadd.s32 s3, s2  }
0x8d: {  	s2 =	sadd.s32 s2, s16  }
0x8e: {  	[smem:$0x3FB7] =	sst s2  }
0x8f: {  	_ = 	snop  }
0x90: {  	(tm) =	ssettm $0x1  }
0x91: {  	s17 =	sld [smem:$0x3FFB];
	_ =	sdelay $0x3  }
0x92: {  	_ =	strace s17  }
0x93: {  	s2 =	sld [smem:$0x3FFC];
	_ =	sdelay $0x3  }
0x94: {  	_ =	strace s2  }
0x95: {  	s2 =	sld [smem:$0x3FFD];
	_ =	sdelay $0x3  }
0x96: {  	_ =	strace s2  }
0x97: {  	_ =	strace $0x8FFFFFFF  }
0x98: {  	s18 =	sld [smem:$0x3FDB];
	_ =	sdelay $0x1  }
0x99: {  	s19 =	simm.s32 $_scs_section_size  }
0x9a: {  	s4 =	simm.s32 $_size__tile_overlayer_lowered;
	s5 =	simm.s32 $_tile_overlayer_lowered  }
0x9b: {  	s22 =	simm.s32 $0x1BFF;
	s21 =	sshll.u32 s5, $0x1;
	s2 =	sadd.s32 s19, s18  }
0x9c: {  	s6 =	simm.s32 $0x0;
	s20 =	sshll.u32 s4, $0x1;
	s4 =	sadd.s32 s21, s2  }
0x9d: {  	[timem:s6], [sflag:s22] =	dma.local [hbm:s4], s20  }
0x9e: {  	_ =	swait.ge [sflag:s22], s20  }
0x9f: {  	s3 =	ssub.s32 $0x0, s20;
	[sflag:s22] =	ssyncset.done $0x0  }
0xa0: {  	[sflag:s22] =	ssyncadd.s32 s3;
	_ =	sdelay $0x1  }
0xa1: {  	s23 =	simm.s32 $0x1B8B  }
0xa2: {  	_ =	swait.ge [sflag:s23], $0x1  }
0xa3: {  	[sflag:s23] =	ssyncset.done $0x0  }
0xa4: {  	s25 =	simm.s32 $0x1B8E;
	s24 =	sld [smem:$0x3FFE];
	[sflag:s23] =	ssyncadd.s32 $0xFFFFFFFF  }
0xa5: {  	s26 =	simm.s32 $execute0_lowered;
	[smem:$0x3FD2] =	sst s25  }
0xa6: {  	s4 =	sshll.u32 s26, $0x1;
	_ =	strace $0x80000049;
	[dreg:$0x1] =	wrdreg $0xFFFFFFFF  }
0xa7: {  	s28 =	simm.s32 $_size_execute0_lowered;
	s2 =	sadd.s32 s2, s4;
	[dreg:$0x0] =	wrdreg $0x0  }
0xa8: {  	s4 =	sshll.u32 s28, $0x1;
	[dreg:$0x2] =	wrdreg s2  }
0xa9: {  	[dreg:$0x3] =	wrdreg s4  }
0xaa: {  	[dreg:$0x4] =	wrdreg $0xC0  }
0xab: {  	_ =	task [dreg:s6], $0x5FFFF  }
0xac: {  	[dreg:$0x1] =	wrdreg $0xFFFFFFFF  }
0xad: {  	[dreg:$0x0] =	wrdreg $0x60  }
0xae: {  	[dreg:$0x2] =	wrdreg s24  }
0xaf: {  	[dreg:$0x3] =	wrdreg $0x52000  }
0xb0: {  	[dreg:$0x4] =	wrdreg $0x9  }
0xb1: {  	_ =	task.clear_ibuf [dreg:s6], $0x5FFFF;
	_ =	strace $0x90000049  }
0xb2: {  	s29 =	simm.s32 $0x9;
	_ =	strace $0x8000004B  }
0xb3: {  	_ =	swait.ge [sflag:s29], $0x1  }
0xb4: {  	[sflag:s29] =	ssyncadd.s32 $0xFFFFFFFF  }
0xb5: {  	_ =	strace $0x9000004B  }
0xb6: {  	_ =	sfence  }
0xb7: {  	s30 =	sld [smem:$0x0];
	_ =	sdelay $0x2  }
0xb8: {  	s31 =	sshll.u32 s1, $0xD;
	s1 =	sshrl.u32 s1, $0x2  }
0xb9: {  	s3 =	sand.u32 $0x4000, s31;
	s1 =	sadd.s32 s1, s30  }
0xba: {  	s0 =	sor.u32 s3, s0;
	s1 =	sshll.u32 s1, $0x11  }
0xbb: {  	s0 =	sor.u32 s1, s0  }
0xbc: {  	s0 =	sadd.s32 $0x8F2B, s0  }
0xbd: {  	[sflag:s0] =	ssyncadd.remote.s32 $0x1  }
0xbe: {  	_ =	sfence.sel $0xFFFF  }
0xbf: {  	[dreg:$0x0] =	wrdreg $0xFFFFFFFF;
	(pc) =	sbr.abs _section_cstart, $3  }
0xc0: {  	[dreg:$0x1] =	wrdreg $0xFFFFFFFF  }
0xc1: {  	_ =	task.clear_ibuf [dreg:s6], $0x2FFFF;
	_ =	strace $0x9FFFFFFF  }
0xc2: {  	(tm) =	ssettm $0x7FFFFFFF  }
0xc3: {  	_ =	shalt  }
tec
execute0_lowered:
.L_overlay_start_1:
0x0: {  	(tag) =	ssettag $0x1  }
0x1: {  	s5 =	rddreg [dreg:$0x0]  }
0x2: {  	s2 =	rddreg [dreg:$0x1]  }
0x3: {  	s3 =	simm.s32 $0x0;
	s1 =	stileid.u32;
	s4 =	srdreg.scid  }
0x4: {  	s15 =	simm.s32 $0x80;
	s16 =	simm.s32 $0x2900;
	s17 =	simm.s32 $0x2980  }
0x5: {  	s18 =	simm.s32 $0x1;
	s19 =	simm.s32 $0x2A00;
	s6 =	smul.u32 $0x9C4, s1  }
0x6: {  	s20 =	simm.s32 $0x2;
	s21 =	simm.s32 $0x3;
	s11 =	smul.u32 $0x280, s1  }
0x7: {  	s23 =	simm.s32 $0x5;
	s7 =	sand.u32 $0x1, s4;
	s13 =	smul.u32 $0x2800, s1  }
0x8: {  	s24 =	simm.s32 $0x0;
	[smem:$0x7FF] =	sst s3;
	s8 =	smul.u32 $0x27100, s7  }
0x9: {  	s4 =	sadd.s32 $0x18800, s5;
	s9 =	smax.u32 s1, $0xD;
	s22 =	smul.u32 $0x2710, s7  }
0xa: {  	p0 =	slt.u32 s1, $0xD;
	s28 =	ssub.s32 $0x2, s7;
	s30 =	smul.u32 $0x50, s9  }
0xb: {  	_ =	strace $0x8000004A;
	s14 =	smul.u32 $0x500, s9;
	s29 =	sshrl.u32 s28, $0x1  }
0xc: {  	s10 =	sadd.s32 s6, s5;
	s12 =	sadd.s32 s8, s5;
	s6 =	ssub.s32 s28, s29  }
0xd: {  	s5 =	simm.s32 $0x8;
	s8 =	sadd.s32 s8, s4;
	s7 =	ssub.s32 s11, s30  }
0xe: {  	s9 =	sadd.s32 $0xEA00, s10;
	s10 =	sadd.s32 $0x4C00, s10;
	v0 =	vmov s22;
	s22 =	simm.s32 $0x4  }
0xf: {  	s5 =	simm.s32 @!p0 $0x7;
	s6 =	smax.u32 s6, $0x1;
	s8 =	sadd.s32 s13, s8  }
0x10: {  	s7 =	sadd.s32 $0x450, s7;
	s31 =	sadd.s32 s13, s12;
	s12 =	simm.s32 $0x100  }
0x11: {  	s13 =	simm.s32 $0x6;
	s8 =	ssub.s32 s8, s14;
	s11 =	ssub.s32 s31, s14  }
0x12: {  	v1 =	vlaneseq.u32;
	s14 =	simm.s32 $0x50;
	s8 =	sadd.s32 $0x4100, s8;
	s11 =	sadd.s32 $0x6AB00, s11  }
.LBB2_1:
0x13: {  	[tilespmem:s12], [sflag:$0x6] =	stream.linear.gather [hbm4b:s8+s3], $0x2800, $0x38;
	[tilespmem:$0x18A80] =	vst v63  }
0x14: {  	_ =	swait.ge [sflag:s13], $0x2800  }
0x15: {  	p0 =	sne.s32 s5, $0x1;
	[sflag:s13] =	ssyncset.done $0x0  }
.Ltmp0:
0x16: {  	s25 =	sadd.s32 $0xFFFFFFF0, s7;
	v3 =	vor.u32 s7, v1;
	[sflag:s13] =	ssyncadd.s32 $0xFFFFD800;
	(pc) =	sbr.rel @!p0 .LBB2_3-.Ltmp0, $4  }
0x17: {  	s26 =	sadd.s32 $0xFFFFFFE0, s7;
	v2 =	vor.u32 s25, v1;
	[tilespmem:$0xC0] =	vst v3  }
0x18: {  	s28 =	sadd.s32 $0xFFFFFFC0, s7;
	v4 =	vor.u32 s26, v1;
	[tilespmem:$0xB0] =	vst v2  }
0x19: {  	s25 =	sadd.s32 $0xFFFFFFD0, s7;
	v5 =	vor.u32 s28, v1;
	[tilespmem:$0xA0] =	vst v4  }
0x1a: {  	s29 =	smov.u32 s8;
	s26 =	sadd.s32 $0xFFFFFFFF, s5;
	s28 =	smov.u32 s7;
	v6 =	vor.u32 s25, v1;
	[tilespmem:$0x80] =	vst v5  }
.LBB2_2:
0x1b: {  	p1 =	sne.s32 s26, $0x1;
	[tilespmem:$0x90] =	vst v6;
	s28 =	sadd.s32 $0x50, s28;
	s29 =	sadd.s32 $0x500, s29  }
0x1c: {  	[spmem:s2] =	stream.indirect.scatter [tilespmem:s12], [sflag:$0x6], $0x80, s15, s14, $0xb8;
	[tilespmem:$0x18A80] =	vst v63  }
0x1d: {  	s26 =	sadd.s32 $0xFFFFFFFF, s26;
	_ =	swait.ge [sflag:s13], $0x2800  }
0x1e: {  	[sflag:s13] =	ssyncset.done $0x0  }
0x1f: {  	[sflag:s13] =	ssyncadd.s32 $0xFFFFD800  }
0x20: {  	[tilespmem:s12], [sflag:$0x6] =	stream.linear.gather [hbm4b:s29+s3], $0x2800, $0x38;
	[tilespmem:$0x18A80] =	vst v63  }
0x21: {  	_ =	swait.ge [sflag:s13], $0x2800  }
0x22: {  	[sflag:s13] =	ssyncset.done $0x0  }
.Ltmp1:
0x23: {  	s30 =	sadd.s32 $0xFFFFFFF0, s28;
	v6 =	vor.u32 s28, v1;
	[sflag:s13] =	ssyncadd.s32 $0xFFFFD800;
	(pc) =	sbr.rel @p1 .LBB2_2-.Ltmp1, $4  }
0x24: {  	s31 =	sadd.s32 $0xFFFFFFE0, s28;
	v7 =	vor.u32 s30, v1;
	[tilespmem:$0xC0] =	vst v6  }
0x25: {  	s0 =	sadd.s32 $0xFFFFFFD0, s28;
	s30 =	sadd.s32 $0xFFFFFFC0, s28;
	v8 =	vor.u32 s31, v1;
	[tilespmem:$0xB0] =	vst v7  }
0x26: {  	v6 =	vor.u32 s0, v1;
	v7 =	vor.u32 s30, v1;
	[tilespmem:$0xA0] =	vst v8  }
0x27: {  	[tilespmem:$0x80] =	vst v7  }
.LBB2_3:
0x28: {  	[tilespmem:$0x90] =	vst v6  }
0x29: {  	[spmem:s2] =	stream.indirect.scatter [tilespmem:s12], [sflag:$0x6], $0x80, s15, s14, $0xb8;
	[tilespmem:$0x18A80] =	vst v63  }
0x2a: {  	_ =	swait.ge [sflag:s13], $0x2800  }
0x2b: {  	[sflag:s13] =	ssyncset.done $0x0  }
0x2c: {  	[sflag:s13] =	ssyncadd.s32 $0xFFFFD800  }
0x2d: {  	s0 =	sadd.s32 $0x0, s10;
	[bflag:$0x0] =	sbarrier.arrive $0xFFFF  }
0x2e: {  	[tilespmem:s3], [sflag:$0x1] =	stream.linear.gather [hbm4b:s0+s3], $0x50, $0x38;
	[tilespmem:$0x18A80] =	vst v63  }
0x2f: {  	s26 =	sadd.s32 $0x0, s9  }
0x30: {  	[tilespmem:s15], [sflag:$0x1] =	stream.linear.gather [hbm4b:s26+s3], $0x50, $0x38;
	[tilespmem:$0x18A80] =	vst v63  }
0x31: {  	s0 =	sadd.s32 $0xA, s0  }
0x32: {  	[tilespmem:s16], [sflag:$0x1] =	stream.linear.gather [hbm4b:s0+s3], $0x50, $0x38;
	[tilespmem:$0x18A80] =	vst v63  }
0x33: {  	s31 =	sadd.s32 $0xA, s26  }
0x34: {  	[tilespmem:s17], [sflag:$0x1] =	stream.linear.gather [hbm4b:s31+s3], $0x50, $0x38;
	[tilespmem:$0x18A80] =	vst v63  }
0x35: {  	_ =	swait.ge [sflag:s18], $0x50  }
0x36: {  	[sflag:s18] =	ssyncset.done $0x0  }
0x37: {  	[sflag:s18] =	ssyncadd.s32 $0xFFFFFFB0  }
0x38: {  	_ =	swait.ge [sflag:s18], $0x50  }
0x39: {  	[sflag:s18] =	ssyncset.done $0x0  }
0x3a: {  	[sflag:s18] =	ssyncadd.s32 $0xFFFFFFB0  }
0x3b: {  	_ =	swait.ge [sflag:s18], $0x50  }
0x3c: {  	[sflag:s18] =	ssyncset.done $0x0  }
0x3d: {  	[sflag:s18] =	ssyncadd.s32 $0xFFFFFFB0  }
0x3e: {  	_ =	swait.ge [sflag:s18], $0x50  }
0x3f: {  	[sflag:s18] =	ssyncset.done $0x0  }
0x40: {  	[sflag:s18] =	ssyncadd.s32 $0xFFFFFFB0  }
0x41: {  	v6 =	vld [tilespmem:$0x2940]  }
0x42: {  	v7 =	vld [tilespmem:$0x2910]  }
0x43: {  	v9 =	vld [tilespmem:$0x30]  }
0x44: {  	v8 =	vld [tilespmem:$0x40]  }
0x45: {  	v10 =	vld [tilespmem:$0x2920]  }
0x46: {  	v11 =	vld [tilespmem:$0x20];
	v6 =	vadd.s32 v0, v6  }
0x47: {  	v12 =	vld [tilespmem:$0x2930];
	v7 =	vadd.s32 v0, v7;
	[tilespmem:$0x2940] =	vst v6  }
0x48: {  	v61 =	vld [tilespmem:$0x2900];
	v9 =	vadd.s32 v0, v9;
	[tilespmem:$0x2910] =	vst v7  }
0x49: {  	v6 =	vld [tilespmem:$0x10];
	v7 =	vadd.s32 v0, v8;
	[tilespmem:$0x30] =	vst v9  }
0x4a: {  	v10 =	vadd.s32 v0, v10;
	[tilespmem:$0x40] =	vst v7;
	v7 =	vld [tilespmem:$0x0]  }
0x4b: {  	v62 =	vadd.s32 v0, v11;
	[tilespmem:$0x2920] =	vst v10  }
0x4c: {  	v63 =	vadd.s32 v0, v12;
	[tilespmem:$0x20] =	vst v62  }
0x4d: {  	[tilespmem:$0x2930] =	vst v63;
	v8 =	vadd.s32 v0, v61  }
0x4e: {  	[tilespmem:$0x2900] =	vst v8;
	v6 =	vadd.s32 v0, v6  }
0x4f: {  	[tilespmem:$0x10] =	vst v6;
	v6 =	vadd.s32 v0, v7  }
0x50: {  	[tilespmem:$0x0] =	vst v6  }
0x51: {  	[tilespmem:s12], [sflag:$0x2] =	stream.indirect.gather [hbm4b:s4+s14], $0x80, s3, s14, $0xb8;
	[tilespmem:$0x18A80] =	vst v63  }
0x52: {  	_ = 	snop  }
0x53: {  	[tilespmem:s19], [sflag:$0x3] =	stream.indirect.gather [hbm4b:s4+s14], $0x80, s16, s14, $0xb8;
	[tilespmem:$0x18A80] =	vst v63  }
0x54: {  	_ =	swait.ge [sflag:s20], $0x2800  }
0x55: {  	[sflag:s20] =	ssyncset.done $0x0  }
0x56: {  	s26 =	simm.s32 $0x14;
	[sflag:s20] =	ssyncadd.s32 $0xFFFFD800  }
0x57: {  	[spmem:s2] =	stream.indirect.scatter.add.f32 [tilespmem:s12], [sflag:$0x4], $0x80, s15, s14, $0xb8;
	[tilespmem:$0x18A80] =	vst v63  }
.LBB2_4:
0x58: {  	p1 =	sne.s32 s26, $0x9B0  }
0x59: {  	_ =	swait.ge [sflag:s21], $0x2800;
	s0 =	smov.u32 s26;
	s26 =	sadd.s32 $0x14, s26  }
0x5a: {  	[sflag:s21] =	ssyncset.done $0x0  }
0x5b: {  	[sflag:s21] =	ssyncadd.s32 $0xFFFFD800  }
0x5c: {  	[spmem:s2] =	stream.indirect.scatter.add.f32 [tilespmem:s19], [sflag:$0x5], $0x80, s17, s14, $0xb8;
	[tilespmem:$0x18A80] =	vst v63  }
0x5d: {  	_ =	swait.ge [sflag:s22], $0x2800  }
0x5e: {  	[sflag:s22] =	ssyncset.done $0x0  }
0x5f: {  	[sflag:s22] =	ssyncadd.s32 $0xFFFFD800  }
0x60: {  	_ =	swait.ge [sflag:s23], $0x2800  }
0x61: {  	[sflag:s23] =	ssyncset.done $0x0  }
0x62: {  	s28 =	sadd.s32 s0, s10;
	[sflag:s23] =	ssyncadd.s32 $0xFFFFD800  }
0x63: {  	[tilespmem:s3], [sflag:$0x1] =	stream.linear.gather [hbm4b:s28+s3], $0x50, $0x38;
	[tilespmem:$0x18A80] =	vst v63  }
0x64: {  	s0 =	sadd.s32 s0, s9  }
0x65: {  	[tilespmem:s15], [sflag:$0x1] =	stream.linear.gather [hbm4b:s0+s3], $0x50, $0x38;
	[tilespmem:$0x18A80] =	vst v63  }
0x66: {  	s28 =	sadd.s32 $0xA, s28  }
0x67: {  	[tilespmem:s16], [sflag:$0x1] =	stream.linear.gather [hbm4b:s28+s3], $0x50, $0x38;
	[tilespmem:$0x18A80] =	vst v63  }
0x68: {  	s0 =	sadd.s32 $0xA, s0  }
0x69: {  	[tilespmem:s17], [sflag:$0x1] =	stream.linear.gather [hbm4b:s0+s3], $0x50, $0x38;
	[tilespmem:$0x18A80] =	vst v63  }
0x6a: {  	_ =	swait.ge [sflag:s18], $0x50  }
0x6b: {  	[sflag:s18] =	ssyncset.done $0x0  }
0x6c: {  	[sflag:s18] =	ssyncadd.s32 $0xFFFFFFB0  }
0x6d: {  	_ =	swait.ge [sflag:s18], $0x50  }
0x6e: {  	[sflag:s18] =	ssyncset.done $0x0  }
0x6f: {  	[sflag:s18] =	ssyncadd.s32 $0xFFFFFFB0  }
0x70: {  	_ =	swait.ge [sflag:s18], $0x50  }
0x71: {  	[sflag:s18] =	ssyncset.done $0x0  }
0x72: {  	[sflag:s18] =	ssyncadd.s32 $0xFFFFFFB0  }
0x73: {  	_ =	swait.ge [sflag:s18], $0x50  }
0x74: {  	[sflag:s18] =	ssyncset.done $0x0  }
0x75: {  	[sflag:s18] =	ssyncadd.s32 $0xFFFFFFB0  }
0x76: {  	v6 =	vld [tilespmem:$0x2940]  }
0x77: {  	v7 =	vld [tilespmem:$0x2910]  }
0x78: {  	v8 =	vld [tilespmem:$0x40]  }
0x79: {  	v9 =	vld [tilespmem:$0x30]  }
0x7a: {  	v10 =	vld [tilespmem:$0x2920]  }
0x7b: {  	v11 =	vld [tilespmem:$0x20];
	v6 =	vadd.s32 v0, v6  }
0x7c: {  	v7 =	vadd.s32 v0, v7;
	v12 =	vld [tilespmem:$0x2930];
	[tilespmem:$0x2940] =	vst v6  }
0x7d: {  	v6 =	vld [tilespmem:$0x10];
	[tilespmem:$0x2910] =	vst v7;
	v7 =	vadd.s32 v0, v8  }
0x7e: {  	v8 =	vld [tilespmem:$0x2900];
	v9 =	vadd.s32 v0, v9;
	[tilespmem:$0x40] =	vst v7  }
0x7f: {  	v7 =	vld [tilespmem:$0x0];
	v10 =	vadd.s32 v0, v10;
	[tilespmem:$0x30] =	vst v9  }
0x80: {  	v9 =	vadd.s32 v0, v11;
	[tilespmem:$0x2920] =	vst v10  }
0x81: {  	[tilespmem:$0x20] =	vst v9;
	v9 =	vadd.s32 v0, v12  }
0x82: {  	v6 =	vadd.s32 v0, v6;
	[tilespmem:$0x2930] =	vst v9  }
0x83: {  	v8 =	vadd.s32 v0, v8;
	[tilespmem:$0x10] =	vst v6  }
0x84: {  	v6 =	vadd.s32 v0, v7;
	[tilespmem:$0x2900] =	vst v8  }
0x85: {  	[tilespmem:$0x0] =	vst v6  }
0x86: {  	[tilespmem:s12], [sflag:$0x2] =	stream.indirect.gather [hbm4b:s4+s14], $0x80, s3, s14, $0xb8;
	[tilespmem:$0x18A80] =	vst v63  }
0x87: {  	_ = 	snop  }
0x88: {  	[tilespmem:s19], [sflag:$0x3] =	stream.indirect.gather [hbm4b:s4+s14], $0x80, s16, s14, $0xb8;
	[tilespmem:$0x18A80] =	vst v63  }
.Ltmp2:
0x89: {  	_ = 	snop;
	(pc) =	sbr.rel @p1 .LBB2_4-.Ltmp2, $4  }
0x8a: {  	_ =	swait.ge [sflag:s20], $0x2800  }
0x8b: {  	[sflag:s20] =	ssyncset.done $0x0  }
0x8c: {  	[sflag:s20] =	ssyncadd.s32 $0xFFFFD800  }
0x8d: {  	[spmem:s2] =	stream.indirect.scatter.add.f32 [tilespmem:s12], [sflag:$0x4], $0x80, s15, s14, $0xb8;
	[tilespmem:$0x18A80] =	vst v63  }
0x8e: {  	_ =	swait.ge [sflag:s21], $0x2800  }
0x8f: {  	[sflag:s21] =	ssyncset.done $0x0  }
0x90: {  	[sflag:s21] =	ssyncadd.s32 $0xFFFFD800  }
0x91: {  	[spmem:s2] =	stream.indirect.scatter.add.f32 [tilespmem:s19], [sflag:$0x5], $0x80, s17, s14, $0xb8;
	[tilespmem:$0x18A80] =	vst v63  }
0x92: {  	_ =	swait.ge [sflag:s22], $0x2800  }
0x93: {  	[sflag:s22] =	ssyncset.done $0x0  }
0x94: {  	[sflag:s22] =	ssyncadd.s32 $0xFFFFD800  }
0x95: {  	_ =	swait.ge [sflag:s23], $0x2800  }
0x96: {  	[sflag:s23] =	ssyncset.done $0x0  }
0x97: {  	[sflag:s23] =	ssyncadd.s32 $0xFFFFD800  }
0x98: {  	[bflag:$0x0] =	sbarrier.arrive $0xFFFF  }
0x99: {  	[tilespmem:$0xC0] =	vst v3  }
0x9a: {  	[tilespmem:$0x80] =	vst v5  }
0x9b: {  	[tilespmem:$0xB0] =	vst v2  }
0x9c: {  	v3 =	vor.u32 s25, v1;
	[tilespmem:$0xA0] =	vst v4  }
0x9d: {  	[tilespmem:$0x90] =	vst v3  }
0x9e: {  	[tilespmem:s12], [sflag:$0x2] =	stream.indirect.gather [spmem:s2], $0x80, s15, s14, $0xb8;
	[tilespmem:$0x18A80] =	vst v63  }
.Ltmp3:
0x9f: {  	_ = 	snop;
	(pc) =	sbr.rel @!p0 .LBB2_7-.Ltmp3, $4  }
0xa0: {  	_ =	swait.ge [sflag:s20], $0x2800  }
0xa1: {  	s26 =	smov.u32 s7;
	[sflag:s20] =	ssyncset.done $0x0  }
0xa2: {  	s28 =	smov.u32 s11;
	s25 =	sadd.s32 $0xFFFFFFFF, s5;
	[sflag:s20] =	ssyncadd.s32 $0xFFFFD800  }
0xa3: {  	[hbm4b:s11+s3] =	stream.linear.scatter [tilespmem:s12], [sflag:$0x6], $0x2800, $0x38;
	[tilespmem:$0x18A80] =	vst v63  }
.LBB2_6:
0xa4: {  	_ =	swait.ge [sflag:s13], $0x2800;
	s26 =	sadd.s32 $0x50, s26;
	s28 =	sadd.s32 $0x500, s28  }
0xa5: {  	p0 =	sne.s32 s25, $0x1;
	s25 =	sadd.s32 $0xFFFFFFFF, s25;
	[sflag:s13] =	ssyncset.done $0x0  }
0xa6: {  	s0 =	sadd.s32 $0xFFFFFFC0, s26;
	v2 =	vor.u32 s26, v1;
	[sflag:s13] =	ssyncadd.s32 $0xFFFFD800  }
0xa7: {  	s29 =	sadd.s32 $0xFFFFFFE0, s26;
	s30 =	sadd.s32 $0xFFFFFFF0, s26;
	v3 =	vor.u32 s0, v1;
	s0 =	sadd.s32 $0xFFFFFFD0, s26;
	[tilespmem:$0xC0] =	vst v2  }
0xa8: {  	v4 =	vor.u32 s30, v1;
	v2 =	vor.u32 s0, v1;
	[tilespmem:$0x80] =	vst v3;
	v3 =	vor.u32 s29, v1  }
0xa9: {  	[tilespmem:$0xB0] =	vst v4  }
0xaa: {  	[tilespmem:$0x90] =	vst v2  }
0xab: {  	[tilespmem:$0xA0] =	vst v3  }
0xac: {  	[tilespmem:s12], [sflag:$0x2] =	stream.indirect.gather [spmem:s2], $0x80, s15, s14, $0xb8;
	[tilespmem:$0x18A80] =	vst v63  }
.Ltmp4:
0xad: {  	_ = 	snop;
	(pc) =	sbr.rel @p0 .LBB2_6-.Ltmp4, $4  }
0xae: {  	_ =	swait.ge [sflag:s20], $0x2800  }
0xaf: {  	[sflag:s20] =	ssyncset.done $0x0  }
0xb0: {  	[sflag:s20] =	ssyncadd.s32 $0xFFFFD800  }
0xb1: {  	[hbm4b:s28+s3] =	stream.linear.scatter [tilespmem:s12], [sflag:$0x6], $0x2800, $0x38;
	[tilespmem:$0x18A80] =	vst v63  }
.LBB2_7:
0xb2: {  	s24 =	sadd.s32 $0x1, s24  }
0xb3: {  	p0 =	sne.s32 s24, s6  }
.Ltmp5:
0xb4: {  	_ = 	snop;
	(pc) =	sbr.rel @p0 .LBB2_1-.Ltmp5, $4  }
0xb5: {  	_ = 	snop  }
0xb6: {  	_ =	swait.ge [sflag:s13], $0x2800  }
0xb7: {  	[sflag:s13] =	ssyncset.done $0x0  }
0xb8: {  	[sflag:s13] =	ssyncadd.s32 $0xFFFFD800  }
0xb9: {  	_ =	sfence.sel $0x180000  }
0xba: {  	[bflag:$0x0] =	sbarrier.arrive $0xFFFF  }
0xbb: {  	_ =	strace $0x9000004A  }
0xbc: {  	[bflag:$0x2] =	sbarrier.arrive $0xFFFF  }
0xbd: {  	p0 =	sne.s32 s1, $0x0;
	s0 =	rddreg [dreg:$0x2]  }
0xbe: {  	s0 =	sadd.s32 @!p0 $0x100000, s0  }
0xbf: {  	[sflag:s0] =	ssyncadd.tile.s32 @!p0 $0x1;
	_ =	shalt  }
.Lfunc_end2:
_tile_overlayer_lowered:
.L_overlay_start_2:
0xc0: {  	(tag) =	ssettag $0x2  }
0xc1: {  	s0 =	rddreg [dreg:$0x0];
	s2 =	stileid.u32  }
0xc2: {  	s1 =	rddreg [dreg:$0x1];
	p0 =	sne.s32 s2, $0x0  }
0xc3: {  	s3 =	rddreg [dreg:$0x2];
	[bflag:$0x3] =	sbarrier.arrive $0xFFFF;
	s2 =	simm.s32 @!p0 $0x1C06  }
0xc4: {  	[timem:s3], [sflag:s2] =	dma.local @!p0 [hbm:s0], s1  }
0xc5: {  	s0 =	simm.s32 @!p0 $0x6  }
0xc6: {  	_ =	swait.ge @!p0 [sflag:s0], s1  }
0xc7: {  	s1 =	ssub.s32 @!p0 $0x0, s1;
	[sflag:s0] =	ssyncset.done @!p0 $0x0  }
0xc8: {  	[sflag:s0] =	ssyncadd.s32 @!p0 s1  }
0xc9: {  	[bflag:$0x3] =	sbarrier.arrive $0xFFFF  }
0xca: {  	_ =	shalt  }

// kernel: kernel.20.cloned.1.call-start
scs
__scs_entry_jumppad:
0x0: {  	(pc) =	sbr.rel $0x88, $3  }
0x1: {  	(tag) =	ssettag $0x0;
	lr =	simm.s32 $0x1  }
0x2: {  	[smem:$0x3F90] =	sst lr;
	_ =	strace $0xD0000000  }
0x3: {  	_ = 	snop  }
0x4: {  	_ = 	snop  }
0x5: {  	_ = 	snop  }
0x6: {  	_ = 	snop  }
0x7: {  	_ = 	snop  }
__scs_overlays_trampoline_lowered:
0x8: {  	[smem:$0x3F9F] =	sst s0  }
0x9: {  	[smem:$0x3FA0] =	sst s1  }
0xa: {  	[smem:$0x3FA1] =	sst s2  }
0xb: {  	[smem:$0x3FA2] =	sst s3  }
0xc: {  	[smem:$0x3FA3] =	sst s4  }
0xd: {  	[smem:$0x3FA4] =	sst s5  }
0xe: {  	[smem:$0x3FA5] =	sst s6  }
0xf: {  	[smem:$0x3FA6] =	sst s7  }
0x10: {  	[smem:$0x3FA7] =	sst s8  }
0x11: {  	[smem:$0x3FA8] =	sst s9;
	s0 =	simm.s32 @!p0 $0x0  }
0x12: {  	s1 =	sld [smem:$0x3F8E];
	s0 =	simm.s32 @p0 $0x1  }
0x13: {  	[smem:$0x3FA9] =	sst s0;
	s0 =	simm.s32 @!p1 $0x0  }
0x14: {  	s2 =	sld [smem:$0x3F8D];
	s0 =	simm.s32 @p1 $0x1  }
0x15: {  	[smem:$0x3FAA] =	sst s0;
	s0 =	simm.s32 @!p2 $0x0  }
0x16: {  	s3 =	sld [smem:$0x3FDB];
	s0 =	simm.s32 @p2 $0x1  }
0x17: {  	s4 =	simm.s32 $0x1BF5;
	[smem:$0x3FAC] =	sst s0  }
0x18: {  	s0 =	sld [smem:$0x3F8F];
	_ =	swait.ge [sflag:s4], $0x0  }
0x19: {  	s7 =	sld [smem:$0x3F90]  }
0x1a: {  	s8 =	sadd.s32 $0xFFFFE003, lr  }
0x1b: {  	s9 =	sadd.s32 $0xFFFFFEF7, lr;
	s5 =	simm.s32 $0xFFFFFFFF;
	p2 =	slt.u32 s8, $0xFFFFF086  }
0x1c: {  	p1 =	slt.u32 s9, $0xF7A;
	s5 =	simm.s32 @!p2 $0x0  }
0x1d: {  	s5 =	simm.s32 @p1 $0x1;
	p0 =	seq.s32 s7, s2  }
0x1e: {  	s7 =	smul.u32 @!p0 $0xF7A, s2;
	p2 =	seq.s32 @!p0 s5, $0x0  }
0x1f: {  	s9 =	smul.u32 $0xF7A, s1;
	s8 =	simm.s32 @!p0 $0x1BF5;
	p2 =	por !p2, p0  }
0x20: {  	[sflag:s8] =	ssyncset.s32 @!p0 $0xFFFFF086;
	s6 =	sadd.s32 @!p0 s3, s7;
	s7 =	simm.s32 @!p0 $0x108  }
0x21: {  	s3 =	sadd.s32 s3, s9;
	s6 =	sadd.s32 @!p0 $0x88, s6;
	s7 =	simm.s32 @p2 $0x1082  }
0x22: {  	[simem:s7], [sflag:s8] =	dma.local @!p0 [hbm:s6], $0xF7A  }
0x23: {  	s9 =	sor.u32 $0xD0000000, s2;
	s6 =	simm.s32 $0x108;
	_ =	swait.ge @!p0 [sflag:s8], $0x0  }
0x24: {  	s3 =	sadd.s32 $0x88, s3;
	s6 =	simm.s32 @!p1 $0x1082;
	[sflag:s4] =	ssyncset.s32 $0xFFFFF086  }
0x25: {  	[simem:s6], [sflag:s4] =	dma.local [hbm:s3], $0xF7A  }
0x26: {  	[smem:$0x3F90] =	sst s1;
	(tag) =	ssettag s2;
	_ =	strace s9  }
0x27: {  	s1 =	sld [smem:$0x3FA0]  }
0x28: {  	s2 =	sld [smem:$0x3FA1]  }
0x29: {  	s4 =	sld [smem:$0x3FA3]  }
0x2a: {  	p0 =	seq.s32 s5, $0x0;
	s5 =	sld [smem:$0x3FA4]  }
0x2b: {  	s6 =	sld [smem:$0x3FA5]  }
0x2c: {  	s7 =	sld [smem:$0x3FA6]  }
0x2d: {  	s3 =	simm.s32 $0x108;
	s8 =	sld [smem:$0x3FA7]  }
0x2e: {  	s3 =	simm.s32 @!p0 $0x1082;
	s9 =	sld [smem:$0x3FA8]  }
0x2f: {  	lr =	sadd.s32 s0, s3;
	s0 =	sld [smem:$0x3F9F]  }
0x30: {  	s3 =	sld [smem:$0x3FA2]  }
0x31: {  	[smem:$0x3FAB] =	sst s10  }
0x32: {  	s10 =	sld [smem:$0x3FA9];
	_ =	sdelay $0x3  }
0x33: {  	p0 =	seq.s32 s10, $0x1;
	s10 =	sld [smem:$0x3FAB];
	_ =	sdelay $0x3  }
0x34: {  	[smem:$0x3FAB] =	sst s10  }
0x35: {  	s10 =	sld [smem:$0x3FAA];
	_ =	sdelay $0x3  }
0x36: {  	p1 =	seq.s32 s10, $0x1;
	s10 =	sld [smem:$0x3FAB];
	_ =	sdelay $0x3  }
0x37: {  	[smem:$0x3FAB] =	sst s10  }
0x38: {  	s10 =	sld [smem:$0x3FAC]  }
0x39: {  	_ = 	snop;
	(pc) =	sbr.ind lr, $3  }
0x3a: {  	_ = 	snop  }
0x3b: {  	_ = 	snop  }
0x3c: {  	p2 =	seq.s32 s10, $0x1;
	s10 =	sld [smem:$0x3FAB]  }
0x3d: {  	_ =	shalt  }
0x3e: {  	_ =	shalt  }
0x3f: {  	_ =	shalt  }
0x40: {  	_ =	shalt  }
0x41: {  	_ =	shalt  }
0x42: {  	_ =	shalt  }
0x43: {  	_ =	shalt  }
0x44: {  	_ =	shalt  }
0x45: {  	_ =	shalt  }
0x46: {  	_ =	shalt  }
0x47: {  	_ =	shalt  }
0x48: {  	_ =	shalt  }
0x49: {  	_ =	shalt  }
0x4a: {  	_ =	shalt  }
0x4b: {  	_ =	shalt  }
0x4c: {  	_ =	shalt  }
0x4d: {  	_ =	shalt  }
0x4e: {  	_ =	shalt  }
0x4f: {  	_ =	shalt  }
0x50: {  	_ =	shalt  }
0x51: {  	_ =	shalt  }
0x52: {  	_ =	shalt  }
0x53: {  	_ =	shalt  }
0x54: {  	_ =	shalt  }
0x55: {  	_ =	shalt  }
0x56: {  	_ =	shalt  }
0x57: {  	_ =	shalt  }
0x58: {  	_ =	shalt  }
0x59: {  	_ =	shalt  }
0x5a: {  	_ =	shalt  }
0x5b: {  	_ =	shalt  }
0x5c: {  	_ =	shalt  }
0x5d: {  	_ =	shalt  }
0x5e: {  	_ =	shalt  }
0x5f: {  	_ =	shalt  }
0x60: {  	_ =	shalt  }
0x61: {  	_ =	shalt  }
0x62: {  	_ =	shalt  }
0x63: {  	_ =	shalt  }
0x64: {  	_ =	shalt  }
0x65: {  	_ =	shalt  }
0x66: {  	_ =	shalt  }
0x67: {  	_ =	shalt  }
0x68: {  	_ =	shalt  }
0x69: {  	_ =	shalt  }
0x6a: {  	_ =	shalt  }
0x6b: {  	_ =	shalt  }
0x6c: {  	_ =	shalt  }
0x6d: {  	_ =	shalt  }
0x6e: {  	_ =	shalt  }
0x6f: {  	_ =	shalt  }
0x70: {  	_ =	shalt  }
0x71: {  	_ =	shalt  }
0x72: {  	_ =	shalt  }
0x73: {  	_ =	shalt  }
0x74: {  	_ =	shalt  }
0x75: {  	_ =	shalt  }
0x76: {  	_ =	shalt  }
0x77: {  	_ =	shalt  }
0x78: {  	_ =	shalt  }
0x79: {  	_ =	shalt  }
0x7a: {  	_ =	shalt  }
0x7b: {  	_ =	shalt  }
0x7c: {  	_ =	shalt  }
0x7d: {  	_ =	shalt  }
0x7e: {  	_ =	shalt  }
0x7f: {  	_ =	shalt  }
0x80: {  	_ =	shalt  }
0x81: {  	_ =	shalt  }
0x82: {  	_ =	shalt  }
0x83: {  	_ =	shalt  }
0x84: {  	_ =	shalt  }
0x85: {  	_ =	shalt  }
0x86: {  	_ =	shalt  }
0x87: {  	_ =	shalt  }
.Lfunc_end0:
.L_simem_size_0:
called_computation.2_lowered:
.L_overlay_start_0:
0x88: {  	s2 =	sld [smem:$0x3FD9]  }
0x89: {  	s3 =	sld [smem:$0x3FFE];
	_ =	sdelay $0x1  }
0x8a: {  	s1 =	srdreg.scid  }
0x8b: {  	s0 =	sand.u32 $0x1, s1  }
0x8c: {  	s16 =	sshll.u32 s0, $0xA;
	s2 =	sadd.s32 s3, s2  }
0x8d: {  	s2 =	sadd.s32 s2, s16  }
0x8e: {  	[smem:$0x3FB7] =	sst s2  }
0x8f: {  	_ = 	snop  }
0x90: {  	(tm) =	ssettm $0x1  }
0x91: {  	s17 =	sld [smem:$0x3FFB];
	_ =	sdelay $0x3  }
0x92: {  	_ =	strace s17  }
0x93: {  	s2 =	sld [smem:$0x3FFC];
	_ =	sdelay $0x3  }
0x94: {  	_ =	strace s2  }
0x95: {  	s2 =	sld [smem:$0x3FFD];
	_ =	sdelay $0x3  }
0x96: {  	_ =	strace s2  }
0x97: {  	_ =	strace $0x8FFFFFFF  }
0x98: {  	s18 =	sld [smem:$0x3FDB];
	_ =	sdelay $0x1  }
0x99: {  	s19 =	simm.s32 $_scs_section_size  }
0x9a: {  	s4 =	simm.s32 $_size__tile_overlayer_lowered;
	s5 =	simm.s32 $_tile_overlayer_lowered  }
0x9b: {  	s22 =	simm.s32 $0x1BFF;
	s21 =	sshll.u32 s5, $0x1;
	s2 =	sadd.s32 s19, s18  }
0x9c: {  	s6 =	simm.s32 $0x0;
	s20 =	sshll.u32 s4, $0x1;
	s4 =	sadd.s32 s21, s2  }
0x9d: {  	[timem:s6], [sflag:s22] =	dma.local [hbm:s4], s20  }
0x9e: {  	_ =	swait.ge [sflag:s22], s20  }
0x9f: {  	s3 =	ssub.s32 $0x0, s20;
	[sflag:s22] =	ssyncset.done $0x0  }
0xa0: {  	[sflag:s22] =	ssyncadd.s32 s3;
	_ =	sdelay $0x1  }
0xa1: {  	s23 =	simm.s32 $0x1B8B  }
0xa2: {  	_ =	swait.ge [sflag:s23], $0x1  }
0xa3: {  	[sflag:s23] =	ssyncset.done $0x0  }
0xa4: {  	s25 =	simm.s32 $0x1B8E;
	s24 =	sld [smem:$0x3FFE];
	[sflag:s23] =	ssyncadd.s32 $0xFFFFFFFF  }
0xa5: {  	s26 =	simm.s32 $execute0_lowered;
	[smem:$0x3FD2] =	sst s25  }
0xa6: {  	s4 =	sshll.u32 s26, $0x1;
	_ =	strace $0x8000004C;
	[dreg:$0x1] =	wrdreg $0xFFFFFFFF  }
0xa7: {  	s28 =	simm.s32 $_size_execute0_lowered;
	s2 =	sadd.s32 s2, s4;
	[dreg:$0x0] =	wrdreg $0x0  }
0xa8: {  	s4 =	sshll.u32 s28, $0x1;
	[dreg:$0x2] =	wrdreg s2  }
0xa9: {  	[dreg:$0x3] =	wrdreg s4  }
0xaa: {  	[dreg:$0x4] =	wrdreg $0xC0  }
0xab: {  	_ =	task [dreg:s6], $0x5FFFF  }
0xac: {  	[dreg:$0x1] =	wrdreg $0xFFFFFFFF  }
0xad: {  	[dreg:$0x0] =	wrdreg $0x60  }
0xae: {  	[dreg:$0x2] =	wrdreg s24  }
0xaf: {  	[dreg:$0x3] =	wrdreg $0x52000  }
0xb0: {  	[dreg:$0x4] =	wrdreg $0x9  }
0xb1: {  	_ =	task.clear_ibuf [dreg:s6], $0x5FFFF;
	_ =	strace $0x9000004C  }
0xb2: {  	s29 =	simm.s32 $0x9;
	_ =	strace $0x8000004E  }
0xb3: {  	_ =	swait.ge [sflag:s29], $0x1  }
0xb4: {  	[sflag:s29] =	ssyncadd.s32 $0xFFFFFFFF  }
0xb5: {  	_ =	strace $0x9000004E  }
0xb6: {  	_ =	sfence  }
0xb7: {  	s30 =	sld [smem:$0x0];
	_ =	sdelay $0x2  }
0xb8: {  	s31 =	sshll.u32 s1, $0xD;
	s1 =	sshrl.u32 s1, $0x2  }
0xb9: {  	s3 =	sand.u32 $0x4000, s31;
	s1 =	sadd.s32 s1, s30  }
0xba: {  	s0 =	sor.u32 s3, s0;
	s1 =	sshll.u32 s1, $0x11  }
0xbb: {  	s0 =	sor.u32 s1, s0  }
0xbc: {  	s0 =	sadd.s32 $0x8F2B, s0  }
0xbd: {  	[sflag:s0] =	ssyncadd.remote.s32 $0x1  }
0xbe: {  	_ =	sfence.sel $0xFFFF  }
0xbf: {  	[dreg:$0x0] =	wrdreg $0xFFFFFFFF;
	(pc) =	sbr.abs _section_cstart, $3  }
0xc0: {  	[dreg:$0x1] =	wrdreg $0xFFFFFFFF  }
0xc1: {  	_ =	task.clear_ibuf [dreg:s6], $0x2FFFF;
	_ =	strace $0x9FFFFFFF  }
0xc2: {  	(tm) =	ssettm $0x7FFFFFFF  }
0xc3: {  	_ =	shalt  }
tec
execute0_lowered:
.L_overlay_start_1:
0x0: {  	(tag) =	ssettag $0x1  }
0x1: {  	s5 =	rddreg [dreg:$0x0]  }
0x2: {  	s2 =	rddreg [dreg:$0x1]  }
0x3: {  	s3 =	simm.s32 $0x0;
	s1 =	stileid.u32;
	s4 =	srdreg.scid  }
0x4: {  	s15 =	simm.s32 $0x80;
	s16 =	simm.s32 $0x2900;
	s17 =	simm.s32 $0x2980  }
0x5: {  	s18 =	simm.s32 $0x1;
	s19 =	simm.s32 $0x2A00;
	s6 =	smul.u32 $0x9C4, s1  }
0x6: {  	s20 =	simm.s32 $0x2;
	s21 =	simm.s32 $0x3;
	s11 =	smul.u32 $0x280, s1  }
0x7: {  	s23 =	simm.s32 $0x5;
	s7 =	sand.u32 $0x1, s4;
	s13 =	smul.u32 $0x2800, s1  }
0x8: {  	s24 =	simm.s32 $0x0;
	[smem:$0x7FF] =	sst s3;
	s8 =	smul.u32 $0x27100, s7  }
0x9: {  	s4 =	sadd.s32 $0x18800, s5;
	s9 =	smax.u32 s1, $0xD;
	s22 =	smul.u32 $0x2710, s7  }
0xa: {  	p0 =	slt.u32 s1, $0xD;
	s28 =	ssub.s32 $0x2, s7;
	s30 =	smul.u32 $0x50, s9  }
0xb: {  	_ =	strace $0x8000004D;
	s14 =	smul.u32 $0x500, s9;
	s29 =	sshrl.u32 s28, $0x1  }
0xc: {  	s10 =	sadd.s32 s6, s5;
	s12 =	sadd.s32 s8, s5;
	s6 =	ssub.s32 s28, s29  }
0xd: {  	s5 =	simm.s32 $0x8;
	s8 =	sadd.s32 s8, s4;
	s7 =	ssub.s32 s11, s30  }
0xe: {  	s9 =	sadd.s32 $0xEA00, s10;
	s10 =	sadd.s32 $0x4C00, s10;
	v0 =	vmov s22;
	s22 =	simm.s32 $0x4  }
0xf: {  	s5 =	simm.s32 @!p0 $0x7;
	s6 =	smax.u32 s6, $0x1;
	s8 =	sadd.s32 s13, s8  }
0x10: {  	s7 =	sadd.s32 $0x450, s7;
	s31 =	sadd.s32 s13, s12;
	s12 =	simm.s32 $0x100  }
0x11: {  	s13 =	simm.s32 $0x6;
	s8 =	ssub.s32 s8, s14;
	s11 =	ssub.s32 s31, s14  }
0x12: {  	v1 =	vlaneseq.u32;
	s14 =	simm.s32 $0x50;
	s8 =	sadd.s32 $0x4100, s8;
	s11 =	sadd.s32 $0x6AB00, s11  }
.LBB2_1:
0x13: {  	[tilespmem:s12], [sflag:$0x6] =	stream.linear.gather [hbm4b:s8+s3], $0x2800, $0x38;
	[tilespmem:$0x18A80] =	vst v63  }
0x14: {  	_ =	swait.ge [sflag:s13], $0x2800  }
0x15: {  	p0 =	sne.s32 s5, $0x1;
	[sflag:s13] =	ssyncset.done $0x0  }
.Ltmp0:
0x16: {  	s25 =	sadd.s32 $0xFFFFFFF0, s7;
	v3 =	vor.u32 s7, v1;
	[sflag:s13] =	ssyncadd.s32 $0xFFFFD800;
	(pc) =	sbr.rel @!p0 .LBB2_3-.Ltmp0, $4  }
0x17: {  	s26 =	sadd.s32 $0xFFFFFFE0, s7;
	v2 =	vor.u32 s25, v1;
	[tilespmem:$0xC0] =	vst v3  }
0x18: {  	s28 =	sadd.s32 $0xFFFFFFC0, s7;
	v4 =	vor.u32 s26, v1;
	[tilespmem:$0xB0] =	vst v2  }
0x19: {  	s25 =	sadd.s32 $0xFFFFFFD0, s7;
	v5 =	vor.u32 s28, v1;
	[tilespmem:$0xA0] =	vst v4  }
0x1a: {  	s29 =	smov.u32 s8;
	s26 =	sadd.s32 $0xFFFFFFFF, s5;
	s28 =	smov.u32 s7;
	v6 =	vor.u32 s25, v1;
	[tilespmem:$0x80] =	vst v5  }
.LBB2_2:
0x1b: {  	p1 =	sne.s32 s26, $0x1;
	[tilespmem:$0x90] =	vst v6;
	s28 =	sadd.s32 $0x50, s28;
	s29 =	sadd.s32 $0x500, s29  }
0x1c: {  	[spmem:s2] =	stream.indirect.scatter [tilespmem:s12], [sflag:$0x6], $0x80, s15, s14, $0xb8;
	[tilespmem:$0x18A80] =	vst v63  }
0x1d: {  	s26 =	sadd.s32 $0xFFFFFFFF, s26;
	_ =	swait.ge [sflag:s13], $0x2800  }
0x1e: {  	[sflag:s13] =	ssyncset.done $0x0  }
0x1f: {  	[sflag:s13] =	ssyncadd.s32 $0xFFFFD800  }
0x20: {  	[tilespmem:s12], [sflag:$0x6] =	stream.linear.gather [hbm4b:s29+s3], $0x2800, $0x38;
	[tilespmem:$0x18A80] =	vst v63  }
0x21: {  	_ =	swait.ge [sflag:s13], $0x2800  }
0x22: {  	[sflag:s13] =	ssyncset.done $0x0  }
.Ltmp1:
0x23: {  	s30 =	sadd.s32 $0xFFFFFFF0, s28;
	v6 =	vor.u32 s28, v1;
	[sflag:s13] =	ssyncadd.s32 $0xFFFFD800;
	(pc) =	sbr.rel @p1 .LBB2_2-.Ltmp1, $4  }
0x24: {  	s31 =	sadd.s32 $0xFFFFFFE0, s28;
	v7 =	vor.u32 s30, v1;
	[tilespmem:$0xC0] =	vst v6  }
0x25: {  	s0 =	sadd.s32 $0xFFFFFFD0, s28;
	s30 =	sadd.s32 $0xFFFFFFC0, s28;
	v8 =	vor.u32 s31, v1;
	[tilespmem:$0xB0] =	vst v7  }
0x26: {  	v6 =	vor.u32 s0, v1;
	v7 =	vor.u32 s30, v1;
	[tilespmem:$0xA0] =	vst v8  }
0x27: {  	[tilespmem:$0x80] =	vst v7  }
.LBB2_3:
0x28: {  	[tilespmem:$0x90] =	vst v6  }
0x29: {  	[spmem:s2] =	stream.indirect.scatter [tilespmem:s12], [sflag:$0x6], $0x80, s15, s14, $0xb8;
	[tilespmem:$0x18A80] =	vst v63  }
0x2a: {  	_ =	swait.ge [sflag:s13], $0x2800  }
0x2b: {  	[sflag:s13] =	ssyncset.done $0x0  }
0x2c: {  	[sflag:s13] =	ssyncadd.s32 $0xFFFFD800  }
0x2d: {  	s0 =	sadd.s32 $0x0, s10;
	[bflag:$0x0] =	sbarrier.arrive $0xFFFF  }
0x2e: {  	[tilespmem:s3], [sflag:$0x1] =	stream.linear.gather [hbm4b:s0+s3], $0x50, $0x38;
	[tilespmem:$0x18A80] =	vst v63  }
0x2f: {  	s26 =	sadd.s32 $0x0, s9  }
0x30: {  	[tilespmem:s15], [sflag:$0x1] =	stream.linear.gather [hbm4b:s26+s3], $0x50, $0x38;
	[tilespmem:$0x18A80] =	vst v63  }
0x31: {  	s0 =	sadd.s32 $0xA, s0  }
0x32: {  	[tilespmem:s16], [sflag:$0x1] =	stream.linear.gather [hbm4b:s0+s3], $0x50, $0x38;
	[tilespmem:$0x18A80] =	vst v63  }
0x33: {  	s31 =	sadd.s32 $0xA, s26  }
0x34: {  	[tilespmem:s17], [sflag:$0x1] =	stream.linear.gather [hbm4b:s31+s3], $0x50, $0x38;
	[tilespmem:$0x18A80] =	vst v63  }
0x35: {  	_ =	swait.ge [sflag:s18], $0x50  }
0x36: {  	[sflag:s18] =	ssyncset.done $0x0  }
0x37: {  	[sflag:s18] =	ssyncadd.s32 $0xFFFFFFB0  }
0x38: {  	_ =	swait.ge [sflag:s18], $0x50  }
0x39: {  	[sflag:s18] =	ssyncset.done $0x0  }
0x3a: {  	[sflag:s18] =	ssyncadd.s32 $0xFFFFFFB0  }
0x3b: {  	_ =	swait.ge [sflag:s18], $0x50  }
0x3c: {  	[sflag:s18] =	ssyncset.done $0x0  }
0x3d: {  	[sflag:s18] =	ssyncadd.s32 $0xFFFFFFB0  }
0x3e: {  	_ =	swait.ge [sflag:s18], $0x50  }
0x3f: {  	[sflag:s18] =	ssyncset.done $0x0  }
0x40: {  	[sflag:s18] =	ssyncadd.s32 $0xFFFFFFB0  }
0x41: {  	v6 =	vld [tilespmem:$0x2940]  }
0x42: {  	v7 =	vld [tilespmem:$0x2910]  }
0x43: {  	v9 =	vld [tilespmem:$0x30]  }
0x44: {  	v8 =	vld [tilespmem:$0x40]  }
0x45: {  	v10 =	vld [tilespmem:$0x2920]  }
0x46: {  	v11 =	vld [tilespmem:$0x20];
	v6 =	vadd.s32 v0, v6  }
0x47: {  	v12 =	vld [tilespmem:$0x2930];
	v7 =	vadd.s32 v0, v7;
	[tilespmem:$0x2940] =	vst v6  }
0x48: {  	v61 =	vld [tilespmem:$0x2900];
	v9 =	vadd.s32 v0, v9;
	[tilespmem:$0x2910] =	vst v7  }
0x49: {  	v6 =	vld [tilespmem:$0x10];
	v7 =	vadd.s32 v0, v8;
	[tilespmem:$0x30] =	vst v9  }
0x4a: {  	v10 =	vadd.s32 v0, v10;
	[tilespmem:$0x40] =	vst v7;
	v7 =	vld [tilespmem:$0x0]  }
0x4b: {  	v62 =	vadd.s32 v0, v11;
	[tilespmem:$0x2920] =	vst v10  }
0x4c: {  	v63 =	vadd.s32 v0, v12;
	[tilespmem:$0x20] =	vst v62  }
0x4d: {  	[tilespmem:$0x2930] =	vst v63;
	v8 =	vadd.s32 v0, v61  }
0x4e: {  	[tilespmem:$0x2900] =	vst v8;
	v6 =	vadd.s32 v0, v6  }
0x4f: {  	[tilespmem:$0x10] =	vst v6;
	v6 =	vadd.s32 v0, v7  }
0x50: {  	[tilespmem:$0x0] =	vst v6  }
0x51: {  	[tilespmem:s12], [sflag:$0x2] =	stream.indirect.gather [hbm4b:s4+s14], $0x80, s3, s14, $0xb8;
	[tilespmem:$0x18A80] =	vst v63  }
0x52: {  	_ = 	snop  }
0x53: {  	[tilespmem:s19], [sflag:$0x3] =	stream.indirect.gather [hbm4b:s4+s14], $0x80, s16, s14, $0xb8;
	[tilespmem:$0x18A80] =	vst v63  }
0x54: {  	_ =	swait.ge [sflag:s20], $0x2800  }
0x55: {  	[sflag:s20] =	ssyncset.done $0x0  }
0x56: {  	s26 =	simm.s32 $0x14;
	[sflag:s20] =	ssyncadd.s32 $0xFFFFD800  }
0x57: {  	[spmem:s2] =	stream.indirect.scatter.add.f32 [tilespmem:s12], [sflag:$0x4], $0x80, s15, s14, $0xb8;
	[tilespmem:$0x18A80] =	vst v63  }
.LBB2_4:
0x58: {  	p1 =	sne.s32 s26, $0x9B0  }
0x59: {  	_ =	swait.ge [sflag:s21], $0x2800;
	s0 =	smov.u32 s26;
	s26 =	sadd.s32 $0x14, s26  }
0x5a: {  	[sflag:s21] =	ssyncset.done $0x0  }
0x5b: {  	[sflag:s21] =	ssyncadd.s32 $0xFFFFD800  }
0x5c: {  	[spmem:s2] =	stream.indirect.scatter.add.f32 [tilespmem:s19], [sflag:$0x5], $0x80, s17, s14, $0xb8;
	[tilespmem:$0x18A80] =	vst v63  }
0x5d: {  	_ =	swait.ge [sflag:s22], $0x2800  }
0x5e: {  	[sflag:s22] =	ssyncset.done $0x0  }
0x5f: {  	[sflag:s22] =	ssyncadd.s32 $0xFFFFD800  }
0x60: {  	_ =	swait.ge [sflag:s23], $0x2800  }
0x61: {  	[sflag:s23] =	ssyncset.done $0x0  }
0x62: {  	s28 =	sadd.s32 s0, s10;
	[sflag:s23] =	ssyncadd.s32 $0xFFFFD800  }
0x63: {  	[tilespmem:s3], [sflag:$0x1] =	stream.linear.gather [hbm4b:s28+s3], $0x50, $0x38;
	[tilespmem:$0x18A80] =	vst v63  }
0x64: {  	s0 =	sadd.s32 s0, s9  }
0x65: {  	[tilespmem:s15], [sflag:$0x1] =	stream.linear.gather [hbm4b:s0+s3], $0x50, $0x38;
	[tilespmem:$0x18A80] =	vst v63  }
0x66: {  	s28 =	sadd.s32 $0xA, s28  }
0x67: {  	[tilespmem:s16], [sflag:$0x1] =	stream.linear.gather [hbm4b:s28+s3], $0x50, $0x38;
	[tilespmem:$0x18A80] =	vst v63  }
0x68: {  	s0 =	sadd.s32 $0xA, s0  }
0x69: {  	[tilespmem:s17], [sflag:$0x1] =	stream.linear.gather [hbm4b:s0+s3], $0x50, $0x38;
	[tilespmem:$0x18A80] =	vst v63  }
0x6a: {  	_ =	swait.ge [sflag:s18], $0x50  }
0x6b: {  	[sflag:s18] =	ssyncset.done $0x0  }
0x6c: {  	[sflag:s18] =	ssyncadd.s32 $0xFFFFFFB0  }
0x6d: {  	_ =	swait.ge [sflag:s18], $0x50  }
0x6e: {  	[sflag:s18] =	ssyncset.done $0x0  }
0x6f: {  	[sflag:s18] =	ssyncadd.s32 $0xFFFFFFB0  }
0x70: {  	_ =	swait.ge [sflag:s18], $0x50  }
0x71: {  	[sflag:s18] =	ssyncset.done $0x0  }
0x72: {  	[sflag:s18] =	ssyncadd.s32 $0xFFFFFFB0  }
0x73: {  	_ =	swait.ge [sflag:s18], $0x50  }
0x74: {  	[sflag:s18] =	ssyncset.done $0x0  }
0x75: {  	[sflag:s18] =	ssyncadd.s32 $0xFFFFFFB0  }
0x76: {  	v6 =	vld [tilespmem:$0x2940]  }
0x77: {  	v7 =	vld [tilespmem:$0x2910]  }
0x78: {  	v8 =	vld [tilespmem:$0x40]  }
0x79: {  	v9 =	vld [tilespmem:$0x30]  }
0x7a: {  	v10 =	vld [tilespmem:$0x2920]  }
0x7b: {  	v11 =	vld [tilespmem:$0x20];
	v6 =	vadd.s32 v0, v6  }
0x7c: {  	v7 =	vadd.s32 v0, v7;
	v12 =	vld [tilespmem:$0x2930];
	[tilespmem:$0x2940] =	vst v6  }
0x7d: {  	v6 =	vld [tilespmem:$0x10];
	[tilespmem:$0x2910] =	vst v7;
	v7 =	vadd.s32 v0, v8  }
0x7e: {  	v8 =	vld [tilespmem:$0x2900];
	v9 =	vadd.s32 v0, v9;
	[tilespmem:$0x40] =	vst v7  }
0x7f: {  	v7 =	vld [tilespmem:$0x0];
	v10 =	vadd.s32 v0, v10;
	[tilespmem:$0x30] =	vst v9  }
0x80: {  	v9 =	vadd.s32 v0, v11;
	[tilespmem:$0x2920] =	vst v10  }
0x81: {  	[tilespmem:$0x20] =	vst v9;
	v9 =	vadd.s32 v0, v12  }
0x82: {  	v6 =	vadd.s32 v0, v6;
	[tilespmem:$0x2930] =	vst v9  }
0x83: {  	v8 =	vadd.s32 v0, v8;
	[tilespmem:$0x10] =	vst v6  }
0x84: {  	v6 =	vadd.s32 v0, v7;
	[tilespmem:$0x2900] =	vst v8  }
0x85: {  	[tilespmem:$0x0] =	vst v6  }
0x86: {  	[tilespmem:s12], [sflag:$0x2] =	stream.indirect.gather [hbm4b:s4+s14], $0x80, s3, s14, $0xb8;
	[tilespmem:$0x18A80] =	vst v63  }
0x87: {  	_ = 	snop  }
0x88: {  	[tilespmem:s19], [sflag:$0x3] =	stream.indirect.gather [hbm4b:s4+s14], $0x80, s16, s14, $0xb8;
	[tilespmem:$0x18A80] =	vst v63  }
.Ltmp2:
0x89: {  	_ = 	snop;
	(pc) =	sbr.rel @p1 .LBB2_4-.Ltmp2, $4  }
0x8a: {  	_ =	swait.ge [sflag:s20], $0x2800  }
0x8b: {  	[sflag:s20] =	ssyncset.done $0x0  }
0x8c: {  	[sflag:s20] =	ssyncadd.s32 $0xFFFFD800  }
0x8d: {  	[spmem:s2] =	stream.indirect.scatter.add.f32 [tilespmem:s12], [sflag:$0x4], $0x80, s15, s14, $0xb8;
	[tilespmem:$0x18A80] =	vst v63  }
0x8e: {  	_ =	swait.ge [sflag:s21], $0x2800  }
0x8f: {  	[sflag:s21] =	ssyncset.done $0x0  }
0x90: {  	[sflag:s21] =	ssyncadd.s32 $0xFFFFD800  }
0x91: {  	[spmem:s2] =	stream.indirect.scatter.add.f32 [tilespmem:s19], [sflag:$0x5], $0x80, s17, s14, $0xb8;
	[tilespmem:$0x18A80] =	vst v63  }
0x92: {  	_ =	swait.ge [sflag:s22], $0x2800  }
0x93: {  	[sflag:s22] =	ssyncset.done $0x0  }
0x94: {  	[sflag:s22] =	ssyncadd.s32 $0xFFFFD800  }
0x95: {  	_ =	swait.ge [sflag:s23], $0x2800  }
0x96: {  	[sflag:s23] =	ssyncset.done $0x0  }
0x97: {  	[sflag:s23] =	ssyncadd.s32 $0xFFFFD800  }
0x98: {  	[bflag:$0x0] =	sbarrier.arrive $0xFFFF  }
0x99: {  	[tilespmem:$0xC0] =	vst v3  }
0x9a: {  	[tilespmem:$0x80] =	vst v5  }
0x9b: {  	[tilespmem:$0xB0] =	vst v2  }
0x9c: {  	v3 =	vor.u32 s25, v1;
	[tilespmem:$0xA0] =	vst v4  }
0x9d: {  	[tilespmem:$0x90] =	vst v3  }
0x9e: {  	[tilespmem:s12], [sflag:$0x2] =	stream.indirect.gather [spmem:s2], $0x80, s15, s14, $0xb8;
	[tilespmem:$0x18A80] =	vst v63  }
.Ltmp3:
0x9f: {  	_ = 	snop;
	(pc) =	sbr.rel @!p0 .LBB2_7-.Ltmp3, $4  }
0xa0: {  	_ =	swait.ge [sflag:s20], $0x2800  }
0xa1: {  	s26 =	smov.u32 s7;
	[sflag:s20] =	ssyncset.done $0x0  }
0xa2: {  	s28 =	smov.u32 s11;
	s25 =	sadd.s32 $0xFFFFFFFF, s5;
	[sflag:s20] =	ssyncadd.s32 $0xFFFFD800  }
0xa3: {  	[hbm4b:s11+s3] =	stream.linear.scatter [tilespmem:s12], [sflag:$0x6], $0x2800, $0x38;
	[tilespmem:$0x18A80] =	vst v63  }
.LBB2_6:
0xa4: {  	_ =	swait.ge [sflag:s13], $0x2800;
	s26 =	sadd.s32 $0x50, s26;
	s28 =	sadd.s32 $0x500, s28  }
0xa5: {  	p0 =	sne.s32 s25, $0x1;
	s25 =	sadd.s32 $0xFFFFFFFF, s25;
	[sflag:s13] =	ssyncset.done $0x0  }
0xa6: {  	s0 =	sadd.s32 $0xFFFFFFC0, s26;
	v2 =	vor.u32 s26, v1;
	[sflag:s13] =	ssyncadd.s32 $0xFFFFD800  }
0xa7: {  	s29 =	sadd.s32 $0xFFFFFFE0, s26;
	s30 =	sadd.s32 $0xFFFFFFF0, s26;
	v3 =	vor.u32 s0, v1;
	s0 =	sadd.s32 $0xFFFFFFD0, s26;
	[tilespmem:$0xC0] =	vst v2  }
0xa8: {  	v4 =	vor.u32 s30, v1;
	v2 =	vor.u32 s0, v1;
	[tilespmem:$0x80] =	vst v3;
	v3 =	vor.u32 s29, v1  }
0xa9: {  	[tilespmem:$0xB0] =	vst v4  }
0xaa: {  	[tilespmem:$0x90] =	vst v2  }
0xab: {  	[tilespmem:$0xA0] =	vst v3  }
0xac: {  	[tilespmem:s12], [sflag:$0x2] =	stream.indirect.gather [spmem:s2], $0x80, s15, s14, $0xb8;
	[tilespmem:$0x18A80] =	vst v63  }
.Ltmp4:
0xad: {  	_ = 	snop;
	(pc) =	sbr.rel @p0 .LBB2_6-.Ltmp4, $4  }
0xae: {  	_ =	swait.ge [sflag:s20], $0x2800  }
0xaf: {  	[sflag:s20] =	ssyncset.done $0x0  }
0xb0: {  	[sflag:s20] =	ssyncadd.s32 $0xFFFFD800  }
0xb1: {  	[hbm4b:s28+s3] =	stream.linear.scatter [tilespmem:s12], [sflag:$0x6], $0x2800, $0x38;
	[tilespmem:$0x18A80] =	vst v63  }
.LBB2_7:
0xb2: {  	s24 =	sadd.s32 $0x1, s24  }
0xb3: {  	p0 =	sne.s32 s24, s6  }
.Ltmp5:
0xb4: {  	_ = 	snop;
	(pc) =	sbr.rel @p0 .LBB2_1-.Ltmp5, $4  }
0xb5: {  	_ = 	snop  }
0xb6: {  	_ =	swait.ge [sflag:s13], $0x2800  }
0xb7: {  	[sflag:s13] =	ssyncset.done $0x0  }
0xb8: {  	[sflag:s13] =	ssyncadd.s32 $0xFFFFD800  }
0xb9: {  	_ =	sfence.sel $0x180000  }
0xba: {  	[bflag:$0x0] =	sbarrier.arrive $0xFFFF  }
0xbb: {  	_ =	strace $0x9000004D  }
0xbc: {  	[bflag:$0x2] =	sbarrier.arrive $0xFFFF  }
0xbd: {  	p0 =	sne.s32 s1, $0x0;
	s0 =	rddreg [dreg:$0x2]  }
0xbe: {  	s0 =	sadd.s32 @!p0 $0x100000, s0  }
0xbf: {  	[sflag:s0] =	ssyncadd.tile.s32 @!p0 $0x1;
	_ =	shalt  }
.Lfunc_end2:
_tile_overlayer_lowered:
.L_overlay_start_2:
0xc0: {  	(tag) =	ssettag $0x2  }
0xc1: {  	s0 =	rddreg [dreg:$0x0];
	s2 =	stileid.u32  }
0xc2: {  	s1 =	rddreg [dreg:$0x1];
	p0 =	sne.s32 s2, $0x0  }
0xc3: {  	s3 =	rddreg [dreg:$0x2];
	[bflag:$0x3] =	sbarrier.arrive $0xFFFF;
	s2 =	simm.s32 @!p0 $0x1C06  }
0xc4: {  	[timem:s3], [sflag:s2] =	dma.local @!p0 [hbm:s0], s1  }
0xc5: {  	s0 =	simm.s32 @!p0 $0x6  }
0xc6: {  	_ =	swait.ge @!p0 [sflag:s0], s1  }
0xc7: {  	s1 =	ssub.s32 @!p0 $0x0, s1;
	[sflag:s0] =	ssyncset.done @!p0 $0x0  }
0xc8: {  	[sflag:s0] =	ssyncadd.s32 @!p0 s1  }
0xc9: {  	[bflag:$0x3] =	sbarrier.arrive $0xFFFF  }
0xca: {  	_ =	shalt  }

// kernel: kernel.23.cloned.1.call-start
scs
__scs_entry_jumppad:
0x0: {  	(pc) =	sbr.rel $0x88, $3  }
0x1: {  	(tag) =	ssettag $0x0;
	lr =	simm.s32 $0x1  }
0x2: {  	[smem:$0x3F90] =	sst lr;
	_ =	strace $0xD0000000  }
0x3: {  	_ = 	snop  }
0x4: {  	_ = 	snop  }
0x5: {  	_ = 	snop  }
0x6: {  	_ = 	snop  }
0x7: {  	_ = 	snop  }
__scs_overlays_trampoline_lowered:
0x8: {  	[smem:$0x3F9F] =	sst s0  }
0x9: {  	[smem:$0x3FA0] =	sst s1  }
0xa: {  	[smem:$0x3FA1] =	sst s2  }
0xb: {  	[smem:$0x3FA2] =	sst s3  }
0xc: {  	[smem:$0x3FA3] =	sst s4  }
0xd: {  	[smem:$0x3FA4] =	sst s5  }
0xe: {  	[smem:$0x3FA5] =	sst s6  }
0xf: {  	[smem:$0x3FA6] =	sst s7  }
0x10: {  	[smem:$0x3FA7] =	sst s8  }
0x11: {  	[smem:$0x3FA8] =	sst s9;
	s0 =	simm.s32 @!p0 $0x0  }
0x12: {  	s1 =	sld [smem:$0x3F8E];
	s0 =	simm.s32 @p0 $0x1  }
0x13: {  	[smem:$0x3FA9] =	sst s0;
	s0 =	simm.s32 @!p1 $0x0  }
0x14: {  	s2 =	sld [smem:$0x3F8D];
	s0 =	simm.s32 @p1 $0x1  }
0x15: {  	[smem:$0x3FAA] =	sst s0;
	s0 =	simm.s32 @!p2 $0x0  }
0x16: {  	s3 =	sld [smem:$0x3FDB];
	s0 =	simm.s32 @p2 $0x1  }
0x17: {  	s4 =	simm.s32 $0x1BF5;
	[smem:$0x3FAC] =	sst s0  }
0x18: {  	s0 =	sld [smem:$0x3F8F];
	_ =	swait.ge [sflag:s4], $0x0  }
0x19: {  	s7 =	sld [smem:$0x3F90]  }
0x1a: {  	s8 =	sadd.s32 $0xFFFFE003, lr  }
0x1b: {  	s9 =	sadd.s32 $0xFFFFFEF7, lr;
	s5 =	simm.s32 $0xFFFFFFFF;
	p2 =	slt.u32 s8, $0xFFFFF086  }
0x1c: {  	p1 =	slt.u32 s9, $0xF7A;
	s5 =	simm.s32 @!p2 $0x0  }
0x1d: {  	s5 =	simm.s32 @p1 $0x1;
	p0 =	seq.s32 s7, s2  }
0x1e: {  	s7 =	smul.u32 @!p0 $0xF7A, s2;
	p2 =	seq.s32 @!p0 s5, $0x0  }
0x1f: {  	s9 =	smul.u32 $0xF7A, s1;
	s8 =	simm.s32 @!p0 $0x1BF5;
	p2 =	por !p2, p0  }
0x20: {  	[sflag:s8] =	ssyncset.s32 @!p0 $0xFFFFF086;
	s6 =	sadd.s32 @!p0 s3, s7;
	s7 =	simm.s32 @!p0 $0x108  }
0x21: {  	s3 =	sadd.s32 s3, s9;
	s6 =	sadd.s32 @!p0 $0x88, s6;
	s7 =	simm.s32 @p2 $0x1082  }
0x22: {  	[simem:s7], [sflag:s8] =	dma.local @!p0 [hbm:s6], $0xF7A  }
0x23: {  	s9 =	sor.u32 $0xD0000000, s2;
	s6 =	simm.s32 $0x108;
	_ =	swait.ge @!p0 [sflag:s8], $0x0  }
0x24: {  	s3 =	sadd.s32 $0x88, s3;
	s6 =	simm.s32 @!p1 $0x1082;
	[sflag:s4] =	ssyncset.s32 $0xFFFFF086  }
0x25: {  	[simem:s6], [sflag:s4] =	dma.local [hbm:s3], $0xF7A  }
0x26: {  	[smem:$0x3F90] =	sst s1;
	(tag) =	ssettag s2;
	_ =	strace s9  }
0x27: {  	s1 =	sld [smem:$0x3FA0]  }
0x28: {  	s2 =	sld [smem:$0x3FA1]  }
0x29: {  	s4 =	sld [smem:$0x3FA3]  }
0x2a: {  	p0 =	seq.s32 s5, $0x0;
	s5 =	sld [smem:$0x3FA4]  }
0x2b: {  	s6 =	sld [smem:$0x3FA5]  }
0x2c: {  	s7 =	sld [smem:$0x3FA6]  }
0x2d: {  	s3 =	simm.s32 $0x108;
	s8 =	sld [smem:$0x3FA7]  }
0x2e: {  	s3 =	simm.s32 @!p0 $0x1082;
	s9 =	sld [smem:$0x3FA8]  }
0x2f: {  	lr =	sadd.s32 s0, s3;
	s0 =	sld [smem:$0x3F9F]  }
0x30: {  	s3 =	sld [smem:$0x3FA2]  }
0x31: {  	[smem:$0x3FAB] =	sst s10  }
0x32: {  	s10 =	sld [smem:$0x3FA9];
	_ =	sdelay $0x3  }
0x33: {  	p0 =	seq.s32 s10, $0x1;
	s10 =	sld [smem:$0x3FAB];
	_ =	sdelay $0x3  }
0x34: {  	[smem:$0x3FAB] =	sst s10  }
0x35: {  	s10 =	sld [smem:$0x3FAA];
	_ =	sdelay $0x3  }
0x36: {  	p1 =	seq.s32 s10, $0x1;
	s10 =	sld [smem:$0x3FAB];
	_ =	sdelay $0x3  }
0x37: {  	[smem:$0x3FAB] =	sst s10  }
0x38: {  	s10 =	sld [smem:$0x3FAC]  }
0x39: {  	_ = 	snop;
	(pc) =	sbr.ind lr, $3  }
0x3a: {  	_ = 	snop  }
0x3b: {  	_ = 	snop  }
0x3c: {  	p2 =	seq.s32 s10, $0x1;
	s10 =	sld [smem:$0x3FAB]  }
0x3d: {  	_ =	shalt  }
0x3e: {  	_ =	shalt  }
0x3f: {  	_ =	shalt  }
0x40: {  	_ =	shalt  }
0x41: {  	_ =	shalt  }
0x42: {  	_ =	shalt  }
0x43: {  	_ =	shalt  }
0x44: {  	_ =	shalt  }
0x45: {  	_ =	shalt  }
0x46: {  	_ =	shalt  }
0x47: {  	_ =	shalt  }
0x48: {  	_ =	shalt  }
0x49: {  	_ =	shalt  }
0x4a: {  	_ =	shalt  }
0x4b: {  	_ =	shalt  }
0x4c: {  	_ =	shalt  }
0x4d: {  	_ =	shalt  }
0x4e: {  	_ =	shalt  }
0x4f: {  	_ =	shalt  }
0x50: {  	_ =	shalt  }
0x51: {  	_ =	shalt  }
0x52: {  	_ =	shalt  }
0x53: {  	_ =	shalt  }
0x54: {  	_ =	shalt  }
0x55: {  	_ =	shalt  }
0x56: {  	_ =	shalt  }
0x57: {  	_ =	shalt  }
0x58: {  	_ =	shalt  }
0x59: {  	_ =	shalt  }
0x5a: {  	_ =	shalt  }
0x5b: {  	_ =	shalt  }
0x5c: {  	_ =	shalt  }
0x5d: {  	_ =	shalt  }
0x5e: {  	_ =	shalt  }
0x5f: {  	_ =	shalt  }
0x60: {  	_ =	shalt  }
0x61: {  	_ =	shalt  }
0x62: {  	_ =	shalt  }
0x63: {  	_ =	shalt  }
0x64: {  	_ =	shalt  }
0x65: {  	_ =	shalt  }
0x66: {  	_ =	shalt  }
0x67: {  	_ =	shalt  }
0x68: {  	_ =	shalt  }
0x69: {  	_ =	shalt  }
0x6a: {  	_ =	shalt  }
0x6b: {  	_ =	shalt  }
0x6c: {  	_ =	shalt  }
0x6d: {  	_ =	shalt  }
0x6e: {  	_ =	shalt  }
0x6f: {  	_ =	shalt  }
0x70: {  	_ =	shalt  }
0x71: {  	_ =	shalt  }
0x72: {  	_ =	shalt  }
0x73: {  	_ =	shalt  }
0x74: {  	_ =	shalt  }
0x75: {  	_ =	shalt  }
0x76: {  	_ =	shalt  }
0x77: {  	_ =	shalt  }
0x78: {  	_ =	shalt  }
0x79: {  	_ =	shalt  }
0x7a: {  	_ =	shalt  }
0x7b: {  	_ =	shalt  }
0x7c: {  	_ =	shalt  }
0x7d: {  	_ =	shalt  }
0x7e: {  	_ =	shalt  }
0x7f: {  	_ =	shalt  }
0x80: {  	_ =	shalt  }
0x81: {  	_ =	shalt  }
0x82: {  	_ =	shalt  }
0x83: {  	_ =	shalt  }
0x84: {  	_ =	shalt  }
0x85: {  	_ =	shalt  }
0x86: {  	_ =	shalt  }
0x87: {  	_ =	shalt  }
.Lfunc_end0:
.L_simem_size_0:
called_computation.3_lowered:
.L_overlay_start_0:
0x88: {  	s2 =	sld [smem:$0x3FD9]  }
0x89: {  	s3 =	sld [smem:$0x3FFE];
	_ =	sdelay $0x1  }
0x8a: {  	s1 =	srdreg.scid  }
0x8b: {  	s0 =	sand.u32 $0x1, s1  }
0x8c: {  	s16 =	sshll.u32 s0, $0xA;
	s2 =	sadd.s32 s3, s2  }
0x8d: {  	s2 =	sadd.s32 s2, s16  }
0x8e: {  	[smem:$0x3FB7] =	sst s2  }
0x8f: {  	_ = 	snop  }
0x90: {  	(tm) =	ssettm $0x1  }
0x91: {  	s17 =	sld [smem:$0x3FFB];
	_ =	sdelay $0x3  }
0x92: {  	_ =	strace s17  }
0x93: {  	s2 =	sld [smem:$0x3FFC];
	_ =	sdelay $0x3  }
0x94: {  	_ =	strace s2  }
0x95: {  	s2 =	sld [smem:$0x3FFD];
	_ =	sdelay $0x3  }
0x96: {  	_ =	strace s2  }
0x97: {  	_ =	strace $0x8FFFFFFF  }
0x98: {  	s18 =	sld [smem:$0x3FDB];
	_ =	sdelay $0x1  }
0x99: {  	s19 =	simm.s32 $_scs_section_size  }
0x9a: {  	s4 =	simm.s32 $_size__tile_overlayer_lowered;
	s5 =	simm.s32 $_tile_overlayer_lowered  }
0x9b: {  	s22 =	simm.s32 $0x1BFF;
	s21 =	sshll.u32 s5, $0x1;
	s2 =	sadd.s32 s19, s18  }
0x9c: {  	s6 =	simm.s32 $0x0;
	s20 =	sshll.u32 s4, $0x1;
	s4 =	sadd.s32 s21, s2  }
0x9d: {  	[timem:s6], [sflag:s22] =	dma.local [hbm:s4], s20  }
0x9e: {  	_ =	swait.ge [sflag:s22], s20  }
0x9f: {  	s3 =	ssub.s32 $0x0, s20;
	[sflag:s22] =	ssyncset.done $0x0  }
0xa0: {  	[sflag:s22] =	ssyncadd.s32 s3;
	_ =	sdelay $0x1  }
0xa1: {  	s23 =	simm.s32 $0x1B8B  }
0xa2: {  	_ =	swait.ge [sflag:s23], $0x1  }
0xa3: {  	[sflag:s23] =	ssyncset.done $0x0  }
0xa4: {  	s25 =	simm.s32 $0x1B8E;
	s24 =	sld [smem:$0x3FFE];
	[sflag:s23] =	ssyncadd.s32 $0xFFFFFFFF  }
0xa5: {  	s26 =	simm.s32 $execute0_lowered;
	[smem:$0x3FD2] =	sst s25  }
0xa6: {  	s4 =	sshll.u32 s26, $0x1;
	_ =	strace $0x8000004F;
	[dreg:$0x1] =	wrdreg $0xFFFFFFFF  }
0xa7: {  	s28 =	simm.s32 $_size_execute0_lowered;
	s2 =	sadd.s32 s2, s4;
	[dreg:$0x0] =	wrdreg $0x0  }
0xa8: {  	s4 =	sshll.u32 s28, $0x1;
	[dreg:$0x2] =	wrdreg s2  }
0xa9: {  	[dreg:$0x3] =	wrdreg s4  }
0xaa: {  	[dreg:$0x4] =	wrdreg $0xC0  }
0xab: {  	_ =	task [dreg:s6], $0x5FFFF  }
0xac: {  	[dreg:$0x1] =	wrdreg $0xFFFFFFFF  }
0xad: {  	[dreg:$0x0] =	wrdreg $0x60  }
0xae: {  	[dreg:$0x2] =	wrdreg s24  }
0xaf: {  	[dreg:$0x3] =	wrdreg $0x52000  }
0xb0: {  	[dreg:$0x4] =	wrdreg $0x9  }
0xb1: {  	_ =	task.clear_ibuf [dreg:s6], $0x5FFFF;
	_ =	strace $0x9000004F  }
0xb2: {  	s29 =	simm.s32 $0x9;
	_ =	strace $0x80000051  }
0xb3: {  	_ =	swait.ge [sflag:s29], $0x1  }
0xb4: {  	[sflag:s29] =	ssyncadd.s32 $0xFFFFFFFF  }
0xb5: {  	_ =	strace $0x90000051  }
0xb6: {  	_ =	sfence  }
0xb7: {  	s30 =	sld [smem:$0x0];
	_ =	sdelay $0x2  }
0xb8: {  	s31 =	sshll.u32 s1, $0xD;
	s1 =	sshrl.u32 s1, $0x2  }
0xb9: {  	s3 =	sand.u32 $0x4000, s31;
	s1 =	sadd.s32 s1, s30  }
0xba: {  	s0 =	sor.u32 s3, s0;
	s1 =	sshll.u32 s1, $0x11  }
0xbb: {  	s0 =	sor.u32 s1, s0  }
0xbc: {  	s0 =	sadd.s32 $0x8F2B, s0  }
0xbd: {  	[sflag:s0] =	ssyncadd.remote.s32 $0x1  }
0xbe: {  	_ =	sfence.sel $0xFFFF  }
0xbf: {  	[dreg:$0x0] =	wrdreg $0xFFFFFFFF;
	(pc) =	sbr.abs _section_cstart, $3  }
0xc0: {  	[dreg:$0x1] =	wrdreg $0xFFFFFFFF  }
0xc1: {  	_ =	task.clear_ibuf [dreg:s6], $0x2FFFF;
	_ =	strace $0x9FFFFFFF  }
0xc2: {  	(tm) =	ssettm $0x7FFFFFFF  }
0xc3: {  	_ =	shalt  }
tec
execute0_lowered:
.L_overlay_start_1:
0x0: {  	(tag) =	ssettag $0x1  }
0x1: {  	s5 =	rddreg [dreg:$0x0]  }
0x2: {  	s2 =	rddreg [dreg:$0x1]  }
0x3: {  	s3 =	simm.s32 $0x0;
	s1 =	stileid.u32;
	s4 =	srdreg.scid  }
0x4: {  	s15 =	simm.s32 $0x80;
	s16 =	simm.s32 $0x2900;
	s17 =	simm.s32 $0x2980  }
0x5: {  	s18 =	simm.s32 $0x1;
	s19 =	simm.s32 $0x2A00;
	s6 =	smul.u32 $0x9C4, s1  }
0x6: {  	s20 =	simm.s32 $0x2;
	s21 =	simm.s32 $0x3;
	s11 =	smul.u32 $0x280, s1  }
0x7: {  	s23 =	simm.s32 $0x5;
	s7 =	sand.u32 $0x1, s4;
	s13 =	smul.u32 $0x2800, s1  }
0x8: {  	s24 =	simm.s32 $0x0;
	[smem:$0x7FF] =	sst s3;
	s8 =	smul.u32 $0x27100, s7  }
0x9: {  	s4 =	sadd.s32 $0x18800, s5;
	s9 =	smax.u32 s1, $0xD;
	s22 =	smul.u32 $0x2710, s7  }
0xa: {  	p0 =	slt.u32 s1, $0xD;
	s28 =	ssub.s32 $0x2, s7;
	s30 =	smul.u32 $0x50, s9  }
0xb: {  	_ =	strace $0x80000050;
	s14 =	smul.u32 $0x500, s9;
	s29 =	sshrl.u32 s28, $0x1  }
0xc: {  	s10 =	sadd.s32 s6, s5;
	s12 =	sadd.s32 s8, s5;
	s6 =	ssub.s32 s28, s29  }
0xd: {  	s5 =	simm.s32 $0x8;
	s8 =	sadd.s32 s8, s4;
	s7 =	ssub.s32 s11, s30  }
0xe: {  	s9 =	sadd.s32 $0xEA00, s10;
	s10 =	sadd.s32 $0x4C00, s10;
	v0 =	vmov s22;
	s22 =	simm.s32 $0x4  }
0xf: {  	s5 =	simm.s32 @!p0 $0x7;
	s6 =	smax.u32 s6, $0x1;
	s8 =	sadd.s32 s13, s8  }
0x10: {  	s7 =	sadd.s32 $0x450, s7;
	s31 =	sadd.s32 s13, s12;
	s12 =	simm.s32 $0x100  }
0x11: {  	s13 =	simm.s32 $0x6;
	s8 =	ssub.s32 s8, s14;
	s11 =	ssub.s32 s31, s14  }
0x12: {  	v1 =	vlaneseq.u32;
	s14 =	simm.s32 $0x50;
	s8 =	sadd.s32 $0x4100, s8;
	s11 =	sadd.s32 $0x6AB00, s11  }
.LBB2_1:
0x13: {  	[tilespmem:s12], [sflag:$0x6] =	stream.linear.gather [hbm4b:s8+s3], $0x2800, $0x38;
	[tilespmem:$0x18A80] =	vst v63  }
0x14: {  	_ =	swait.ge [sflag:s13], $0x2800  }
0x15: {  	p0 =	sne.s32 s5, $0x1;
	[sflag:s13] =	ssyncset.done $0x0  }
.Ltmp0:
0x16: {  	s25 =	sadd.s32 $0xFFFFFFF0, s7;
	v3 =	vor.u32 s7, v1;
	[sflag:s13] =	ssyncadd.s32 $0xFFFFD800;
	(pc) =	sbr.rel @!p0 .LBB2_3-.Ltmp0, $4  }
0x17: {  	s26 =	sadd.s32 $0xFFFFFFE0, s7;
	v2 =	vor.u32 s25, v1;
	[tilespmem:$0xC0] =	vst v3  }
0x18: {  	s28 =	sadd.s32 $0xFFFFFFC0, s7;
	v4 =	vor.u32 s26, v1;
	[tilespmem:$0xB0] =	vst v2  }
0x19: {  	s25 =	sadd.s32 $0xFFFFFFD0, s7;
	v5 =	vor.u32 s28, v1;
	[tilespmem:$0xA0] =	vst v4  }
0x1a: {  	s29 =	smov.u32 s8;
	s26 =	sadd.s32 $0xFFFFFFFF, s5;
	s28 =	smov.u32 s7;
	v6 =	vor.u32 s25, v1;
	[tilespmem:$0x80] =	vst v5  }
.LBB2_2:
0x1b: {  	p1 =	sne.s32 s26, $0x1;
	[tilespmem:$0x90] =	vst v6;
	s28 =	sadd.s32 $0x50, s28;
	s29 =	sadd.s32 $0x500, s29  }
0x1c: {  	[spmem:s2] =	stream.indirect.scatter [tilespmem:s12], [sflag:$0x6], $0x80, s15, s14, $0xb8;
	[tilespmem:$0x18A80] =	vst v63  }
0x1d: {  	s26 =	sadd.s32 $0xFFFFFFFF, s26;
	_ =	swait.ge [sflag:s13], $0x2800  }
0x1e: {  	[sflag:s13] =	ssyncset.done $0x0  }
0x1f: {  	[sflag:s13] =	ssyncadd.s32 $0xFFFFD800  }
0x20: {  	[tilespmem:s12], [sflag:$0x6] =	stream.linear.gather [hbm4b:s29+s3], $0x2800, $0x38;
	[tilespmem:$0x18A80] =	vst v63  }
0x21: {  	_ =	swait.ge [sflag:s13], $0x2800  }
0x22: {  	[sflag:s13] =	ssyncset.done $0x0  }
.Ltmp1:
0x23: {  	s30 =	sadd.s32 $0xFFFFFFF0, s28;
	v6 =	vor.u32 s28, v1;
	[sflag:s13] =	ssyncadd.s32 $0xFFFFD800;
	(pc) =	sbr.rel @p1 .LBB2_2-.Ltmp1, $4  }
0x24: {  	s31 =	sadd.s32 $0xFFFFFFE0, s28;
	v7 =	vor.u32 s30, v1;
	[tilespmem:$0xC0] =	vst v6  }
0x25: {  	s0 =	sadd.s32 $0xFFFFFFD0, s28;
	s30 =	sadd.s32 $0xFFFFFFC0, s28;
	v8 =	vor.u32 s31, v1;
	[tilespmem:$0xB0] =	vst v7  }
0x26: {  	v6 =	vor.u32 s0, v1;
	v7 =	vor.u32 s30, v1;
	[tilespmem:$0xA0] =	vst v8  }
0x27: {  	[tilespmem:$0x80] =	vst v7  }
.LBB2_3:
0x28: {  	[tilespmem:$0x90] =	vst v6  }
0x29: {  	[spmem:s2] =	stream.indirect.scatter [tilespmem:s12], [sflag:$0x6], $0x80, s15, s14, $0xb8;
	[tilespmem:$0x18A80] =	vst v63  }
0x2a: {  	_ =	swait.ge [sflag:s13], $0x2800  }
0x2b: {  	[sflag:s13] =	ssyncset.done $0x0  }
0x2c: {  	[sflag:s13] =	ssyncadd.s32 $0xFFFFD800  }
0x2d: {  	s0 =	sadd.s32 $0x0, s10;
	[bflag:$0x0] =	sbarrier.arrive $0xFFFF  }
0x2e: {  	[tilespmem:s3], [sflag:$0x1] =	stream.linear.gather [hbm4b:s0+s3], $0x50, $0x38;
	[tilespmem:$0x18A80] =	vst v63  }
0x2f: {  	s26 =	sadd.s32 $0x0, s9  }
0x30: {  	[tilespmem:s15], [sflag:$0x1] =	stream.linear.gather [hbm4b:s26+s3], $0x50, $0x38;
	[tilespmem:$0x18A80] =	vst v63  }
0x31: {  	s0 =	sadd.s32 $0xA, s0  }
0x32: {  	[tilespmem:s16], [sflag:$0x1] =	stream.linear.gather [hbm4b:s0+s3], $0x50, $0x38;
	[tilespmem:$0x18A80] =	vst v63  }
0x33: {  	s31 =	sadd.s32 $0xA, s26  }
0x34: {  	[tilespmem:s17], [sflag:$0x1] =	stream.linear.gather [hbm4b:s31+s3], $0x50, $0x38;
	[tilespmem:$0x18A80] =	vst v63  }
0x35: {  	_ =	swait.ge [sflag:s18], $0x50  }
0x36: {  	[sflag:s18] =	ssyncset.done $0x0  }
0x37: {  	[sflag:s18] =	ssyncadd.s32 $0xFFFFFFB0  }
0x38: {  	_ =	swait.ge [sflag:s18], $0x50  }
0x39: {  	[sflag:s18] =	ssyncset.done $0x0  }
0x3a: {  	[sflag:s18] =	ssyncadd.s32 $0xFFFFFFB0  }
0x3b: {  	_ =	swait.ge [sflag:s18], $0x50  }
0x3c: {  	[sflag:s18] =	ssyncset.done $0x0  }
0x3d: {  	[sflag:s18] =	ssyncadd.s32 $0xFFFFFFB0  }
0x3e: {  	_ =	swait.ge [sflag:s18], $0x50  }
0x3f: {  	[sflag:s18] =	ssyncset.done $0x0  }
0x40: {  	[sflag:s18] =	ssyncadd.s32 $0xFFFFFFB0  }
0x41: {  	v6 =	vld [tilespmem:$0x2940]  }
0x42: {  	v7 =	vld [tilespmem:$0x2910]  }
0x43: {  	v9 =	vld [tilespmem:$0x30]  }
0x44: {  	v8 =	vld [tilespmem:$0x40]  }
0x45: {  	v10 =	vld [tilespmem:$0x2920]  }
0x46: {  	v11 =	vld [tilespmem:$0x20];
	v6 =	vadd.s32 v0, v6  }
0x47: {  	v12 =	vld [tilespmem:$0x2930];
	v7 =	vadd.s32 v0, v7;
	[tilespmem:$0x2940] =	vst v6  }
0x48: {  	v61 =	vld [tilespmem:$0x2900];
	v9 =	vadd.s32 v0, v9;
	[tilespmem:$0x2910] =	vst v7  }
0x49: {  	v6 =	vld [tilespmem:$0x10];
	v7 =	vadd.s32 v0, v8;
	[tilespmem:$0x30] =	vst v9  }
0x4a: {  	v10 =	vadd.s32 v0, v10;
	[tilespmem:$0x40] =	vst v7;
	v7 =	vld [tilespmem:$0x0]  }
0x4b: {  	v62 =	vadd.s32 v0, v11;
	[tilespmem:$0x2920] =	vst v10  }
0x4c: {  	v63 =	vadd.s32 v0, v12;
	[tilespmem:$0x20] =	vst v62  }
0x4d: {  	[tilespmem:$0x2930] =	vst v63;
	v8 =	vadd.s32 v0, v61  }
0x4e: {  	[tilespmem:$0x2900] =	vst v8;
	v6 =	vadd.s32 v0, v6  }
0x4f: {  	[tilespmem:$0x10] =	vst v6;
	v6 =	vadd.s32 v0, v7  }
0x50: {  	[tilespmem:$0x0] =	vst v6  }
0x51: {  	[tilespmem:s12], [sflag:$0x2] =	stream.indirect.gather [hbm4b:s4+s14], $0x80, s3, s14, $0xb8;
	[tilespmem:$0x18A80] =	vst v63  }
0x52: {  	_ = 	snop  }
0x53: {  	[tilespmem:s19], [sflag:$0x3] =	stream.indirect.gather [hbm4b:s4+s14], $0x80, s16, s14, $0xb8;
	[tilespmem:$0x18A80] =	vst v63  }
0x54: {  	_ =	swait.ge [sflag:s20], $0x2800  }
0x55: {  	[sflag:s20] =	ssyncset.done $0x0  }
0x56: {  	s26 =	simm.s32 $0x14;
	[sflag:s20] =	ssyncadd.s32 $0xFFFFD800  }
0x57: {  	[spmem:s2] =	stream.indirect.scatter.add.f32 [tilespmem:s12], [sflag:$0x4], $0x80, s15, s14, $0xb8;
	[tilespmem:$0x18A80] =	vst v63  }
.LBB2_4:
0x58: {  	p1 =	sne.s32 s26, $0x9B0  }
0x59: {  	_ =	swait.ge [sflag:s21], $0x2800;
	s0 =	smov.u32 s26;
	s26 =	sadd.s32 $0x14, s26  }
0x5a: {  	[sflag:s21] =	ssyncset.done $0x0  }
0x5b: {  	[sflag:s21] =	ssyncadd.s32 $0xFFFFD800  }
0x5c: {  	[spmem:s2] =	stream.indirect.scatter.add.f32 [tilespmem:s19], [sflag:$0x5], $0x80, s17, s14, $0xb8;
	[tilespmem:$0x18A80] =	vst v63  }
0x5d: {  	_ =	swait.ge [sflag:s22], $0x2800  }
0x5e: {  	[sflag:s22] =	ssyncset.done $0x0  }
0x5f: {  	[sflag:s22] =	ssyncadd.s32 $0xFFFFD800  }
0x60: {  	_ =	swait.ge [sflag:s23], $0x2800  }
0x61: {  	[sflag:s23] =	ssyncset.done $0x0  }
0x62: {  	s28 =	sadd.s32 s0, s10;
	[sflag:s23] =	ssyncadd.s32 $0xFFFFD800  }
0x63: {  	[tilespmem:s3], [sflag:$0x1] =	stream.linear.gather [hbm4b:s28+s3], $0x50, $0x38;
	[tilespmem:$0x18A80] =	vst v63  }
0x64: {  	s0 =	sadd.s32 s0, s9  }
0x65: {  	[tilespmem:s15], [sflag:$0x1] =	stream.linear.gather [hbm4b:s0+s3], $0x50, $0x38;
	[tilespmem:$0x18A80] =	vst v63  }
0x66: {  	s28 =	sadd.s32 $0xA, s28  }
0x67: {  	[tilespmem:s16], [sflag:$0x1] =	stream.linear.gather [hbm4b:s28+s3], $0x50, $0x38;
	[tilespmem:$0x18A80] =	vst v63  }
0x68: {  	s0 =	sadd.s32 $0xA, s0  }
0x69: {  	[tilespmem:s17], [sflag:$0x1] =	stream.linear.gather [hbm4b:s0+s3], $0x50, $0x38;
	[tilespmem:$0x18A80] =	vst v63  }
0x6a: {  	_ =	swait.ge [sflag:s18], $0x50  }
0x6b: {  	[sflag:s18] =	ssyncset.done $0x0  }
0x6c: {  	[sflag:s18] =	ssyncadd.s32 $0xFFFFFFB0  }
0x6d: {  	_ =	swait.ge [sflag:s18], $0x50  }
0x6e: {  	[sflag:s18] =	ssyncset.done $0x0  }
0x6f: {  	[sflag:s18] =	ssyncadd.s32 $0xFFFFFFB0  }
0x70: {  	_ =	swait.ge [sflag:s18], $0x50  }
0x71: {  	[sflag:s18] =	ssyncset.done $0x0  }
0x72: {  	[sflag:s18] =	ssyncadd.s32 $0xFFFFFFB0  }
0x73: {  	_ =	swait.ge [sflag:s18], $0x50  }
0x74: {  	[sflag:s18] =	ssyncset.done $0x0  }
0x75: {  	[sflag:s18] =	ssyncadd.s32 $0xFFFFFFB0  }
0x76: {  	v6 =	vld [tilespmem:$0x2940]  }
0x77: {  	v7 =	vld [tilespmem:$0x2910]  }
0x78: {  	v8 =	vld [tilespmem:$0x40]  }
0x79: {  	v9 =	vld [tilespmem:$0x30]  }
0x7a: {  	v10 =	vld [tilespmem:$0x2920]  }
0x7b: {  	v11 =	vld [tilespmem:$0x20];
	v6 =	vadd.s32 v0, v6  }
0x7c: {  	v7 =	vadd.s32 v0, v7;
	v12 =	vld [tilespmem:$0x2930];
	[tilespmem:$0x2940] =	vst v6  }
0x7d: {  	v6 =	vld [tilespmem:$0x10];
	[tilespmem:$0x2910] =	vst v7;
	v7 =	vadd.s32 v0, v8  }
0x7e: {  	v8 =	vld [tilespmem:$0x2900];
	v9 =	vadd.s32 v0, v9;
	[tilespmem:$0x40] =	vst v7  }
0x7f: {  	v7 =	vld [tilespmem:$0x0];
	v10 =	vadd.s32 v0, v10;
	[tilespmem:$0x30] =	vst v9  }
0x80: {  	v9 =	vadd.s32 v0, v11;
	[tilespmem:$0x2920] =	vst v10  }
0x81: {  	[tilespmem:$0x20] =	vst v9;
	v9 =	vadd.s32 v0, v12  }
0x82: {  	v6 =	vadd.s32 v0, v6;
	[tilespmem:$0x2930] =	vst v9  }
0x83: {  	v8 =	vadd.s32 v0, v8;
	[tilespmem:$0x10] =	vst v6  }
0x84: {  	v6 =	vadd.s32 v0, v7;
	[tilespmem:$0x2900] =	vst v8  }
0x85: {  	[tilespmem:$0x0] =	vst v6  }
0x86: {  	[tilespmem:s12], [sflag:$0x2] =	stream.indirect.gather [hbm4b:s4+s14], $0x80, s3, s14, $0xb8;
	[tilespmem:$0x18A80] =	vst v63  }
0x87: {  	_ = 	snop  }
0x88: {  	[tilespmem:s19], [sflag:$0x3] =	stream.indirect.gather [hbm4b:s4+s14], $0x80, s16, s14, $0xb8;
	[tilespmem:$0x18A80] =	vst v63  }
.Ltmp2:
0x89: {  	_ = 	snop;
	(pc) =	sbr.rel @p1 .LBB2_4-.Ltmp2, $4  }
0x8a: {  	_ =	swait.ge [sflag:s20], $0x2800  }
0x8b: {  	[sflag:s20] =	ssyncset.done $0x0  }
0x8c: {  	[sflag:s20] =	ssyncadd.s32 $0xFFFFD800  }
0x8d: {  	[spmem:s2] =	stream.indirect.scatter.add.f32 [tilespmem:s12], [sflag:$0x4], $0x80, s15, s14, $0xb8;
	[tilespmem:$0x18A80] =	vst v63  }
0x8e: {  	_ =	swait.ge [sflag:s21], $0x2800  }
0x8f: {  	[sflag:s21] =	ssyncset.done $0x0  }
0x90: {  	[sflag:s21] =	ssyncadd.s32 $0xFFFFD800  }
0x91: {  	[spmem:s2] =	stream.indirect.scatter.add.f32 [tilespmem:s19], [sflag:$0x5], $0x80, s17, s14, $0xb8;
	[tilespmem:$0x18A80] =	vst v63  }
0x92: {  	_ =	swait.ge [sflag:s22], $0x2800  }
0x93: {  	[sflag:s22] =	ssyncset.done $0x0  }
0x94: {  	[sflag:s22] =	ssyncadd.s32 $0xFFFFD800  }
0x95: {  	_ =	swait.ge [sflag:s23], $0x2800  }
0x96: {  	[sflag:s23] =	ssyncset.done $0x0  }
0x97: {  	[sflag:s23] =	ssyncadd.s32 $0xFFFFD800  }
0x98: {  	[bflag:$0x0] =	sbarrier.arrive $0xFFFF  }
0x99: {  	[tilespmem:$0xC0] =	vst v3  }
0x9a: {  	[tilespmem:$0x80] =	vst v5  }
0x9b: {  	[tilespmem:$0xB0] =	vst v2  }
0x9c: {  	v3 =	vor.u32 s25, v1;
	[tilespmem:$0xA0] =	vst v4  }
0x9d: {  	[tilespmem:$0x90] =	vst v3  }
0x9e: {  	[tilespmem:s12], [sflag:$0x2] =	stream.indirect.gather [spmem:s2], $0x80, s15, s14, $0xb8;
	[tilespmem:$0x18A80] =	vst v63  }
.Ltmp3:
0x9f: {  	_ = 	snop;
	(pc) =	sbr.rel @!p0 .LBB2_7-.Ltmp3, $4  }
0xa0: {  	_ =	swait.ge [sflag:s20], $0x2800  }
0xa1: {  	s26 =	smov.u32 s7;
	[sflag:s20] =	ssyncset.done $0x0  }
0xa2: {  	s28 =	smov.u32 s11;
	s25 =	sadd.s32 $0xFFFFFFFF, s5;
	[sflag:s20] =	ssyncadd.s32 $0xFFFFD800  }
0xa3: {  	[hbm4b:s11+s3] =	stream.linear.scatter [tilespmem:s12], [sflag:$0x6], $0x2800, $0x38;
	[tilespmem:$0x18A80] =	vst v63  }
.LBB2_6:
0xa4: {  	_ =	swait.ge [sflag:s13], $0x2800;
	s26 =	sadd.s32 $0x50, s26;
	s28 =	sadd.s32 $0x500, s28  }
0xa5: {  	p0 =	sne.s32 s25, $0x1;
	s25 =	sadd.s32 $0xFFFFFFFF, s25;
	[sflag:s13] =	ssyncset.done $0x0  }
0xa6: {  	s0 =	sadd.s32 $0xFFFFFFC0, s26;
	v2 =	vor.u32 s26, v1;
	[sflag:s13] =	ssyncadd.s32 $0xFFFFD800  }
0xa7: {  	s29 =	sadd.s32 $0xFFFFFFE0, s26;
	s30 =	sadd.s32 $0xFFFFFFF0, s26;
	v3 =	vor.u32 s0, v1;
	s0 =	sadd.s32 $0xFFFFFFD0, s26;
	[tilespmem:$0xC0] =	vst v2  }
0xa8: {  	v4 =	vor.u32 s30, v1;
	v2 =	vor.u32 s0, v1;
	[tilespmem:$0x80] =	vst v3;
	v3 =	vor.u32 s29, v1  }
0xa9: {  	[tilespmem:$0xB0] =	vst v4  }
0xaa: {  	[tilespmem:$0x90] =	vst v2  }
0xab: {  	[tilespmem:$0xA0] =	vst v3  }
0xac: {  	[tilespmem:s12], [sflag:$0x2] =	stream.indirect.gather [spmem:s2], $0x80, s15, s14, $0xb8;
	[tilespmem:$0x18A80] =	vst v63  }
.Ltmp4:
0xad: {  	_ = 	snop;
	(pc) =	sbr.rel @p0 .LBB2_6-.Ltmp4, $4  }
0xae: {  	_ =	swait.ge [sflag:s20], $0x2800  }
0xaf: {  	[sflag:s20] =	ssyncset.done $0x0  }
0xb0: {  	[sflag:s20] =	ssyncadd.s32 $0xFFFFD800  }
0xb1: {  	[hbm4b:s28+s3] =	stream.linear.scatter [tilespmem:s12], [sflag:$0x6], $0x2800, $0x38;
	[tilespmem:$0x18A80] =	vst v63  }
.LBB2_7:
0xb2: {  	s24 =	sadd.s32 $0x1, s24  }
0xb3: {  	p0 =	sne.s32 s24, s6  }
.Ltmp5:
0xb4: {  	_ = 	snop;
	(pc) =	sbr.rel @p0 .LBB2_1-.Ltmp5, $4  }
0xb5: {  	_ = 	snop  }
0xb6: {  	_ =	swait.ge [sflag:s13], $0x2800  }
0xb7: {  	[sflag:s13] =	ssyncset.done $0x0  }
0xb8: {  	[sflag:s13] =	ssyncadd.s32 $0xFFFFD800  }
0xb9: {  	_ =	sfence.sel $0x180000  }
0xba: {  	[bflag:$0x0] =	sbarrier.arrive $0xFFFF  }
0xbb: {  	_ =	strace $0x90000050  }
0xbc: {  	[bflag:$0x2] =	sbarrier.arrive $0xFFFF  }
0xbd: {  	p0 =	sne.s32 s1, $0x0;
	s0 =	rddreg [dreg:$0x2]  }
0xbe: {  	s0 =	sadd.s32 @!p0 $0x100000, s0  }
0xbf: {  	[sflag:s0] =	ssyncadd.tile.s32 @!p0 $0x1;
	_ =	shalt  }
.Lfunc_end2:
_tile_overlayer_lowered:
.L_overlay_start_2:
0xc0: {  	(tag) =	ssettag $0x2  }
0xc1: {  	s0 =	rddreg [dreg:$0x0];
	s2 =	stileid.u32  }
0xc2: {  	s1 =	rddreg [dreg:$0x1];
	p0 =	sne.s32 s2, $0x0  }
0xc3: {  	s3 =	rddreg [dreg:$0x2];
	[bflag:$0x3] =	sbarrier.arrive $0xFFFF;
	s2 =	simm.s32 @!p0 $0x1C06  }
0xc4: {  	[timem:s3], [sflag:s2] =	dma.local @!p0 [hbm:s0], s1  }
0xc5: {  	s0 =	simm.s32 @!p0 $0x6  }
0xc6: {  	_ =	swait.ge @!p0 [sflag:s0], s1  }
0xc7: {  	s1 =	ssub.s32 @!p0 $0x0, s1;
	[sflag:s0] =	ssyncset.done @!p0 $0x0  }
0xc8: {  	[sflag:s0] =	ssyncadd.s32 @!p0 s1  }
0xc9: {  	[bflag:$0x3] =	sbarrier.arrive $0xFFFF  }
0xca: {  	_ =	shalt  }

// kernel: kernel.26.cloned.1.call-start
scs
__scs_entry_jumppad:
0x0: {  	(pc) =	sbr.rel $0x88, $3  }
0x1: {  	(tag) =	ssettag $0x0;
	lr =	simm.s32 $0x1  }
0x2: {  	[smem:$0x3F90] =	sst lr;
	_ =	strace $0xD0000000  }
0x3: {  	_ = 	snop  }
0x4: {  	_ = 	snop  }
0x5: {  	_ = 	snop  }
0x6: {  	_ = 	snop  }
0x7: {  	_ = 	snop  }
__scs_overlays_trampoline_lowered:
0x8: {  	[smem:$0x3F9F] =	sst s0  }
0x9: {  	[smem:$0x3FA0] =	sst s1  }
0xa: {  	[smem:$0x3FA1] =	sst s2  }
0xb: {  	[smem:$0x3FA2] =	sst s3  }
0xc: {  	[smem:$0x3FA3] =	sst s4  }
0xd: {  	[smem:$0x3FA4] =	sst s5  }
0xe: {  	[smem:$0x3FA5] =	sst s6  }
0xf: {  	[smem:$0x3FA6] =	sst s7  }
0x10: {  	[smem:$0x3FA7] =	sst s8  }
0x11: {  	[smem:$0x3FA8] =	sst s9;
	s0 =	simm.s32 @!p0 $0x0  }
0x12: {  	s1 =	sld [smem:$0x3F8E];
	s0 =	simm.s32 @p0 $0x1  }
0x13: {  	[smem:$0x3FA9] =	sst s0;
	s0 =	simm.s32 @!p1 $0x0  }
0x14: {  	s2 =	sld [smem:$0x3F8D];
	s0 =	simm.s32 @p1 $0x1  }
0x15: {  	[smem:$0x3FAA] =	sst s0;
	s0 =	simm.s32 @!p2 $0x0  }
0x16: {  	s3 =	sld [smem:$0x3FDB];
	s0 =	simm.s32 @p2 $0x1  }
0x17: {  	s4 =	simm.s32 $0x1BF5;
	[smem:$0x3FAC] =	sst s0  }
0x18: {  	s0 =	sld [smem:$0x3F8F];
	_ =	swait.ge [sflag:s4], $0x0  }
0x19: {  	s7 =	sld [smem:$0x3F90]  }
0x1a: {  	s8 =	sadd.s32 $0xFFFFE003, lr  }
0x1b: {  	s9 =	sadd.s32 $0xFFFFFEF7, lr;
	s5 =	simm.s32 $0xFFFFFFFF;
	p2 =	slt.u32 s8, $0xFFFFF086  }
0x1c: {  	p1 =	slt.u32 s9, $0xF7A;
	s5 =	simm.s32 @!p2 $0x0  }
0x1d: {  	s5 =	simm.s32 @p1 $0x1;
	p0 =	seq.s32 s7, s2  }
0x1e: {  	s7 =	smul.u32 @!p0 $0xF7A, s2;
	p2 =	seq.s32 @!p0 s5, $0x0  }
0x1f: {  	s9 =	smul.u32 $0xF7A, s1;
	s8 =	simm.s32 @!p0 $0x1BF5;
	p2 =	por !p2, p0  }
0x20: {  	[sflag:s8] =	ssyncset.s32 @!p0 $0xFFFFF086;
	s6 =	sadd.s32 @!p0 s3, s7;
	s7 =	simm.s32 @!p0 $0x108  }
0x21: {  	s3 =	sadd.s32 s3, s9;
	s6 =	sadd.s32 @!p0 $0x88, s6;
	s7 =	simm.s32 @p2 $0x1082  }
0x22: {  	[simem:s7], [sflag:s8] =	dma.local @!p0 [hbm:s6], $0xF7A  }
0x23: {  	s9 =	sor.u32 $0xD0000000, s2;
	s6 =	simm.s32 $0x108;
	_ =	swait.ge @!p0 [sflag:s8], $0x0  }
0x24: {  	s3 =	sadd.s32 $0x88, s3;
	s6 =	simm.s32 @!p1 $0x1082;
	[sflag:s4] =	ssyncset.s32 $0xFFFFF086  }
0x25: {  	[simem:s6], [sflag:s4] =	dma.local [hbm:s3], $0xF7A  }
0x26: {  	[smem:$0x3F90] =	sst s1;
	(tag) =	ssettag s2;
	_ =	strace s9  }
0x27: {  	s1 =	sld [smem:$0x3FA0]  }
0x28: {  	s2 =	sld [smem:$0x3FA1]  }
0x29: {  	s4 =	sld [smem:$0x3FA3]  }
0x2a: {  	p0 =	seq.s32 s5, $0x0;
	s5 =	sld [smem:$0x3FA4]  }
0x2b: {  	s6 =	sld [smem:$0x3FA5]  }
0x2c: {  	s7 =	sld [smem:$0x3FA6]  }
0x2d: {  	s3 =	simm.s32 $0x108;
	s8 =	sld [smem:$0x3FA7]  }
0x2e: {  	s3 =	simm.s32 @!p0 $0x1082;
	s9 =	sld [smem:$0x3FA8]  }
0x2f: {  	lr =	sadd.s32 s0, s3;
	s0 =	sld [smem:$0x3F9F]  }
0x30: {  	s3 =	sld [smem:$0x3FA2]  }
0x31: {  	[smem:$0x3FAB] =	sst s10  }
0x32: {  	s10 =	sld [smem:$0x3FA9];
	_ =	sdelay $0x3  }
0x33: {  	p0 =	seq.s32 s10, $0x1;
	s10 =	sld [smem:$0x3FAB];
	_ =	sdelay $0x3  }
0x34: {  	[smem:$0x3FAB] =	sst s10  }
0x35: {  	s10 =	sld [smem:$0x3FAA];
	_ =	sdelay $0x3  }
0x36: {  	p1 =	seq.s32 s10, $0x1;
	s10 =	sld [smem:$0x3FAB];
	_ =	sdelay $0x3  }
0x37: {  	[smem:$0x3FAB] =	sst s10  }
0x38: {  	s10 =	sld [smem:$0x3FAC]  }
0x39: {  	_ = 	snop;
	(pc) =	sbr.ind lr, $3  }
0x3a: {  	_ = 	snop  }
0x3b: {  	_ = 	snop  }
0x3c: {  	p2 =	seq.s32 s10, $0x1;
	s10 =	sld [smem:$0x3FAB]  }
0x3d: {  	_ =	shalt  }
0x3e: {  	_ =	shalt  }
0x3f: {  	_ =	shalt  }
0x40: {  	_ =	shalt  }
0x41: {  	_ =	shalt  }
0x42: {  	_ =	shalt  }
0x43: {  	_ =	shalt  }
0x44: {  	_ =	shalt  }
0x45: {  	_ =	shalt  }
0x46: {  	_ =	shalt  }
0x47: {  	_ =	shalt  }
0x48: {  	_ =	shalt  }
0x49: {  	_ =	shalt  }
0x4a: {  	_ =	shalt  }
0x4b: {  	_ =	shalt  }
0x4c: {  	_ =	shalt  }
0x4d: {  	_ =	shalt  }
0x4e: {  	_ =	shalt  }
0x4f: {  	_ =	shalt  }
0x50: {  	_ =	shalt  }
0x51: {  	_ =	shalt  }
0x52: {  	_ =	shalt  }
0x53: {  	_ =	shalt  }
0x54: {  	_ =	shalt  }
0x55: {  	_ =	shalt  }
0x56: {  	_ =	shalt  }
0x57: {  	_ =	shalt  }
0x58: {  	_ =	shalt  }
0x59: {  	_ =	shalt  }
0x5a: {  	_ =	shalt  }
0x5b: {  	_ =	shalt  }
0x5c: {  	_ =	shalt  }
0x5d: {  	_ =	shalt  }
0x5e: {  	_ =	shalt  }
0x5f: {  	_ =	shalt  }
0x60: {  	_ =	shalt  }
0x61: {  	_ =	shalt  }
0x62: {  	_ =	shalt  }
0x63: {  	_ =	shalt  }
0x64: {  	_ =	shalt  }
0x65: {  	_ =	shalt  }
0x66: {  	_ =	shalt  }
0x67: {  	_ =	shalt  }
0x68: {  	_ =	shalt  }
0x69: {  	_ =	shalt  }
0x6a: {  	_ =	shalt  }
0x6b: {  	_ =	shalt  }
0x6c: {  	_ =	shalt  }
0x6d: {  	_ =	shalt  }
0x6e: {  	_ =	shalt  }
0x6f: {  	_ =	shalt  }
0x70: {  	_ =	shalt  }
0x71: {  	_ =	shalt  }
0x72: {  	_ =	shalt  }
0x73: {  	_ =	shalt  }
0x74: {  	_ =	shalt  }
0x75: {  	_ =	shalt  }
0x76: {  	_ =	shalt  }
0x77: {  	_ =	shalt  }
0x78: {  	_ =	shalt  }
0x79: {  	_ =	shalt  }
0x7a: {  	_ =	shalt  }
0x7b: {  	_ =	shalt  }
0x7c: {  	_ =	shalt  }
0x7d: {  	_ =	shalt  }
0x7e: {  	_ =	shalt  }
0x7f: {  	_ =	shalt  }
0x80: {  	_ =	shalt  }
0x81: {  	_ =	shalt  }
0x82: {  	_ =	shalt  }
0x83: {  	_ =	shalt  }
0x84: {  	_ =	shalt  }
0x85: {  	_ =	shalt  }
0x86: {  	_ =	shalt  }
0x87: {  	_ =	shalt  }
.Lfunc_end0:
.L_simem_size_0:
called_computation.4_lowered:
.L_overlay_start_0:
0x88: {  	s2 =	sld [smem:$0x3FD9]  }
0x89: {  	s3 =	sld [smem:$0x3FFE];
	_ =	sdelay $0x1  }
0x8a: {  	s1 =	srdreg.scid  }
0x8b: {  	s0 =	sand.u32 $0x1, s1  }
0x8c: {  	s16 =	sshll.u32 s0, $0xA;
	s2 =	sadd.s32 s3, s2  }
0x8d: {  	s2 =	sadd.s32 s2, s16  }
0x8e: {  	[smem:$0x3FB7] =	sst s2  }
0x8f: {  	_ = 	snop  }
0x90: {  	(tm) =	ssettm $0x1  }
0x91: {  	s17 =	sld [smem:$0x3FFB];
	_ =	sdelay $0x3  }
0x92: {  	_ =	strace s17  }
0x93: {  	s2 =	sld [smem:$0x3FFC];
	_ =	sdelay $0x3  }
0x94: {  	_ =	strace s2  }
0x95: {  	s2 =	sld [smem:$0x3FFD];
	_ =	sdelay $0x3  }
0x96: {  	_ =	strace s2  }
0x97: {  	_ =	strace $0x8FFFFFFF  }
0x98: {  	s18 =	sld [smem:$0x3FDB];
	_ =	sdelay $0x1  }
0x99: {  	s19 =	simm.s32 $_scs_section_size  }
0x9a: {  	s4 =	simm.s32 $_size__tile_overlayer_lowered;
	s5 =	simm.s32 $_tile_overlayer_lowered  }
0x9b: {  	s22 =	simm.s32 $0x1BFF;
	s21 =	sshll.u32 s5, $0x1;
	s2 =	sadd.s32 s19, s18  }
0x9c: {  	s6 =	simm.s32 $0x0;
	s20 =	sshll.u32 s4, $0x1;
	s4 =	sadd.s32 s21, s2  }
0x9d: {  	[timem:s6], [sflag:s22] =	dma.local [hbm:s4], s20  }
0x9e: {  	_ =	swait.ge [sflag:s22], s20  }
0x9f: {  	s3 =	ssub.s32 $0x0, s20;
	[sflag:s22] =	ssyncset.done $0x0  }
0xa0: {  	[sflag:s22] =	ssyncadd.s32 s3;
	_ =	sdelay $0x1  }
0xa1: {  	s23 =	simm.s32 $0x1B8B  }
0xa2: {  	_ =	swait.ge [sflag:s23], $0x1  }
0xa3: {  	[sflag:s23] =	ssyncset.done $0x0  }
0xa4: {  	s25 =	simm.s32 $0x1B8E;
	s24 =	sld [smem:$0x3FFE];
	[sflag:s23] =	ssyncadd.s32 $0xFFFFFFFF  }
0xa5: {  	s26 =	simm.s32 $execute0_lowered;
	[smem:$0x3FD2] =	sst s25  }
0xa6: {  	s4 =	sshll.u32 s26, $0x1;
	_ =	strace $0x80000052;
	[dreg:$0x1] =	wrdreg $0xFFFFFFFF  }
0xa7: {  	s28 =	simm.s32 $_size_execute0_lowered;
	s2 =	sadd.s32 s2, s4;
	[dreg:$0x0] =	wrdreg $0x0  }
0xa8: {  	s4 =	sshll.u32 s28, $0x1;
	[dreg:$0x2] =	wrdreg s2  }
0xa9: {  	[dreg:$0x3] =	wrdreg s4  }
0xaa: {  	[dreg:$0x4] =	wrdreg $0xC0  }
0xab: {  	_ =	task [dreg:s6], $0x5FFFF  }
0xac: {  	[dreg:$0x1] =	wrdreg $0xFFFFFFFF  }
0xad: {  	[dreg:$0x0] =	wrdreg $0x60  }
0xae: {  	[dreg:$0x2] =	wrdreg s24  }
0xaf: {  	[dreg:$0x3] =	wrdreg $0x52000  }
0xb0: {  	[dreg:$0x4] =	wrdreg $0x9  }
0xb1: {  	_ =	task.clear_ibuf [dreg:s6], $0x5FFFF;
	_ =	strace $0x90000052  }
0xb2: {  	s29 =	simm.s32 $0x9;
	_ =	strace $0x80000054  }
0xb3: {  	_ =	swait.ge [sflag:s29], $0x1  }
0xb4: {  	[sflag:s29] =	ssyncadd.s32 $0xFFFFFFFF  }
0xb5: {  	_ =	strace $0x90000054  }
0xb6: {  	_ =	sfence  }
0xb7: {  	s30 =	sld [smem:$0x0];
	_ =	sdelay $0x2  }
0xb8: {  	s31 =	sshll.u32 s1, $0xD;
	s1 =	sshrl.u32 s1, $0x2  }
0xb9: {  	s3 =	sand.u32 $0x4000, s31;
	s1 =	sadd.s32 s1, s30  }
0xba: {  	s0 =	sor.u32 s3, s0;
	s1 =	sshll.u32 s1, $0x11  }
0xbb: {  	s0 =	sor.u32 s1, s0  }
0xbc: {  	s0 =	sadd.s32 $0x8F2B, s0  }
0xbd: {  	[sflag:s0] =	ssyncadd.remote.s32 $0x1  }
0xbe: {  	_ =	sfence.sel $0xFFFF  }
0xbf: {  	[dreg:$0x0] =	wrdreg $0xFFFFFFFF;
	(pc) =	sbr.abs _section_cstart, $3  }
0xc0: {  	[dreg:$0x1] =	wrdreg $0xFFFFFFFF  }
0xc1: {  	_ =	task.clear_ibuf [dreg:s6], $0x2FFFF;
	_ =	strace $0x9FFFFFFF  }
0xc2: {  	(tm) =	ssettm $0x7FFFFFFF  }
0xc3: {  	_ =	shalt  }
tec
execute0_lowered:
.L_overlay_start_1:
0x0: {  	(tag) =	ssettag $0x1  }
0x1: {  	s5 =	rddreg [dreg:$0x0]  }
0x2: {  	s2 =	rddreg [dreg:$0x1]  }
0x3: {  	s3 =	simm.s32 $0x0;
	s1 =	stileid.u32;
	s4 =	srdreg.scid  }
0x4: {  	s15 =	simm.s32 $0x80;
	s16 =	simm.s32 $0x2900;
	s17 =	simm.s32 $0x2980  }
0x5: {  	s18 =	simm.s32 $0x1;
	s19 =	simm.s32 $0x2A00;
	s6 =	smul.u32 $0x9C4, s1  }
0x6: {  	s20 =	simm.s32 $0x2;
	s21 =	simm.s32 $0x3;
	s11 =	smul.u32 $0x280, s1  }
0x7: {  	s23 =	simm.s32 $0x5;
	s7 =	sand.u32 $0x1, s4;
	s13 =	smul.u32 $0x2800, s1  }
0x8: {  	s24 =	simm.s32 $0x0;
	[smem:$0x7FF] =	sst s3;
	s8 =	smul.u32 $0x27100, s7  }
0x9: {  	s4 =	sadd.s32 $0x18800, s5;
	s9 =	smax.u32 s1, $0xD;
	s22 =	smul.u32 $0x2710, s7  }
0xa: {  	p0 =	slt.u32 s1, $0xD;
	s28 =	ssub.s32 $0x2, s7;
	s30 =	smul.u32 $0x50, s9  }
0xb: {  	_ =	strace $0x80000053;
	s14 =	smul.u32 $0x500, s9;
	s29 =	sshrl.u32 s28, $0x1  }
0xc: {  	s10 =	sadd.s32 s6, s5;
	s12 =	sadd.s32 s8, s5;
	s6 =	ssub.s32 s28, s29  }
0xd: {  	s5 =	simm.s32 $0x8;
	s8 =	sadd.s32 s8, s4;
	s7 =	ssub.s32 s11, s30  }
0xe: {  	s9 =	sadd.s32 $0xEA00, s10;
	s10 =	sadd.s32 $0x4C00, s10;
	v0 =	vmov s22;
	s22 =	simm.s32 $0x4  }
0xf: {  	s5 =	simm.s32 @!p0 $0x7;
	s6 =	smax.u32 s6, $0x1;
	s8 =	sadd.s32 s13, s8  }
0x10: {  	s7 =	sadd.s32 $0x450, s7;
	s31 =	sadd.s32 s13, s12;
	s12 =	simm.s32 $0x100  }
0x11: {  	s13 =	simm.s32 $0x6;
	s8 =	ssub.s32 s8, s14;
	s11 =	ssub.s32 s31, s14  }
0x12: {  	v1 =	vlaneseq.u32;
	s14 =	simm.s32 $0x50;
	s8 =	sadd.s32 $0x4100, s8;
	s11 =	sadd.s32 $0x6AB00, s11  }
.LBB2_1:
0x13: {  	[tilespmem:s12], [sflag:$0x6] =	stream.linear.gather [hbm4b:s8+s3], $0x2800, $0x38;
	[tilespmem:$0x18A80] =	vst v63  }
0x14: {  	_ =	swait.ge [sflag:s13], $0x2800  }
0x15: {  	p0 =	sne.s32 s5, $0x1;
	[sflag:s13] =	ssyncset.done $0x0  }
.Ltmp0:
0x16: {  	s25 =	sadd.s32 $0xFFFFFFF0, s7;
	v3 =	vor.u32 s7, v1;
	[sflag:s13] =	ssyncadd.s32 $0xFFFFD800;
	(pc) =	sbr.rel @!p0 .LBB2_3-.Ltmp0, $4  }
0x17: {  	s26 =	sadd.s32 $0xFFFFFFE0, s7;
	v2 =	vor.u32 s25, v1;
	[tilespmem:$0xC0] =	vst v3  }
0x18: {  	s28 =	sadd.s32 $0xFFFFFFC0, s7;
	v4 =	vor.u32 s26, v1;
	[tilespmem:$0xB0] =	vst v2  }
0x19: {  	s25 =	sadd.s32 $0xFFFFFFD0, s7;
	v5 =	vor.u32 s28, v1;
	[tilespmem:$0xA0] =	vst v4  }
0x1a: {  	s29 =	smov.u32 s8;
	s26 =	sadd.s32 $0xFFFFFFFF, s5;
	s28 =	smov.u32 s7;
	v6 =	vor.u32 s25, v1;
	[tilespmem:$0x80] =	vst v5  }
.LBB2_2:
0x1b: {  	p1 =	sne.s32 s26, $0x1;
	[tilespmem:$0x90] =	vst v6;
	s28 =	sadd.s32 $0x50, s28;
	s29 =	sadd.s32 $0x500, s29  }
0x1c: {  	[spmem:s2] =	stream.indirect.scatter [tilespmem:s12], [sflag:$0x6], $0x80, s15, s14, $0xb8;
	[tilespmem:$0x18A80] =	vst v63  }
0x1d: {  	s26 =	sadd.s32 $0xFFFFFFFF, s26;
	_ =	swait.ge [sflag:s13], $0x2800  }
0x1e: {  	[sflag:s13] =	ssyncset.done $0x0  }
0x1f: {  	[sflag:s13] =	ssyncadd.s32 $0xFFFFD800  }
0x20: {  	[tilespmem:s12], [sflag:$0x6] =	stream.linear.gather [hbm4b:s29+s3], $0x2800, $0x38;
	[tilespmem:$0x18A80] =	vst v63  }
0x21: {  	_ =	swait.ge [sflag:s13], $0x2800  }
0x22: {  	[sflag:s13] =	ssyncset.done $0x0  }
.Ltmp1:
0x23: {  	s30 =	sadd.s32 $0xFFFFFFF0, s28;
	v6 =	vor.u32 s28, v1;
	[sflag:s13] =	ssyncadd.s32 $0xFFFFD800;
	(pc) =	sbr.rel @p1 .LBB2_2-.Ltmp1, $4  }
0x24: {  	s31 =	sadd.s32 $0xFFFFFFE0, s28;
	v7 =	vor.u32 s30, v1;
	[tilespmem:$0xC0] =	vst v6  }
0x25: {  	s0 =	sadd.s32 $0xFFFFFFD0, s28;
	s30 =	sadd.s32 $0xFFFFFFC0, s28;
	v8 =	vor.u32 s31, v1;
	[tilespmem:$0xB0] =	vst v7  }
0x26: {  	v6 =	vor.u32 s0, v1;
	v7 =	vor.u32 s30, v1;
	[tilespmem:$0xA0] =	vst v8  }
0x27: {  	[tilespmem:$0x80] =	vst v7  }
.LBB2_3:
0x28: {  	[tilespmem:$0x90] =	vst v6  }
0x29: {  	[spmem:s2] =	stream.indirect.scatter [tilespmem:s12], [sflag:$0x6], $0x80, s15, s14, $0xb8;
	[tilespmem:$0x18A80] =	vst v63  }
0x2a: {  	_ =	swait.ge [sflag:s13], $0x2800  }
0x2b: {  	[sflag:s13] =	ssyncset.done $0x0  }
0x2c: {  	[sflag:s13] =	ssyncadd.s32 $0xFFFFD800  }
0x2d: {  	s0 =	sadd.s32 $0x0, s10;
	[bflag:$0x0] =	sbarrier.arrive $0xFFFF  }
0x2e: {  	[tilespmem:s3], [sflag:$0x1] =	stream.linear.gather [hbm4b:s0+s3], $0x50, $0x38;
	[tilespmem:$0x18A80] =	vst v63  }
0x2f: {  	s26 =	sadd.s32 $0x0, s9  }
0x30: {  	[tilespmem:s15], [sflag:$0x1] =	stream.linear.gather [hbm4b:s26+s3], $0x50, $0x38;
	[tilespmem:$0x18A80] =	vst v63  }
0x31: {  	s0 =	sadd.s32 $0xA, s0  }
0x32: {  	[tilespmem:s16], [sflag:$0x1] =	stream.linear.gather [hbm4b:s0+s3], $0x50, $0x38;
	[tilespmem:$0x18A80] =	vst v63  }
0x33: {  	s31 =	sadd.s32 $0xA, s26  }
0x34: {  	[tilespmem:s17], [sflag:$0x1] =	stream.linear.gather [hbm4b:s31+s3], $0x50, $0x38;
	[tilespmem:$0x18A80] =	vst v63  }
0x35: {  	_ =	swait.ge [sflag:s18], $0x50  }
0x36: {  	[sflag:s18] =	ssyncset.done $0x0  }
0x37: {  	[sflag:s18] =	ssyncadd.s32 $0xFFFFFFB0  }
0x38: {  	_ =	swait.ge [sflag:s18], $0x50  }
0x39: {  	[sflag:s18] =	ssyncset.done $0x0  }
0x3a: {  	[sflag:s18] =	ssyncadd.s32 $0xFFFFFFB0  }
0x3b: {  	_ =	swait.ge [sflag:s18], $0x50  }
0x3c: {  	[sflag:s18] =	ssyncset.done $0x0  }
0x3d: {  	[sflag:s18] =	ssyncadd.s32 $0xFFFFFFB0  }
0x3e: {  	_ =	swait.ge [sflag:s18], $0x50  }
0x3f: {  	[sflag:s18] =	ssyncset.done $0x0  }
0x40: {  	[sflag:s18] =	ssyncadd.s32 $0xFFFFFFB0  }
0x41: {  	v6 =	vld [tilespmem:$0x2940]  }
0x42: {  	v7 =	vld [tilespmem:$0x2910]  }
0x43: {  	v9 =	vld [tilespmem:$0x30]  }
0x44: {  	v8 =	vld [tilespmem:$0x40]  }
0x45: {  	v10 =	vld [tilespmem:$0x2920]  }
0x46: {  	v11 =	vld [tilespmem:$0x20];
	v6 =	vadd.s32 v0, v6  }
0x47: {  	v12 =	vld [tilespmem:$0x2930];
	v7 =	vadd.s32 v0, v7;
	[tilespmem:$0x2940] =	vst v6  }
0x48: {  	v61 =	vld [tilespmem:$0x2900];
	v9 =	vadd.s32 v0, v9;
	[tilespmem:$0x2910] =	vst v7  }
0x49: {  	v6 =	vld [tilespmem:$0x10];
	v7 =	vadd.s32 v0, v8;
	[tilespmem:$0x30] =	vst v9  }
0x4a: {  	v10 =	vadd.s32 v0, v10;
	[tilespmem:$0x40] =	vst v7;
	v7 =	vld [tilespmem:$0x0]  }
0x4b: {  	v62 =	vadd.s32 v0, v11;
	[tilespmem:$0x2920] =	vst v10  }
0x4c: {  	v63 =	vadd.s32 v0, v12;
	[tilespmem:$0x20] =	vst v62  }
0x4d: {  	[tilespmem:$0x2930] =	vst v63;
	v8 =	vadd.s32 v0, v61  }
0x4e: {  	[tilespmem:$0x2900] =	vst v8;
	v6 =	vadd.s32 v0, v6  }
0x4f: {  	[tilespmem:$0x10] =	vst v6;
	v6 =	vadd.s32 v0, v7  }
0x50: {  	[tilespmem:$0x0] =	vst v6  }
0x51: {  	[tilespmem:s12], [sflag:$0x2] =	stream.indirect.gather [hbm4b:s4+s14], $0x80, s3, s14, $0xb8;
	[tilespmem:$0x18A80] =	vst v63  }
0x52: {  	_ = 	snop  }
0x53: {  	[tilespmem:s19], [sflag:$0x3] =	stream.indirect.gather [hbm4b:s4+s14], $0x80, s16, s14, $0xb8;
	[tilespmem:$0x18A80] =	vst v63  }
0x54: {  	_ =	swait.ge [sflag:s20], $0x2800  }
0x55: {  	[sflag:s20] =	ssyncset.done $0x0  }
0x56: {  	s26 =	simm.s32 $0x14;
	[sflag:s20] =	ssyncadd.s32 $0xFFFFD800  }
0x57: {  	[spmem:s2] =	stream.indirect.scatter.add.f32 [tilespmem:s12], [sflag:$0x4], $0x80, s15, s14, $0xb8;
	[tilespmem:$0x18A80] =	vst v63  }
.LBB2_4:
0x58: {  	p1 =	sne.s32 s26, $0x9B0  }
0x59: {  	_ =	swait.ge [sflag:s21], $0x2800;
	s0 =	smov.u32 s26;
	s26 =	sadd.s32 $0x14, s26  }
0x5a: {  	[sflag:s21] =	ssyncset.done $0x0  }
0x5b: {  	[sflag:s21] =	ssyncadd.s32 $0xFFFFD800  }
0x5c: {  	[spmem:s2] =	stream.indirect.scatter.add.f32 [tilespmem:s19], [sflag:$0x5], $0x80, s17, s14, $0xb8;
	[tilespmem:$0x18A80] =	vst v63  }
0x5d: {  	_ =	swait.ge [sflag:s22], $0x2800  }
0x5e: {  	[sflag:s22] =	ssyncset.done $0x0  }
0x5f: {  	[sflag:s22] =	ssyncadd.s32 $0xFFFFD800  }
0x60: {  	_ =	swait.ge [sflag:s23], $0x2800  }
0x61: {  	[sflag:s23] =	ssyncset.done $0x0  }
0x62: {  	s28 =	sadd.s32 s0, s10;
	[sflag:s23] =	ssyncadd.s32 $0xFFFFD800  }
0x63: {  	[tilespmem:s3], [sflag:$0x1] =	stream.linear.gather [hbm4b:s28+s3], $0x50, $0x38;
	[tilespmem:$0x18A80] =	vst v63  }
0x64: {  	s0 =	sadd.s32 s0, s9  }
0x65: {  	[tilespmem:s15], [sflag:$0x1] =	stream.linear.gather [hbm4b:s0+s3], $0x50, $0x38;
	[tilespmem:$0x18A80] =	vst v63  }
0x66: {  	s28 =	sadd.s32 $0xA, s28  }
0x67: {  	[tilespmem:s16], [sflag:$0x1] =	stream.linear.gather [hbm4b:s28+s3], $0x50, $0x38;
	[tilespmem:$0x18A80] =	vst v63  }
0x68: {  	s0 =	sadd.s32 $0xA, s0  }
0x69: {  	[tilespmem:s17], [sflag:$0x1] =	stream.linear.gather [hbm4b:s0+s3], $0x50, $0x38;
	[tilespmem:$0x18A80] =	vst v63  }
0x6a: {  	_ =	swait.ge [sflag:s18], $0x50  }
0x6b: {  	[sflag:s18] =	ssyncset.done $0x0  }
0x6c: {  	[sflag:s18] =	ssyncadd.s32 $0xFFFFFFB0  }
0x6d: {  	_ =	swait.ge [sflag:s18], $0x50  }
0x6e: {  	[sflag:s18] =	ssyncset.done $0x0  }
0x6f: {  	[sflag:s18] =	ssyncadd.s32 $0xFFFFFFB0  }
0x70: {  	_ =	swait.ge [sflag:s18], $0x50  }
0x71: {  	[sflag:s18] =	ssyncset.done $0x0  }
0x72: {  	[sflag:s18] =	ssyncadd.s32 $0xFFFFFFB0  }
0x73: {  	_ =	swait.ge [sflag:s18], $0x50  }
0x74: {  	[sflag:s18] =	ssyncset.done $0x0  }
0x75: {  	[sflag:s18] =	ssyncadd.s32 $0xFFFFFFB0  }
0x76: {  	v6 =	vld [tilespmem:$0x2940]  }
0x77: {  	v7 =	vld [tilespmem:$0x2910]  }
0x78: {  	v8 =	vld [tilespmem:$0x40]  }
0x79: {  	v9 =	vld [tilespmem:$0x30]  }
0x7a: {  	v10 =	vld [tilespmem:$0x2920]  }
0x7b: {  	v11 =	vld [tilespmem:$0x20];
	v6 =	vadd.s32 v0, v6  }
0x7c: {  	v7 =	vadd.s32 v0, v7;
	v12 =	vld [tilespmem:$0x2930];
	[tilespmem:$0x2940] =	vst v6  }
0x7d: {  	v6 =	vld [tilespmem:$0x10];
	[tilespmem:$0x2910] =	vst v7;
	v7 =	vadd.s32 v0, v8  }
0x7e: {  	v8 =	vld [tilespmem:$0x2900];
	v9 =	vadd.s32 v0, v9;
	[tilespmem:$0x40] =	vst v7  }
0x7f: {  	v7 =	vld [tilespmem:$0x0];
	v10 =	vadd.s32 v0, v10;
	[tilespmem:$0x30] =	vst v9  }
0x80: {  	v9 =	vadd.s32 v0, v11;
	[tilespmem:$0x2920] =	vst v10  }
0x81: {  	[tilespmem:$0x20] =	vst v9;
	v9 =	vadd.s32 v0, v12  }
0x82: {  	v6 =	vadd.s32 v0, v6;
	[tilespmem:$0x2930] =	vst v9  }
0x83: {  	v8 =	vadd.s32 v0, v8;
	[tilespmem:$0x10] =	vst v6  }
0x84: {  	v6 =	vadd.s32 v0, v7;
	[tilespmem:$0x2900] =	vst v8  }
0x85: {  	[tilespmem:$0x0] =	vst v6  }
0x86: {  	[tilespmem:s12], [sflag:$0x2] =	stream.indirect.gather [hbm4b:s4+s14], $0x80, s3, s14, $0xb8;
	[tilespmem:$0x18A80] =	vst v63  }
0x87: {  	_ = 	snop  }
0x88: {  	[tilespmem:s19], [sflag:$0x3] =	stream.indirect.gather [hbm4b:s4+s14], $0x80, s16, s14, $0xb8;
	[tilespmem:$0x18A80] =	vst v63  }
.Ltmp2:
0x89: {  	_ = 	snop;
	(pc) =	sbr.rel @p1 .LBB2_4-.Ltmp2, $4  }
0x8a: {  	_ =	swait.ge [sflag:s20], $0x2800  }
0x8b: {  	[sflag:s20] =	ssyncset.done $0x0  }
0x8c: {  	[sflag:s20] =	ssyncadd.s32 $0xFFFFD800  }
0x8d: {  	[spmem:s2] =	stream.indirect.scatter.add.f32 [tilespmem:s12], [sflag:$0x4], $0x80, s15, s14, $0xb8;
	[tilespmem:$0x18A80] =	vst v63  }
0x8e: {  	_ =	swait.ge [sflag:s21], $0x2800  }
0x8f: {  	[sflag:s21] =	ssyncset.done $0x0  }
0x90: {  	[sflag:s21] =	ssyncadd.s32 $0xFFFFD800  }
0x91: {  	[spmem:s2] =	stream.indirect.scatter.add.f32 [tilespmem:s19], [sflag:$0x5], $0x80, s17, s14, $0xb8;
	[tilespmem:$0x18A80] =	vst v63  }
0x92: {  	_ =	swait.ge [sflag:s22], $0x2800  }
0x93: {  	[sflag:s22] =	ssyncset.done $0x0  }
0x94: {  	[sflag:s22] =	ssyncadd.s32 $0xFFFFD800  }
0x95: {  	_ =	swait.ge [sflag:s23], $0x2800  }
0x96: {  	[sflag:s23] =	ssyncset.done $0x0  }
0x97: {  	[sflag:s23] =	ssyncadd.s32 $0xFFFFD800  }
0x98: {  	[bflag:$0x0] =	sbarrier.arrive $0xFFFF  }
0x99: {  	[tilespmem:$0xC0] =	vst v3  }
0x9a: {  	[tilespmem:$0x80] =	vst v5  }
0x9b: {  	[tilespmem:$0xB0] =	vst v2  }
0x9c: {  	v3 =	vor.u32 s25, v1;
	[tilespmem:$0xA0] =	vst v4  }
0x9d: {  	[tilespmem:$0x90] =	vst v3  }
0x9e: {  	[tilespmem:s12], [sflag:$0x2] =	stream.indirect.gather [spmem:s2], $0x80, s15, s14, $0xb8;
	[tilespmem:$0x18A80] =	vst v63  }
.Ltmp3:
0x9f: {  	_ = 	snop;
	(pc) =	sbr.rel @!p0 .LBB2_7-.Ltmp3, $4  }
0xa0: {  	_ =	swait.ge [sflag:s20], $0x2800  }
0xa1: {  	s26 =	smov.u32 s7;
	[sflag:s20] =	ssyncset.done $0x0  }
0xa2: {  	s28 =	smov.u32 s11;
	s25 =	sadd.s32 $0xFFFFFFFF, s5;
	[sflag:s20] =	ssyncadd.s32 $0xFFFFD800  }
0xa3: {  	[hbm4b:s11+s3] =	stream.linear.scatter [tilespmem:s12], [sflag:$0x6], $0x2800, $0x38;
	[tilespmem:$0x18A80] =	vst v63  }
.LBB2_6:
0xa4: {  	_ =	swait.ge [sflag:s13], $0x2800;
	s26 =	sadd.s32 $0x50, s26;
	s28 =	sadd.s32 $0x500, s28  }
0xa5: {  	p0 =	sne.s32 s25, $0x1;
	s25 =	sadd.s32 $0xFFFFFFFF, s25;
	[sflag:s13] =	ssyncset.done $0x0  }
0xa6: {  	s0 =	sadd.s32 $0xFFFFFFC0, s26;
	v2 =	vor.u32 s26, v1;
	[sflag:s13] =	ssyncadd.s32 $0xFFFFD800  }
0xa7: {  	s29 =	sadd.s32 $0xFFFFFFE0, s26;
	s30 =	sadd.s32 $0xFFFFFFF0, s26;
	v3 =	vor.u32 s0, v1;
	s0 =	sadd.s32 $0xFFFFFFD0, s26;
	[tilespmem:$0xC0] =	vst v2  }
0xa8: {  	v4 =	vor.u32 s30, v1;
	v2 =	vor.u32 s0, v1;
	[tilespmem:$0x80] =	vst v3;
	v3 =	vor.u32 s29, v1  }
0xa9: {  	[tilespmem:$0xB0] =	vst v4  }
0xaa: {  	[tilespmem:$0x90] =	vst v2  }
0xab: {  	[tilespmem:$0xA0] =	vst v3  }
0xac: {  	[tilespmem:s12], [sflag:$0x2] =	stream.indirect.gather [spmem:s2], $0x80, s15, s14, $0xb8;
	[tilespmem:$0x18A80] =	vst v63  }
.Ltmp4:
0xad: {  	_ = 	snop;
	(pc) =	sbr.rel @p0 .LBB2_6-.Ltmp4, $4  }
0xae: {  	_ =	swait.ge [sflag:s20], $0x2800  }
0xaf: {  	[sflag:s20] =	ssyncset.done $0x0  }
0xb0: {  	[sflag:s20] =	ssyncadd.s32 $0xFFFFD800  }
0xb1: {  	[hbm4b:s28+s3] =	stream.linear.scatter [tilespmem:s12], [sflag:$0x6], $0x2800, $0x38;
	[tilespmem:$0x18A80] =	vst v63  }
.LBB2_7:
0xb2: {  	s24 =	sadd.s32 $0x1, s24  }
0xb3: {  	p0 =	sne.s32 s24, s6  }
.Ltmp5:
0xb4: {  	_ = 	snop;
	(pc) =	sbr.rel @p0 .LBB2_1-.Ltmp5, $4  }
0xb5: {  	_ = 	snop  }
0xb6: {  	_ =	swait.ge [sflag:s13], $0x2800  }
0xb7: {  	[sflag:s13] =	ssyncset.done $0x0  }
0xb8: {  	[sflag:s13] =	ssyncadd.s32 $0xFFFFD800  }
0xb9: {  	_ =	sfence.sel $0x180000  }
0xba: {  	[bflag:$0x0] =	sbarrier.arrive $0xFFFF  }
0xbb: {  	_ =	strace $0x90000053  }
0xbc: {  	[bflag:$0x2] =	sbarrier.arrive $0xFFFF  }
0xbd: {  	p0 =	sne.s32 s1, $0x0;
	s0 =	rddreg [dreg:$0x2]  }
0xbe: {  	s0 =	sadd.s32 @!p0 $0x100000, s0  }
0xbf: {  	[sflag:s0] =	ssyncadd.tile.s32 @!p0 $0x1;
	_ =	shalt  }
.Lfunc_end2:
_tile_overlayer_lowered:
.L_overlay_start_2:
0xc0: {  	(tag) =	ssettag $0x2  }
0xc1: {  	s0 =	rddreg [dreg:$0x0];
	s2 =	stileid.u32  }
0xc2: {  	s1 =	rddreg [dreg:$0x1];
	p0 =	sne.s32 s2, $0x0  }
0xc3: {  	s3 =	rddreg [dreg:$0x2];
	[bflag:$0x3] =	sbarrier.arrive $0xFFFF;
	s2 =	simm.s32 @!p0 $0x1C06  }
0xc4: {  	[timem:s3], [sflag:s2] =	dma.local @!p0 [hbm:s0], s1  }
0xc5: {  	s0 =	simm.s32 @!p0 $0x6  }
0xc6: {  	_ =	swait.ge @!p0 [sflag:s0], s1  }
0xc7: {  	s1 =	ssub.s32 @!p0 $0x0, s1;
	[sflag:s0] =	ssyncset.done @!p0 $0x0  }
0xc8: {  	[sflag:s0] =	ssyncadd.s32 @!p0 s1  }
0xc9: {  	[bflag:$0x3] =	sbarrier.arrive $0xFFFF  }
0xca: {  	_ =	shalt  }

// kernel: kernel.29.cloned.1.call-start
scs
__scs_entry_jumppad:
0x0: {  	(pc) =	sbr.rel $0x88, $3  }
0x1: {  	(tag) =	ssettag $0x0;
	lr =	simm.s32 $0x1  }
0x2: {  	[smem:$0x3F90] =	sst lr;
	_ =	strace $0xD0000000  }
0x3: {  	_ = 	snop  }
0x4: {  	_ = 	snop  }
0x5: {  	_ = 	snop  }
0x6: {  	_ = 	snop  }
0x7: {  	_ = 	snop  }
__scs_overlays_trampoline_lowered:
0x8: {  	[smem:$0x3F9F] =	sst s0  }
0x9: {  	[smem:$0x3FA0] =	sst s1  }
0xa: {  	[smem:$0x3FA1] =	sst s2  }
0xb: {  	[smem:$0x3FA2] =	sst s3  }
0xc: {  	[smem:$0x3FA3] =	sst s4  }
0xd: {  	[smem:$0x3FA4] =	sst s5  }
0xe: {  	[smem:$0x3FA5] =	sst s6  }
0xf: {  	[smem:$0x3FA6] =	sst s7  }
0x10: {  	[smem:$0x3FA7] =	sst s8  }
0x11: {  	[smem:$0x3FA8] =	sst s9;
	s0 =	simm.s32 @!p0 $0x0  }
0x12: {  	s1 =	sld [smem:$0x3F8E];
	s0 =	simm.s32 @p0 $0x1  }
0x13: {  	[smem:$0x3FA9] =	sst s0;
	s0 =	simm.s32 @!p1 $0x0  }
0x14: {  	s2 =	sld [smem:$0x3F8D];
	s0 =	simm.s32 @p1 $0x1  }
0x15: {  	[smem:$0x3FAA] =	sst s0;
	s0 =	simm.s32 @!p2 $0x0  }
0x16: {  	s3 =	sld [smem:$0x3FDB];
	s0 =	simm.s32 @p2 $0x1  }
0x17: {  	s4 =	simm.s32 $0x1BF5;
	[smem:$0x3FAC] =	sst s0  }
0x18: {  	s0 =	sld [smem:$0x3F8F];
	_ =	swait.ge [sflag:s4], $0x0  }
0x19: {  	s7 =	sld [smem:$0x3F90]  }
0x1a: {  	s8 =	sadd.s32 $0xFFFFE003, lr  }
0x1b: {  	s9 =	sadd.s32 $0xFFFFFEF7, lr;
	s5 =	simm.s32 $0xFFFFFFFF;
	p2 =	slt.u32 s8, $0xFFFFF086  }
0x1c: {  	p1 =	slt.u32 s9, $0xF7A;
	s5 =	simm.s32 @!p2 $0x0  }
0x1d: {  	s5 =	simm.s32 @p1 $0x1;
	p0 =	seq.s32 s7, s2  }
0x1e: {  	s7 =	smul.u32 @!p0 $0xF7A, s2;
	p2 =	seq.s32 @!p0 s5, $0x0  }
0x1f: {  	s9 =	smul.u32 $0xF7A, s1;
	s8 =	simm.s32 @!p0 $0x1BF5;
	p2 =	por !p2, p0  }
0x20: {  	[sflag:s8] =	ssyncset.s32 @!p0 $0xFFFFF086;
	s6 =	sadd.s32 @!p0 s3, s7;
	s7 =	simm.s32 @!p0 $0x108  }
0x21: {  	s3 =	sadd.s32 s3, s9;
	s6 =	sadd.s32 @!p0 $0x88, s6;
	s7 =	simm.s32 @p2 $0x1082  }
0x22: {  	[simem:s7], [sflag:s8] =	dma.local @!p0 [hbm:s6], $0xF7A  }
0x23: {  	s9 =	sor.u32 $0xD0000000, s2;
	s6 =	simm.s32 $0x108;
	_ =	swait.ge @!p0 [sflag:s8], $0x0  }
0x24: {  	s3 =	sadd.s32 $0x88, s3;
	s6 =	simm.s32 @!p1 $0x1082;
	[sflag:s4] =	ssyncset.s32 $0xFFFFF086  }
0x25: {  	[simem:s6], [sflag:s4] =	dma.local [hbm:s3], $0xF7A  }
0x26: {  	[smem:$0x3F90] =	sst s1;
	(tag) =	ssettag s2;
	_ =	strace s9  }
0x27: {  	s1 =	sld [smem:$0x3FA0]  }
0x28: {  	s2 =	sld [smem:$0x3FA1]  }
0x29: {  	s4 =	sld [smem:$0x3FA3]  }
0x2a: {  	p0 =	seq.s32 s5, $0x0;
	s5 =	sld [smem:$0x3FA4]  }
0x2b: {  	s6 =	sld [smem:$0x3FA5]  }
0x2c: {  	s7 =	sld [smem:$0x3FA6]  }
0x2d: {  	s3 =	simm.s32 $0x108;
	s8 =	sld [smem:$0x3FA7]  }
0x2e: {  	s3 =	simm.s32 @!p0 $0x1082;
	s9 =	sld [smem:$0x3FA8]  }
0x2f: {  	lr =	sadd.s32 s0, s3;
	s0 =	sld [smem:$0x3F9F]  }
0x30: {  	s3 =	sld [smem:$0x3FA2]  }
0x31: {  	[smem:$0x3FAB] =	sst s10  }
0x32: {  	s10 =	sld [smem:$0x3FA9];
	_ =	sdelay $0x3  }
0x33: {  	p0 =	seq.s32 s10, $0x1;
	s10 =	sld [smem:$0x3FAB];
	_ =	sdelay $0x3  }
0x34: {  	[smem:$0x3FAB] =	sst s10  }
0x35: {  	s10 =	sld [smem:$0x3FAA];
	_ =	sdelay $0x3  }
0x36: {  	p1 =	seq.s32 s10, $0x1;
	s10 =	sld [smem:$0x3FAB];
	_ =	sdelay $0x3  }
0x37: {  	[smem:$0x3FAB] =	sst s10  }
0x38: {  	s10 =	sld [smem:$0x3FAC]  }
0x39: {  	_ = 	snop;
	(pc) =	sbr.ind lr, $3  }
0x3a: {  	_ = 	snop  }
0x3b: {  	_ = 	snop  }
0x3c: {  	p2 =	seq.s32 s10, $0x1;
	s10 =	sld [smem:$0x3FAB]  }
0x3d: {  	_ =	shalt  }
0x3e: {  	_ =	shalt  }
0x3f: {  	_ =	shalt  }
0x40: {  	_ =	shalt  }
0x41: {  	_ =	shalt  }
0x42: {  	_ =	shalt  }
0x43: {  	_ =	shalt  }
0x44: {  	_ =	shalt  }
0x45: {  	_ =	shalt  }
0x46: {  	_ =	shalt  }
0x47: {  	_ =	shalt  }
0x48: {  	_ =	shalt  }
0x49: {  	_ =	shalt  }
0x4a: {  	_ =	shalt  }
0x4b: {  	_ =	shalt  }
0x4c: {  	_ =	shalt  }
0x4d: {  	_ =	shalt  }
0x4e: {  	_ =	shalt  }
0x4f: {  	_ =	shalt  }
0x50: {  	_ =	shalt  }
0x51: {  	_ =	shalt  }
0x52: {  	_ =	shalt  }
0x53: {  	_ =	shalt  }
0x54: {  	_ =	shalt  }
0x55: {  	_ =	shalt  }
0x56: {  	_ =	shalt  }
0x57: {  	_ =	shalt  }
0x58: {  	_ =	shalt  }
0x59: {  	_ =	shalt  }
0x5a: {  	_ =	shalt  }
0x5b: {  	_ =	shalt  }
0x5c: {  	_ =	shalt  }
0x5d: {  	_ =	shalt  }
0x5e: {  	_ =	shalt  }
0x5f: {  	_ =	shalt  }
0x60: {  	_ =	shalt  }
0x61: {  	_ =	shalt  }
0x62: {  	_ =	shalt  }
0x63: {  	_ =	shalt  }
0x64: {  	_ =	shalt  }
0x65: {  	_ =	shalt  }
0x66: {  	_ =	shalt  }
0x67: {  	_ =	shalt  }
0x68: {  	_ =	shalt  }
0x69: {  	_ =	shalt  }
0x6a: {  	_ =	shalt  }
0x6b: {  	_ =	shalt  }
0x6c: {  	_ =	shalt  }
0x6d: {  	_ =	shalt  }
0x6e: {  	_ =	shalt  }
0x6f: {  	_ =	shalt  }
0x70: {  	_ =	shalt  }
0x71: {  	_ =	shalt  }
0x72: {  	_ =	shalt  }
0x73: {  	_ =	shalt  }
0x74: {  	_ =	shalt  }
0x75: {  	_ =	shalt  }
0x76: {  	_ =	shalt  }
0x77: {  	_ =	shalt  }
0x78: {  	_ =	shalt  }
0x79: {  	_ =	shalt  }
0x7a: {  	_ =	shalt  }
0x7b: {  	_ =	shalt  }
0x7c: {  	_ =	shalt  }
0x7d: {  	_ =	shalt  }
0x7e: {  	_ =	shalt  }
0x7f: {  	_ =	shalt  }
0x80: {  	_ =	shalt  }
0x81: {  	_ =	shalt  }
0x82: {  	_ =	shalt  }
0x83: {  	_ =	shalt  }
0x84: {  	_ =	shalt  }
0x85: {  	_ =	shalt  }
0x86: {  	_ =	shalt  }
0x87: {  	_ =	shalt  }
.Lfunc_end0:
.L_simem_size_0:
called_computation.5_lowered:
.L_overlay_start_0:
0x88: {  	s2 =	sld [smem:$0x3FD9]  }
0x89: {  	s3 =	sld [smem:$0x3FFE];
	_ =	sdelay $0x1  }
0x8a: {  	s1 =	srdreg.scid  }
0x8b: {  	s0 =	sand.u32 $0x1, s1  }
0x8c: {  	s17 =	sshll.u32 s0, $0xA;
	s2 =	sadd.s32 s3, s2  }
0x8d: {  	s2 =	sadd.s32 s2, s17  }
0x8e: {  	[smem:$0x3FB7] =	sst s2  }
0x8f: {  	_ = 	snop  }
0x90: {  	s2 =	sld [smem:$0x3FC7];
	(tm) =	ssettm $0x1  }
0x91: {  	s18 =	sld [smem:$0x3FFB];
	_ =	sdelay $0x3  }
0x92: {  	_ =	strace s18  }
0x93: {  	s3 =	sld [smem:$0x3FFC];
	_ =	sdelay $0x3  }
0x94: {  	_ =	strace s3  }
0x95: {  	s3 =	sld [smem:$0x3FFD];
	_ =	sdelay $0x3  }
0x96: {  	_ =	strace s3  }
0x97: {  	_ =	strace $0x8FFFFFFF  }
0x98: {  	s19 =	sld [smem:$0x3FDB];
	_ =	sdelay $0x1  }
0x99: {  	s4 =	simm.s32 $_scs_section_size  }
0x9a: {  	s5 =	simm.s32 $_size__tile_overlayer_lowered;
	s6 =	simm.s32 $_tile_overlayer_lowered  }
0x9b: {  	s22 =	simm.s32 $0x1BFF;
	s21 =	sshll.u32 s6, $0x1;
	s3 =	sadd.s32 s4, s19  }
0x9c: {  	s7 =	simm.s32 $0x0;
	s20 =	sshll.u32 s5, $0x1;
	s5 =	sadd.s32 s21, s3  }
0x9d: {  	[timem:s7], [sflag:s22] =	dma.local [hbm:s5], s20  }
0x9e: {  	_ =	swait.ge [sflag:s22], s20  }
0x9f: {  	s4 =	ssub.s32 $0x0, s20;
	[sflag:s22] =	ssyncset.done $0x0  }
0xa0: {  	[sflag:s22] =	ssyncadd.s32 s4;
	_ =	sdelay $0x1  }
0xa1: {  	s23 =	simm.s32 $0x1B8B  }
0xa2: {  	_ =	swait.ge [sflag:s23], $0x1  }
0xa3: {  	[sflag:s23] =	ssyncset.done $0x0  }
0xa4: {  	s25 =	simm.s32 $0x1B8E;
	s24 =	sld [smem:$0x3FFE];
	[sflag:s23] =	ssyncadd.s32 $0xFFFFFFFF  }
0xa5: {  	s26 =	simm.s32 $execute0_lowered;
	[smem:$0x3FD2] =	sst s25  }
0xa6: {  	s5 =	sshll.u32 s26, $0x1;
	_ =	strace $0x80000055;
	[dreg:$0x1] =	wrdreg $0xFFFFFFFF  }
0xa7: {  	s28 =	simm.s32 $_size_execute0_lowered;
	s3 =	sadd.s32 s3, s5;
	[dreg:$0x0] =	wrdreg $0x0  }
0xa8: {  	s5 =	sshll.u32 s28, $0x1;
	[dreg:$0x2] =	wrdreg s3  }
0xa9: {  	[dreg:$0x3] =	wrdreg s5  }
0xaa: {  	[dreg:$0x4] =	wrdreg $0xC0  }
0xab: {  	_ =	task [dreg:s7], $0x5FFFF  }
0xac: {  	[dreg:$0x1] =	wrdreg $0xFFFFFFFF  }
0xad: {  	[dreg:$0x0] =	wrdreg $0x60  }
0xae: {  	[dreg:$0x2] =	wrdreg s24  }
0xaf: {  	[dreg:$0x3] =	wrdreg s2  }
0xb0: {  	[dreg:$0x4] =	wrdreg $0x11000  }
0xb1: {  	[dreg:$0x5] =	wrdreg $0x9  }
0xb2: {  	_ =	task.clear_ibuf [dreg:s7], $0x6FFFF;
	_ =	strace $0x90000055  }
0xb3: {  	s29 =	simm.s32 $0x9;
	_ =	strace $0x80000057  }
0xb4: {  	_ =	swait.ge [sflag:s29], $0x1  }
0xb5: {  	[sflag:s29] =	ssyncadd.s32 $0xFFFFFFFF  }
0xb6: {  	_ =	strace $0x90000057  }
0xb7: {  	_ =	sfence  }
0xb8: {  	s30 =	sld [smem:$0x0];
	_ =	sdelay $0x2  }
0xb9: {  	s31 =	sshll.u32 s1, $0xD;
	s1 =	sshrl.u32 s1, $0x2  }
0xba: {  	s3 =	sand.u32 $0x4000, s31;
	s1 =	sadd.s32 s1, s30  }
0xbb: {  	s0 =	sor.u32 s3, s0;
	s1 =	sshll.u32 s1, $0x11  }
0xbc: {  	s0 =	sor.u32 s1, s0  }
0xbd: {  	s0 =	sadd.s32 $0x8F2B, s0  }
0xbe: {  	[sflag:s0] =	ssyncadd.remote.s32 $0x1  }
0xbf: {  	_ =	sfence.sel $0xFFFF  }
0xc0: {  	[dreg:$0x0] =	wrdreg $0xFFFFFFFF;
	(pc) =	sbr.abs _section_cstart, $3  }
0xc1: {  	[dreg:$0x1] =	wrdreg $0xFFFFFFFF  }
0xc2: {  	_ =	task.clear_ibuf [dreg:s7], $0x2FFFF;
	_ =	strace $0x9FFFFFFF  }
0xc3: {  	(tm) =	ssettm $0x7FFFFFFF  }
tec
execute0_lowered:
.L_overlay_start_1:
0x0: {  	(tag) =	ssettag $0x1  }
0x1: {  	s4 =	rddreg [dreg:$0x0]  }
0x2: {  	s7 =	rddreg [dreg:$0x1]  }
0x3: {  	s1 =	rddreg [dreg:$0x2]  }
0x4: {  	s0 =	rddreg [dreg:$0x3];
	s2 =	simm.s32 $0x0;
	s3 =	srdreg.scid  }
0x5: {  	[smem:$0x7FF] =	sst s2;
	s5 =	sand.u32 $0x1, s3  }
0x6: {  	s3 =	stileid.u32;
	s6 =	smul.u32 $0x27100, s5;
	s8 =	ssub.s32 $0x2, s5  }
0x7: {  	_ =	strace $0x80000056;
	s9 =	sshll.u32 s3, $0x8;
	s29 =	smul.u32 $0x4E, s3  }
0x8: {  	p0 =	seq.s32 s3, $0xF;
	s5 =	sshll.u32 s5, $0xA;
	s30 =	smul.u32 $0x2700, s3  }
0x9: {  	v0 =	vlaneseq.u32;
	s12 =	sshll.u32 s3, $0x4;
	s10 =	sshrl.u32 s8, $0x1;
	s28 =	sadd.s32 s9, s4  }
0xa: {  	s9 =	simm.s32 $0x2;
	v0 =	vor.u32 s12, v0;
	s12 =	simm.s32 $0x0;
	s11 =	sadd.s32 s6, s4  }
0xb: {  	s8 =	ssub.s32 s8, s10;
	s4 =	simm.s32 $0x28;
	s5 =	sadd.s32 s5, s28  }
0xc: {  	s7 =	sadd.s32 s29, s7;
	s10 =	simm.s32 $0x100;
	s4 =	simm.s32 @!p0 $0x27  }
0xd: {  	s5 =	sadd.s32 $0x52E00, s5;
	s6 =	smax.u32 s8, $0x1;
	s31 =	sadd.s32 s30, s11  }
0xe: {  	v1 =	vimm.f32 $0.0e+00;
	p0 =	sgt.u32 s3, $0x3;
	s11 =	simm.s32 $0x10;
	s8 =	sadd.s32 $0x4C00, s31  }
.LBB2_1:
0xf: {  	s13 =	simm.s32 $0x0;
	s14 =	simm.s32 $0x200  }
.LBB2_2:
0x10: {  	p1 =	sne.s32 s14, $0x1E00;
	[tilespmem:s13+$0x970] =	vst v1  }
0x11: {  	[tilespmem:s13+$0x900] =	vst v1  }
0x12: {  	[tilespmem:s13+$0x910] =	vst v1  }
.Ltmp0:
0x13: {  	[tilespmem:s13+$0x920] =	vst v1;
	(pc) =	sbr.rel @p1 .LBB2_2-.Ltmp0, $4  }
0x14: {  	[tilespmem:s13+$0x930] =	vst v1  }
0x15: {  	[tilespmem:s13+$0x940] =	vst v1  }
0x16: {  	[tilespmem:s13+$0x950] =	vst v1  }
0x17: {  	[tilespmem:s13+$0x960] =	vst v1;
	s13 =	sshra.s32 s14, $0x2;
	s14 =	sadd.s32 $0x200, s14  }
0x18: {  	[tilespmem:s13+$0x970] =	vst v1  }
0x19: {  	[tilespmem:s13+$0x900] =	vst v1  }
0x1a: {  	[tilespmem:s13+$0x910] =	vst v1  }
0x1b: {  	[tilespmem:s13+$0x920] =	vst v1  }
0x1c: {  	[tilespmem:s13+$0x930] =	vst v1  }
0x1d: {  	[tilespmem:s13+$0x940] =	vst v1  }
0x1e: {  	[tilespmem:s13+$0x950] =	vst v1  }
0x1f: {  	[tilespmem:s13+$0x960] =	vst v1;
	s15 =	simm.s32 @!p0 $0x10  }
0x20: {  	s16 =	simm.s32 @!p0 $0x80;
	s14 =	simm.s32 @!p0 $0x900;
	s13 =	simm.s32 @!p0 $0x2;
	[tilespmem:$0x80] =	vst @!p0 v0  }
0x21: {  	[spmem:s1] =	stream.indirect.scatter @!p0 [tilespmem:s14], [sflag:$0x2], $0x80, s16, s15, $0xb8;
	[tilespmem:$0x1300] =	vst v63  }
0x22: {  	_ =	swait.ge @!p0 [sflag:s13], $0x800  }
0x23: {  	[sflag:s13] =	ssyncset.done @!p0 $0x0  }
0x24: {  	[sflag:s13] =	ssyncadd.s32 @!p0 $0xFFFFF800  }
0x25: {  	[bflag:$0x0] =	sbarrier.arrive $0xFFFF  }
0x26: {  	[tilespmem:s2], [sflag:$0x2] =	stream.linear.gather [hbm4b:s7+s2], $0x10, $0x38;
	[tilespmem:$0x1300] =	vst v63  }
0x27: {  	_ =	swait.ge [sflag:s9], $0x10  }
0x28: {  	[sflag:s9] =	ssyncset.done $0x0  }
0x29: {  	[sflag:s9] =	ssyncadd.s32 $0xFFFFFFF0  }
0x2a: {  	[tilespmem:s10], [sflag:$0x2] =	stream.linear.gather [hbm4b:s8+s2], $0x800, $0x38;
	[tilespmem:$0x1300] =	vst v63  }
0x2b: {  	p1 =	sne.s32 s4, $0x1;
	_ =	swait.ge [sflag:s9], $0x800  }
.Ltmp1:
0x2c: {  	[sflag:s9] =	ssyncset.done $0x0;
	(pc) =	sbr.rel @!p1 .LBB2_5-.Ltmp1, $4  }
0x2d: {  	[sflag:s9] =	ssyncadd.s32 $0xFFFFF800  }
0x2e: {  	[spmem:s1] =	stream.indirect.scatter.add.f32 [tilespmem:s10], [sflag:$0x2], $0x80, s2, s11, $0xb8;
	[tilespmem:$0x1300] =	vst v63  }
0x2f: {  	s17 =	sadd.s32 $0xFFFFFFFF, s4;
	_ =	swait.ge [sflag:s9], $0x800  }
0x30: {  	s18 =	smov.u32 s7;
	s19 =	smov.u32 s8;
	[sflag:s9] =	ssyncset.done $0x0  }
.LBB2_4:
0x31: {  	[sflag:s9] =	ssyncadd.s32 $0xFFFFF800;
	s18 =	sadd.s32 $0x2, s18;
	s19 =	sadd.s32 $0x100, s19  }
0x32: {  	[tilespmem:s2], [sflag:$0x2] =	stream.linear.gather [hbm4b:s18+s2], $0x10, $0x38;
	[tilespmem:$0x1300] =	vst v63  }
0x33: {  	p1 =	sne.s32 s17, $0x1;
	s17 =	sadd.s32 $0xFFFFFFFF, s17;
	_ =	swait.ge [sflag:s9], $0x10  }
0x34: {  	[sflag:s9] =	ssyncset.done $0x0  }
0x35: {  	[sflag:s9] =	ssyncadd.s32 $0xFFFFFFF0  }
0x36: {  	[tilespmem:s10], [sflag:$0x2] =	stream.linear.gather [hbm4b:s19+s2], $0x800, $0x38;
	[tilespmem:$0x1300] =	vst v63  }
0x37: {  	_ =	swait.ge [sflag:s9], $0x800  }
.Ltmp2:
0x38: {  	[sflag:s9] =	ssyncset.done $0x0;
	(pc) =	sbr.rel @p1 .LBB2_4-.Ltmp2, $4  }
0x39: {  	[sflag:s9] =	ssyncadd.s32 $0xFFFFF800  }
0x3a: {  	[spmem:s1] =	stream.indirect.scatter.add.f32 [tilespmem:s10], [sflag:$0x2], $0x80, s2, s11, $0xb8;
	[tilespmem:$0x1300] =	vst v63  }
0x3b: {  	_ =	swait.ge [sflag:s9], $0x800  }
0x3c: {  	[sflag:s9] =	ssyncset.done $0x0  }
.LBB2_5:
0x3d: {  	[sflag:s9] =	ssyncadd.s32 $0xFFFFF800  }
0x3e: {  	[bflag:$0x0] =	sbarrier.arrive $0xFFFF  }
0x3f: {  	[tilespmem:s14], [sflag:$0x1] =	stream.indirect.gather @!p0 [spmem:s1], $0x80, s16, s15, $0xb8;
	[tilespmem:$0x1300] =	vst v63  }
0x40: {  	s15 =	simm.s32 @!p0 $0x1  }
0x41: {  	s12 =	sadd.s32 $0x1, s12;
	_ =	swait.ge @!p0 [sflag:s15], $0x800  }
0x42: {  	p1 =	sne.s32 s12, s6;
	[sflag:s15] =	ssyncset.done @!p0 $0x0  }
.Ltmp3:
0x43: {  	[sflag:s15] =	ssyncadd.s32 @!p0 $0xFFFFF800;
	s15 =	simm.s32 @!p0 $0x0;
	(pc) =	sbr.rel @p1 .LBB2_1-.Ltmp3, $4  }
0x44: {  	[hbm4b:s5+s15] =	stream.linear.scatter @!p0 [tilespmem:s14], [sflag:$0x2], $0x800, $0x38;
	[tilespmem:$0x1300] =	vst v63  }
0x45: {  	_ =	swait.ge @!p0 [sflag:s13], $0x800  }
0x46: {  	[sflag:s13] =	ssyncset.done @!p0 $0x0  }
0x47: {  	[sflag:s13] =	ssyncadd.s32 @!p0 $0xFFFFF800  }
0x48: {  	_ =	sfence.sel $0x180000  }
0x49: {  	[bflag:$0x0] =	sbarrier.arrive $0xFFFF  }
0x4a: {  	p0 =	sne.s32 s3, $0x0;
	_ =	strace $0x90000056  }
0x4b: {  	s0 =	sadd.s32 @!p0 $0x100000, s0;
	[bflag:$0x2] =	sbarrier.arrive $0xFFFF  }
0x4c: {  	[sflag:s0] =	ssyncadd.tile.s32 @!p0 $0x1;
	_ =	shalt  }
.Lfunc_end2:
_tile_overlayer_lowered:
.L_overlay_start_2:
0x4d: {  	(tag) =	ssettag $0x2  }
0x4e: {  	s0 =	rddreg [dreg:$0x0];
	s2 =	stileid.u32  }
0x4f: {  	s1 =	rddreg [dreg:$0x1];
	p0 =	sne.s32 s2, $0x0  }
0x50: {  	s3 =	rddreg [dreg:$0x2];
	[bflag:$0x3] =	sbarrier.arrive $0xFFFF;
	s2 =	simm.s32 @!p0 $0x1C02  }
0x51: {  	[timem:s3], [sflag:s2] =	dma.local @!p0 [hbm:s0], s1  }
0x52: {  	s0 =	simm.s32 @!p0 $0x2  }
0x53: {  	_ =	swait.ge @!p0 [sflag:s0], s1  }
0x54: {  	s1 =	ssub.s32 @!p0 $0x0, s1;
	[sflag:s0] =	ssyncset.done @!p0 $0x0  }
0x55: {  	[sflag:s0] =	ssyncadd.s32 @!p0 s1  }
0x56: {  	[bflag:$0x3] =	sbarrier.arrive $0xFFFF  }
0x57: {  	_ =	shalt  }

</sc_bundles>
